<compile_context>
chip_gen: v7x
topology: tpu7x:2x2x1
jax: 0.10.2.dev20260603
libtpu: 0.0.44.dev20260713+nightly
codegen_flags: <defaults>
</compile_context>

<pallas_src>
import functools

import jax
import jax.numpy as jnp
from jax import lax
from jax.experimental import pallas as pl
from jax.experimental.pallas import tpu as pltpu
from jax.experimental.pallas import tpu_sc as plsc

N_NODES_C = 10000
N_EDGES_C = 320000
NC = 2
NS = 16
NW = NC * NS
EDGES_PER_W = N_EDGES_C // NW
BLK = 80
NBLK = EDGES_PER_W // BLK
RPT = 640
N_PAD = NS * RPT

_MESH = plsc.VectorSubcoreMesh(core_axis_name="c", subcore_axis_name="s")


@functools.partial(
    pl.kernel,
    out_type=jax.ShapeDtypeStruct((NC * N_PAD,), jnp.float32),
    mesh=_MESH,
    scratch_types=[
        pltpu.VMEM_SHARED((N_PAD,), jnp.float32),
        pltpu.VMEM((NBLK, BLK), jnp.int32),
        pltpu.VMEM((NBLK, BLK), jnp.float32),
        pltpu.VMEM((RPT,), jnp.float32),
    ],
)
def _sc_degree(dst_hbm, ew_hbm, out_hbm, acc, dstv, ewv, zbuf):
    cid = lax.axis_index("c")
    sid = lax.axis_index("s")
    wid = cid * NS + sid

    z16 = jnp.zeros((16,), jnp.float32)
    for k in range(RPT // 16):
        zbuf[pl.ds(k * 16, 16)] = z16
    pltpu.sync_copy(zbuf, acc.at[pl.ds(sid * RPT, RPT)])

    pltpu.sync_copy(dst_hbm.at[wid], dstv)
    pltpu.sync_copy(ew_hbm.at[wid], ewv)
    plsc.subcore_barrier()

    def body(j, _):
        pltpu.sync_copy(ewv.at[j], acc.at[dstv.at[j]], add=True)
        return ()

    lax.fori_loop(0, NBLK, body, (), unroll=False)
    plsc.subcore_barrier()

    pltpu.sync_copy(acc.at[pl.ds(sid * RPT, RPT)],
                    out_hbm.at[pl.ds(cid * N_PAD + sid * RPT, RPT)])


@functools.partial(
    pl.kernel,
    out_type=jax.ShapeDtypeStruct((NC, NS, RPT, 16), jnp.float32),
    mesh=_MESH,
    compiler_params=pltpu.CompilerParams(use_tc_tiling_on_sc=False),
    scratch_types=[
        pltpu.VMEM_SHARED((N_PAD, 16), jnp.float32),
        pltpu.VMEM((NBLK, BLK), jnp.int32),
        pltpu.VMEM((NBLK, BLK), jnp.int32),
        pltpu.VMEM((NBLK, BLK), jnp.float32),
        pltpu.VMEM((BLK, 16), jnp.float32),
    ],
)
def _sc_aggregate(h_hbm, src_hbm, dst_hbm, ew_hbm, out_hbm,
                  acc, srcv, dstv, ewv, rows):
    cid = lax.axis_index("c")
    sid = lax.axis_index("s")
    wid = cid * NS + sid

    z16 = jnp.zeros((16,), jnp.float32)
    for i in range(BLK):
        rows[i, :] = z16
    for k in range(RPT // BLK):
        pltpu.sync_copy(rows, acc.at[pl.ds(sid * RPT + k * BLK, BLK)])

    pltpu.sync_copy(src_hbm.at[wid], srcv)
    pltpu.sync_copy(dst_hbm.at[wid], dstv)
    pltpu.sync_copy(ew_hbm.at[wid], ewv)
    plsc.subcore_barrier()

    def body(j, _):
        pltpu.sync_copy(h_hbm.at[srcv.at[j]], rows)
        for g in range(BLK // 16):
            w16 = ewv[j, pl.ds(g * 16, 16)]
            for i in range(16):
                r = g * 16 + i
                rows[r, :] = rows[r, :] * w16[i]
        pltpu.sync_copy(rows, acc.at[dstv.at[j]], add=True)
        return ()

    lax.fori_loop(0, NBLK, body, (), unroll=False)
    plsc.subcore_barrier()

    pltpu.sync_copy(acc.at[pl.ds(sid * RPT, RPT)], out_hbm.at[cid, sid])


def _tc1_body(x_ref, w_ref, dinv_ref, o_ref):
    h = jnp.dot(x_ref[...], w_ref[...], preferred_element_type=jnp.float32)
    o_ref[...] = h * dinv_ref[...]


def _tc_mid_body(agg_ref, hp_ref, b_ref, dinv_ref, o_ref):
    pre = (agg_ref[0] + agg_ref[1] + hp_ref[...]) * dinv_ref[...] + b_ref[...]
    o_ref[...] = jnp.maximum(pre, 0.0) * dinv_ref[...]


def _tc_fin_body(agg_ref, hp_ref, w_ref, b_ref, dinv_ref, o_ref):
    pre = (agg_ref[0] + agg_ref[1] + hp_ref[...]) * dinv_ref[...]
    o_ref[...] = jnp.dot(pre, w_ref[...],
                         preferred_element_type=jnp.float32) + b_ref[...]


def kernel(x, edge_index, edge_weight, W1, b1, W2, b2):
    src = edge_index[0].astype(jnp.int32).reshape(NW, NBLK, BLK)
    dst = edge_index[1].astype(jnp.int32).reshape(NW, NBLK, BLK)
    ew = edge_weight.reshape(NW, NBLK, BLK)

    degp = _sc_degree(dst, ew).reshape(NC, N_PAD)
    dinv = lax.rsqrt(degp[0, :N_NODES_C] + degp[1, :N_NODES_C] + 1.0)[:, None]

    h1p = pl.pallas_call(
        _tc1_body,
        out_shape=jax.ShapeDtypeStruct((N_NODES_C, 16), jnp.float32),
    )(x, W1, dinv)

    agg1 = _sc_aggregate(h1p, src, dst, ew).reshape(
        NC, N_PAD, 16)[:, :N_NODES_C]

    out1p = pl.pallas_call(
        _tc_mid_body,
        out_shape=jax.ShapeDtypeStruct((N_NODES_C, 16), jnp.float32),
    )(agg1, h1p, b1[None, :], dinv)

    agg2 = _sc_aggregate(out1p, src, dst, ew).reshape(
        NC, N_PAD, 16)[:, :N_NODES_C]

    out = pl.pallas_call(
        _tc_fin_body,
        out_shape=jax.ShapeDtypeStruct((N_NODES_C, 64), jnp.float32),
    )(agg2, out1p, W2, b2[None, :], dinv)
    return out

# --- scband reference (transcript-rebuilt; emitter-appended) ---
"""Pipeline reference for scband-net-31095563223317 (READ-ONLY COPY).

The authoritative reference and input builder live on the scoring server;
editing this copy changes nothing except your own understanding.
"""

import jax, jax.numpy as jnp
import numpy as np

N_NODES = 10000
N_EDGES = 320000
D_IN = 128
D_HID = 16
D_OUT = 64


def setup_inputs(seed: int = 0) -> dict:
    key = jax.random.key(seed)
    k1, k2, k3, k4, k5, k6, k7 = jax.random.split(key, 7)
    x = jax.random.normal(k1, (N_NODES, D_IN), dtype=jnp.float32)
    edge_index = jax.random.randint(k2, (2, N_EDGES), 0, N_NODES, dtype=jnp.int64)
    edge_weight = jax.random.uniform(k3, (N_EDGES,), dtype=jnp.float32)
    # Glorot-ish init for GCNConv linear weights, zeros for bias (PyG default)
    W1 = jax.random.normal(k4, (D_IN, D_HID), dtype=jnp.float32) * (1.0 / np.sqrt(D_IN))
    b1 = jnp.zeros((D_HID,), dtype=jnp.float32)
    W2 = jax.random.normal(k5, (D_HID, D_OUT), dtype=jnp.float32) * (1.0 / np.sqrt(D_HID))
    b2 = jnp.zeros((D_OUT,), dtype=jnp.float32)
    return {"x": x, "edge_index": edge_index, "edge_weight": edge_weight,
            "W1": W1, "b1": b1, "W2": W2, "b2": b2}


def _gcn_conv(x, src, dst, ew, W, b, num_nodes):
    # PyG GCNConv: add self-loops (fill 1.0), symmetric normalization,
    # linear transform, then scatter-add aggregation to dst, plus bias.
    loop = jnp.arange(num_nodes, dtype=src.dtype)
    src_f = jnp.concatenate([src, loop])
    dst_f = jnp.concatenate([dst, loop])
    ew_f = jnp.concatenate([ew, jnp.ones((num_nodes,), dtype=ew.dtype)])
    deg = jnp.zeros((num_nodes,), dtype=ew.dtype).at[dst_f].add(ew_f)
    dinv = jnp.where(deg > 0, jax.lax.rsqrt(jnp.maximum(deg, 1e-12)), 0.0)
    norm = dinv[src_f] * ew_f * dinv[dst_f]
    h = x @ W
    msg = h[src_f] * norm[:, None]
    out = jnp.zeros((num_nodes, h.shape[1]), dtype=h.dtype).at[dst_f].add(msg)
    return out + b


def reference(x, edge_index, edge_weight, W1, b1, W2, b2):
    src, dst = edge_index[0], edge_index[1]
    h = _gcn_conv(x, src, dst, edge_weight, W1, b1, N_NODES)
    h = jax.nn.relu(h)
    # F.dropout(training=self.training): identity in eval mode
    out = _gcn_conv(h, src, dst, edge_weight, W2, b2, N_NODES)
    return out

if __name__ == "__main__":
    import jax
    _d = setup_inputs()
    print(jax.jit(kernel)(*tuple(_d.values())))

</pallas_src>

<mosaic_0001>
#map = affine_map<(d0, d1) -> (0, 0)>
#map1 = affine_map<(d0, d1) -> (0, 0, 0)>
#map2 = affine_map<(d0, d1) -> (0, 0, 0, 0)>
module attributes {stable_mosaic.version = 14 : i64} {
  func.func @_sc_aggregate(%arg0: i32, %arg1: i32, %arg2: memref<10000x16xf32, #tpu.memory_space<hbm>>, %arg3: memref<32x125x80xi32, #tpu.memory_space<hbm>>, %arg4: memref<32x125x80xi32, #tpu.memory_space<hbm>>, %arg5: memref<32x125x80xf32, #tpu.memory_space<hbm>>, %arg6: memref<2x16x640x16xf32, #tpu.memory_space<hbm>>, %arg7: memref<10240x16xf32, #tpu.memory_space<vmem_shared>>, %arg8: memref<125x80xi32, #tpu.memory_space<vmem>>, %arg9: memref<125x80xi32, #tpu.memory_space<vmem>>, %arg10: memref<125x80xf32, #tpu.memory_space<vmem>>, %arg11: memref<80x16xf32, #tpu.memory_space<vmem>>) attributes {dimension_semantics = [#tpu.dimension_semantics<core_parallel>, #tpu.dimension_semantics<subcore_parallel>], iteration_bounds = array<i64: 2, 16>, scalar_prefetch = 0 : i64, scratch_operands = 5 : i64, tpu.core_type = #tpu.core_type<sc_vector_subcore>, window_params = [{transform_indices = #map}, {transform_indices = #map1}, {transform_indices = #map1}, {transform_indices = #map1}, {transform_indices = #map2}]} {
    %mul3A = arith.constant 16 : i32
    %mul3A_0 = arith.muli %arg0, %mul3A : i32
    %add3A = arith.addi %mul3A_0, %arg1 : i32
    %broadcast_in_dim3A = arith.constant 0.000000e+00 : f32
    %broadcast_in_dim3A_1 = vector.broadcast %broadcast_in_dim3A : f32 to vector<16xf32>
    %swap3A = arith.constant 0 : i32
    %swap3A_2 = arith.index_cast %swap3A : i32 to index
    %swap3A_3 = arith.constant 0 : index
    %swap3A_4 = tpu.vector_load %arg11[%swap3A_2, %swap3A_3] {strides = array<i32>} : memref<80x16xf32, #tpu.memory_space<vmem>>, vector<1x16xf32>,
    %swap3A_5 = vector.shape_cast %swap3A_4 : vector<1x16xf32> to vector<16xf32>
    %swap3A_6 = vector.shape_cast %broadcast_in_dim3A_1 : vector<16xf32> to vector<1x16xf32>
    tpu.vector_store %arg11[%swap3A_2, %swap3A_3], %swap3A_6 {strides = array<i32>} : memref<80x16xf32, #tpu.memory_space<vmem>>, vector<1x16xf32>,
    %swap3A_7 = arith.constant 1 : i32
    %swap3A_8 = arith.index_cast %swap3A_7 : i32 to index
    %swap3A_9 = arith.constant 0 : index
    %swap3A_10 = tpu.vector_load %arg11[%swap3A_8, %swap3A_9] {strides = array<i32>} : memref<80x16xf32, #tpu.memory_space<vmem>>, vector<1x16xf32>,
    %swap3A_11 = vector.shape_cast %swap3A_10 : vector<1x16xf32> to vector<16xf32>
    %swap3A_12 = vector.shape_cast %broadcast_in_dim3A_1 : vector<16xf32> to vector<1x16xf32>
    tpu.vector_store %arg11[%swap3A_8, %swap3A_9], %swap3A_12 {strides = array<i32>} : memref<80x16xf32, #tpu.memory_space<vmem>>, vector<1x16xf32>,
    %swap3A_13 = arith.constant 2 : i32
    %swap3A_14 = arith.index_cast %swap3A_13 : i32 to index
    %swap3A_15 = arith.constant 0 : index
    %swap3A_16 = tpu.vector_load %arg11[%swap3A_14, %swap3A_15] {strides = array<i32>} : memref<80x16xf32, #tpu.memory_space<vmem>>, vector<1x16xf32>,
    %swap3A_17 = vector.shape_cast %swap3A_16 : vector<1x16xf32> to vector<16xf32>
    %swap3A_18 = vector.shape_cast %broadcast_in_dim3A_1 : vector<16xf32> to vector<1x16xf32>
    tpu.vector_store %arg11[%swap3A_14, %swap3A_15], %swap3A_18 {strides = array<i32>} : memref<80x16xf32, #tpu.memory_space<vmem>>, vector<1x16xf32>,
    %swap3A_19 = arith.constant 3 : i32
    %swap3A_20 = arith.index_cast %swap3A_19 : i32 to index
    %swap3A_21 = arith.constant 0 : index
    %swap3A_22 = tpu.vector_load %arg11[%swap3A_20, %swap3A_21] {strides = array<i32>} : memref<80x16xf32, #tpu.memory_space<vmem>>, vector<1x16xf32>,
    %swap3A_23 = vector.shape_cast %swap3A_22 : vector<1x16xf32> to vector<16xf32>
    %swap3A_24 = vector.shape_cast %broadcast_in_dim3A_1 : vector<16xf32> to vector<1x16xf32>
    tpu.vector_store %arg11[%swap3A_20, %swap3A_21], %swap3A_24 {strides = array<i32>} : memref<80x16xf32, #tpu.memory_space<vmem>>, vector<1x16xf32>,
    %swap3A_25 = arith.constant 4 : i32
    %swap3A_26 = arith.index_cast %swap3A_25 : i32 to index
    %swap3A_27 = arith.constant 0 : index
    %swap3A_28 = tpu.vector_load %arg11[%swap3A_26, %swap3A_27] {strides = array<i32>} : memref<80x16xf32, #tpu.memory_space<vmem>>, vector<1x16xf32>,
    %swap3A_29 = vector.shape_cast %swap3A_28 : vector<1x16xf32> to vector<16xf32>
    %swap3A_30 = vector.shape_cast %broadcast_in_dim3A_1 : vector<16xf32> to vector<1x16xf32>
    tpu.vector_store %arg11[%swap3A_26, %swap3A_27], %swap3A_30 {strides = array<i32>} : memref<80x16xf32, #tpu.memory_space<vmem>>, vector<1x16xf32>,
    %swap3A_31 = arith.constant 5 : i32
    %swap3A_32 = arith.index_cast %swap3A_31 : i32 to index
    %swap3A_33 = arith.constant 0 : index
    %swap3A_34 = tpu.vector_load %arg11[%swap3A_32, %swap3A_33] {strides = array<i32>} : memref<80x16xf32, #tpu.memory_space<vmem>>, vector<1x16xf32>,
    %swap3A_35 = vector.shape_cast %swap3A_34 : vector<1x16xf32> to vector<16xf32>
    %swap3A_36 = vector.shape_cast %broadcast_in_dim3A_1 : vector<16xf32> to vector<1x16xf32>
    tpu.vector_store %arg11[%swap3A_32, %swap3A_33], %swap3A_36 {strides = array<i32>} : memref<80x16xf32, #tpu.memory_space<vmem>>, vector<1x16xf32>,
    %swap3A_37 = arith.constant 6 : i32
    %swap3A_38 = arith.index_cast %swap3A_37 : i32 to index
    %swap3A_39 = arith.constant 0 : index
    %swap3A_40 = tpu.vector_load %arg11[%swap3A_38, %swap3A_39] {strides = array<i32>} : memref<80x16xf32, #tpu.memory_space<vmem>>, vector<1x16xf32>,
    %swap3A_41 = vector.shape_cast %swap3A_40 : vector<1x16xf32> to vector<16xf32>
    %swap3A_42 = vector.shape_cast %broadcast_in_dim3A_1 : vector<16xf32> to vector<1x16xf32>
    tpu.vector_store %arg11[%swap3A_38, %swap3A_39], %swap3A_42 {strides = array<i32>} : memref<80x16xf32, #tpu.memory_space<vmem>>, vector<1x16xf32>,
    %swap3A_43 = arith.constant 7 : i32
    %swap3A_44 = arith.index_cast %swap3A_43 : i32 to index
    %swap3A_45 = arith.constant 0 : index
    %swap3A_46 = tpu.vector_load %arg11[%swap3A_44, %swap3A_45] {strides = array<i32>} : memref<80x16xf32, #tpu.memory_space<vmem>>, vector<1x16xf32>,
    %swap3A_47 = vector.shape_cast %swap3A_46 : vector<1x16xf32> to vector<16xf32>
    %swap3A_48 = vector.shape_cast %broadcast_in_dim3A_1 : vector<16xf32> to vector<1x16xf32>
    tpu.vector_store %arg11[%swap3A_44, %swap3A_45], %swap3A_48 {strides = array<i32>} : memref<80x16xf32, #tpu.memory_space<vmem>>, vector<1x16xf32>,
    %swap3A_49 = arith.constant 8 : i32
    %swap3A_50 = arith.index_cast %swap3A_49 : i32 to index
    %swap3A_51 = arith.constant 0 : index
    %swap3A_52 = tpu.vector_load %arg11[%swap3A_50, %swap3A_51] {strides = array<i32>} : memref<80x16xf32, #tpu.memory_space<vmem>>, vector<1x16xf32>,
    %swap3A_53 = vector.shape_cast %swap3A_52 : vector<1x16xf32> to vector<16xf32>
    %swap3A_54 = vector.shape_cast %broadcast_in_dim3A_1 : vector<16xf32> to vector<1x16xf32>
    tpu.vector_store %arg11[%swap3A_50, %swap3A_51], %swap3A_54 {strides = array<i32>} : memref<80x16xf32, #tpu.memory_space<vmem>>, vector<1x16xf32>,
    %swap3A_55 = arith.constant 9 : i32
    %swap3A_56 = arith.index_cast %swap3A_55 : i32 to index
    %swap3A_57 = arith.constant 0 : index
    %swap3A_58 = tpu.vector_load %arg11[%swap3A_56, %swap3A_57] {strides = array<i32>} : memref<80x16xf32, #tpu.memory_space<vmem>>, vector<1x16xf32>,
    %swap3A_59 = vector.shape_cast %swap3A_58 : vector<1x16xf32> to vector<16xf32>
    %swap3A_60 = vector.shape_cast %broadcast_in_dim3A_1 : vector<16xf32> to vector<1x16xf32>
    tpu.vector_store %arg11[%swap3A_56, %swap3A_57], %swap3A_60 {strides = array<i32>} : memref<80x16xf32, #tpu.memory_space<vmem>>, vector<1x16xf32>,
    %swap3A_61 = arith.constant 10 : i32
    %swap3A_62 = arith.index_cast %swap3A_61 : i32 to index
    %swap3A_63 = arith.constant 0 : index
    %swap3A_64 = tpu.vector_load %arg11[%swap3A_62, %swap3A_63] {strides = array<i32>} : memref<80x16xf32, #tpu.memory_space<vmem>>, vector<1x16xf32>,
    %swap3A_65 = vector.shape_cast %swap3A_64 : vector<1x16xf32> to vector<16xf32>
    %swap3A_66 = vector.shape_cast %broadcast_in_dim3A_1 : vector<16xf32> to vector<1x16xf32>
    tpu.vector_store %arg11[%swap3A_62, %swap3A_63], %swap3A_66 {strides = array<i32>} : memref<80x16xf32, #tpu.memory_space<vmem>>, vector<1x16xf32>,
    %swap3A_67 = arith.constant 11 : i32
    %swap3A_68 = arith.index_cast %swap3A_67 : i32 to index
    %swap3A_69 = arith.constant 0 : index
    %swap3A_70 = tpu.vector_load %arg11[%swap3A_68, %swap3A_69] {strides = array<i32>} : memref<80x16xf32, #tpu.memory_space<vmem>>, vector<1x16xf32>,
    %swap3A_71 = vector.shape_cast %swap3A_70 : vector<1x16xf32> to vector<16xf32>
    %swap3A_72 = vector.shape_cast %broadcast_in_dim3A_1 : vector<16xf32> to vector<1x16xf32>
    tpu.vector_store %arg11[%swap3A_68, %swap3A_69], %swap3A_72 {strides = array<i32>} : memref<80x16xf32, #tpu.memory_space<vmem>>, vector<1x16xf32>,
    %swap3A_73 = arith.constant 12 : i32
    %swap3A_74 = arith.index_cast %swap3A_73 : i32 to index
    %swap3A_75 = arith.constant 0 : index
    %swap3A_76 = tpu.vector_load %arg11[%swap3A_74, %swap3A_75] {strides = array<i32>} : memref<80x16xf32, #tpu.memory_space<vmem>>, vector<1x16xf32>,
    %swap3A_77 = vector.shape_cast %swap3A_76 : vector<1x16xf32> to vector<16xf32>
    %swap3A_78 = vector.shape_cast %broadcast_in_dim3A_1 : vector<16xf32> to vector<1x16xf32>
    tpu.vector_store %arg11[%swap3A_74, %swap3A_75], %swap3A_78 {strides = array<i32>} : memref<80x16xf32, #tpu.memory_space<vmem>>, vector<1x16xf32>,
    %swap3A_79 = arith.constant 13 : i32
    %swap3A_80 = arith.index_cast %swap3A_79 : i32 to index
    %swap3A_81 = arith.constant 0 : index
    %swap3A_82 = tpu.vector_load %arg11[%swap3A_80, %swap3A_81] {strides = array<i32>} : memref<80x16xf32, #tpu.memory_space<vmem>>, vector<1x16xf32>,
    %swap3A_83 = vector.shape_cast %swap3A_82 : vector<1x16xf32> to vector<16xf32>
    %swap3A_84 = vector.shape_cast %broadcast_in_dim3A_1 : vector<16xf32> to vector<1x16xf32>
    tpu.vector_store %arg11[%swap3A_80, %swap3A_81], %swap3A_84 {strides = array<i32>} : memref<80x16xf32, #tpu.memory_space<vmem>>, vector<1x16xf32>,
    %swap3A_85 = arith.constant 14 : i32
    %swap3A_86 = arith.index_cast %swap3A_85 : i32 to index
    %swap3A_87 = arith.constant 0 : index
    %swap3A_88 = tpu.vector_load %arg11[%swap3A_86, %swap3A_87] {strides = array<i32>} : memref<80x16xf32, #tpu.memory_space<vmem>>, vector<1x16xf32>,
    %swap3A_89 = vector.shape_cast %swap3A_88 : vector<1x16xf32> to vector<16xf32>
    %swap3A_90 = vector.shape_cast %broadcast_in_dim3A_1 : vector<16xf32> to vector<1x16xf32>
    tpu.vector_store %arg11[%swap3A_86, %swap3A_87], %swap3A_90 {strides = array<i32>} : memref<80x16xf32, #tpu.memory_space<vmem>>, vector<1x16xf32>,
    %swap3A_91 = arith.constant 15 : i32
    %swap3A_92 = arith.index_cast %swap3A_91 : i32 to index
    %swap3A_93 = arith.constant 0 : index
    %swap3A_94 = tpu.vector_load %arg11[%swap3A_92, %swap3A_93] {strides = array<i32>} : memref<80x16xf32, #tpu.memory_space<vmem>>, vector<1x16xf32>,
    %swap3A_95 = vector.shape_cast %swap3A_94 : vector<1x16xf32> to vector<16xf32>
    %swap3A_96 = vector.shape_cast %broadcast_in_dim3A_1 : vector<16xf32> to vector<1x16xf32>
    tpu.vector_store %arg11[%swap3A_92, %swap3A_93], %swap3A_96 {strides = array<i32>} : memref<80x16xf32, #tpu.memory_space<vmem>>, vector<1x16xf32>,
    %swap3A_97 = arith.constant 16 : i32
    %swap3A_98 = arith.index_cast %swap3A_97 : i32 to index
    %swap3A_99 = arith.constant 0 : index
    %swap3A_100 = tpu.vector_load %arg11[%swap3A_98, %swap3A_99] {strides = array<i32>} : memref<80x16xf32, #tpu.memory_space<vmem>>, vector<1x16xf32>,
    %swap3A_101 = vector.shape_cast %swap3A_100 : vector<1x16xf32> to vector<16xf32>
    %swap3A_102 = vector.shape_cast %broadcast_in_dim3A_1 : vector<16xf32> to vector<1x16xf32>
    tpu.vector_store %arg11[%swap3A_98, %swap3A_99], %swap3A_102 {strides = array<i32>} : memref<80x16xf32, #tpu.memory_space<vmem>>, vector<1x16xf32>,
    %swap3A_103 = arith.constant 17 : i32
    %swap3A_104 = arith.index_cast %swap3A_103 : i32 to index
    %swap3A_105 = arith.constant 0 : index
    %swap3A_106 = tpu.vector_load %arg11[%swap3A_104, %swap3A_105] {strides = array<i32>} : memref<80x16xf32, #tpu.memory_space<vmem>>, vector<1x16xf32>,
    %swap3A_107 = vector.shape_cast %swap3A_106 : vector<1x16xf32> to vector<16xf32>
    %swap3A_108 = vector.shape_cast %broadcast_in_dim3A_1 : vector<16xf32> to vector<1x16xf32>
    tpu.vector_store %arg11[%swap3A_104, %swap3A_105], %swap3A_108 {strides = array<i32>} : memref<80x16xf32, #tpu.memory_space<vmem>>, vector<1x16xf32>,
    %swap3A_109 = arith.constant 18 : i32
    %swap3A_110 = arith.index_cast %swap3A_109 : i32 to index
    %swap3A_111 = arith.constant 0 : index
    %swap3A_112 = tpu.vector_load %arg11[%swap3A_110, %swap3A_111] {strides = array<i32>} : memref<80x16xf32, #tpu.memory_space<vmem>>, vector<1x16xf32>,
    %swap3A_113 = vector.shape_cast %swap3A_112 : vector<1x16xf32> to vector<16xf32>
    %swap3A_114 = vector.shape_cast %broadcast_in_dim3A_1 : vector<16xf32> to vector<1x16xf32>
    tpu.vector_store %arg11[%swap3A_110, %swap3A_111], %swap3A_114 {strides = array<i32>} : memref<80x16xf32, #tpu.memory_space<vmem>>, vector<1x16xf32>,
    %swap3A_115 = arith.constant 19 : i32
    %swap3A_116 = arith.index_cast %swap3A_115 : i32 to index
    %swap3A_117 = arith.constant 0 : index
    %swap3A_118 = tpu.vector_load %arg11[%swap3A_116, %swap3A_117] {strides = array<i32>} : memref<80x16xf32, #tpu.memory_space<vmem>>, vector<1x16xf32>,
    %swap3A_119 = vector.shape_cast %swap3A_118 : vector<1x16xf32> to vector<16xf32>
    %swap3A_120 = vector.shape_cast %broadcast_in_dim3A_1 : vector<16xf32> to vector<1x16xf32>
    tpu.vector_store %arg11[%swap3A_116, %swap3A_117], %swap3A_120 {strides = array<i32>} : memref<80x16xf32, #tpu.memory_space<vmem>>, vector<1x16xf32>,
    %swap3A_121 = arith.constant 20 : i32
    %swap3A_122 = arith.index_cast %swap3A_121 : i32 to index
    %swap3A_123 = arith.constant 0 : index
    %swap3A_124 = tpu.vector_load %arg11[%swap3A_122, %swap3A_123] {strides = array<i32>} : memref<80x16xf32, #tpu.memory_space<vmem>>, vector<1x16xf32>,
    %swap3A_125 = vector.shape_cast %swap3A_124 : vector<1x16xf32> to vector<16xf32>
    %swap3A_126 = vector.shape_cast %broadcast_in_dim3A_1 : vector<16xf32> to vector<1x16xf32>
    tpu.vector_store %arg11[%swap3A_122, %swap3A_123], %swap3A_126 {strides = array<i32>} : memref<80x16xf32, #tpu.memory_space<vmem>>, vector<1x16xf32>,
    %swap3A_127 = arith.constant 21 : i32
    %swap3A_128 = arith.index_cast %swap3A_127 : i32 to index
    %swap3A_129 = arith.constant 0 : index
    %swap3A_130 = tpu.vector_load %arg11[%swap3A_128, %swap3A_129] {strides = array<i32>} : memref<80x16xf32, #tpu.memory_space<vmem>>, vector<1x16xf32>,
    %swap3A_131 = vector.shape_cast %swap3A_130 : vector<1x16xf32> to vector<16xf32>
    %swap3A_132 = vector.shape_cast %broadcast_in_dim3A_1 : vector<16xf32> to vector<1x16xf32>
    tpu.vector_store %arg11[%swap3A_128, %swap3A_129], %swap3A_132 {strides = array<i32>} : memref<80x16xf32, #tpu.memory_space<vmem>>, vector<1x16xf32>,
    %swap3A_133 = arith.constant 22 : i32
    %swap3A_134 = arith.index_cast %swap3A_133 : i32 to index
    %swap3A_135 = arith.constant 0 : index
    %swap3A_136 = tpu.vector_load %arg11[%swap3A_134, %swap3A_135] {strides = array<i32>} : memref<80x16xf32, #tpu.memory_space<vmem>>, vector<1x16xf32>,
    %swap3A_137 = vector.shape_cast %swap3A_136 : vector<1x16xf32> to vector<16xf32>
    %swap3A_138 = vector.shape_cast %broadcast_in_dim3A_1 : vector<16xf32> to vector<1x16xf32>
    tpu.vector_store %arg11[%swap3A_134, %swap3A_135], %swap3A_138 {strides = array<i32>} : memref<80x16xf32, #tpu.memory_space<vmem>>, vector<1x16xf32>,
    %swap3A_139 = arith.constant 23 : i32
    %swap3A_140 = arith.index_cast %swap3A_139 : i32 to index
    %swap3A_141 = arith.constant 0 : index
    %swap3A_142 = tpu.vector_load %arg11[%swap3A_140, %swap3A_141] {strides = array<i32>} : memref<80x16xf32, #tpu.memory_space<vmem>>, vector<1x16xf32>,
    %swap3A_143 = vector.shape_cast %swap3A_142 : vector<1x16xf32> to vector<16xf32>
    %swap3A_144 = vector.shape_cast %broadcast_in_dim3A_1 : vector<16xf32> to vector<1x16xf32>
    tpu.vector_store %arg11[%swap3A_140, %swap3A_141], %swap3A_144 {strides = array<i32>} : memref<80x16xf32, #tpu.memory_space<vmem>>, vector<1x16xf32>,
    %swap3A_145 = arith.constant 24 : i32
    %swap3A_146 = arith.index_cast %swap3A_145 : i32 to index
    %swap3A_147 = arith.constant 0 : index
    %swap3A_148 = tpu.vector_load %arg11[%swap3A_146, %swap3A_147] {strides = array<i32>} : memref<80x16xf32, #tpu.memory_space<vmem>>, vector<1x16xf32>,
    %swap3A_149 = vector.shape_cast %swap3A_148 : vector<1x16xf32> to vector<16xf32>
    %swap3A_150 = vector.shape_cast %broadcast_in_dim3A_1 : vector<16xf32> to vector<1x16xf32>
    tpu.vector_store %arg11[%swap3A_146, %swap3A_147], %swap3A_150 {strides = array<i32>} : memref<80x16xf32, #tpu.memory_space<vmem>>, vector<1x16xf32>,
    %swap3A_151 = arith.constant 25 : i32
    %swap3A_152 = arith.index_cast %swap3A_151 : i32 to index
    %swap3A_153 = arith.constant 0 : index
    %swap3A_154 = tpu.vector_load %arg11[%swap3A_152, %swap3A_153] {strides = array<i32>} : memref<80x16xf32, #tpu.memory_space<vmem>>, vector<1x16xf32>,
    %swap3A_155 = vector.shape_cast %swap3A_154 : vector<1x16xf32> to vector<16xf32>
    %swap3A_156 = vector.shape_cast %broadcast_in_dim3A_1 : vector<16xf32> to vector<1x16xf32>
    tpu.vector_store %arg11[%swap3A_152, %swap3A_153], %swap3A_156 {strides = array<i32>} : memref<80x16xf32, #tpu.memory_space<vmem>>, vector<1x16xf32>,
    %swap3A_157 = arith.constant 26 : i32
    %swap3A_158 = arith.index_cast %swap3A_157 : i32 to index
    %swap3A_159 = arith.constant 0 : index
    %swap3A_160 = tpu.vector_load %arg11[%swap3A_158, %swap3A_159] {strides = array<i32>} : memref<80x16xf32, #tpu.memory_space<vmem>>, vector<1x16xf32>,
    %swap3A_161 = vector.shape_cast %swap3A_160 : vector<1x16xf32> to vector<16xf32>
    %swap3A_162 = vector.shape_cast %broadcast_in_dim3A_1 : vector<16xf32> to vector<1x16xf32>
    tpu.vector_store %arg11[%swap3A_158, %swap3A_159], %swap3A_162 {strides = array<i32>} : memref<80x16xf32, #tpu.memory_space<vmem>>, vector<1x16xf32>,
    %swap3A_163 = arith.constant 27 : i32
    %swap3A_164 = arith.index_cast %swap3A_163 : i32 to index
    %swap3A_165 = arith.constant 0 : index
    %swap3A_166 = tpu.vector_load %arg11[%swap3A_164, %swap3A_165] {strides = array<i32>} : memref<80x16xf32, #tpu.memory_space<vmem>>, vector<1x16xf32>,
    %swap3A_167 = vector.shape_cast %swap3A_166 : vector<1x16xf32> to vector<16xf32>
    %swap3A_168 = vector.shape_cast %broadcast_in_dim3A_1 : vector<16xf32> to vector<1x16xf32>
    tpu.vector_store %arg11[%swap3A_164, %swap3A_165], %swap3A_168 {strides = array<i32>} : memref<80x16xf32, #tpu.memory_space<vmem>>, vector<1x16xf32>,
    %swap3A_169 = arith.constant 28 : i32
    %swap3A_170 = arith.index_cast %swap3A_169 : i32 to index
    %swap3A_171 = arith.constant 0 : index
    %swap3A_172 = tpu.vector_load %arg11[%swap3A_170, %swap3A_171] {strides = array<i32>} : memref<80x16xf32, #tpu.memory_space<vmem>>, vector<1x16xf32>,
    %swap3A_173 = vector.shape_cast %swap3A_172 : vector<1x16xf32> to vector<16xf32>
    %swap3A_174 = vector.shape_cast %broadcast_in_dim3A_1 : vector<16xf32> to vector<1x16xf32>
    tpu.vector_store %arg11[%swap3A_170, %swap3A_171], %swap3A_174 {strides = array<i32>} : memref<80x16xf32, #tpu.memory_space<vmem>>, vector<1x16xf32>,
    %swap3A_175 = arith.constant 29 : i32
    %swap3A_176 = arith.index_cast %swap3A_175 : i32 to index
    %swap3A_177 = arith.constant 0 : index
    %swap3A_178 = tpu.vector_load %arg11[%swap3A_176, %swap3A_177] {strides = array<i32>} : memref<80x16xf32, #tpu.memory_space<vmem>>, vector<1x16xf32>,
    %swap3A_179 = vector.shape_cast %swap3A_178 : vector<1x16xf32> to vector<16xf32>
    %swap3A_180 = vector.shape_cast %broadcast_in_dim3A_1 : vector<16xf32> to vector<1x16xf32>
    tpu.vector_store %arg11[%swap3A_176, %swap3A_177], %swap3A_180 {strides = array<i32>} : memref<80x16xf32, #tpu.memory_space<vmem>>, vector<1x16xf32>,
    %swap3A_181 = arith.constant 30 : i32
    %swap3A_182 = arith.index_cast %swap3A_181 : i32 to index
    %swap3A_183 = arith.constant 0 : index
    %swap3A_184 = tpu.vector_load %arg11[%swap3A_182, %swap3A_183] {strides = array<i32>} : memref<80x16xf32, #tpu.memory_space<vmem>>, vector<1x16xf32>,
    %swap3A_185 = vector.shape_cast %swap3A_184 : vector<1x16xf32> to vector<16xf32>
    %swap3A_186 = vector.shape_cast %broadcast_in_dim3A_1 : vector<16xf32> to vector<1x16xf32>
    tpu.vector_store %arg11[%swap3A_182, %swap3A_183], %swap3A_186 {strides = array<i32>} : memref<80x16xf32, #tpu.memory_space<vmem>>, vector<1x16xf32>,
    %swap3A_187 = arith.constant 31 : i32
    %swap3A_188 = arith.index_cast %swap3A_187 : i32 to index
    %swap3A_189 = arith.constant 0 : index
    %swap3A_190 = tpu.vector_load %arg11[%swap3A_188, %swap3A_189] {strides = array<i32>} : memref<80x16xf32, #tpu.memory_space<vmem>>, vector<1x16xf32>,
    %swap3A_191 = vector.shape_cast %swap3A_190 : vector<1x16xf32> to vector<16xf32>
    %swap3A_192 = vector.shape_cast %broadcast_in_dim3A_1 : vector<16xf32> to vector<1x16xf32>
    tpu.vector_store %arg11[%swap3A_188, %swap3A_189], %swap3A_192 {strides = array<i32>} : memref<80x16xf32, #tpu.memory_space<vmem>>, vector<1x16xf32>,
    %swap3A_193 = arith.constant 32 : i32
    %swap3A_194 = arith.index_cast %swap3A_193 : i32 to index
    %swap3A_195 = arith.constant 0 : index
    %swap3A_196 = tpu.vector_load %arg11[%swap3A_194, %swap3A_195] {strides = array<i32>} : memref<80x16xf32, #tpu.memory_space<vmem>>, vector<1x16xf32>,
    %swap3A_197 = vector.shape_cast %swap3A_196 : vector<1x16xf32> to vector<16xf32>
    %swap3A_198 = vector.shape_cast %broadcast_in_dim3A_1 : vector<16xf32> to vector<1x16xf32>
    tpu.vector_store %arg11[%swap3A_194, %swap3A_195], %swap3A_198 {strides = array<i32>} : memref<80x16xf32, #tpu.memory_space<vmem>>, vector<1x16xf32>,
    %swap3A_199 = arith.constant 33 : i32
    %swap3A_200 = arith.index_cast %swap3A_199 : i32 to index
    %swap3A_201 = arith.constant 0 : index
    %swap3A_202 = tpu.vector_load %arg11[%swap3A_200, %swap3A_201] {strides = array<i32>} : memref<80x16xf32, #tpu.memory_space<vmem>>, vector<1x16xf32>,
    %swap3A_203 = vector.shape_cast %swap3A_202 : vector<1x16xf32> to vector<16xf32>
    %swap3A_204 = vector.shape_cast %broadcast_in_dim3A_1 : vector<16xf32> to vector<1x16xf32>
    tpu.vector_store %arg11[%swap3A_200, %swap3A_201], %swap3A_204 {strides = array<i32>} : memref<80x16xf32, #tpu.memory_space<vmem>>, vector<1x16xf32>,
    %swap3A_205 = arith.constant 34 : i32
    %swap3A_206 = arith.index_cast %swap3A_205 : i32 to index
    %swap3A_207 = arith.constant 0 : index
    %swap3A_208 = tpu.vector_load %arg11[%swap3A_206, %swap3A_207] {strides = array<i32>} : memref<80x16xf32, #tpu.memory_space<vmem>>, vector<1x16xf32>,
    %swap3A_209 = vector.shape_cast %swap3A_208 : vector<1x16xf32> to vector<16xf32>
    %swap3A_210 = vector.shape_cast %broadcast_in_dim3A_1 : vector<16xf32> to vector<1x16xf32>
    tpu.vector_store %arg11[%swap3A_206, %swap3A_207], %swap3A_210 {strides = array<i32>} : memref<80x16xf32, #tpu.memory_space<vmem>>, vector<1x16xf32>,
    %swap3A_211 = arith.constant 35 : i32
    %swap3A_212 = arith.index_cast %swap3A_211 : i32 to index
    %swap3A_213 = arith.constant 0 : index
    %swap3A_214 = tpu.vector_load %arg11[%swap3A_212, %swap3A_213] {strides = array<i32>} : memref<80x16xf32, #tpu.memory_space<vmem>>, vector<1x16xf32>,
    %swap3A_215 = vector.shape_cast %swap3A_214 : vector<1x16xf32> to vector<16xf32>
    %swap3A_216 = vector.shape_cast %broadcast_in_dim3A_1 : vector<16xf32> to vector<1x16xf32>
    tpu.vector_store %arg11[%swap3A_212, %swap3A_213], %swap3A_216 {strides = array<i32>} : memref<80x16xf32, #tpu.memory_space<vmem>>, vector<1x16xf32>,
    %swap3A_217 = arith.constant 36 : i32
    %swap3A_218 = arith.index_cast %swap3A_217 : i32 to index
    %swap3A_219 = arith.constant 0 : index
    %swap3A_220 = tpu.vector_load %arg11[%swap3A_218, %swap3A_219] {strides = array<i32>} : memref<80x16xf32, #tpu.memory_space<vmem>>, vector<1x16xf32>,
    %swap3A_221 = vector.shape_cast %swap3A_220 : vector<1x16xf32> to vector<16xf32>
    %swap3A_222 = vector.shape_cast %broadcast_in_dim3A_1 : vector<16xf32> to vector<1x16xf32>
    tpu.vector_store %arg11[%swap3A_218, %swap3A_219], %swap3A_222 {strides = array<i32>} : memref<80x16xf32, #tpu.memory_space<vmem>>, vector<1x16xf32>,
    %swap3A_223 = arith.constant 37 : i32
    %swap3A_224 = arith.index_cast %swap3A_223 : i32 to index
    %swap3A_225 = arith.constant 0 : index
    %swap3A_226 = tpu.vector_load %arg11[%swap3A_224, %swap3A_225] {strides = array<i32>} : memref<80x16xf32, #tpu.memory_space<vmem>>, vector<1x16xf32>,
    %swap3A_227 = vector.shape_cast %swap3A_226 : vector<1x16xf32> to vector<16xf32>
    %swap3A_228 = vector.shape_cast %broadcast_in_dim3A_1 : vector<16xf32> to vector<1x16xf32>
    tpu.vector_store %arg11[%swap3A_224, %swap3A_225], %swap3A_228 {strides = array<i32>} : memref<80x16xf32, #tpu.memory_space<vmem>>, vector<1x16xf32>,
    %swap3A_229 = arith.constant 38 : i32
    %swap3A_230 = arith.index_cast %swap3A_229 : i32 to index
    %swap3A_231 = arith.constant 0 : index
    %swap3A_232 = tpu.vector_load %arg11[%swap3A_230, %swap3A_231] {strides = array<i32>} : memref<80x16xf32, #tpu.memory_space<vmem>>, vector<1x16xf32>,
    %swap3A_233 = vector.shape_cast %swap3A_232 : vector<1x16xf32> to vector<16xf32>
    %swap3A_234 = vector.shape_cast %broadcast_in_dim3A_1 : vector<16xf32> to vector<1x16xf32>
    tpu.vector_store %arg11[%swap3A_230, %swap3A_231], %swap3A_234 {strides = array<i32>} : memref<80x16xf32, #tpu.memory_space<vmem>>, vector<1x16xf32>,
    %swap3A_235 = arith.constant 39 : i32
    %swap3A_236 = arith.index_cast %swap3A_235 : i32 to index
    %swap3A_237 = arith.constant 0 : index
    %swap3A_238 = tpu.vector_load %arg11[%swap3A_236, %swap3A_237] {strides = array<i32>} : memref<80x16xf32, #tpu.memory_space<vmem>>, vector<1x16xf32>,
    %swap3A_239 = vector.shape_cast %swap3A_238 : vector<1x16xf32> to vector<16xf32>
    %swap3A_240 = vector.shape_cast %broadcast_in_dim3A_1 : vector<16xf32> to vector<1x16xf32>
    tpu.vector_store %arg11[%swap3A_236, %swap3A_237], %swap3A_240 {strides = array<i32>} : memref<80x16xf32, #tpu.memory_space<vmem>>, vector<1x16xf32>,
    %swap3A_241 = arith.constant 40 : i32
    %swap3A_242 = arith.index_cast %swap3A_241 : i32 to index
    %swap3A_243 = arith.constant 0 : index
    %swap3A_244 = tpu.vector_load %arg11[%swap3A_242, %swap3A_243] {strides = array<i32>} : memref<80x16xf32, #tpu.memory_space<vmem>>, vector<1x16xf32>,
    %swap3A_245 = vector.shape_cast %swap3A_244 : vector<1x16xf32> to vector<16xf32>
    %swap3A_246 = vector.shape_cast %broadcast_in_dim3A_1 : vector<16xf32> to vector<1x16xf32>
    tpu.vector_store %arg11[%swap3A_242, %swap3A_243], %swap3A_246 {strides = array<i32>} : memref<80x16xf32, #tpu.memory_space<vmem>>, vector<1x16xf32>,
    %swap3A_247 = arith.constant 41 : i32
    %swap3A_248 = arith.index_cast %swap3A_247 : i32 to index
    %swap3A_249 = arith.constant 0 : index
    %swap3A_250 = tpu.vector_load %arg11[%swap3A_248, %swap3A_249] {strides = array<i32>} : memref<80x16xf32, #tpu.memory_space<vmem>>, vector<1x16xf32>,
    %swap3A_251 = vector.shape_cast %swap3A_250 : vector<1x16xf32> to vector<16xf32>
    %swap3A_252 = vector.shape_cast %broadcast_in_dim3A_1 : vector<16xf32> to vector<1x16xf32>
    tpu.vector_store %arg11[%swap3A_248, %swap3A_249], %swap3A_252 {strides = array<i32>} : memref<80x16xf32, #tpu.memory_space<vmem>>, vector<1x16xf32>,
    %swap3A_253 = arith.constant 42 : i32
    %swap3A_254 = arith.index_cast %swap3A_253 : i32 to index
    %swap3A_255 = arith.constant 0 : index
    %swap3A_256 = tpu.vector_load %arg11[%swap3A_254, %swap3A_255] {strides = array<i32>} : memref<80x16xf32, #tpu.memory_space<vmem>>, vector<1x16xf32>,
    %swap3A_257 = vector.shape_cast %swap3A_256 : vector<1x16xf32> to vector<16xf32>
    %swap3A_258 = vector.shape_cast %broadcast_in_dim3A_1 : vector<16xf32> to vector<1x16xf32>
    tpu.vector_store %arg11[%swap3A_254, %swap3A_255], %swap3A_258 {strides = array<i32>} : memref<80x16xf32, #tpu.memory_space<vmem>>, vector<1x16xf32>,
    %swap3A_259 = arith.constant 43 : i32
    %swap3A_260 = arith.index_cast %swap3A_259 : i32 to index
    %swap3A_261 = arith.constant 0 : index
    %swap3A_262 = tpu.vector_load %arg11[%swap3A_260, %swap3A_261] {strides = array<i32>} : memref<80x16xf32, #tpu.memory_space<vmem>>, vector<1x16xf32>,
    %swap3A_263 = vector.shape_cast %swap3A_262 : vector<1x16xf32> to vector<16xf32>
    %swap3A_264 = vector.shape_cast %broadcast_in_dim3A_1 : vector<16xf32> to vector<1x16xf32>
    tpu.vector_store %arg11[%swap3A_260, %swap3A_261], %swap3A_264 {strides = array<i32>} : memref<80x16xf32, #tpu.memory_space<vmem>>, vector<1x16xf32>,
    %swap3A_265 = arith.constant 44 : i32
    %swap3A_266 = arith.index_cast %swap3A_265 : i32 to index
    %swap3A_267 = arith.constant 0 : index
    %swap3A_268 = tpu.vector_load %arg11[%swap3A_266, %swap3A_267] {strides = array<i32>} : memref<80x16xf32, #tpu.memory_space<vmem>>, vector<1x16xf32>,
    %swap3A_269 = vector.shape_cast %swap3A_268 : vector<1x16xf32> to vector<16xf32>
    %swap3A_270 = vector.shape_cast %broadcast_in_dim3A_1 : vector<16xf32> to vector<1x16xf32>
    tpu.vector_store %arg11[%swap3A_266, %swap3A_267], %swap3A_270 {strides = array<i32>} : memref<80x16xf32, #tpu.memory_space<vmem>>, vector<1x16xf32>,
    %swap3A_271 = arith.constant 45 : i32
    %swap3A_272 = arith.index_cast %swap3A_271 : i32 to index
    %swap3A_273 = arith.constant 0 : index
    %swap3A_274 = tpu.vector_load %arg11[%swap3A_272, %swap3A_273] {strides = array<i32>} : memref<80x16xf32, #tpu.memory_space<vmem>>, vector<1x16xf32>,
    %swap3A_275 = vector.shape_cast %swap3A_274 : vector<1x16xf32> to vector<16xf32>
    %swap3A_276 = vector.shape_cast %broadcast_in_dim3A_1 : vector<16xf32> to vector<1x16xf32>
    tpu.vector_store %arg11[%swap3A_272, %swap3A_273], %swap3A_276 {strides = array<i32>} : memref<80x16xf32, #tpu.memory_space<vmem>>, vector<1x16xf32>,
    %swap3A_277 = arith.constant 46 : i32
    %swap3A_278 = arith.index_cast %swap3A_277 : i32 to index
    %swap3A_279 = arith.constant 0 : index
    %swap3A_280 = tpu.vector_load %arg11[%swap3A_278, %swap3A_279] {strides = array<i32>} : memref<80x16xf32, #tpu.memory_space<vmem>>, vector<1x16xf32>,
    %swap3A_281 = vector.shape_cast %swap3A_280 : vector<1x16xf32> to vector<16xf32>
    %swap3A_282 = vector.shape_cast %broadcast_in_dim3A_1 : vector<16xf32> to vector<1x16xf32>
    tpu.vector_store %arg11[%swap3A_278, %swap3A_279], %swap3A_282 {strides = array<i32>} : memref<80x16xf32, #tpu.memory_space<vmem>>, vector<1x16xf32>,
    %swap3A_283 = arith.constant 47 : i32
    %swap3A_284 = arith.index_cast %swap3A_283 : i32 to index
    %swap3A_285 = arith.constant 0 : index
    %swap3A_286 = tpu.vector_load %arg11[%swap3A_284, %swap3A_285] {strides = array<i32>} : memref<80x16xf32, #tpu.memory_space<vmem>>, vector<1x16xf32>,
    %swap3A_287 = vector.shape_cast %swap3A_286 : vector<1x16xf32> to vector<16xf32>
    %swap3A_288 = vector.shape_cast %broadcast_in_dim3A_1 : vector<16xf32> to vector<1x16xf32>
    tpu.vector_store %arg11[%swap3A_284, %swap3A_285], %swap3A_288 {strides = array<i32>} : memref<80x16xf32, #tpu.memory_space<vmem>>, vector<1x16xf32>,
    %swap3A_289 = arith.constant 48 : i32
    %swap3A_290 = arith.index_cast %swap3A_289 : i32 to index
    %swap3A_291 = arith.constant 0 : index
    %swap3A_292 = tpu.vector_load %arg11[%swap3A_290, %swap3A_291] {strides = array<i32>} : memref<80x16xf32, #tpu.memory_space<vmem>>, vector<1x16xf32>,
    %swap3A_293 = vector.shape_cast %swap3A_292 : vector<1x16xf32> to vector<16xf32>
    %swap3A_294 = vector.shape_cast %broadcast_in_dim3A_1 : vector<16xf32> to vector<1x16xf32>
    tpu.vector_store %arg11[%swap3A_290, %swap3A_291], %swap3A_294 {strides = array<i32>} : memref<80x16xf32, #tpu.memory_space<vmem>>, vector<1x16xf32>,
    %swap3A_295 = arith.constant 49 : i32
    %swap3A_296 = arith.index_cast %swap3A_295 : i32 to index
    %swap3A_297 = arith.constant 0 : index
    %swap3A_298 = tpu.vector_load %arg11[%swap3A_296, %swap3A_297] {strides = array<i32>} : memref<80x16xf32, #tpu.memory_space<vmem>>, vector<1x16xf32>,
    %swap3A_299 = vector.shape_cast %swap3A_298 : vector<1x16xf32> to vector<16xf32>
    %swap3A_300 = vector.shape_cast %broadcast_in_dim3A_1 : vector<16xf32> to vector<1x16xf32>
    tpu.vector_store %arg11[%swap3A_296, %swap3A_297], %swap3A_300 {strides = array<i32>} : memref<80x16xf32, #tpu.memory_space<vmem>>, vector<1x16xf32>,
    %swap3A_301 = arith.constant 50 : i32
    %swap3A_302 = arith.index_cast %swap3A_301 : i32 to index
    %swap3A_303 = arith.constant 0 : index
    %swap3A_304 = tpu.vector_load %arg11[%swap3A_302, %swap3A_303] {strides = array<i32>} : memref<80x16xf32, #tpu.memory_space<vmem>>, vector<1x16xf32>,
    %swap3A_305 = vector.shape_cast %swap3A_304 : vector<1x16xf32> to vector<16xf32>
    %swap3A_306 = vector.shape_cast %broadcast_in_dim3A_1 : vector<16xf32> to vector<1x16xf32>
    tpu.vector_store %arg11[%swap3A_302, %swap3A_303], %swap3A_306 {strides = array<i32>} : memref<80x16xf32, #tpu.memory_space<vmem>>, vector<1x16xf32>,
    %swap3A_307 = arith.constant 51 : i32
    %swap3A_308 = arith.index_cast %swap3A_307 : i32 to index
    %swap3A_309 = arith.constant 0 : index
    %swap3A_310 = tpu.vector_load %arg11[%swap3A_308, %swap3A_309] {strides = array<i32>} : memref<80x16xf32, #tpu.memory_space<vmem>>, vector<1x16xf32>,
    %swap3A_311 = vector.shape_cast %swap3A_310 : vector<1x16xf32> to vector<16xf32>
    %swap3A_312 = vector.shape_cast %broadcast_in_dim3A_1 : vector<16xf32> to vector<1x16xf32>
    tpu.vector_store %arg11[%swap3A_308, %swap3A_309], %swap3A_312 {strides = array<i32>} : memref<80x16xf32, #tpu.memory_space<vmem>>, vector<1x16xf32>,
    %swap3A_313 = arith.constant 52 : i32
    %swap3A_314 = arith.index_cast %swap3A_313 : i32 to index
    %swap3A_315 = arith.constant 0 : index
    %swap3A_316 = tpu.vector_load %arg11[%swap3A_314, %swap3A_315] {strides = array<i32>} : memref<80x16xf32, #tpu.memory_space<vmem>>, vector<1x16xf32>,
    %swap3A_317 = vector.shape_cast %swap3A_316 : vector<1x16xf32> to vector<16xf32>
    %swap3A_318 = vector.shape_cast %broadcast_in_dim3A_1 : vector<16xf32> to vector<1x16xf32>
    tpu.vector_store %arg11[%swap3A_314, %swap3A_315], %swap3A_318 {strides = array<i32>} : memref<80x16xf32, #tpu.memory_space<vmem>>, vector<1x16xf32>,
    %swap3A_319 = arith.constant 53 : i32
    %swap3A_320 = arith.index_cast %swap3A_319 : i32 to index
    %swap3A_321 = arith.constant 0 : index
    %swap3A_322 = tpu.vector_load %arg11[%swap3A_320, %swap3A_321] {strides = array<i32>} : memref<80x16xf32, #tpu.memory_space<vmem>>, vector<1x16xf32>,
    %swap3A_323 = vector.shape_cast %swap3A_322 : vector<1x16xf32> to vector<16xf32>
    %swap3A_324 = vector.shape_cast %broadcast_in_dim3A_1 : vector<16xf32> to vector<1x16xf32>
    tpu.vector_store %arg11[%swap3A_320, %swap3A_321], %swap3A_324 {strides = array<i32>} : memref<80x16xf32, #tpu.memory_space<vmem>>, vector<1x16xf32>,
    %swap3A_325 = arith.constant 54 : i32
    %swap3A_326 = arith.index_cast %swap3A_325 : i32 to index
    %swap3A_327 = arith.constant 0 : index
    %swap3A_328 = tpu.vector_load %arg11[%swap3A_326, %swap3A_327] {strides = array<i32>} : memref<80x16xf32, #tpu.memory_space<vmem>>, vector<1x16xf32>,
    %swap3A_329 = vector.shape_cast %swap3A_328 : vector<1x16xf32> to vector<16xf32>
    %swap3A_330 = vector.shape_cast %broadcast_in_dim3A_1 : vector<16xf32> to vector<1x16xf32>
    tpu.vector_store %arg11[%swap3A_326, %swap3A_327], %swap3A_330 {strides = array<i32>} : memref<80x16xf32, #tpu.memory_space<vmem>>, vector<1x16xf32>,
    %swap3A_331 = arith.constant 55 : i32
    %swap3A_332 = arith.index_cast %swap3A_331 : i32 to index
    %swap3A_333 = arith.constant 0 : index
    %swap3A_334 = tpu.vector_load %arg11[%swap3A_332, %swap3A_333] {strides = array<i32>} : memref<80x16xf32, #tpu.memory_space<vmem>>, vector<1x16xf32>,
    %swap3A_335 = vector.shape_cast %swap3A_334 : vector<1x16xf32> to vector<16xf32>
    %swap3A_336 = vector.shape_cast %broadcast_in_dim3A_1 : vector<16xf32> to vector<1x16xf32>
    tpu.vector_store %arg11[%swap3A_332, %swap3A_333], %swap3A_336 {strides = array<i32>} : memref<80x16xf32, #tpu.memory_space<vmem>>, vector<1x16xf32>,
    %swap3A_337 = arith.constant 56 : i32
    %swap3A_338 = arith.index_cast %swap3A_337 : i32 to index
    %swap3A_339 = arith.constant 0 : index
    %swap3A_340 = tpu.vector_load %arg11[%swap3A_338, %swap3A_339] {strides = array<i32>} : memref<80x16xf32, #tpu.memory_space<vmem>>, vector<1x16xf32>,
    %swap3A_341 = vector.shape_cast %swap3A_340 : vector<1x16xf32> to vector<16xf32>
    %swap3A_342 = vector.shape_cast %broadcast_in_dim3A_1 : vector<16xf32> to vector<1x16xf32>
    tpu.vector_store %arg11[%swap3A_338, %swap3A_339], %swap3A_342 {strides = array<i32>} : memref<80x16xf32, #tpu.memory_space<vmem>>, vector<1x16xf32>,
    %swap3A_343 = arith.constant 57 : i32
    %swap3A_344 = arith.index_cast %swap3A_343 : i32 to index
    %swap3A_345 = arith.constant 0 : index
    %swap3A_346 = tpu.vector_load %arg11[%swap3A_344, %swap3A_345] {strides = array<i32>} : memref<80x16xf32, #tpu.memory_space<vmem>>, vector<1x16xf32>,
    %swap3A_347 = vector.shape_cast %swap3A_346 : vector<1x16xf32> to vector<16xf32>
    %swap3A_348 = vector.shape_cast %broadcast_in_dim3A_1 : vector<16xf32> to vector<1x16xf32>
    tpu.vector_store %arg11[%swap3A_344, %swap3A_345], %swap3A_348 {strides = array<i32>} : memref<80x16xf32, #tpu.memory_space<vmem>>, vector<1x16xf32>,
    %swap3A_349 = arith.constant 58 : i32
    %swap3A_350 = arith.index_cast %swap3A_349 : i32 to index
    %swap3A_351 = arith.constant 0 : index
    %swap3A_352 = tpu.vector_load %arg11[%swap3A_350, %swap3A_351] {strides = array<i32>} : memref<80x16xf32, #tpu.memory_space<vmem>>, vector<1x16xf32>,
    %swap3A_353 = vector.shape_cast %swap3A_352 : vector<1x16xf32> to vector<16xf32>
    %swap3A_354 = vector.shape_cast %broadcast_in_dim3A_1 : vector<16xf32> to vector<1x16xf32>
    tpu.vector_store %arg11[%swap3A_350, %swap3A_351], %swap3A_354 {strides = array<i32>} : memref<80x16xf32, #tpu.memory_space<vmem>>, vector<1x16xf32>,
    %swap3A_355 = arith.constant 59 : i32
    %swap3A_356 = arith.index_cast %swap3A_355 : i32 to index
    %swap3A_357 = arith.constant 0 : index
    %swap3A_358 = tpu.vector_load %arg11[%swap3A_356, %swap3A_357] {strides = array<i32>} : memref<80x16xf32, #tpu.memory_space<vmem>>, vector<1x16xf32>,
    %swap3A_359 = vector.shape_cast %swap3A_358 : vector<1x16xf32> to vector<16xf32>
    %swap3A_360 = vector.shape_cast %broadcast_in_dim3A_1 : vector<16xf32> to vector<1x16xf32>
    tpu.vector_store %arg11[%swap3A_356, %swap3A_357], %swap3A_360 {strides = array<i32>} : memref<80x16xf32, #tpu.memory_space<vmem>>, vector<1x16xf32>,
    %swap3A_361 = arith.constant 60 : i32
    %swap3A_362 = arith.index_cast %swap3A_361 : i32 to index
    %swap3A_363 = arith.constant 0 : index
    %swap3A_364 = tpu.vector_load %arg11[%swap3A_362, %swap3A_363] {strides = array<i32>} : memref<80x16xf32, #tpu.memory_space<vmem>>, vector<1x16xf32>,
    %swap3A_365 = vector.shape_cast %swap3A_364 : vector<1x16xf32> to vector<16xf32>
    %swap3A_366 = vector.shape_cast %broadcast_in_dim3A_1 : vector<16xf32> to vector<1x16xf32>
    tpu.vector_store %arg11[%swap3A_362, %swap3A_363], %swap3A_366 {strides = array<i32>} : memref<80x16xf32, #tpu.memory_space<vmem>>, vector<1x16xf32>,
    %swap3A_367 = arith.constant 61 : i32
    %swap3A_368 = arith.index_cast %swap3A_367 : i32 to index
    %swap3A_369 = arith.constant 0 : index
    %swap3A_370 = tpu.vector_load %arg11[%swap3A_368, %swap3A_369] {strides = array<i32>} : memref<80x16xf32, #tpu.memory_space<vmem>>, vector<1x16xf32>,
    %swap3A_371 = vector.shape_cast %swap3A_370 : vector<1x16xf32> to vector<16xf32>
    %swap3A_372 = vector.shape_cast %broadcast_in_dim3A_1 : vector<16xf32> to vector<1x16xf32>
    tpu.vector_store %arg11[%swap3A_368, %swap3A_369], %swap3A_372 {strides = array<i32>} : memref<80x16xf32, #tpu.memory_space<vmem>>, vector<1x16xf32>,
    %swap3A_373 = arith.constant 62 : i32
    %swap3A_374 = arith.index_cast %swap3A_373 : i32 to index
    %swap3A_375 = arith.constant 0 : index
    %swap3A_376 = tpu.vector_load %arg11[%swap3A_374, %swap3A_375] {strides = array<i32>} : memref<80x16xf32, #tpu.memory_space<vmem>>, vector<1x16xf32>,
    %swap3A_377 = vector.shape_cast %swap3A_376 : vector<1x16xf32> to vector<16xf32>
    %swap3A_378 = vector.shape_cast %broadcast_in_dim3A_1 : vector<16xf32> to vector<1x16xf32>
    tpu.vector_store %arg11[%swap3A_374, %swap3A_375], %swap3A_378 {strides = array<i32>} : memref<80x16xf32, #tpu.memory_space<vmem>>, vector<1x16xf32>,
    %swap3A_379 = arith.constant 63 : i32
    %swap3A_380 = arith.index_cast %swap3A_379 : i32 to index
    %swap3A_381 = arith.constant 0 : index
    %swap3A_382 = tpu.vector_load %arg11[%swap3A_380, %swap3A_381] {strides = array<i32>} : memref<80x16xf32, #tpu.memory_space<vmem>>, vector<1x16xf32>,
    %swap3A_383 = vector.shape_cast %swap3A_382 : vector<1x16xf32> to vector<16xf32>
    %swap3A_384 = vector.shape_cast %broadcast_in_dim3A_1 : vector<16xf32> to vector<1x16xf32>
    tpu.vector_store %arg11[%swap3A_380, %swap3A_381], %swap3A_384 {strides = array<i32>} : memref<80x16xf32, #tpu.memory_space<vmem>>, vector<1x16xf32>,
    %swap3A_385 = arith.constant 64 : i32
    %swap3A_386 = arith.index_cast %swap3A_385 : i32 to index
    %swap3A_387 = arith.constant 0 : index
    %swap3A_388 = tpu.vector_load %arg11[%swap3A_386, %swap3A_387] {strides = array<i32>} : memref<80x16xf32, #tpu.memory_space<vmem>>, vector<1x16xf32>,
    %swap3A_389 = vector.shape_cast %swap3A_388 : vector<1x16xf32> to vector<16xf32>
    %swap3A_390 = vector.shape_cast %broadcast_in_dim3A_1 : vector<16xf32> to vector<1x16xf32>
    tpu.vector_store %arg11[%swap3A_386, %swap3A_387], %swap3A_390 {strides = array<i32>} : memref<80x16xf32, #tpu.memory_space<vmem>>, vector<1x16xf32>,
    %swap3A_391 = arith.constant 65 : i32
    %swap3A_392 = arith.index_cast %swap3A_391 : i32 to index
    %swap3A_393 = arith.constant 0 : index
    %swap3A_394 = tpu.vector_load %arg11[%swap3A_392, %swap3A_393] {strides = array<i32>} : memref<80x16xf32, #tpu.memory_space<vmem>>, vector<1x16xf32>,
    %swap3A_395 = vector.shape_cast %swap3A_394 : vector<1x16xf32> to vector<16xf32>
    %swap3A_396 = vector.shape_cast %broadcast_in_dim3A_1 : vector<16xf32> to vector<1x16xf32>
    tpu.vector_store %arg11[%swap3A_392, %swap3A_393], %swap3A_396 {strides = array<i32>} : memref<80x16xf32, #tpu.memory_space<vmem>>, vector<1x16xf32>,
    %swap3A_397 = arith.constant 66 : i32
    %swap3A_398 = arith.index_cast %swap3A_397 : i32 to index
    %swap3A_399 = arith.constant 0 : index
    %swap3A_400 = tpu.vector_load %arg11[%swap3A_398, %swap3A_399] {strides = array<i32>} : memref<80x16xf32, #tpu.memory_space<vmem>>, vector<1x16xf32>,
    %swap3A_401 = vector.shape_cast %swap3A_400 : vector<1x16xf32> to vector<16xf32>
    %swap3A_402 = vector.shape_cast %broadcast_in_dim3A_1 : vector<16xf32> to vector<1x16xf32>
    tpu.vector_store %arg11[%swap3A_398, %swap3A_399], %swap3A_402 {strides = array<i32>} : memref<80x16xf32, #tpu.memory_space<vmem>>, vector<1x16xf32>,
    %swap3A_403 = arith.constant 67 : i32
    %swap3A_404 = arith.index_cast %swap3A_403 : i32 to index
    %swap3A_405 = arith.constant 0 : index
    %swap3A_406 = tpu.vector_load %arg11[%swap3A_404, %swap3A_405] {strides = array<i32>} : memref<80x16xf32, #tpu.memory_space<vmem>>, vector<1x16xf32>,
    %swap3A_407 = vector.shape_cast %swap3A_406 : vector<1x16xf32> to vector<16xf32>
    %swap3A_408 = vector.shape_cast %broadcast_in_dim3A_1 : vector<16xf32> to vector<1x16xf32>
    tpu.vector_store %arg11[%swap3A_404, %swap3A_405], %swap3A_408 {strides = array<i32>} : memref<80x16xf32, #tpu.memory_space<vmem>>, vector<1x16xf32>,
    %swap3A_409 = arith.constant 68 : i32
    %swap3A_410 = arith.index_cast %swap3A_409 : i32 to index
    %swap3A_411 = arith.constant 0 : index
    %swap3A_412 = tpu.vector_load %arg11[%swap3A_410, %swap3A_411] {strides = array<i32>} : memref<80x16xf32, #tpu.memory_space<vmem>>, vector<1x16xf32>,
    %swap3A_413 = vector.shape_cast %swap3A_412 : vector<1x16xf32> to vector<16xf32>
    %swap3A_414 = vector.shape_cast %broadcast_in_dim3A_1 : vector<16xf32> to vector<1x16xf32>
    tpu.vector_store %arg11[%swap3A_410, %swap3A_411], %swap3A_414 {strides = array<i32>} : memref<80x16xf32, #tpu.memory_space<vmem>>, vector<1x16xf32>,
    %swap3A_415 = arith.constant 69 : i32
    %swap3A_416 = arith.index_cast %swap3A_415 : i32 to index
    %swap3A_417 = arith.constant 0 : index
    %swap3A_418 = tpu.vector_load %arg11[%swap3A_416, %swap3A_417] {strides = array<i32>} : memref<80x16xf32, #tpu.memory_space<vmem>>, vector<1x16xf32>,
    %swap3A_419 = vector.shape_cast %swap3A_418 : vector<1x16xf32> to vector<16xf32>
    %swap3A_420 = vector.shape_cast %broadcast_in_dim3A_1 : vector<16xf32> to vector<1x16xf32>
    tpu.vector_store %arg11[%swap3A_416, %swap3A_417], %swap3A_420 {strides = array<i32>} : memref<80x16xf32, #tpu.memory_space<vmem>>, vector<1x16xf32>,
    %swap3A_421 = arith.constant 70 : i32
    %swap3A_422 = arith.index_cast %swap3A_421 : i32 to index
    %swap3A_423 = arith.constant 0 : index
    %swap3A_424 = tpu.vector_load %arg11[%swap3A_422, %swap3A_423] {strides = array<i32>} : memref<80x16xf32, #tpu.memory_space<vmem>>, vector<1x16xf32>,
    %swap3A_425 = vector.shape_cast %swap3A_424 : vector<1x16xf32> to vector<16xf32>
    %swap3A_426 = vector.shape_cast %broadcast_in_dim3A_1 : vector<16xf32> to vector<1x16xf32>
    tpu.vector_store %arg11[%swap3A_422, %swap3A_423], %swap3A_426 {strides = array<i32>} : memref<80x16xf32, #tpu.memory_space<vmem>>, vector<1x16xf32>,
    %swap3A_427 = arith.constant 71 : i32
    %swap3A_428 = arith.index_cast %swap3A_427 : i32 to index
    %swap3A_429 = arith.constant 0 : index
    %swap3A_430 = tpu.vector_load %arg11[%swap3A_428, %swap3A_429] {strides = array<i32>} : memref<80x16xf32, #tpu.memory_space<vmem>>, vector<1x16xf32>,
    %swap3A_431 = vector.shape_cast %swap3A_430 : vector<1x16xf32> to vector<16xf32>
    %swap3A_432 = vector.shape_cast %broadcast_in_dim3A_1 : vector<16xf32> to vector<1x16xf32>
    tpu.vector_store %arg11[%swap3A_428, %swap3A_429], %swap3A_432 {strides = array<i32>} : memref<80x16xf32, #tpu.memory_space<vmem>>, vector<1x16xf32>,
    %swap3A_433 = arith.constant 72 : i32
    %swap3A_434 = arith.index_cast %swap3A_433 : i32 to index
    %swap3A_435 = arith.constant 0 : index
    %swap3A_436 = tpu.vector_load %arg11[%swap3A_434, %swap3A_435] {strides = array<i32>} : memref<80x16xf32, #tpu.memory_space<vmem>>, vector<1x16xf32>,
    %swap3A_437 = vector.shape_cast %swap3A_436 : vector<1x16xf32> to vector<16xf32>
    %swap3A_438 = vector.shape_cast %broadcast_in_dim3A_1 : vector<16xf32> to vector<1x16xf32>
    tpu.vector_store %arg11[%swap3A_434, %swap3A_435], %swap3A_438 {strides = array<i32>} : memref<80x16xf32, #tpu.memory_space<vmem>>, vector<1x16xf32>,
    %swap3A_439 = arith.constant 73 : i32
    %swap3A_440 = arith.index_cast %swap3A_439 : i32 to index
    %swap3A_441 = arith.constant 0 : index
    %swap3A_442 = tpu.vector_load %arg11[%swap3A_440, %swap3A_441] {strides = array<i32>} : memref<80x16xf32, #tpu.memory_space<vmem>>, vector<1x16xf32>,
    %swap3A_443 = vector.shape_cast %swap3A_442 : vector<1x16xf32> to vector<16xf32>
    %swap3A_444 = vector.shape_cast %broadcast_in_dim3A_1 : vector<16xf32> to vector<1x16xf32>
    tpu.vector_store %arg11[%swap3A_440, %swap3A_441], %swap3A_444 {strides = array<i32>} : memref<80x16xf32, #tpu.memory_space<vmem>>, vector<1x16xf32>,
    %swap3A_445 = arith.constant 74 : i32
    %swap3A_446 = arith.index_cast %swap3A_445 : i32 to index
    %swap3A_447 = arith.constant 0 : index
    %swap3A_448 = tpu.vector_load %arg11[%swap3A_446, %swap3A_447] {strides = array<i32>} : memref<80x16xf32, #tpu.memory_space<vmem>>, vector<1x16xf32>,
    %swap3A_449 = vector.shape_cast %swap3A_448 : vector<1x16xf32> to vector<16xf32>
    %swap3A_450 = vector.shape_cast %broadcast_in_dim3A_1 : vector<16xf32> to vector<1x16xf32>
    tpu.vector_store %arg11[%swap3A_446, %swap3A_447], %swap3A_450 {strides = array<i32>} : memref<80x16xf32, #tpu.memory_space<vmem>>, vector<1x16xf32>,
    %swap3A_451 = arith.constant 75 : i32
    %swap3A_452 = arith.index_cast %swap3A_451 : i32 to index
    %swap3A_453 = arith.constant 0 : index
    %swap3A_454 = tpu.vector_load %arg11[%swap3A_452, %swap3A_453] {strides = array<i32>} : memref<80x16xf32, #tpu.memory_space<vmem>>, vector<1x16xf32>,
    %swap3A_455 = vector.shape_cast %swap3A_454 : vector<1x16xf32> to vector<16xf32>
    %swap3A_456 = vector.shape_cast %broadcast_in_dim3A_1 : vector<16xf32> to vector<1x16xf32>
    tpu.vector_store %arg11[%swap3A_452, %swap3A_453], %swap3A_456 {strides = array<i32>} : memref<80x16xf32, #tpu.memory_space<vmem>>, vector<1x16xf32>,
    %swap3A_457 = arith.constant 76 : i32
    %swap3A_458 = arith.index_cast %swap3A_457 : i32 to index
    %swap3A_459 = arith.constant 0 : index
    %swap3A_460 = tpu.vector_load %arg11[%swap3A_458, %swap3A_459] {strides = array<i32>} : memref<80x16xf32, #tpu.memory_space<vmem>>, vector<1x16xf32>,
    %swap3A_461 = vector.shape_cast %swap3A_460 : vector<1x16xf32> to vector<16xf32>
    %swap3A_462 = vector.shape_cast %broadcast_in_dim3A_1 : vector<16xf32> to vector<1x16xf32>
    tpu.vector_store %arg11[%swap3A_458, %swap3A_459], %swap3A_462 {strides = array<i32>} : memref<80x16xf32, #tpu.memory_space<vmem>>, vector<1x16xf32>,
    %swap3A_463 = arith.constant 77 : i32
    %swap3A_464 = arith.index_cast %swap3A_463 : i32 to index
    %swap3A_465 = arith.constant 0 : index
    %swap3A_466 = tpu.vector_load %arg11[%swap3A_464, %swap3A_465] {strides = array<i32>} : memref<80x16xf32, #tpu.memory_space<vmem>>, vector<1x16xf32>,
    %swap3A_467 = vector.shape_cast %swap3A_466 : vector<1x16xf32> to vector<16xf32>
    %swap3A_468 = vector.shape_cast %broadcast_in_dim3A_1 : vector<16xf32> to vector<1x16xf32>
    tpu.vector_store %arg11[%swap3A_464, %swap3A_465], %swap3A_468 {strides = array<i32>} : memref<80x16xf32, #tpu.memory_space<vmem>>, vector<1x16xf32>,
    %swap3A_469 = arith.constant 78 : i32
    %swap3A_470 = arith.index_cast %swap3A_469 : i32 to index
    %swap3A_471 = arith.constant 0 : index
    %swap3A_472 = tpu.vector_load %arg11[%swap3A_470, %swap3A_471] {strides = array<i32>} : memref<80x16xf32, #tpu.memory_space<vmem>>, vector<1x16xf32>,
    %swap3A_473 = vector.shape_cast %swap3A_472 : vector<1x16xf32> to vector<16xf32>
    %swap3A_474 = vector.shape_cast %broadcast_in_dim3A_1 : vector<16xf32> to vector<1x16xf32>
    tpu.vector_store %arg11[%swap3A_470, %swap3A_471], %swap3A_474 {strides = array<i32>} : memref<80x16xf32, #tpu.memory_space<vmem>>, vector<1x16xf32>,
    %swap3A_475 = arith.constant 79 : i32
    %swap3A_476 = arith.index_cast %swap3A_475 : i32 to index
    %swap3A_477 = arith.constant 0 : index
    %swap3A_478 = tpu.vector_load %arg11[%swap3A_476, %swap3A_477] {strides = array<i32>} : memref<80x16xf32, #tpu.memory_space<vmem>>, vector<1x16xf32>,
    %swap3A_479 = vector.shape_cast %swap3A_478 : vector<1x16xf32> to vector<16xf32>
    %swap3A_480 = vector.shape_cast %broadcast_in_dim3A_1 : vector<16xf32> to vector<1x16xf32>
    tpu.vector_store %arg11[%swap3A_476, %swap3A_477], %swap3A_480 {strides = array<i32>} : memref<80x16xf32, #tpu.memory_space<vmem>>, vector<1x16xf32>,
    %mul3A_481 = arith.constant 640 : i32
    %mul3A_482 = arith.muli %arg1, %mul3A_481 : i32
    %add3A_483 = arith.constant 0 : i32
    %add3A_484 = arith.addi %mul3A_482, %add3A_483 : i32
    "tpu.region"() ({
      %run_scoped3A = tpu.sem_alloc : memref<!tpu.dma_semaphore, #tpu.memory_space<semaphore_mem>>
      %dma_start3A = arith.constant 0 : i32
      %dma_start3A_520 = tpu.memref_slice %arg7[%add3A_484, %dma_start3A] : memref<10240x16xf32, #tpu.memory_space<vmem_shared>> -> memref<80x16xf32, #tpu.memory_space<vmem_shared>>
      %dma_start3A_521 = arith.constant 0 : i32
      %dma_start3A_522 = tpu.memref_slice %arg7[%add3A_484, %dma_start3A_521] : memref<10240x16xf32, #tpu.memory_space<vmem_shared>> -> memref<80x16xf32, #tpu.memory_space<vmem_shared>>
      tpu.enqueue_dma source(%arg11 : memref<80x16xf32, #tpu.memory_space<vmem>>) target(%dma_start3A_522 : memref<80x16xf32, #tpu.memory_space<vmem_shared>>) target_semaphore(%run_scoped3A : memref<!tpu.dma_semaphore, #tpu.memory_space<semaphore_mem>>)
      %dma_wait3A = arith.constant 0 : i32
      %dma_wait3A_523 = tpu.memref_slice %arg7[%add3A_484, %dma_wait3A] : memref<10240x16xf32, #tpu.memory_space<vmem_shared>> -> memref<80x16xf32, #tpu.memory_space<vmem_shared>>
      %dma_wait3A_524 = arith.constant 0 : i32
      %dma_wait3A_525 = tpu.memref_slice %arg7[%add3A_484, %dma_wait3A_524] : memref<10240x16xf32, #tpu.memory_space<vmem_shared>> -> memref<80x16xf32, #tpu.memory_space<vmem_shared>>
      tpu.wait_dma2 semaphore(%run_scoped3A : memref<!tpu.dma_semaphore, #tpu.memory_space<semaphore_mem>>) src(%arg11 : memref<80x16xf32, #tpu.memory_space<vmem>>) dst(%dma_wait3A_525 : memref<80x16xf32, #tpu.memory_space<vmem_shared>>)
      tpu.yield
    }) : () -> ()
    %mul3A_485 = arith.constant 640 : i32
    %mul3A_486 = arith.muli %arg1, %mul3A_485 : i32
    %add3A_487 = arith.constant 80 : i32
    %add3A_488 = arith.addi %mul3A_486, %add3A_487 : i32
    "tpu.region"() ({
      %run_scoped3A = tpu.sem_alloc : memref<!tpu.dma_semaphore, #tpu.memory_space<semaphore_mem>>
      %dma_start3A = arith.constant 0 : i32
      %dma_start3A_520 = tpu.memref_slice %arg7[%add3A_488, %dma_start3A] : memref<10240x16xf32, #tpu.memory_space<vmem_shared>> -> memref<80x16xf32, #tpu.memory_space<vmem_shared>>
      %dma_start3A_521 = arith.constant 0 : i32
      %dma_start3A_522 = tpu.memref_slice %arg7[%add3A_488, %dma_start3A_521] : memref<10240x16xf32, #tpu.memory_space<vmem_shared>> -> memref<80x16xf32, #tpu.memory_space<vmem_shared>>
      tpu.enqueue_dma source(%arg11 : memref<80x16xf32, #tpu.memory_space<vmem>>) target(%dma_start3A_522 : memref<80x16xf32, #tpu.memory_space<vmem_shared>>) target_semaphore(%run_scoped3A : memref<!tpu.dma_semaphore, #tpu.memory_space<semaphore_mem>>)
      %dma_wait3A = arith.constant 0 : i32
      %dma_wait3A_523 = tpu.memref_slice %arg7[%add3A_488, %dma_wait3A] : memref<10240x16xf32, #tpu.memory_space<vmem_shared>> -> memref<80x16xf32, #tpu.memory_space<vmem_shared>>
      %dma_wait3A_524 = arith.constant 0 : i32
      %dma_wait3A_525 = tpu.memref_slice %arg7[%add3A_488, %dma_wait3A_524] : memref<10240x16xf32, #tpu.memory_space<vmem_shared>> -> memref<80x16xf32, #tpu.memory_space<vmem_shared>>
      tpu.wait_dma2 semaphore(%run_scoped3A : memref<!tpu.dma_semaphore, #tpu.memory_space<semaphore_mem>>) src(%arg11 : memref<80x16xf32, #tpu.memory_space<vmem>>) dst(%dma_wait3A_525 : memref<80x16xf32, #tpu.memory_space<vmem_shared>>)
      tpu.yield
    }) : () -> ()
    %mul3A_489 = arith.constant 640 : i32
    %mul3A_490 = arith.muli %arg1, %mul3A_489 : i32
    %add3A_491 = arith.constant 160 : i32
    %add3A_492 = arith.addi %mul3A_490, %add3A_491 : i32
    "tpu.region"() ({
      %run_scoped3A = tpu.sem_alloc : memref<!tpu.dma_semaphore, #tpu.memory_space<semaphore_mem>>
      %dma_start3A = arith.constant 0 : i32
      %dma_start3A_520 = tpu.memref_slice %arg7[%add3A_492, %dma_start3A] : memref<10240x16xf32, #tpu.memory_space<vmem_shared>> -> memref<80x16xf32, #tpu.memory_space<vmem_shared>>
      %dma_start3A_521 = arith.constant 0 : i32
      %dma_start3A_522 = tpu.memref_slice %arg7[%add3A_492, %dma_start3A_521] : memref<10240x16xf32, #tpu.memory_space<vmem_shared>> -> memref<80x16xf32, #tpu.memory_space<vmem_shared>>
      tpu.enqueue_dma source(%arg11 : memref<80x16xf32, #tpu.memory_space<vmem>>) target(%dma_start3A_522 : memref<80x16xf32, #tpu.memory_space<vmem_shared>>) target_semaphore(%run_scoped3A : memref<!tpu.dma_semaphore, #tpu.memory_space<semaphore_mem>>)
      %dma_wait3A = arith.constant 0 : i32
      %dma_wait3A_523 = tpu.memref_slice %arg7[%add3A_492, %dma_wait3A] : memref<10240x16xf32, #tpu.memory_space<vmem_shared>> -> memref<80x16xf32, #tpu.memory_space<vmem_shared>>
      %dma_wait3A_524 = arith.constant 0 : i32
      %dma_wait3A_525 = tpu.memref_slice %arg7[%add3A_492, %dma_wait3A_524] : memref<10240x16xf32, #tpu.memory_space<vmem_shared>> -> memref<80x16xf32, #tpu.memory_space<vmem_shared>>
      tpu.wait_dma2 semaphore(%run_scoped3A : memref<!tpu.dma_semaphore, #tpu.memory_space<semaphore_mem>>) src(%arg11 : memref<80x16xf32, #tpu.memory_space<vmem>>) dst(%dma_wait3A_525 : memref<80x16xf32, #tpu.memory_space<vmem_shared>>)
      tpu.yield
    }) : () -> ()
    %mul3A_493 = arith.constant 640 : i32
    %mul3A_494 = arith.muli %arg1, %mul3A_493 : i32
    %add3A_495 = arith.constant 240 : i32
    %add3A_496 = arith.addi %mul3A_494, %add3A_495 : i32
    "tpu.region"() ({
      %run_scoped3A = tpu.sem_alloc : memref<!tpu.dma_semaphore, #tpu.memory_space<semaphore_mem>>
      %dma_start3A = arith.constant 0 : i32
      %dma_start3A_520 = tpu.memref_slice %arg7[%add3A_496, %dma_start3A] : memref<10240x16xf32, #tpu.memory_space<vmem_shared>> -> memref<80x16xf32, #tpu.memory_space<vmem_shared>>
      %dma_start3A_521 = arith.constant 0 : i32
      %dma_start3A_522 = tpu.memref_slice %arg7[%add3A_496, %dma_start3A_521] : memref<10240x16xf32, #tpu.memory_space<vmem_shared>> -> memref<80x16xf32, #tpu.memory_space<vmem_shared>>
      tpu.enqueue_dma source(%arg11 : memref<80x16xf32, #tpu.memory_space<vmem>>) target(%dma_start3A_522 : memref<80x16xf32, #tpu.memory_space<vmem_shared>>) target_semaphore(%run_scoped3A : memref<!tpu.dma_semaphore, #tpu.memory_space<semaphore_mem>>)
      %dma_wait3A = arith.constant 0 : i32
      %dma_wait3A_523 = tpu.memref_slice %arg7[%add3A_496, %dma_wait3A] : memref<10240x16xf32, #tpu.memory_space<vmem_shared>> -> memref<80x16xf32, #tpu.memory_space<vmem_shared>>
      %dma_wait3A_524 = arith.constant 0 : i32
      %dma_wait3A_525 = tpu.memref_slice %arg7[%add3A_496, %dma_wait3A_524] : memref<10240x16xf32, #tpu.memory_space<vmem_shared>> -> memref<80x16xf32, #tpu.memory_space<vmem_shared>>
      tpu.wait_dma2 semaphore(%run_scoped3A : memref<!tpu.dma_semaphore, #tpu.memory_space<semaphore_mem>>) src(%arg11 : memref<80x16xf32, #tpu.memory_space<vmem>>) dst(%dma_wait3A_525 : memref<80x16xf32, #tpu.memory_space<vmem_shared>>)
      tpu.yield
    }) : () -> ()
    %mul3A_497 = arith.constant 640 : i32
    %mul3A_498 = arith.muli %arg1, %mul3A_497 : i32
    %add3A_499 = arith.constant 320 : i32
    %add3A_500 = arith.addi %mul3A_498, %add3A_499 : i32
    "tpu.region"() ({
      %run_scoped3A = tpu.sem_alloc : memref<!tpu.dma_semaphore, #tpu.memory_space<semaphore_mem>>
      %dma_start3A = arith.constant 0 : i32
      %dma_start3A_520 = tpu.memref_slice %arg7[%add3A_500, %dma_start3A] : memref<10240x16xf32, #tpu.memory_space<vmem_shared>> -> memref<80x16xf32, #tpu.memory_space<vmem_shared>>
      %dma_start3A_521 = arith.constant 0 : i32
      %dma_start3A_522 = tpu.memref_slice %arg7[%add3A_500, %dma_start3A_521] : memref<10240x16xf32, #tpu.memory_space<vmem_shared>> -> memref<80x16xf32, #tpu.memory_space<vmem_shared>>
      tpu.enqueue_dma source(%arg11 : memref<80x16xf32, #tpu.memory_space<vmem>>) target(%dma_start3A_522 : memref<80x16xf32, #tpu.memory_space<vmem_shared>>) target_semaphore(%run_scoped3A : memref<!tpu.dma_semaphore, #tpu.memory_space<semaphore_mem>>)
      %dma_wait3A = arith.constant 0 : i32
      %dma_wait3A_523 = tpu.memref_slice %arg7[%add3A_500, %dma_wait3A] : memref<10240x16xf32, #tpu.memory_space<vmem_shared>> -> memref<80x16xf32, #tpu.memory_space<vmem_shared>>
      %dma_wait3A_524 = arith.constant 0 : i32
      %dma_wait3A_525 = tpu.memref_slice %arg7[%add3A_500, %dma_wait3A_524] : memref<10240x16xf32, #tpu.memory_space<vmem_shared>> -> memref<80x16xf32, #tpu.memory_space<vmem_shared>>
      tpu.wait_dma2 semaphore(%run_scoped3A : memref<!tpu.dma_semaphore, #tpu.memory_space<semaphore_mem>>) src(%arg11 : memref<80x16xf32, #tpu.memory_space<vmem>>) dst(%dma_wait3A_525 : memref<80x16xf32, #tpu.memory_space<vmem_shared>>)
      tpu.yield
    }) : () -> ()
    %mul3A_501 = arith.constant 640 : i32
    %mul3A_502 = arith.muli %arg1, %mul3A_501 : i32
    %add3A_503 = arith.constant 400 : i32
    %add3A_504 = arith.addi %mul3A_502, %add3A_503 : i32
    "tpu.region"() ({
      %run_scoped3A = tpu.sem_alloc : memref<!tpu.dma_semaphore, #tpu.memory_space<semaphore_mem>>
      %dma_start3A = arith.constant 0 : i32
      %dma_start3A_520 = tpu.memref_slice %arg7[%add3A_504, %dma_start3A] : memref<10240x16xf32, #tpu.memory_space<vmem_shared>> -> memref<80x16xf32, #tpu.memory_space<vmem_shared>>
      %dma_start3A_521 = arith.constant 0 : i32
      %dma_start3A_522 = tpu.memref_slice %arg7[%add3A_504, %dma_start3A_521] : memref<10240x16xf32, #tpu.memory_space<vmem_shared>> -> memref<80x16xf32, #tpu.memory_space<vmem_shared>>
      tpu.enqueue_dma source(%arg11 : memref<80x16xf32, #tpu.memory_space<vmem>>) target(%dma_start3A_522 : memref<80x16xf32, #tpu.memory_space<vmem_shared>>) target_semaphore(%run_scoped3A : memref<!tpu.dma_semaphore, #tpu.memory_space<semaphore_mem>>)
      %dma_wait3A = arith.constant 0 : i32
      %dma_wait3A_523 = tpu.memref_slice %arg7[%add3A_504, %dma_wait3A] : memref<10240x16xf32, #tpu.memory_space<vmem_shared>> -> memref<80x16xf32, #tpu.memory_space<vmem_shared>>
      %dma_wait3A_524 = arith.constant 0 : i32
      %dma_wait3A_525 = tpu.memref_slice %arg7[%add3A_504, %dma_wait3A_524] : memref<10240x16xf32, #tpu.memory_space<vmem_shared>> -> memref<80x16xf32, #tpu.memory_space<vmem_shared>>
      tpu.wait_dma2 semaphore(%run_scoped3A : memref<!tpu.dma_semaphore, #tpu.memory_space<semaphore_mem>>) src(%arg11 : memref<80x16xf32, #tpu.memory_space<vmem>>) dst(%dma_wait3A_525 : memref<80x16xf32, #tpu.memory_space<vmem_shared>>)
      tpu.yield
    }) : () -> ()
    %mul3A_505 = arith.constant 640 : i32
    %mul3A_506 = arith.muli %arg1, %mul3A_505 : i32
    %add3A_507 = arith.constant 480 : i32
    %add3A_508 = arith.addi %mul3A_506, %add3A_507 : i32
    "tpu.region"() ({
      %run_scoped3A = tpu.sem_alloc : memref<!tpu.dma_semaphore, #tpu.memory_space<semaphore_mem>>
      %dma_start3A = arith.constant 0 : i32
      %dma_start3A_520 = tpu.memref_slice %arg7[%add3A_508, %dma_start3A] : memref<10240x16xf32, #tpu.memory_space<vmem_shared>> -> memref<80x16xf32, #tpu.memory_space<vmem_shared>>
      %dma_start3A_521 = arith.constant 0 : i32
      %dma_start3A_522 = tpu.memref_slice %arg7[%add3A_508, %dma_start3A_521] : memref<10240x16xf32, #tpu.memory_space<vmem_shared>> -> memref<80x16xf32, #tpu.memory_space<vmem_shared>>
      tpu.enqueue_dma source(%arg11 : memref<80x16xf32, #tpu.memory_space<vmem>>) target(%dma_start3A_522 : memref<80x16xf32, #tpu.memory_space<vmem_shared>>) target_semaphore(%run_scoped3A : memref<!tpu.dma_semaphore, #tpu.memory_space<semaphore_mem>>)
      %dma_wait3A = arith.constant 0 : i32
      %dma_wait3A_523 = tpu.memref_slice %arg7[%add3A_508, %dma_wait3A] : memref<10240x16xf32, #tpu.memory_space<vmem_shared>> -> memref<80x16xf32, #tpu.memory_space<vmem_shared>>
      %dma_wait3A_524 = arith.constant 0 : i32
      %dma_wait3A_525 = tpu.memref_slice %arg7[%add3A_508, %dma_wait3A_524] : memref<10240x16xf32, #tpu.memory_space<vmem_shared>> -> memref<80x16xf32, #tpu.memory_space<vmem_shared>>
      tpu.wait_dma2 semaphore(%run_scoped3A : memref<!tpu.dma_semaphore, #tpu.memory_space<semaphore_mem>>) src(%arg11 : memref<80x16xf32, #tpu.memory_space<vmem>>) dst(%dma_wait3A_525 : memref<80x16xf32, #tpu.memory_space<vmem_shared>>)
      tpu.yield
    }) : () -> ()
    %mul3A_509 = arith.constant 640 : i32
    %mul3A_510 = arith.muli %arg1, %mul3A_509 : i32
    %add3A_511 = arith.constant 560 : i32
    %add3A_512 = arith.addi %mul3A_510, %add3A_511 : i32
    "tpu.region"() ({
      %run_scoped3A = tpu.sem_alloc : memref<!tpu.dma_semaphore, #tpu.memory_space<semaphore_mem>>
      %dma_start3A = arith.constant 0 : i32
      %dma_start3A_520 = tpu.memref_slice %arg7[%add3A_512, %dma_start3A] : memref<10240x16xf32, #tpu.memory_space<vmem_shared>> -> memref<80x16xf32, #tpu.memory_space<vmem_shared>>
      %dma_start3A_521 = arith.constant 0 : i32
      %dma_start3A_522 = tpu.memref_slice %arg7[%add3A_512, %dma_start3A_521] : memref<10240x16xf32, #tpu.memory_space<vmem_shared>> -> memref<80x16xf32, #tpu.memory_space<vmem_shared>>
      tpu.enqueue_dma source(%arg11 : memref<80x16xf32, #tpu.memory_space<vmem>>) target(%dma_start3A_522 : memref<80x16xf32, #tpu.memory_space<vmem_shared>>) target_semaphore(%run_scoped3A : memref<!tpu.dma_semaphore, #tpu.memory_space<semaphore_mem>>)
      %dma_wait3A = arith.constant 0 : i32
      %dma_wait3A_523 = tpu.memref_slice %arg7[%add3A_512, %dma_wait3A] : memref<10240x16xf32, #tpu.memory_space<vmem_shared>> -> memref<80x16xf32, #tpu.memory_space<vmem_shared>>
      %dma_wait3A_524 = arith.constant 0 : i32
      %dma_wait3A_525 = tpu.memref_slice %arg7[%add3A_512, %dma_wait3A_524] : memref<10240x16xf32, #tpu.memory_space<vmem_shared>> -> memref<80x16xf32, #tpu.memory_space<vmem_shared>>
      tpu.wait_dma2 semaphore(%run_scoped3A : memref<!tpu.dma_semaphore, #tpu.memory_space<semaphore_mem>>) src(%arg11 : memref<80x16xf32, #tpu.memory_space<vmem>>) dst(%dma_wait3A_525 : memref<80x16xf32, #tpu.memory_space<vmem_shared>>)
      tpu.yield
    }) : () -> ()
    "tpu.region"() ({
      %run_scoped3A = tpu.sem_alloc : memref<!tpu.dma_semaphore, #tpu.memory_space<semaphore_mem>>
      %dma_start3A = arith.constant 0 : i32
      %dma_start3A_520 = arith.constant 0 : i32
      %dma_start3A_521 = tpu.memref_slice %arg3[%add3A, %dma_start3A, %dma_start3A_520] : memref<32x125x80xi32, #tpu.memory_space<hbm>> -> memref<1x125x80xi32, #tpu.memory_space<hbm>>
      %dma_start3A_522 = tpu.memref_squeeze %dma_start3A_521 : memref<1x125x80xi32, #tpu.memory_space<hbm>> -> memref<125x80xi32, #tpu.memory_space<hbm>>
      %dma_start3A_523 = arith.constant 0 : i32
      %dma_start3A_524 = arith.constant 0 : i32
      %dma_start3A_525 = tpu.memref_slice %arg3[%add3A, %dma_start3A_523, %dma_start3A_524] : memref<32x125x80xi32, #tpu.memory_space<hbm>> -> memref<1x125x80xi32, #tpu.memory_space<hbm>>
      %dma_start3A_526 = tpu.memref_squeeze %dma_start3A_525 : memref<1x125x80xi32, #tpu.memory_space<hbm>> -> memref<125x80xi32, #tpu.memory_space<hbm>>
      tpu.enqueue_dma source(%dma_start3A_526 : memref<125x80xi32, #tpu.memory_space<hbm>>) target(%arg8 : memref<125x80xi32, #tpu.memory_space<vmem>>) target_semaphore(%run_scoped3A : memref<!tpu.dma_semaphore, #tpu.memory_space<semaphore_mem>>)
      %dma_wait3A = arith.constant 0 : i32
      %dma_wait3A_527 = arith.constant 0 : i32
      %dma_wait3A_528 = tpu.memref_slice %arg3[%add3A, %dma_wait3A, %dma_wait3A_527] : memref<32x125x80xi32, #tpu.memory_space<hbm>> -> memref<1x125x80xi32, #tpu.memory_space<hbm>>
      %dma_wait3A_529 = tpu.memref_squeeze %dma_wait3A_528 : memref<1x125x80xi32, #tpu.memory_space<hbm>> -> memref<125x80xi32, #tpu.memory_space<hbm>>
      %dma_wait3A_530 = arith.constant 0 : i32
      %dma_wait3A_531 = arith.constant 0 : i32
      %dma_wait3A_532 = tpu.memref_slice %arg3[%add3A, %dma_wait3A_530, %dma_wait3A_531] : memref<32x125x80xi32, #tpu.memory_space<hbm>> -> memref<1x125x80xi32, #tpu.memory_space<hbm>>
      %dma_wait3A_533 = tpu.memref_squeeze %dma_wait3A_532 : memref<1x125x80xi32, #tpu.memory_space<hbm>> -> memref<125x80xi32, #tpu.memory_space<hbm>>
      tpu.wait_dma2 semaphore(%run_scoped3A : memref<!tpu.dma_semaphore, #tpu.memory_space<semaphore_mem>>) src(%dma_wait3A_533 : memref<125x80xi32, #tpu.memory_space<hbm>>) dst(%arg8 : memref<125x80xi32, #tpu.memory_space<vmem>>)
      tpu.yield
    }) : () -> ()
    "tpu.region"() ({
      %run_scoped3A = tpu.sem_alloc : memref<!tpu.dma_semaphore, #tpu.memory_space<semaphore_mem>>
      %dma_start3A = arith.constant 0 : i32
      %dma_start3A_520 = arith.constant 0 : i32
      %dma_start3A_521 = tpu.memref_slice %arg4[%add3A, %dma_start3A, %dma_start3A_520] : memref<32x125x80xi32, #tpu.memory_space<hbm>> -> memref<1x125x80xi32, #tpu.memory_space<hbm>>
      %dma_start3A_522 = tpu.memref_squeeze %dma_start3A_521 : memref<1x125x80xi32, #tpu.memory_space<hbm>> -> memref<125x80xi32, #tpu.memory_space<hbm>>
      %dma_start3A_523 = arith.constant 0 : i32
      %dma_start3A_524 = arith.constant 0 : i32
      %dma_start3A_525 = tpu.memref_slice %arg4[%add3A, %dma_start3A_523, %dma_start3A_524] : memref<32x125x80xi32, #tpu.memory_space<hbm>> -> memref<1x125x80xi32, #tpu.memory_space<hbm>>
      %dma_start3A_526 = tpu.memref_squeeze %dma_start3A_525 : memref<1x125x80xi32, #tpu.memory_space<hbm>> -> memref<125x80xi32, #tpu.memory_space<hbm>>
      tpu.enqueue_dma source(%dma_start3A_526 : memref<125x80xi32, #tpu.memory_space<hbm>>) target(%arg9 : memref<125x80xi32, #tpu.memory_space<vmem>>) target_semaphore(%run_scoped3A : memref<!tpu.dma_semaphore, #tpu.memory_space<semaphore_mem>>)
      %dma_wait3A = arith.constant 0 : i32
      %dma_wait3A_527 = arith.constant 0 : i32
      %dma_wait3A_528 = tpu.memref_slice %arg4[%add3A, %dma_wait3A, %dma_wait3A_527] : memref<32x125x80xi32, #tpu.memory_space<hbm>> -> memref<1x125x80xi32, #tpu.memory_space<hbm>>
      %dma_wait3A_529 = tpu.memref_squeeze %dma_wait3A_528 : memref<1x125x80xi32, #tpu.memory_space<hbm>> -> memref<125x80xi32, #tpu.memory_space<hbm>>
      %dma_wait3A_530 = arith.constant 0 : i32
      %dma_wait3A_531 = arith.constant 0 : i32
      %dma_wait3A_532 = tpu.memref_slice %arg4[%add3A, %dma_wait3A_530, %dma_wait3A_531] : memref<32x125x80xi32, #tpu.memory_space<hbm>> -> memref<1x125x80xi32, #tpu.memory_space<hbm>>
      %dma_wait3A_533 = tpu.memref_squeeze %dma_wait3A_532 : memref<1x125x80xi32, #tpu.memory_space<hbm>> -> memref<125x80xi32, #tpu.memory_space<hbm>>
      tpu.wait_dma2 semaphore(%run_scoped3A : memref<!tpu.dma_semaphore, #tpu.memory_space<semaphore_mem>>) src(%dma_wait3A_533 : memref<125x80xi32, #tpu.memory_space<hbm>>) dst(%arg9 : memref<125x80xi32, #tpu.memory_space<vmem>>)
      tpu.yield
    }) : () -> ()
    "tpu.region"() ({
      %run_scoped3A = tpu.sem_alloc : memref<!tpu.dma_semaphore, #tpu.memory_space<semaphore_mem>>
      %dma_start3A = arith.constant 0 : i32
      %dma_start3A_520 = arith.constant 0 : i32
      %dma_start3A_521 = tpu.memref_slice %arg5[%add3A, %dma_start3A, %dma_start3A_520] : memref<32x125x80xf32, #tpu.memory_space<hbm>> -> memref<1x125x80xf32, #tpu.memory_space<hbm>>
      %dma_start3A_522 = tpu.memref_squeeze %dma_start3A_521 : memref<1x125x80xf32, #tpu.memory_space<hbm>> -> memref<125x80xf32, #tpu.memory_space<hbm>>
      %dma_start3A_523 = arith.constant 0 : i32
      %dma_start3A_524 = arith.constant 0 : i32
      %dma_start3A_525 = tpu.memref_slice %arg5[%add3A, %dma_start3A_523, %dma_start3A_524] : memref<32x125x80xf32, #tpu.memory_space<hbm>> -> memref<1x125x80xf32, #tpu.memory_space<hbm>>
      %dma_start3A_526 = tpu.memref_squeeze %dma_start3A_525 : memref<1x125x80xf32, #tpu.memory_space<hbm>> -> memref<125x80xf32, #tpu.memory_space<hbm>>
      tpu.enqueue_dma source(%dma_start3A_526 : memref<125x80xf32, #tpu.memory_space<hbm>>) target(%arg10 : memref<125x80xf32, #tpu.memory_space<vmem>>) target_semaphore(%run_scoped3A : memref<!tpu.dma_semaphore, #tpu.memory_space<semaphore_mem>>)
      %dma_wait3A = arith.constant 0 : i32
      %dma_wait3A_527 = arith.constant 0 : i32
      %dma_wait3A_528 = tpu.memref_slice %arg5[%add3A, %dma_wait3A, %dma_wait3A_527] : memref<32x125x80xf32, #tpu.memory_space<hbm>> -> memref<1x125x80xf32, #tpu.memory_space<hbm>>
      %dma_wait3A_529 = tpu.memref_squeeze %dma_wait3A_528 : memref<1x125x80xf32, #tpu.memory_space<hbm>> -> memref<125x80xf32, #tpu.memory_space<hbm>>
      %dma_wait3A_530 = arith.constant 0 : i32
      %dma_wait3A_531 = arith.constant 0 : i32
      %dma_wait3A_532 = tpu.memref_slice %arg5[%add3A, %dma_wait3A_530, %dma_wait3A_531] : memref<32x125x80xf32, #tpu.memory_space<hbm>> -> memref<1x125x80xf32, #tpu.memory_space<hbm>>
      %dma_wait3A_533 = tpu.memref_squeeze %dma_wait3A_532 : memref<1x125x80xf32, #tpu.memory_space<hbm>> -> memref<125x80xf32, #tpu.memory_space<hbm>>
      tpu.wait_dma2 semaphore(%run_scoped3A : memref<!tpu.dma_semaphore, #tpu.memory_space<semaphore_mem>>) src(%dma_wait3A_533 : memref<125x80xf32, #tpu.memory_space<hbm>>) dst(%arg10 : memref<125x80xf32, #tpu.memory_space<vmem>>)
      tpu.yield
    }) : () -> ()
    %barrier3A = arith.constant 0 : index
    tpu.barrier barrier_id(%barrier3A)
    %scan3A = arith.constant 0 : i32
    %scan3A_513 = arith.constant 125 : i32
    %scan3A_514 = arith.addi %scan3A, %scan3A_513 : i32
    %scan3A_515 = arith.constant 1 : i32
    scf.for %scan3A_520 = %scan3A to %scan3A_514 step %scan3A_515  : i32 {
      "tpu.region"() ({
        %run_scoped3A = tpu.sem_alloc : memref<!tpu.dma_semaphore, #tpu.memory_space<semaphore_mem>>
        %dma_start3A = arith.constant 0 : i32
        %dma_start3A_1738 = tpu.memref_slice %arg8[%scan3A_520, %dma_start3A] : memref<125x80xi32, #tpu.memory_space<vmem>> -> memref<1x80xi32, #tpu.memory_space<vmem>>
        %dma_start3A_1739 = tpu.memref_squeeze %dma_start3A_1738 : memref<1x80xi32, #tpu.memory_space<vmem>> -> memref<80xi32, #tpu.memory_space<vmem>>
        %dma_start3A_1740 = arith.constant 0 : i32
        %dma_start3A_1741 = arith.constant 0 : i32
        %dma_start3A_1742 = tpu.memref_slice %arg2[%dma_start3A_1740, %dma_start3A_1741] : memref<10000x16xf32, #tpu.memory_space<hbm>> -> memref<10000x16xf32, #tpu.memory_space<hbm>>
        tpu.enqueue_indirect_dma source(%dma_start3A_1742 : memref<10000x16xf32, #tpu.memory_space<hbm>>) target(%arg11 : memref<80x16xf32, #tpu.memory_space<vmem>>) offsets(%dma_start3A_1739 : memref<80xi32, #tpu.memory_space<vmem>>) semaphore(%run_scoped3A : memref<!tpu.dma_semaphore, #tpu.memory_space<semaphore_mem>>)
        %dma_wait3A = arith.constant 0 : i32
        %dma_wait3A_1743 = tpu.memref_slice %arg8[%scan3A_520, %dma_wait3A] : memref<125x80xi32, #tpu.memory_space<vmem>> -> memref<1x80xi32, #tpu.memory_space<vmem>>
        %dma_wait3A_1744 = tpu.memref_squeeze %dma_wait3A_1743 : memref<1x80xi32, #tpu.memory_space<vmem>> -> memref<80xi32, #tpu.memory_space<vmem>>
        %dma_wait3A_1745 = arith.constant 0 : i32
        %dma_wait3A_1746 = arith.constant 0 : i32
        %dma_wait3A_1747 = tpu.memref_slice %arg2[%dma_wait3A_1745, %dma_wait3A_1746] : memref<10000x16xf32, #tpu.memory_space<hbm>> -> memref<10000x16xf32, #tpu.memory_space<hbm>>
        tpu.wait_indirect_dma semaphore(%run_scoped3A : memref<!tpu.dma_semaphore, #tpu.memory_space<semaphore_mem>>) src(%dma_wait3A_1747 : memref<10000x16xf32, #tpu.memory_space<hbm>>) dst(%arg11 : memref<80x16xf32, #tpu.memory_space<vmem>>)
        tpu.yield
      }) : () -> ()
      %get3A = arith.index_cast %scan3A_520 : i32 to index
      %get3A_521 = arith.constant 0 : index
      %get3A_522 = tpu.vector_load %arg10[%get3A, %get3A_521] {strides = array<i32>} : memref<125x80xf32, #tpu.memory_space<vmem>>, vector<1x16xf32>,
      %get3A_523 = vector.shape_cast %get3A_522 : vector<1x16xf32> to vector<16xf32>
      %get3A_524 = arith.constant 0 : i32
      %get3A_525 = arith.index_cast %get3A_524 : i32 to index
      %get3A_526 = arith.constant 0 : index
      %get3A_527 = tpu.vector_load %arg11[%get3A_525, %get3A_526] {strides = array<i32>} : memref<80x16xf32, #tpu.memory_space<vmem>>, vector<1x16xf32>,
      %get3A_528 = vector.shape_cast %get3A_527 : vector<1x16xf32> to vector<16xf32>
      %slice3A = vector.extract_strided_slice %get3A_523 {offsets = [0], sizes = [1], strides = [1]} : vector<16xf32> to vector<1xf32>
      %squeeze3A = vector.extract %slice3A[0] : f32 from vector<1xf32>
      %mul3A_529 = vector.broadcast %squeeze3A : f32 to vector<16xf32>
      %mul3A_530 = arith.mulf %get3A_528, %mul3A_529 : vector<16xf32>
      %swap3A_531 = arith.constant 0 : i32
      %swap3A_532 = arith.index_cast %swap3A_531 : i32 to index
      %swap3A_533 = arith.constant 0 : index
      %swap3A_534 = tpu.vector_load %arg11[%swap3A_532, %swap3A_533] {strides = array<i32>} : memref<80x16xf32, #tpu.memory_space<vmem>>, vector<1x16xf32>,
      %swap3A_535 = vector.shape_cast %swap3A_534 : vector<1x16xf32> to vector<16xf32>
      %swap3A_536 = vector.shape_cast %mul3A_530 : vector<16xf32> to vector<1x16xf32>
      tpu.vector_store %arg11[%swap3A_532, %swap3A_533], %swap3A_536 {strides = array<i32>} : memref<80x16xf32, #tpu.memory_space<vmem>>, vector<1x16xf32>,
      %get3A_537 = arith.constant 1 : i32
      %get3A_538 = arith.index_cast %get3A_537 : i32 to index
      %get3A_539 = arith.constant 0 : index
      %get3A_540 = tpu.vector_load %arg11[%get3A_538, %get3A_539] {strides = array<i32>} : memref<80x16xf32, #tpu.memory_space<vmem>>, vector<1x16xf32>,
      %get3A_541 = vector.shape_cast %get3A_540 : vector<1x16xf32> to vector<16xf32>
      %slice3A_542 = vector.extract_strided_slice %get3A_523 {offsets = [1], sizes = [1], strides = [1]} : vector<16xf32> to vector<1xf32>
      %squeeze3A_543 = vector.extract %slice3A_542[0] : f32 from vector<1xf32>
      %mul3A_544 = vector.broadcast %squeeze3A_543 : f32 to vector<16xf32>
      %mul3A_545 = arith.mulf %get3A_541, %mul3A_544 : vector<16xf32>
      %swap3A_546 = arith.constant 1 : i32
      %swap3A_547 = arith.index_cast %swap3A_546 : i32 to index
      %swap3A_548 = arith.constant 0 : index
      %swap3A_549 = tpu.vector_load %arg11[%swap3A_547, %swap3A_548] {strides = array<i32>} : memref<80x16xf32, #tpu.memory_space<vmem>>, vector<1x16xf32>,
      %swap3A_550 = vector.shape_cast %swap3A_549 : vector<1x16xf32> to vector<16xf32>
      %swap3A_551 = vector.shape_cast %mul3A_545 : vector<16xf32> to vector<1x16xf32>
      tpu.vector_store %arg11[%swap3A_547, %swap3A_548], %swap3A_551 {strides = array<i32>} : memref<80x16xf32, #tpu.memory_space<vmem>>, vector<1x16xf32>,
      %get3A_552 = arith.constant 2 : i32
      %get3A_553 = arith.index_cast %get3A_552 : i32 to index
      %get3A_554 = arith.constant 0 : index
      %get3A_555 = tpu.vector_load %arg11[%get3A_553, %get3A_554] {strides = array<i32>} : memref<80x16xf32, #tpu.memory_space<vmem>>, vector<1x16xf32>,
      %get3A_556 = vector.shape_cast %get3A_555 : vector<1x16xf32> to vector<16xf32>
      %slice3A_557 = vector.extract_strided_slice %get3A_523 {offsets = [2], sizes = [1], strides = [1]} : vector<16xf32> to vector<1xf32>
      %squeeze3A_558 = vector.extract %slice3A_557[0] : f32 from vector<1xf32>
      %mul3A_559 = vector.broadcast %squeeze3A_558 : f32 to vector<16xf32>
      %mul3A_560 = arith.mulf %get3A_556, %mul3A_559 : vector<16xf32>
      %swap3A_561 = arith.constant 2 : i32
      %swap3A_562 = arith.index_cast %swap3A_561 : i32 to index
      %swap3A_563 = arith.constant 0 : index
      %swap3A_564 = tpu.vector_load %arg11[%swap3A_562, %swap3A_563] {strides = array<i32>} : memref<80x16xf32, #tpu.memory_space<vmem>>, vector<1x16xf32>,
      %swap3A_565 = vector.shape_cast %swap3A_564 : vector<1x16xf32> to vector<16xf32>
      %swap3A_566 = vector.shape_cast %mul3A_560 : vector<16xf32> to vector<1x16xf32>
      tpu.vector_store %arg11[%swap3A_562, %swap3A_563], %swap3A_566 {strides = array<i32>} : memref<80x16xf32, #tpu.memory_space<vmem>>, vector<1x16xf32>,
      %get3A_567 = arith.constant 3 : i32
      %get3A_568 = arith.index_cast %get3A_567 : i32 to index
      %get3A_569 = arith.constant 0 : index
      %get3A_570 = tpu.vector_load %arg11[%get3A_568, %get3A_569] {strides = array<i32>} : memref<80x16xf32, #tpu.memory_space<vmem>>, vector<1x16xf32>,
      %get3A_571 = vector.shape_cast %get3A_570 : vector<1x16xf32> to vector<16xf32>
      %slice3A_572 = vector.extract_strided_slice %get3A_523 {offsets = [3], sizes = [1], strides = [1]} : vector<16xf32> to vector<1xf32>
      %squeeze3A_573 = vector.extract %slice3A_572[0] : f32 from vector<1xf32>
      %mul3A_574 = vector.broadcast %squeeze3A_573 : f32 to vector<16xf32>
      %mul3A_575 = arith.mulf %get3A_571, %mul3A_574 : vector<16xf32>
      %swap3A_576 = arith.constant 3 : i32
      %swap3A_577 = arith.index_cast %swap3A_576 : i32 to index
      %swap3A_578 = arith.constant 0 : index
      %swap3A_579 = tpu.vector_load %arg11[%swap3A_577, %swap3A_578] {strides = array<i32>} : memref<80x16xf32, #tpu.memory_space<vmem>>, vector<1x16xf32>,
      %swap3A_580 = vector.shape_cast %swap3A_579 : vector<1x16xf32> to vector<16xf32>
      %swap3A_581 = vector.shape_cast %mul3A_575 : vector<16xf32> to vector<1x16xf32>
      tpu.vector_store %arg11[%swap3A_577, %swap3A_578], %swap3A_581 {strides = array<i32>} : memref<80x16xf32, #tpu.memory_space<vmem>>, vector<1x16xf32>,
      %get3A_582 = arith.constant 4 : i32
      %get3A_583 = arith.index_cast %get3A_582 : i32 to index
      %get3A_584 = arith.constant 0 : index
      %get3A_585 = tpu.vector_load %arg11[%get3A_583, %get3A_584] {strides = array<i32>} : memref<80x16xf32, #tpu.memory_space<vmem>>, vector<1x16xf32>,
      %get3A_586 = vector.shape_cast %get3A_585 : vector<1x16xf32> to vector<16xf32>
      %slice3A_587 = vector.extract_strided_slice %get3A_523 {offsets = [4], sizes = [1], strides = [1]} : vector<16xf32> to vector<1xf32>
      %squeeze3A_588 = vector.extract %slice3A_587[0] : f32 from vector<1xf32>
      %mul3A_589 = vector.broadcast %squeeze3A_588 : f32 to vector<16xf32>
      %mul3A_590 = arith.mulf %get3A_586, %mul3A_589 : vector<16xf32>
      %swap3A_591 = arith.constant 4 : i32
      %swap3A_592 = arith.index_cast %swap3A_591 : i32 to index
      %swap3A_593 = arith.constant 0 : index
      %swap3A_594 = tpu.vector_load %arg11[%swap3A_592, %swap3A_593] {strides = array<i32>} : memref<80x16xf32, #tpu.memory_space<vmem>>, vector<1x16xf32>,
      %swap3A_595 = vector.shape_cast %swap3A_594 : vector<1x16xf32> to vector<16xf32>
      %swap3A_596 = vector.shape_cast %mul3A_590 : vector<16xf32> to vector<1x16xf32>
      tpu.vector_store %arg11[%swap3A_592, %swap3A_593], %swap3A_596 {strides = array<i32>} : memref<80x16xf32, #tpu.memory_space<vmem>>, vector<1x16xf32>,
      %get3A_597 = arith.constant 5 : i32
      %get3A_598 = arith.index_cast %get3A_597 : i32 to index
      %get3A_599 = arith.constant 0 : index
      %get3A_600 = tpu.vector_load %arg11[%get3A_598, %get3A_599] {strides = array<i32>} : memref<80x16xf32, #tpu.memory_space<vmem>>, vector<1x16xf32>,
      %get3A_601 = vector.shape_cast %get3A_600 : vector<1x16xf32> to vector<16xf32>
      %slice3A_602 = vector.extract_strided_slice %get3A_523 {offsets = [5], sizes = [1], strides = [1]} : vector<16xf32> to vector<1xf32>
      %squeeze3A_603 = vector.extract %slice3A_602[0] : f32 from vector<1xf32>
      %mul3A_604 = vector.broadcast %squeeze3A_603 : f32 to vector<16xf32>
      %mul3A_605 = arith.mulf %get3A_601, %mul3A_604 : vector<16xf32>
      %swap3A_606 = arith.constant 5 : i32
      %swap3A_607 = arith.index_cast %swap3A_606 : i32 to index
      %swap3A_608 = arith.constant 0 : index
      %swap3A_609 = tpu.vector_load %arg11[%swap3A_607, %swap3A_608] {strides = array<i32>} : memref<80x16xf32, #tpu.memory_space<vmem>>, vector<1x16xf32>,
      %swap3A_610 = vector.shape_cast %swap3A_609 : vector<1x16xf32> to vector<16xf32>
      %swap3A_611 = vector.shape_cast %mul3A_605 : vector<16xf32> to vector<1x16xf32>
      tpu.vector_store %arg11[%swap3A_607, %swap3A_608], %swap3A_611 {strides = array<i32>} : memref<80x16xf32, #tpu.memory_space<vmem>>, vector<1x16xf32>,
      %get3A_612 = arith.constant 6 : i32
      %get3A_613 = arith.index_cast %get3A_612 : i32 to index
      %get3A_614 = arith.constant 0 : index
      %get3A_615 = tpu.vector_load %arg11[%get3A_613, %get3A_614] {strides = array<i32>} : memref<80x16xf32, #tpu.memory_space<vmem>>, vector<1x16xf32>,
      %get3A_616 = vector.shape_cast %get3A_615 : vector<1x16xf32> to vector<16xf32>
      %slice3A_617 = vector.extract_strided_slice %get3A_523 {offsets = [6], sizes = [1], strides = [1]} : vector<16xf32> to vector<1xf32>
      %squeeze3A_618 = vector.extract %slice3A_617[0] : f32 from vector<1xf32>
      %mul3A_619 = vector.broadcast %squeeze3A_618 : f32 to vector<16xf32>
      %mul3A_620 = arith.mulf %get3A_616, %mul3A_619 : vector<16xf32>
      %swap3A_621 = arith.constant 6 : i32
      %swap3A_622 = arith.index_cast %swap3A_621 : i32 to index
      %swap3A_623 = arith.constant 0 : index
      %swap3A_624 = tpu.vector_load %arg11[%swap3A_622, %swap3A_623] {strides = array<i32>} : memref<80x16xf32, #tpu.memory_space<vmem>>, vector<1x16xf32>,
      %swap3A_625 = vector.shape_cast %swap3A_624 : vector<1x16xf32> to vector<16xf32>
      %swap3A_626 = vector.shape_cast %mul3A_620 : vector<16xf32> to vector<1x16xf32>
      tpu.vector_store %arg11[%swap3A_622, %swap3A_623], %swap3A_626 {strides = array<i32>} : memref<80x16xf32, #tpu.memory_space<vmem>>, vector<1x16xf32>,
      %get3A_627 = arith.constant 7 : i32
      %get3A_628 = arith.index_cast %get3A_627 : i32 to index
      %get3A_629 = arith.constant 0 : index
      %get3A_630 = tpu.vector_load %arg11[%get3A_628, %get3A_629] {strides = array<i32>} : memref<80x16xf32, #tpu.memory_space<vmem>>, vector<1x16xf32>,
      %get3A_631 = vector.shape_cast %get3A_630 : vector<1x16xf32> to vector<16xf32>
      %slice3A_632 = vector.extract_strided_slice %get3A_523 {offsets = [7], sizes = [1], strides = [1]} : vector<16xf32> to vector<1xf32>
      %squeeze3A_633 = vector.extract %slice3A_632[0] : f32 from vector<1xf32>
      %mul3A_634 = vector.broadcast %squeeze3A_633 : f32 to vector<16xf32>
      %mul3A_635 = arith.mulf %get3A_631, %mul3A_634 : vector<16xf32>
      %swap3A_636 = arith.constant 7 : i32
      %swap3A_637 = arith.index_cast %swap3A_636 : i32 to index
      %swap3A_638 = arith.constant 0 : index
      %swap3A_639 = tpu.vector_load %arg11[%swap3A_637, %swap3A_638] {strides = array<i32>} : memref<80x16xf32, #tpu.memory_space<vmem>>, vector<1x16xf32>,
      %swap3A_640 = vector.shape_cast %swap3A_639 : vector<1x16xf32> to vector<16xf32>
      %swap3A_641 = vector.shape_cast %mul3A_635 : vector<16xf32> to vector<1x16xf32>
      tpu.vector_store %arg11[%swap3A_637, %swap3A_638], %swap3A_641 {strides = array<i32>} : memref<80x16xf32, #tpu.memory_space<vmem>>, vector<1x16xf32>,
      %get3A_642 = arith.constant 8 : i32
      %get3A_643 = arith.index_cast %get3A_642 : i32 to index
      %get3A_644 = arith.constant 0 : index
      %get3A_645 = tpu.vector_load %arg11[%get3A_643, %get3A_644] {strides = array<i32>} : memref<80x16xf32, #tpu.memory_space<vmem>>, vector<1x16xf32>,
      %get3A_646 = vector.shape_cast %get3A_645 : vector<1x16xf32> to vector<16xf32>
      %slice3A_647 = vector.extract_strided_slice %get3A_523 {offsets = [8], sizes = [1], strides = [1]} : vector<16xf32> to vector<1xf32>
      %squeeze3A_648 = vector.extract %slice3A_647[0] : f32 from vector<1xf32>
      %mul3A_649 = vector.broadcast %squeeze3A_648 : f32 to vector<16xf32>
      %mul3A_650 = arith.mulf %get3A_646, %mul3A_649 : vector<16xf32>
      %swap3A_651 = arith.constant 8 : i32
      %swap3A_652 = arith.index_cast %swap3A_651 : i32 to index
      %swap3A_653 = arith.constant 0 : index
      %swap3A_654 = tpu.vector_load %arg11[%swap3A_652, %swap3A_653] {strides = array<i32>} : memref<80x16xf32, #tpu.memory_space<vmem>>, vector<1x16xf32>,
      %swap3A_655 = vector.shape_cast %swap3A_654 : vector<1x16xf32> to vector<16xf32>
      %swap3A_656 = vector.shape_cast %mul3A_650 : vector<16xf32> to vector<1x16xf32>
      tpu.vector_store %arg11[%swap3A_652, %swap3A_653], %swap3A_656 {strides = array<i32>} : memref<80x16xf32, #tpu.memory_space<vmem>>, vector<1x16xf32>,
      %get3A_657 = arith.constant 9 : i32
      %get3A_658 = arith.index_cast %get3A_657 : i32 to index
      %get3A_659 = arith.constant 0 : index
      %get3A_660 = tpu.vector_load %arg11[%get3A_658, %get3A_659] {strides = array<i32>} : memref<80x16xf32, #tpu.memory_space<vmem>>, vector<1x16xf32>,
      %get3A_661 = vector.shape_cast %get3A_660 : vector<1x16xf32> to vector<16xf32>
      %slice3A_662 = vector.extract_strided_slice %get3A_523 {offsets = [9], sizes = [1], strides = [1]} : vector<16xf32> to vector<1xf32>
      %squeeze3A_663 = vector.extract %slice3A_662[0] : f32 from vector<1xf32>
      %mul3A_664 = vector.broadcast %squeeze3A_663 : f32 to vector<16xf32>
      %mul3A_665 = arith.mulf %get3A_661, %mul3A_664 : vector<16xf32>
      %swap3A_666 = arith.constant 9 : i32
      %swap3A_667 = arith.index_cast %swap3A_666 : i32 to index
      %swap3A_668 = arith.constant 0 : index
      %swap3A_669 = tpu.vector_load %arg11[%swap3A_667, %swap3A_668] {strides = array<i32>} : memref<80x16xf32, #tpu.memory_space<vmem>>, vector<1x16xf32>,
      %swap3A_670 = vector.shape_cast %swap3A_669 : vector<1x16xf32> to vector<16xf32>
      %swap3A_671 = vector.shape_cast %mul3A_665 : vector<16xf32> to vector<1x16xf32>
      tpu.vector_store %arg11[%swap3A_667, %swap3A_668], %swap3A_671 {strides = array<i32>} : memref<80x16xf32, #tpu.memory_space<vmem>>, vector<1x16xf32>,
      %get3A_672 = arith.constant 10 : i32
      %get3A_673 = arith.index_cast %get3A_672 : i32 to index
      %get3A_674 = arith.constant 0 : index
      %get3A_675 = tpu.vector_load %arg11[%get3A_673, %get3A_674] {strides = array<i32>} : memref<80x16xf32, #tpu.memory_space<vmem>>, vector<1x16xf32>,
      %get3A_676 = vector.shape_cast %get3A_675 : vector<1x16xf32> to vector<16xf32>
      %slice3A_677 = vector.extract_strided_slice %get3A_523 {offsets = [10], sizes = [1], strides = [1]} : vector<16xf32> to vector<1xf32>
      %squeeze3A_678 = vector.extract %slice3A_677[0] : f32 from vector<1xf32>
      %mul3A_679 = vector.broadcast %squeeze3A_678 : f32 to vector<16xf32>
      %mul3A_680 = arith.mulf %get3A_676, %mul3A_679 : vector<16xf32>
      %swap3A_681 = arith.constant 10 : i32
      %swap3A_682 = arith.index_cast %swap3A_681 : i32 to index
      %swap3A_683 = arith.constant 0 : index
      %swap3A_684 = tpu.vector_load %arg11[%swap3A_682, %swap3A_683] {strides = array<i32>} : memref<80x16xf32, #tpu.memory_space<vmem>>, vector<1x16xf32>,
      %swap3A_685 = vector.shape_cast %swap3A_684 : vector<1x16xf32> to vector<16xf32>
      %swap3A_686 = vector.shape_cast %mul3A_680 : vector<16xf32> to vector<1x16xf32>
      tpu.vector_store %arg11[%swap3A_682, %swap3A_683], %swap3A_686 {strides = array<i32>} : memref<80x16xf32, #tpu.memory_space<vmem>>, vector<1x16xf32>,
      %get3A_687 = arith.constant 11 : i32
      %get3A_688 = arith.index_cast %get3A_687 : i32 to index
      %get3A_689 = arith.constant 0 : index
      %get3A_690 = tpu.vector_load %arg11[%get3A_688, %get3A_689] {strides = array<i32>} : memref<80x16xf32, #tpu.memory_space<vmem>>, vector<1x16xf32>,
      %get3A_691 = vector.shape_cast %get3A_690 : vector<1x16xf32> to vector<16xf32>
      %slice3A_692 = vector.extract_strided_slice %get3A_523 {offsets = [11], sizes = [1], strides = [1]} : vector<16xf32> to vector<1xf32>
      %squeeze3A_693 = vector.extract %slice3A_692[0] : f32 from vector<1xf32>
      %mul3A_694 = vector.broadcast %squeeze3A_693 : f32 to vector<16xf32>
      %mul3A_695 = arith.mulf %get3A_691, %mul3A_694 : vector<16xf32>
      %swap3A_696 = arith.constant 11 : i32
      %swap3A_697 = arith.index_cast %swap3A_696 : i32 to index
      %swap3A_698 = arith.constant 0 : index
      %swap3A_699 = tpu.vector_load %arg11[%swap3A_697, %swap3A_698] {strides = array<i32>} : memref<80x16xf32, #tpu.memory_space<vmem>>, vector<1x16xf32>,
      %swap3A_700 = vector.shape_cast %swap3A_699 : vector<1x16xf32> to vector<16xf32>
      %swap3A_701 = vector.shape_cast %mul3A_695 : vector<16xf32> to vector<1x16xf32>
      tpu.vector_store %arg11[%swap3A_697, %swap3A_698], %swap3A_701 {strides = array<i32>} : memref<80x16xf32, #tpu.memory_space<vmem>>, vector<1x16xf32>,
      %get3A_702 = arith.constant 12 : i32
      %get3A_703 = arith.index_cast %get3A_702 : i32 to index
      %get3A_704 = arith.constant 0 : index
      %get3A_705 = tpu.vector_load %arg11[%get3A_703, %get3A_704] {strides = array<i32>} : memref<80x16xf32, #tpu.memory_space<vmem>>, vector<1x16xf32>,
      %get3A_706 = vector.shape_cast %get3A_705 : vector<1x16xf32> to vector<16xf32>
      %slice3A_707 = vector.extract_strided_slice %get3A_523 {offsets = [12], sizes = [1], strides = [1]} : vector<16xf32> to vector<1xf32>
      %squeeze3A_708 = vector.extract %slice3A_707[0] : f32 from vector<1xf32>
      %mul3A_709 = vector.broadcast %squeeze3A_708 : f32 to vector<16xf32>
      %mul3A_710 = arith.mulf %get3A_706, %mul3A_709 : vector<16xf32>
      %swap3A_711 = arith.constant 12 : i32
      %swap3A_712 = arith.index_cast %swap3A_711 : i32 to index
      %swap3A_713 = arith.constant 0 : index
      %swap3A_714 = tpu.vector_load %arg11[%swap3A_712, %swap3A_713] {strides = array<i32>} : memref<80x16xf32, #tpu.memory_space<vmem>>, vector<1x16xf32>,
      %swap3A_715 = vector.shape_cast %swap3A_714 : vector<1x16xf32> to vector<16xf32>
      %swap3A_716 = vector.shape_cast %mul3A_710 : vector<16xf32> to vector<1x16xf32>
      tpu.vector_store %arg11[%swap3A_712, %swap3A_713], %swap3A_716 {strides = array<i32>} : memref<80x16xf32, #tpu.memory_space<vmem>>, vector<1x16xf32>,
      %get3A_717 = arith.constant 13 : i32
      %get3A_718 = arith.index_cast %get3A_717 : i32 to index
      %get3A_719 = arith.constant 0 : index
      %get3A_720 = tpu.vector_load %arg11[%get3A_718, %get3A_719] {strides = array<i32>} : memref<80x16xf32, #tpu.memory_space<vmem>>, vector<1x16xf32>,
      %get3A_721 = vector.shape_cast %get3A_720 : vector<1x16xf32> to vector<16xf32>
      %slice3A_722 = vector.extract_strided_slice %get3A_523 {offsets = [13], sizes = [1], strides = [1]} : vector<16xf32> to vector<1xf32>
      %squeeze3A_723 = vector.extract %slice3A_722[0] : f32 from vector<1xf32>
      %mul3A_724 = vector.broadcast %squeeze3A_723 : f32 to vector<16xf32>
      %mul3A_725 = arith.mulf %get3A_721, %mul3A_724 : vector<16xf32>
      %swap3A_726 = arith.constant 13 : i32
      %swap3A_727 = arith.index_cast %swap3A_726 : i32 to index
      %swap3A_728 = arith.constant 0 : index
      %swap3A_729 = tpu.vector_load %arg11[%swap3A_727, %swap3A_728] {strides = array<i32>} : memref<80x16xf32, #tpu.memory_space<vmem>>, vector<1x16xf32>,
      %swap3A_730 = vector.shape_cast %swap3A_729 : vector<1x16xf32> to vector<16xf32>
      %swap3A_731 = vector.shape_cast %mul3A_725 : vector<16xf32> to vector<1x16xf32>
      tpu.vector_store %arg11[%swap3A_727, %swap3A_728], %swap3A_731 {strides = array<i32>} : memref<80x16xf32, #tpu.memory_space<vmem>>, vector<1x16xf32>,
      %get3A_732 = arith.constant 14 : i32
      %get3A_733 = arith.index_cast %get3A_732 : i32 to index
      %get3A_734 = arith.constant 0 : index
      %get3A_735 = tpu.vector_load %arg11[%get3A_733, %get3A_734] {strides = array<i32>} : memref<80x16xf32, #tpu.memory_space<vmem>>, vector<1x16xf32>,
      %get3A_736 = vector.shape_cast %get3A_735 : vector<1x16xf32> to vector<16xf32>
      %slice3A_737 = vector.extract_strided_slice %get3A_523 {offsets = [14], sizes = [1], strides = [1]} : vector<16xf32> to vector<1xf32>
      %squeeze3A_738 = vector.extract %slice3A_737[0] : f32 from vector<1xf32>
      %mul3A_739 = vector.broadcast %squeeze3A_738 : f32 to vector<16xf32>
      %mul3A_740 = arith.mulf %get3A_736, %mul3A_739 : vector<16xf32>
      %swap3A_741 = arith.constant 14 : i32
      %swap3A_742 = arith.index_cast %swap3A_741 : i32 to index
      %swap3A_743 = arith.constant 0 : index
      %swap3A_744 = tpu.vector_load %arg11[%swap3A_742, %swap3A_743] {strides = array<i32>} : memref<80x16xf32, #tpu.memory_space<vmem>>, vector<1x16xf32>,
      %swap3A_745 = vector.shape_cast %swap3A_744 : vector<1x16xf32> to vector<16xf32>
      %swap3A_746 = vector.shape_cast %mul3A_740 : vector<16xf32> to vector<1x16xf32>
      tpu.vector_store %arg11[%swap3A_742, %swap3A_743], %swap3A_746 {strides = array<i32>} : memref<80x16xf32, #tpu.memory_space<vmem>>, vector<1x16xf32>,
      %get3A_747 = arith.constant 15 : i32
      %get3A_748 = arith.index_cast %get3A_747 : i32 to index
      %get3A_749 = arith.constant 0 : index
      %get3A_750 = tpu.vector_load %arg11[%get3A_748, %get3A_749] {strides = array<i32>} : memref<80x16xf32, #tpu.memory_space<vmem>>, vector<1x16xf32>,
      %get3A_751 = vector.shape_cast %get3A_750 : vector<1x16xf32> to vector<16xf32>
      %slice3A_752 = vector.extract_strided_slice %get3A_523 {offsets = [15], sizes = [1], strides = [1]} : vector<16xf32> to vector<1xf32>
      %squeeze3A_753 = vector.extract %slice3A_752[0] : f32 from vector<1xf32>
      %mul3A_754 = vector.broadcast %squeeze3A_753 : f32 to vector<16xf32>
      %mul3A_755 = arith.mulf %get3A_751, %mul3A_754 : vector<16xf32>
      %swap3A_756 = arith.constant 15 : i32
      %swap3A_757 = arith.index_cast %swap3A_756 : i32 to index
      %swap3A_758 = arith.constant 0 : index
      %swap3A_759 = tpu.vector_load %arg11[%swap3A_757, %swap3A_758] {strides = array<i32>} : memref<80x16xf32, #tpu.memory_space<vmem>>, vector<1x16xf32>,
      %swap3A_760 = vector.shape_cast %swap3A_759 : vector<1x16xf32> to vector<16xf32>
      %swap3A_761 = vector.shape_cast %mul3A_755 : vector<16xf32> to vector<1x16xf32>
      tpu.vector_store %arg11[%swap3A_757, %swap3A_758], %swap3A_761 {strides = array<i32>} : memref<80x16xf32, #tpu.memory_space<vmem>>, vector<1x16xf32>,
      %get3A_762 = arith.index_cast %scan3A_520 : i32 to index
      %get3A_763 = arith.constant 16 : index
      %get3A_764 = tpu.vector_load %arg10[%get3A_762, %get3A_763] {strides = array<i32>} : memref<125x80xf32, #tpu.memory_space<vmem>>, vector<1x16xf32>,
      %get3A_765 = vector.shape_cast %get3A_764 : vector<1x16xf32> to vector<16xf32>
      %get3A_766 = arith.constant 16 : i32
      %get3A_767 = arith.index_cast %get3A_766 : i32 to index
      %get3A_768 = arith.constant 0 : index
      %get3A_769 = tpu.vector_load %arg11[%get3A_767, %get3A_768] {strides = array<i32>} : memref<80x16xf32, #tpu.memory_space<vmem>>, vector<1x16xf32>,
      %get3A_770 = vector.shape_cast %get3A_769 : vector<1x16xf32> to vector<16xf32>
      %slice3A_771 = vector.extract_strided_slice %get3A_765 {offsets = [0], sizes = [1], strides = [1]} : vector<16xf32> to vector<1xf32>
      %squeeze3A_772 = vector.extract %slice3A_771[0] : f32 from vector<1xf32>
      %mul3A_773 = vector.broadcast %squeeze3A_772 : f32 to vector<16xf32>
      %mul3A_774 = arith.mulf %get3A_770, %mul3A_773 : vector<16xf32>
      %swap3A_775 = arith.constant 16 : i32
      %swap3A_776 = arith.index_cast %swap3A_775 : i32 to index
      %swap3A_777 = arith.constant 0 : index
      %swap3A_778 = tpu.vector_load %arg11[%swap3A_776, %swap3A_777] {strides = array<i32>} : memref<80x16xf32, #tpu.memory_space<vmem>>, vector<1x16xf32>,
      %swap3A_779 = vector.shape_cast %swap3A_778 : vector<1x16xf32> to vector<16xf32>
      %swap3A_780 = vector.shape_cast %mul3A_774 : vector<16xf32> to vector<1x16xf32>
      tpu.vector_store %arg11[%swap3A_776, %swap3A_777], %swap3A_780 {strides = array<i32>} : memref<80x16xf32, #tpu.memory_space<vmem>>, vector<1x16xf32>,
      %get3A_781 = arith.constant 17 : i32
      %get3A_782 = arith.index_cast %get3A_781 : i32 to index
      %get3A_783 = arith.constant 0 : index
      %get3A_784 = tpu.vector_load %arg11[%get3A_782, %get3A_783] {strides = array<i32>} : memref<80x16xf32, #tpu.memory_space<vmem>>, vector<1x16xf32>,
      %get3A_785 = vector.shape_cast %get3A_784 : vector<1x16xf32> to vector<16xf32>
      %slice3A_786 = vector.extract_strided_slice %get3A_765 {offsets = [1], sizes = [1], strides = [1]} : vector<16xf32> to vector<1xf32>
      %squeeze3A_787 = vector.extract %slice3A_786[0] : f32 from vector<1xf32>
      %mul3A_788 = vector.broadcast %squeeze3A_787 : f32 to vector<16xf32>
      %mul3A_789 = arith.mulf %get3A_785, %mul3A_788 : vector<16xf32>
      %swap3A_790 = arith.constant 17 : i32
      %swap3A_791 = arith.index_cast %swap3A_790 : i32 to index
      %swap3A_792 = arith.constant 0 : index
      %swap3A_793 = tpu.vector_load %arg11[%swap3A_791, %swap3A_792] {strides = array<i32>} : memref<80x16xf32, #tpu.memory_space<vmem>>, vector<1x16xf32>,
      %swap3A_794 = vector.shape_cast %swap3A_793 : vector<1x16xf32> to vector<16xf32>
      %swap3A_795 = vector.shape_cast %mul3A_789 : vector<16xf32> to vector<1x16xf32>
      tpu.vector_store %arg11[%swap3A_791, %swap3A_792], %swap3A_795 {strides = array<i32>} : memref<80x16xf32, #tpu.memory_space<vmem>>, vector<1x16xf32>,
      %get3A_796 = arith.constant 18 : i32
      %get3A_797 = arith.index_cast %get3A_796 : i32 to index
      %get3A_798 = arith.constant 0 : index
      %get3A_799 = tpu.vector_load %arg11[%get3A_797, %get3A_798] {strides = array<i32>} : memref<80x16xf32, #tpu.memory_space<vmem>>, vector<1x16xf32>,
      %get3A_800 = vector.shape_cast %get3A_799 : vector<1x16xf32> to vector<16xf32>
      %slice3A_801 = vector.extract_strided_slice %get3A_765 {offsets = [2], sizes = [1], strides = [1]} : vector<16xf32> to vector<1xf32>
      %squeeze3A_802 = vector.extract %slice3A_801[0] : f32 from vector<1xf32>
      %mul3A_803 = vector.broadcast %squeeze3A_802 : f32 to vector<16xf32>
      %mul3A_804 = arith.mulf %get3A_800, %mul3A_803 : vector<16xf32>
      %swap3A_805 = arith.constant 18 : i32
      %swap3A_806 = arith.index_cast %swap3A_805 : i32 to index
      %swap3A_807 = arith.constant 0 : index
      %swap3A_808 = tpu.vector_load %arg11[%swap3A_806, %swap3A_807] {strides = array<i32>} : memref<80x16xf32, #tpu.memory_space<vmem>>, vector<1x16xf32>,
      %swap3A_809 = vector.shape_cast %swap3A_808 : vector<1x16xf32> to vector<16xf32>
      %swap3A_810 = vector.shape_cast %mul3A_804 : vector<16xf32> to vector<1x16xf32>
      tpu.vector_store %arg11[%swap3A_806, %swap3A_807], %swap3A_810 {strides = array<i32>} : memref<80x16xf32, #tpu.memory_space<vmem>>, vector<1x16xf32>,
      %get3A_811 = arith.constant 19 : i32
      %get3A_812 = arith.index_cast %get3A_811 : i32 to index
      %get3A_813 = arith.constant 0 : index
      %get3A_814 = tpu.vector_load %arg11[%get3A_812, %get3A_813] {strides = array<i32>} : memref<80x16xf32, #tpu.memory_space<vmem>>, vector<1x16xf32>,
      %get3A_815 = vector.shape_cast %get3A_814 : vector<1x16xf32> to vector<16xf32>
      %slice3A_816 = vector.extract_strided_slice %get3A_765 {offsets = [3], sizes = [1], strides = [1]} : vector<16xf32> to vector<1xf32>
      %squeeze3A_817 = vector.extract %slice3A_816[0] : f32 from vector<1xf32>
      %mul3A_818 = vector.broadcast %squeeze3A_817 : f32 to vector<16xf32>
      %mul3A_819 = arith.mulf %get3A_815, %mul3A_818 : vector<16xf32>
      %swap3A_820 = arith.constant 19 : i32
      %swap3A_821 = arith.index_cast %swap3A_820 : i32 to index
      %swap3A_822 = arith.constant 0 : index
      %swap3A_823 = tpu.vector_load %arg11[%swap3A_821, %swap3A_822] {strides = array<i32>} : memref<80x16xf32, #tpu.memory_space<vmem>>, vector<1x16xf32>,
      %swap3A_824 = vector.shape_cast %swap3A_823 : vector<1x16xf32> to vector<16xf32>
      %swap3A_825 = vector.shape_cast %mul3A_819 : vector<16xf32> to vector<1x16xf32>
      tpu.vector_store %arg11[%swap3A_821, %swap3A_822], %swap3A_825 {strides = array<i32>} : memref<80x16xf32, #tpu.memory_space<vmem>>, vector<1x16xf32>,
      %get3A_826 = arith.constant 20 : i32
      %get3A_827 = arith.index_cast %get3A_826 : i32 to index
      %get3A_828 = arith.constant 0 : index
      %get3A_829 = tpu.vector_load %arg11[%get3A_827, %get3A_828] {strides = array<i32>} : memref<80x16xf32, #tpu.memory_space<vmem>>, vector<1x16xf32>,
      %get3A_830 = vector.shape_cast %get3A_829 : vector<1x16xf32> to vector<16xf32>
      %slice3A_831 = vector.extract_strided_slice %get3A_765 {offsets = [4], sizes = [1], strides = [1]} : vector<16xf32> to vector<1xf32>
      %squeeze3A_832 = vector.extract %slice3A_831[0] : f32 from vector<1xf32>
      %mul3A_833 = vector.broadcast %squeeze3A_832 : f32 to vector<16xf32>
      %mul3A_834 = arith.mulf %get3A_830, %mul3A_833 : vector<16xf32>
      %swap3A_835 = arith.constant 20 : i32
      %swap3A_836 = arith.index_cast %swap3A_835 : i32 to index
      %swap3A_837 = arith.constant 0 : index
      %swap3A_838 = tpu.vector_load %arg11[%swap3A_836, %swap3A_837] {strides = array<i32>} : memref<80x16xf32, #tpu.memory_space<vmem>>, vector<1x16xf32>,
      %swap3A_839 = vector.shape_cast %swap3A_838 : vector<1x16xf32> to vector<16xf32>
      %swap3A_840 = vector.shape_cast %mul3A_834 : vector<16xf32> to vector<1x16xf32>
      tpu.vector_store %arg11[%swap3A_836, %swap3A_837], %swap3A_840 {strides = array<i32>} : memref<80x16xf32, #tpu.memory_space<vmem>>, vector<1x16xf32>,
      %get3A_841 = arith.constant 21 : i32
      %get3A_842 = arith.index_cast %get3A_841 : i32 to index
      %get3A_843 = arith.constant 0 : index
      %get3A_844 = tpu.vector_load %arg11[%get3A_842, %get3A_843] {strides = array<i32>} : memref<80x16xf32, #tpu.memory_space<vmem>>, vector<1x16xf32>,
      %get3A_845 = vector.shape_cast %get3A_844 : vector<1x16xf32> to vector<16xf32>
      %slice3A_846 = vector.extract_strided_slice %get3A_765 {offsets = [5], sizes = [1], strides = [1]} : vector<16xf32> to vector<1xf32>
      %squeeze3A_847 = vector.extract %slice3A_846[0] : f32 from vector<1xf32>
      %mul3A_848 = vector.broadcast %squeeze3A_847 : f32 to vector<16xf32>
      %mul3A_849 = arith.mulf %get3A_845, %mul3A_848 : vector<16xf32>
      %swap3A_850 = arith.constant 21 : i32
      %swap3A_851 = arith.index_cast %swap3A_850 : i32 to index
      %swap3A_852 = arith.constant 0 : index
      %swap3A_853 = tpu.vector_load %arg11[%swap3A_851, %swap3A_852] {strides = array<i32>} : memref<80x16xf32, #tpu.memory_space<vmem>>, vector<1x16xf32>,
      %swap3A_854 = vector.shape_cast %swap3A_853 : vector<1x16xf32> to vector<16xf32>
      %swap3A_855 = vector.shape_cast %mul3A_849 : vector<16xf32> to vector<1x16xf32>
      tpu.vector_store %arg11[%swap3A_851, %swap3A_852], %swap3A_855 {strides = array<i32>} : memref<80x16xf32, #tpu.memory_space<vmem>>, vector<1x16xf32>,
      %get3A_856 = arith.constant 22 : i32
      %get3A_857 = arith.index_cast %get3A_856 : i32 to index
      %get3A_858 = arith.constant 0 : index
      %get3A_859 = tpu.vector_load %arg11[%get3A_857, %get3A_858] {strides = array<i32>} : memref<80x16xf32, #tpu.memory_space<vmem>>, vector<1x16xf32>,
      %get3A_860 = vector.shape_cast %get3A_859 : vector<1x16xf32> to vector<16xf32>
      %slice3A_861 = vector.extract_strided_slice %get3A_765 {offsets = [6], sizes = [1], strides = [1]} : vector<16xf32> to vector<1xf32>
      %squeeze3A_862 = vector.extract %slice3A_861[0] : f32 from vector<1xf32>
      %mul3A_863 = vector.broadcast %squeeze3A_862 : f32 to vector<16xf32>
      %mul3A_864 = arith.mulf %get3A_860, %mul3A_863 : vector<16xf32>
      %swap3A_865 = arith.constant 22 : i32
      %swap3A_866 = arith.index_cast %swap3A_865 : i32 to index
      %swap3A_867 = arith.constant 0 : index
      %swap3A_868 = tpu.vector_load %arg11[%swap3A_866, %swap3A_867] {strides = array<i32>} : memref<80x16xf32, #tpu.memory_space<vmem>>, vector<1x16xf32>,
      %swap3A_869 = vector.shape_cast %swap3A_868 : vector<1x16xf32> to vector<16xf32>
      %swap3A_870 = vector.shape_cast %mul3A_864 : vector<16xf32> to vector<1x16xf32>
      tpu.vector_store %arg11[%swap3A_866, %swap3A_867], %swap3A_870 {strides = array<i32>} : memref<80x16xf32, #tpu.memory_space<vmem>>, vector<1x16xf32>,
      %get3A_871 = arith.constant 23 : i32
      %get3A_872 = arith.index_cast %get3A_871 : i32 to index
      %get3A_873 = arith.constant 0 : index
      %get3A_874 = tpu.vector_load %arg11[%get3A_872, %get3A_873] {strides = array<i32>} : memref<80x16xf32, #tpu.memory_space<vmem>>, vector<1x16xf32>,
      %get3A_875 = vector.shape_cast %get3A_874 : vector<1x16xf32> to vector<16xf32>
      %slice3A_876 = vector.extract_strided_slice %get3A_765 {offsets = [7], sizes = [1], strides = [1]} : vector<16xf32> to vector<1xf32>
      %squeeze3A_877 = vector.extract %slice3A_876[0] : f32 from vector<1xf32>
      %mul3A_878 = vector.broadcast %squeeze3A_877 : f32 to vector<16xf32>
      %mul3A_879 = arith.mulf %get3A_875, %mul3A_878 : vector<16xf32>
      %swap3A_880 = arith.constant 23 : i32
      %swap3A_881 = arith.index_cast %swap3A_880 : i32 to index
      %swap3A_882 = arith.constant 0 : index
      %swap3A_883 = tpu.vector_load %arg11[%swap3A_881, %swap3A_882] {strides = array<i32>} : memref<80x16xf32, #tpu.memory_space<vmem>>, vector<1x16xf32>,
      %swap3A_884 = vector.shape_cast %swap3A_883 : vector<1x16xf32> to vector<16xf32>
      %swap3A_885 = vector.shape_cast %mul3A_879 : vector<16xf32> to vector<1x16xf32>
      tpu.vector_store %arg11[%swap3A_881, %swap3A_882], %swap3A_885 {strides = array<i32>} : memref<80x16xf32, #tpu.memory_space<vmem>>, vector<1x16xf32>,
      %get3A_886 = arith.constant 24 : i32
      %get3A_887 = arith.index_cast %get3A_886 : i32 to index
      %get3A_888 = arith.constant 0 : index
      %get3A_889 = tpu.vector_load %arg11[%get3A_887, %get3A_888] {strides = array<i32>} : memref<80x16xf32, #tpu.memory_space<vmem>>, vector<1x16xf32>,
      %get3A_890 = vector.shape_cast %get3A_889 : vector<1x16xf32> to vector<16xf32>
      %slice3A_891 = vector.extract_strided_slice %get3A_765 {offsets = [8], sizes = [1], strides = [1]} : vector<16xf32> to vector<1xf32>
      %squeeze3A_892 = vector.extract %slice3A_891[0] : f32 from vector<1xf32>
      %mul3A_893 = vector.broadcast %squeeze3A_892 : f32 to vector<16xf32>
      %mul3A_894 = arith.mulf %get3A_890, %mul3A_893 : vector<16xf32>
      %swap3A_895 = arith.constant 24 : i32
      %swap3A_896 = arith.index_cast %swap3A_895 : i32 to index
      %swap3A_897 = arith.constant 0 : index
      %swap3A_898 = tpu.vector_load %arg11[%swap3A_896, %swap3A_897] {strides = array<i32>} : memref<80x16xf32, #tpu.memory_space<vmem>>, vector<1x16xf32>,
      %swap3A_899 = vector.shape_cast %swap3A_898 : vector<1x16xf32> to vector<16xf32>
      %swap3A_900 = vector.shape_cast %mul3A_894 : vector<16xf32> to vector<1x16xf32>
      tpu.vector_store %arg11[%swap3A_896, %swap3A_897], %swap3A_900 {strides = array<i32>} : memref<80x16xf32, #tpu.memory_space<vmem>>, vector<1x16xf32>,
      %get3A_901 = arith.constant 25 : i32
      %get3A_902 = arith.index_cast %get3A_901 : i32 to index
      %get3A_903 = arith.constant 0 : index
      %get3A_904 = tpu.vector_load %arg11[%get3A_902, %get3A_903] {strides = array<i32>} : memref<80x16xf32, #tpu.memory_space<vmem>>, vector<1x16xf32>,
      %get3A_905 = vector.shape_cast %get3A_904 : vector<1x16xf32> to vector<16xf32>
      %slice3A_906 = vector.extract_strided_slice %get3A_765 {offsets = [9], sizes = [1], strides = [1]} : vector<16xf32> to vector<1xf32>
      %squeeze3A_907 = vector.extract %slice3A_906[0] : f32 from vector<1xf32>
      %mul3A_908 = vector.broadcast %squeeze3A_907 : f32 to vector<16xf32>
      %mul3A_909 = arith.mulf %get3A_905, %mul3A_908 : vector<16xf32>
      %swap3A_910 = arith.constant 25 : i32
      %swap3A_911 = arith.index_cast %swap3A_910 : i32 to index
      %swap3A_912 = arith.constant 0 : index
      %swap3A_913 = tpu.vector_load %arg11[%swap3A_911, %swap3A_912] {strides = array<i32>} : memref<80x16xf32, #tpu.memory_space<vmem>>, vector<1x16xf32>,
      %swap3A_914 = vector.shape_cast %swap3A_913 : vector<1x16xf32> to vector<16xf32>
      %swap3A_915 = vector.shape_cast %mul3A_909 : vector<16xf32> to vector<1x16xf32>
      tpu.vector_store %arg11[%swap3A_911, %swap3A_912], %swap3A_915 {strides = array<i32>} : memref<80x16xf32, #tpu.memory_space<vmem>>, vector<1x16xf32>,
      %get3A_916 = arith.constant 26 : i32
      %get3A_917 = arith.index_cast %get3A_916 : i32 to index
      %get3A_918 = arith.constant 0 : index
      %get3A_919 = tpu.vector_load %arg11[%get3A_917, %get3A_918] {strides = array<i32>} : memref<80x16xf32, #tpu.memory_space<vmem>>, vector<1x16xf32>,
      %get3A_920 = vector.shape_cast %get3A_919 : vector<1x16xf32> to vector<16xf32>
      %slice3A_921 = vector.extract_strided_slice %get3A_765 {offsets = [10], sizes = [1], strides = [1]} : vector<16xf32> to vector<1xf32>
      %squeeze3A_922 = vector.extract %slice3A_921[0] : f32 from vector<1xf32>
      %mul3A_923 = vector.broadcast %squeeze3A_922 : f32 to vector<16xf32>
      %mul3A_924 = arith.mulf %get3A_920, %mul3A_923 : vector<16xf32>
      %swap3A_925 = arith.constant 26 : i32
      %swap3A_926 = arith.index_cast %swap3A_925 : i32 to index
      %swap3A_927 = arith.constant 0 : index
      %swap3A_928 = tpu.vector_load %arg11[%swap3A_926, %swap3A_927] {strides = array<i32>} : memref<80x16xf32, #tpu.memory_space<vmem>>, vector<1x16xf32>,
      %swap3A_929 = vector.shape_cast %swap3A_928 : vector<1x16xf32> to vector<16xf32>
      %swap3A_930 = vector.shape_cast %mul3A_924 : vector<16xf32> to vector<1x16xf32>
      tpu.vector_store %arg11[%swap3A_926, %swap3A_927], %swap3A_930 {strides = array<i32>} : memref<80x16xf32, #tpu.memory_space<vmem>>, vector<1x16xf32>,
      %get3A_931 = arith.constant 27 : i32
      %get3A_932 = arith.index_cast %get3A_931 : i32 to index
      %get3A_933 = arith.constant 0 : index
      %get3A_934 = tpu.vector_load %arg11[%get3A_932, %get3A_933] {strides = array<i32>} : memref<80x16xf32, #tpu.memory_space<vmem>>, vector<1x16xf32>,
      %get3A_935 = vector.shape_cast %get3A_934 : vector<1x16xf32> to vector<16xf32>
      %slice3A_936 = vector.extract_strided_slice %get3A_765 {offsets = [11], sizes = [1], strides = [1]} : vector<16xf32> to vector<1xf32>
      %squeeze3A_937 = vector.extract %slice3A_936[0] : f32 from vector<1xf32>
      %mul3A_938 = vector.broadcast %squeeze3A_937 : f32 to vector<16xf32>
      %mul3A_939 = arith.mulf %get3A_935, %mul3A_938 : vector<16xf32>
      %swap3A_940 = arith.constant 27 : i32
      %swap3A_941 = arith.index_cast %swap3A_940 : i32 to index
      %swap3A_942 = arith.constant 0 : index
      %swap3A_943 = tpu.vector_load %arg11[%swap3A_941, %swap3A_942] {strides = array<i32>} : memref<80x16xf32, #tpu.memory_space<vmem>>, vector<1x16xf32>,
      %swap3A_944 = vector.shape_cast %swap3A_943 : vector<1x16xf32> to vector<16xf32>
      %swap3A_945 = vector.shape_cast %mul3A_939 : vector<16xf32> to vector<1x16xf32>
      tpu.vector_store %arg11[%swap3A_941, %swap3A_942], %swap3A_945 {strides = array<i32>} : memref<80x16xf32, #tpu.memory_space<vmem>>, vector<1x16xf32>,
      %get3A_946 = arith.constant 28 : i32
      %get3A_947 = arith.index_cast %get3A_946 : i32 to index
      %get3A_948 = arith.constant 0 : index
      %get3A_949 = tpu.vector_load %arg11[%get3A_947, %get3A_948] {strides = array<i32>} : memref<80x16xf32, #tpu.memory_space<vmem>>, vector<1x16xf32>,
      %get3A_950 = vector.shape_cast %get3A_949 : vector<1x16xf32> to vector<16xf32>
      %slice3A_951 = vector.extract_strided_slice %get3A_765 {offsets = [12], sizes = [1], strides = [1]} : vector<16xf32> to vector<1xf32>
      %squeeze3A_952 = vector.extract %slice3A_951[0] : f32 from vector<1xf32>
      %mul3A_953 = vector.broadcast %squeeze3A_952 : f32 to vector<16xf32>
      %mul3A_954 = arith.mulf %get3A_950, %mul3A_953 : vector<16xf32>
      %swap3A_955 = arith.constant 28 : i32
      %swap3A_956 = arith.index_cast %swap3A_955 : i32 to index
      %swap3A_957 = arith.constant 0 : index
      %swap3A_958 = tpu.vector_load %arg11[%swap3A_956, %swap3A_957] {strides = array<i32>} : memref<80x16xf32, #tpu.memory_space<vmem>>, vector<1x16xf32>,
      %swap3A_959 = vector.shape_cast %swap3A_958 : vector<1x16xf32> to vector<16xf32>
      %swap3A_960 = vector.shape_cast %mul3A_954 : vector<16xf32> to vector<1x16xf32>
      tpu.vector_store %arg11[%swap3A_956, %swap3A_957], %swap3A_960 {strides = array<i32>} : memref<80x16xf32, #tpu.memory_space<vmem>>, vector<1x16xf32>,
      %get3A_961 = arith.constant 29 : i32
      %get3A_962 = arith.index_cast %get3A_961 : i32 to index
      %get3A_963 = arith.constant 0 : index
      %get3A_964 = tpu.vector_load %arg11[%get3A_962, %get3A_963] {strides = array<i32>} : memref<80x16xf32, #tpu.memory_space<vmem>>, vector<1x16xf32>,
      %get3A_965 = vector.shape_cast %get3A_964 : vector<1x16xf32> to vector<16xf32>
      %slice3A_966 = vector.extract_strided_slice %get3A_765 {offsets = [13], sizes = [1], strides = [1]} : vector<16xf32> to vector<1xf32>
      %squeeze3A_967 = vector.extract %slice3A_966[0] : f32 from vector<1xf32>
      %mul3A_968 = vector.broadcast %squeeze3A_967 : f32 to vector<16xf32>
      %mul3A_969 = arith.mulf %get3A_965, %mul3A_968 : vector<16xf32>
      %swap3A_970 = arith.constant 29 : i32
      %swap3A_971 = arith.index_cast %swap3A_970 : i32 to index
      %swap3A_972 = arith.constant 0 : index
      %swap3A_973 = tpu.vector_load %arg11[%swap3A_971, %swap3A_972] {strides = array<i32>} : memref<80x16xf32, #tpu.memory_space<vmem>>, vector<1x16xf32>,
      %swap3A_974 = vector.shape_cast %swap3A_973 : vector<1x16xf32> to vector<16xf32>
      %swap3A_975 = vector.shape_cast %mul3A_969 : vector<16xf32> to vector<1x16xf32>
      tpu.vector_store %arg11[%swap3A_971, %swap3A_972], %swap3A_975 {strides = array<i32>} : memref<80x16xf32, #tpu.memory_space<vmem>>, vector<1x16xf32>,
      %get3A_976 = arith.constant 30 : i32
      %get3A_977 = arith.index_cast %get3A_976 : i32 to index
      %get3A_978 = arith.constant 0 : index
      %get3A_979 = tpu.vector_load %arg11[%get3A_977, %get3A_978] {strides = array<i32>} : memref<80x16xf32, #tpu.memory_space<vmem>>, vector<1x16xf32>,
      %get3A_980 = vector.shape_cast %get3A_979 : vector<1x16xf32> to vector<16xf32>
      %slice3A_981 = vector.extract_strided_slice %get3A_765 {offsets = [14], sizes = [1], strides = [1]} : vector<16xf32> to vector<1xf32>
      %squeeze3A_982 = vector.extract %slice3A_981[0] : f32 from vector<1xf32>
      %mul3A_983 = vector.broadcast %squeeze3A_982 : f32 to vector<16xf32>
      %mul3A_984 = arith.mulf %get3A_980, %mul3A_983 : vector<16xf32>
      %swap3A_985 = arith.constant 30 : i32
      %swap3A_986 = arith.index_cast %swap3A_985 : i32 to index
      %swap3A_987 = arith.constant 0 : index
      %swap3A_988 = tpu.vector_load %arg11[%swap3A_986, %swap3A_987] {strides = array<i32>} : memref<80x16xf32, #tpu.memory_space<vmem>>, vector<1x16xf32>,
      %swap3A_989 = vector.shape_cast %swap3A_988 : vector<1x16xf32> to vector<16xf32>
      %swap3A_990 = vector.shape_cast %mul3A_984 : vector<16xf32> to vector<1x16xf32>
      tpu.vector_store %arg11[%swap3A_986, %swap3A_987], %swap3A_990 {strides = array<i32>} : memref<80x16xf32, #tpu.memory_space<vmem>>, vector<1x16xf32>,
      %get3A_991 = arith.constant 31 : i32
      %get3A_992 = arith.index_cast %get3A_991 : i32 to index
      %get3A_993 = arith.constant 0 : index
      %get3A_994 = tpu.vector_load %arg11[%get3A_992, %get3A_993] {strides = array<i32>} : memref<80x16xf32, #tpu.memory_space<vmem>>, vector<1x16xf32>,
      %get3A_995 = vector.shape_cast %get3A_994 : vector<1x16xf32> to vector<16xf32>
      %slice3A_996 = vector.extract_strided_slice %get3A_765 {offsets = [15], sizes = [1], strides = [1]} : vector<16xf32> to vector<1xf32>
      %squeeze3A_997 = vector.extract %slice3A_996[0] : f32 from vector<1xf32>
      %mul3A_998 = vector.broadcast %squeeze3A_997 : f32 to vector<16xf32>
      %mul3A_999 = arith.mulf %get3A_995, %mul3A_998 : vector<16xf32>
      %swap3A_1000 = arith.constant 31 : i32
      %swap3A_1001 = arith.index_cast %swap3A_1000 : i32 to index
      %swap3A_1002 = arith.constant 0 : index
      %swap3A_1003 = tpu.vector_load %arg11[%swap3A_1001, %swap3A_1002] {strides = array<i32>} : memref<80x16xf32, #tpu.memory_space<vmem>>, vector<1x16xf32>,
      %swap3A_1004 = vector.shape_cast %swap3A_1003 : vector<1x16xf32> to vector<16xf32>
      %swap3A_1005 = vector.shape_cast %mul3A_999 : vector<16xf32> to vector<1x16xf32>
      tpu.vector_store %arg11[%swap3A_1001, %swap3A_1002], %swap3A_1005 {strides = array<i32>} : memref<80x16xf32, #tpu.memory_space<vmem>>, vector<1x16xf32>,
      %get3A_1006 = arith.index_cast %scan3A_520 : i32 to index
      %get3A_1007 = arith.constant 32 : index
      %get3A_1008 = tpu.vector_load %arg10[%get3A_1006, %get3A_1007] {strides = array<i32>} : memref<125x80xf32, #tpu.memory_space<vmem>>, vector<1x16xf32>,
      %get3A_1009 = vector.shape_cast %get3A_1008 : vector<1x16xf32> to vector<16xf32>
      %get3A_1010 = arith.constant 32 : i32
      %get3A_1011 = arith.index_cast %get3A_1010 : i32 to index
      %get3A_1012 = arith.constant 0 : index
      %get3A_1013 = tpu.vector_load %arg11[%get3A_1011, %get3A_1012] {strides = array<i32>} : memref<80x16xf32, #tpu.memory_space<vmem>>, vector<1x16xf32>,
      %get3A_1014 = vector.shape_cast %get3A_1013 : vector<1x16xf32> to vector<16xf32>
      %slice3A_1015 = vector.extract_strided_slice %get3A_1009 {offsets = [0], sizes = [1], strides = [1]} : vector<16xf32> to vector<1xf32>
      %squeeze3A_1016 = vector.extract %slice3A_1015[0] : f32 from vector<1xf32>
      %mul3A_1017 = vector.broadcast %squeeze3A_1016 : f32 to vector<16xf32>
      %mul3A_1018 = arith.mulf %get3A_1014, %mul3A_1017 : vector<16xf32>
      %swap3A_1019 = arith.constant 32 : i32
      %swap3A_1020 = arith.index_cast %swap3A_1019 : i32 to index
      %swap3A_1021 = arith.constant 0 : index
      %swap3A_1022 = tpu.vector_load %arg11[%swap3A_1020, %swap3A_1021] {strides = array<i32>} : memref<80x16xf32, #tpu.memory_space<vmem>>, vector<1x16xf32>,
      %swap3A_1023 = vector.shape_cast %swap3A_1022 : vector<1x16xf32> to vector<16xf32>
      %swap3A_1024 = vector.shape_cast %mul3A_1018 : vector<16xf32> to vector<1x16xf32>
      tpu.vector_store %arg11[%swap3A_1020, %swap3A_1021], %swap3A_1024 {strides = array<i32>} : memref<80x16xf32, #tpu.memory_space<vmem>>, vector<1x16xf32>,
      %get3A_1025 = arith.constant 33 : i32
      %get3A_1026 = arith.index_cast %get3A_1025 : i32 to index
      %get3A_1027 = arith.constant 0 : index
      %get3A_1028 = tpu.vector_load %arg11[%get3A_1026, %get3A_1027] {strides = array<i32>} : memref<80x16xf32, #tpu.memory_space<vmem>>, vector<1x16xf32>,
      %get3A_1029 = vector.shape_cast %get3A_1028 : vector<1x16xf32> to vector<16xf32>
      %slice3A_1030 = vector.extract_strided_slice %get3A_1009 {offsets = [1], sizes = [1], strides = [1]} : vector<16xf32> to vector<1xf32>
      %squeeze3A_1031 = vector.extract %slice3A_1030[0] : f32 from vector<1xf32>
      %mul3A_1032 = vector.broadcast %squeeze3A_1031 : f32 to vector<16xf32>
      %mul3A_1033 = arith.mulf %get3A_1029, %mul3A_1032 : vector<16xf32>
      %swap3A_1034 = arith.constant 33 : i32
      %swap3A_1035 = arith.index_cast %swap3A_1034 : i32 to index
      %swap3A_1036 = arith.constant 0 : index
      %swap3A_1037 = tpu.vector_load %arg11[%swap3A_1035, %swap3A_1036] {strides = array<i32>} : memref<80x16xf32, #tpu.memory_space<vmem>>, vector<1x16xf32>,
      %swap3A_1038 = vector.shape_cast %swap3A_1037 : vector<1x16xf32> to vector<16xf32>
      %swap3A_1039 = vector.shape_cast %mul3A_1033 : vector<16xf32> to vector<1x16xf32>
      tpu.vector_store %arg11[%swap3A_1035, %swap3A_1036], %swap3A_1039 {strides = array<i32>} : memref<80x16xf32, #tpu.memory_space<vmem>>, vector<1x16xf32>,
      %get3A_1040 = arith.constant 34 : i32
      %get3A_1041 = arith.index_cast %get3A_1040 : i32 to index
      %get3A_1042 = arith.constant 0 : index
      %get3A_1043 = tpu.vector_load %arg11[%get3A_1041, %get3A_1042] {strides = array<i32>} : memref<80x16xf32, #tpu.memory_space<vmem>>, vector<1x16xf32>,
      %get3A_1044 = vector.shape_cast %get3A_1043 : vector<1x16xf32> to vector<16xf32>
      %slice3A_1045 = vector.extract_strided_slice %get3A_1009 {offsets = [2], sizes = [1], strides = [1]} : vector<16xf32> to vector<1xf32>
      %squeeze3A_1046 = vector.extract %slice3A_1045[0] : f32 from vector<1xf32>
      %mul3A_1047 = vector.broadcast %squeeze3A_1046 : f32 to vector<16xf32>
      %mul3A_1048 = arith.mulf %get3A_1044, %mul3A_1047 : vector<16xf32>
      %swap3A_1049 = arith.constant 34 : i32
      %swap3A_1050 = arith.index_cast %swap3A_1049 : i32 to index
      %swap3A_1051 = arith.constant 0 : index
      %swap3A_1052 = tpu.vector_load %arg11[%swap3A_1050, %swap3A_1051] {strides = array<i32>} : memref<80x16xf32, #tpu.memory_space<vmem>>, vector<1x16xf32>,
      %swap3A_1053 = vector.shape_cast %swap3A_1052 : vector<1x16xf32> to vector<16xf32>
      %swap3A_1054 = vector.shape_cast %mul3A_1048 : vector<16xf32> to vector<1x16xf32>
      tpu.vector_store %arg11[%swap3A_1050, %swap3A_1051], %swap3A_1054 {strides = array<i32>} : memref<80x16xf32, #tpu.memory_space<vmem>>, vector<1x16xf32>,
      %get3A_1055 = arith.constant 35 : i32
      %get3A_1056 = arith.index_cast %get3A_1055 : i32 to index
      %get3A_1057 = arith.constant 0 : index
      %get3A_1058 = tpu.vector_load %arg11[%get3A_1056, %get3A_1057] {strides = array<i32>} : memref<80x16xf32, #tpu.memory_space<vmem>>, vector<1x16xf32>,
      %get3A_1059 = vector.shape_cast %get3A_1058 : vector<1x16xf32> to vector<16xf32>
      %slice3A_1060 = vector.extract_strided_slice %get3A_1009 {offsets = [3], sizes = [1], strides = [1]} : vector<16xf32> to vector<1xf32>
      %squeeze3A_1061 = vector.extract %slice3A_1060[0] : f32 from vector<1xf32>
      %mul3A_1062 = vector.broadcast %squeeze3A_1061 : f32 to vector<16xf32>
      %mul3A_1063 = arith.mulf %get3A_1059, %mul3A_1062 : vector<16xf32>
      %swap3A_1064 = arith.constant 35 : i32
      %swap3A_1065 = arith.index_cast %swap3A_1064 : i32 to index
      %swap3A_1066 = arith.constant 0 : index
      %swap3A_1067 = tpu.vector_load %arg11[%swap3A_1065, %swap3A_1066] {strides = array<i32>} : memref<80x16xf32, #tpu.memory_space<vmem>>, vector<1x16xf32>,
      %swap3A_1068 = vector.shape_cast %swap3A_1067 : vector<1x16xf32> to vector<16xf32>
      %swap3A_1069 = vector.shape_cast %mul3A_1063 : vector<16xf32> to vector<1x16xf32>
      tpu.vector_store %arg11[%swap3A_1065, %swap3A_1066], %swap3A_1069 {strides = array<i32>} : memref<80x16xf32, #tpu.memory_space<vmem>>, vector<1x16xf32>,
      %get3A_1070 = arith.constant 36 : i32
      %get3A_1071 = arith.index_cast %get3A_1070 : i32 to index
      %get3A_1072 = arith.constant 0 : index
      %get3A_1073 = tpu.vector_load %arg11[%get3A_1071, %get3A_1072] {strides = array<i32>} : memref<80x16xf32, #tpu.memory_space<vmem>>, vector<1x16xf32>,
      %get3A_1074 = vector.shape_cast %get3A_1073 : vector<1x16xf32> to vector<16xf32>
      %slice3A_1075 = vector.extract_strided_slice %get3A_1009 {offsets = [4], sizes = [1], strides = [1]} : vector<16xf32> to vector<1xf32>
      %squeeze3A_1076 = vector.extract %slice3A_1075[0] : f32 from vector<1xf32>
      %mul3A_1077 = vector.broadcast %squeeze3A_1076 : f32 to vector<16xf32>
      %mul3A_1078 = arith.mulf %get3A_1074, %mul3A_1077 : vector<16xf32>
      %swap3A_1079 = arith.constant 36 : i32
      %swap3A_1080 = arith.index_cast %swap3A_1079 : i32 to index
      %swap3A_1081 = arith.constant 0 : index
      %swap3A_1082 = tpu.vector_load %arg11[%swap3A_1080, %swap3A_1081] {strides = array<i32>} : memref<80x16xf32, #tpu.memory_space<vmem>>, vector<1x16xf32>,
      %swap3A_1083 = vector.shape_cast %swap3A_1082 : vector<1x16xf32> to vector<16xf32>
      %swap3A_1084 = vector.shape_cast %mul3A_1078 : vector<16xf32> to vector<1x16xf32>
      tpu.vector_store %arg11[%swap3A_1080, %swap3A_1081], %swap3A_1084 {strides = array<i32>} : memref<80x16xf32, #tpu.memory_space<vmem>>, vector<1x16xf32>,
      %get3A_1085 = arith.constant 37 : i32
      %get3A_1086 = arith.index_cast %get3A_1085 : i32 to index
      %get3A_1087 = arith.constant 0 : index
      %get3A_1088 = tpu.vector_load %arg11[%get3A_1086, %get3A_1087] {strides = array<i32>} : memref<80x16xf32, #tpu.memory_space<vmem>>, vector<1x16xf32>,
      %get3A_1089 = vector.shape_cast %get3A_1088 : vector<1x16xf32> to vector<16xf32>
      %slice3A_1090 = vector.extract_strided_slice %get3A_1009 {offsets = [5], sizes = [1], strides = [1]} : vector<16xf32> to vector<1xf32>
      %squeeze3A_1091 = vector.extract %slice3A_1090[0] : f32 from vector<1xf32>
      %mul3A_1092 = vector.broadcast %squeeze3A_1091 : f32 to vector<16xf32>
      %mul3A_1093 = arith.mulf %get3A_1089, %mul3A_1092 : vector<16xf32>
      %swap3A_1094 = arith.constant 37 : i32
      %swap3A_1095 = arith.index_cast %swap3A_1094 : i32 to index
      %swap3A_1096 = arith.constant 0 : index
      %swap3A_1097 = tpu.vector_load %arg11[%swap3A_1095, %swap3A_1096] {strides = array<i32>} : memref<80x16xf32, #tpu.memory_space<vmem>>, vector<1x16xf32>,
      %swap3A_1098 = vector.shape_cast %swap3A_1097 : vector<1x16xf32> to vector<16xf32>
      %swap3A_1099 = vector.shape_cast %mul3A_1093 : vector<16xf32> to vector<1x16xf32>
      tpu.vector_store %arg11[%swap3A_1095, %swap3A_1096], %swap3A_1099 {strides = array<i32>} : memref<80x16xf32, #tpu.memory_space<vmem>>, vector<1x16xf32>,
      %get3A_1100 = arith.constant 38 : i32
      %get3A_1101 = arith.index_cast %get3A_1100 : i32 to index
      %get3A_1102 = arith.constant 0 : index
      %get3A_1103 = tpu.vector_load %arg11[%get3A_1101, %get3A_1102] {strides = array<i32>} : memref<80x16xf32, #tpu.memory_space<vmem>>, vector<1x16xf32>,
      %get3A_1104 = vector.shape_cast %get3A_1103 : vector<1x16xf32> to vector<16xf32>
      %slice3A_1105 = vector.extract_strided_slice %get3A_1009 {offsets = [6], sizes = [1], strides = [1]} : vector<16xf32> to vector<1xf32>
      %squeeze3A_1106 = vector.extract %slice3A_1105[0] : f32 from vector<1xf32>
      %mul3A_1107 = vector.broadcast %squeeze3A_1106 : f32 to vector<16xf32>
      %mul3A_1108 = arith.mulf %get3A_1104, %mul3A_1107 : vector<16xf32>
      %swap3A_1109 = arith.constant 38 : i32
      %swap3A_1110 = arith.index_cast %swap3A_1109 : i32 to index
      %swap3A_1111 = arith.constant 0 : index
      %swap3A_1112 = tpu.vector_load %arg11[%swap3A_1110, %swap3A_1111] {strides = array<i32>} : memref<80x16xf32, #tpu.memory_space<vmem>>, vector<1x16xf32>,
      %swap3A_1113 = vector.shape_cast %swap3A_1112 : vector<1x16xf32> to vector<16xf32>
      %swap3A_1114 = vector.shape_cast %mul3A_1108 : vector<16xf32> to vector<1x16xf32>
      tpu.vector_store %arg11[%swap3A_1110, %swap3A_1111], %swap3A_1114 {strides = array<i32>} : memref<80x16xf32, #tpu.memory_space<vmem>>, vector<1x16xf32>,
      %get3A_1115 = arith.constant 39 : i32
      %get3A_1116 = arith.index_cast %get3A_1115 : i32 to index
      %get3A_1117 = arith.constant 0 : index
      %get3A_1118 = tpu.vector_load %arg11[%get3A_1116, %get3A_1117] {strides = array<i32>} : memref<80x16xf32, #tpu.memory_space<vmem>>, vector<1x16xf32>,
      %get3A_1119 = vector.shape_cast %get3A_1118 : vector<1x16xf32> to vector<16xf32>
      %slice3A_1120 = vector.extract_strided_slice %get3A_1009 {offsets = [7], sizes = [1], strides = [1]} : vector<16xf32> to vector<1xf32>
      %squeeze3A_1121 = vector.extract %slice3A_1120[0] : f32 from vector<1xf32>
      %mul3A_1122 = vector.broadcast %squeeze3A_1121 : f32 to vector<16xf32>
      %mul3A_1123 = arith.mulf %get3A_1119, %mul3A_1122 : vector<16xf32>
      %swap3A_1124 = arith.constant 39 : i32
      %swap3A_1125 = arith.index_cast %swap3A_1124 : i32 to index
      %swap3A_1126 = arith.constant 0 : index
      %swap3A_1127 = tpu.vector_load %arg11[%swap3A_1125, %swap3A_1126] {strides = array<i32>} : memref<80x16xf32, #tpu.memory_space<vmem>>, vector<1x16xf32>,
      %swap3A_1128 = vector.shape_cast %swap3A_1127 : vector<1x16xf32> to vector<16xf32>
      %swap3A_1129 = vector.shape_cast %mul3A_1123 : vector<16xf32> to vector<1x16xf32>
      tpu.vector_store %arg11[%swap3A_1125, %swap3A_1126], %swap3A_1129 {strides = array<i32>} : memref<80x16xf32, #tpu.memory_space<vmem>>, vector<1x16xf32>,
      %get3A_1130 = arith.constant 40 : i32
      %get3A_1131 = arith.index_cast %get3A_1130 : i32 to index
      %get3A_1132 = arith.constant 0 : index
      %get3A_1133 = tpu.vector_load %arg11[%get3A_1131, %get3A_1132] {strides = array<i32>} : memref<80x16xf32, #tpu.memory_space<vmem>>, vector<1x16xf32>,
      %get3A_1134 = vector.shape_cast %get3A_1133 : vector<1x16xf32> to vector<16xf32>
      %slice3A_1135 = vector.extract_strided_slice %get3A_1009 {offsets = [8], sizes = [1], strides = [1]} : vector<16xf32> to vector<1xf32>
      %squeeze3A_1136 = vector.extract %slice3A_1135[0] : f32 from vector<1xf32>
      %mul3A_1137 = vector.broadcast %squeeze3A_1136 : f32 to vector<16xf32>
      %mul3A_1138 = arith.mulf %get3A_1134, %mul3A_1137 : vector<16xf32>
      %swap3A_1139 = arith.constant 40 : i32
      %swap3A_1140 = arith.index_cast %swap3A_1139 : i32 to index
      %swap3A_1141 = arith.constant 0 : index
      %swap3A_1142 = tpu.vector_load %arg11[%swap3A_1140, %swap3A_1141] {strides = array<i32>} : memref<80x16xf32, #tpu.memory_space<vmem>>, vector<1x16xf32>,
      %swap3A_1143 = vector.shape_cast %swap3A_1142 : vector<1x16xf32> to vector<16xf32>
      %swap3A_1144 = vector.shape_cast %mul3A_1138 : vector<16xf32> to vector<1x16xf32>
      tpu.vector_store %arg11[%swap3A_1140, %swap3A_1141], %swap3A_1144 {strides = array<i32>} : memref<80x16xf32, #tpu.memory_space<vmem>>, vector<1x16xf32>,
      %get3A_1145 = arith.constant 41 : i32
      %get3A_1146 = arith.index_cast %get3A_1145 : i32 to index
      %get3A_1147 = arith.constant 0 : index
      %get3A_1148 = tpu.vector_load %arg11[%get3A_1146, %get3A_1147] {strides = array<i32>} : memref<80x16xf32, #tpu.memory_space<vmem>>, vector<1x16xf32>,
      %get3A_1149 = vector.shape_cast %get3A_1148 : vector<1x16xf32> to vector<16xf32>
      %slice3A_1150 = vector.extract_strided_slice %get3A_1009 {offsets = [9], sizes = [1], strides = [1]} : vector<16xf32> to vector<1xf32>
      %squeeze3A_1151 = vector.extract %slice3A_1150[0] : f32 from vector<1xf32>
      %mul3A_1152 = vector.broadcast %squeeze3A_1151 : f32 to vector<16xf32>
      %mul3A_1153 = arith.mulf %get3A_1149, %mul3A_1152 : vector<16xf32>
      %swap3A_1154 = arith.constant 41 : i32
      %swap3A_1155 = arith.index_cast %swap3A_1154 : i32 to index
      %swap3A_1156 = arith.constant 0 : index
      %swap3A_1157 = tpu.vector_load %arg11[%swap3A_1155, %swap3A_1156] {strides = array<i32>} : memref<80x16xf32, #tpu.memory_space<vmem>>, vector<1x16xf32>,
      %swap3A_1158 = vector.shape_cast %swap3A_1157 : vector<1x16xf32> to vector<16xf32>
      %swap3A_1159 = vector.shape_cast %mul3A_1153 : vector<16xf32> to vector<1x16xf32>
      tpu.vector_store %arg11[%swap3A_1155, %swap3A_1156], %swap3A_1159 {strides = array<i32>} : memref<80x16xf32, #tpu.memory_space<vmem>>, vector<1x16xf32>,
      %get3A_1160 = arith.constant 42 : i32
      %get3A_1161 = arith.index_cast %get3A_1160 : i32 to index
      %get3A_1162 = arith.constant 0 : index
      %get3A_1163 = tpu.vector_load %arg11[%get3A_1161, %get3A_1162] {strides = array<i32>} : memref<80x16xf32, #tpu.memory_space<vmem>>, vector<1x16xf32>,
      %get3A_1164 = vector.shape_cast %get3A_1163 : vector<1x16xf32> to vector<16xf32>
      %slice3A_1165 = vector.extract_strided_slice %get3A_1009 {offsets = [10], sizes = [1], strides = [1]} : vector<16xf32> to vector<1xf32>
      %squeeze3A_1166 = vector.extract %slice3A_1165[0] : f32 from vector<1xf32>
      %mul3A_1167 = vector.broadcast %squeeze3A_1166 : f32 to vector<16xf32>
      %mul3A_1168 = arith.mulf %get3A_1164, %mul3A_1167 : vector<16xf32>
      %swap3A_1169 = arith.constant 42 : i32
      %swap3A_1170 = arith.index_cast %swap3A_1169 : i32 to index
      %swap3A_1171 = arith.constant 0 : index
      %swap3A_1172 = tpu.vector_load %arg11[%swap3A_1170, %swap3A_1171] {strides = array<i32>} : memref<80x16xf32, #tpu.memory_space<vmem>>, vector<1x16xf32>,
      %swap3A_1173 = vector.shape_cast %swap3A_1172 : vector<1x16xf32> to vector<16xf32>
      %swap3A_1174 = vector.shape_cast %mul3A_1168 : vector<16xf32> to vector<1x16xf32>
      tpu.vector_store %arg11[%swap3A_1170, %swap3A_1171], %swap3A_1174 {strides = array<i32>} : memref<80x16xf32, #tpu.memory_space<vmem>>, vector<1x16xf32>,
      %get3A_1175 = arith.constant 43 : i32
      %get3A_1176 = arith.index_cast %get3A_1175 : i32 to index
      %get3A_1177 = arith.constant 0 : index
      %get3A_1178 = tpu.vector_load %arg11[%get3A_1176, %get3A_1177] {strides = array<i32>} : memref<80x16xf32, #tpu.memory_space<vmem>>, vector<1x16xf32>,
      %get3A_1179 = vector.shape_cast %get3A_1178 : vector<1x16xf32> to vector<16xf32>
      %slice3A_1180 = vector.extract_strided_slice %get3A_1009 {offsets = [11], sizes = [1], strides = [1]} : vector<16xf32> to vector<1xf32>
      %squeeze3A_1181 = vector.extract %slice3A_1180[0] : f32 from vector<1xf32>
      %mul3A_1182 = vector.broadcast %squeeze3A_1181 : f32 to vector<16xf32>
      %mul3A_1183 = arith.mulf %get3A_1179, %mul3A_1182 : vector<16xf32>
      %swap3A_1184 = arith.constant 43 : i32
      %swap3A_1185 = arith.index_cast %swap3A_1184 : i32 to index
      %swap3A_1186 = arith.constant 0 : index
      %swap3A_1187 = tpu.vector_load %arg11[%swap3A_1185, %swap3A_1186] {strides = array<i32>} : memref<80x16xf32, #tpu.memory_space<vmem>>, vector<1x16xf32>,
      %swap3A_1188 = vector.shape_cast %swap3A_1187 : vector<1x16xf32> to vector<16xf32>
      %swap3A_1189 = vector.shape_cast %mul3A_1183 : vector<16xf32> to vector<1x16xf32>
      tpu.vector_store %arg11[%swap3A_1185, %swap3A_1186], %swap3A_1189 {strides = array<i32>} : memref<80x16xf32, #tpu.memory_space<vmem>>, vector<1x16xf32>,
      %get3A_1190 = arith.constant 44 : i32
      %get3A_1191 = arith.index_cast %get3A_1190 : i32 to index
      %get3A_1192 = arith.constant 0 : index
      %get3A_1193 = tpu.vector_load %arg11[%get3A_1191, %get3A_1192] {strides = array<i32>} : memref<80x16xf32, #tpu.memory_space<vmem>>, vector<1x16xf32>,
      %get3A_1194 = vector.shape_cast %get3A_1193 : vector<1x16xf32> to vector<16xf32>
      %slice3A_1195 = vector.extract_strided_slice %get3A_1009 {offsets = [12], sizes = [1], strides = [1]} : vector<16xf32> to vector<1xf32>
      %squeeze3A_1196 = vector.extract %slice3A_1195[0] : f32 from vector<1xf32>
      %mul3A_1197 = vector.broadcast %squeeze3A_1196 : f32 to vector<16xf32>
      %mul3A_1198 = arith.mulf %get3A_1194, %mul3A_1197 : vector<16xf32>
      %swap3A_1199 = arith.constant 44 : i32
      %swap3A_1200 = arith.index_cast %swap3A_1199 : i32 to index
      %swap3A_1201 = arith.constant 0 : index
      %swap3A_1202 = tpu.vector_load %arg11[%swap3A_1200, %swap3A_1201] {strides = array<i32>} : memref<80x16xf32, #tpu.memory_space<vmem>>, vector<1x16xf32>,
      %swap3A_1203 = vector.shape_cast %swap3A_1202 : vector<1x16xf32> to vector<16xf32>
      %swap3A_1204 = vector.shape_cast %mul3A_1198 : vector<16xf32> to vector<1x16xf32>
      tpu.vector_store %arg11[%swap3A_1200, %swap3A_1201], %swap3A_1204 {strides = array<i32>} : memref<80x16xf32, #tpu.memory_space<vmem>>, vector<1x16xf32>,
      %get3A_1205 = arith.constant 45 : i32
      %get3A_1206 = arith.index_cast %get3A_1205 : i32 to index
      %get3A_1207 = arith.constant 0 : index
      %get3A_1208 = tpu.vector_load %arg11[%get3A_1206, %get3A_1207] {strides = array<i32>} : memref<80x16xf32, #tpu.memory_space<vmem>>, vector<1x16xf32>,
      %get3A_1209 = vector.shape_cast %get3A_1208 : vector<1x16xf32> to vector<16xf32>
      %slice3A_1210 = vector.extract_strided_slice %get3A_1009 {offsets = [13], sizes = [1], strides = [1]} : vector<16xf32> to vector<1xf32>
      %squeeze3A_1211 = vector.extract %slice3A_1210[0] : f32 from vector<1xf32>
      %mul3A_1212 = vector.broadcast %squeeze3A_1211 : f32 to vector<16xf32>
      %mul3A_1213 = arith.mulf %get3A_1209, %mul3A_1212 : vector<16xf32>
      %swap3A_1214 = arith.constant 45 : i32
      %swap3A_1215 = arith.index_cast %swap3A_1214 : i32 to index
      %swap3A_1216 = arith.constant 0 : index
      %swap3A_1217 = tpu.vector_load %arg11[%swap3A_1215, %swap3A_1216] {strides = array<i32>} : memref<80x16xf32, #tpu.memory_space<vmem>>, vector<1x16xf32>,
      %swap3A_1218 = vector.shape_cast %swap3A_1217 : vector<1x16xf32> to vector<16xf32>
      %swap3A_1219 = vector.shape_cast %mul3A_1213 : vector<16xf32> to vector<1x16xf32>
      tpu.vector_store %arg11[%swap3A_1215, %swap3A_1216], %swap3A_1219 {strides = array<i32>} : memref<80x16xf32, #tpu.memory_space<vmem>>, vector<1x16xf32>,
      %get3A_1220 = arith.constant 46 : i32
      %get3A_1221 = arith.index_cast %get3A_1220 : i32 to index
      %get3A_1222 = arith.constant 0 : index
      %get3A_1223 = tpu.vector_load %arg11[%get3A_1221, %get3A_1222] {strides = array<i32>} : memref<80x16xf32, #tpu.memory_space<vmem>>, vector<1x16xf32>,
      %get3A_1224 = vector.shape_cast %get3A_1223 : vector<1x16xf32> to vector<16xf32>
      %slice3A_1225 = vector.extract_strided_slice %get3A_1009 {offsets = [14], sizes = [1], strides = [1]} : vector<16xf32> to vector<1xf32>
      %squeeze3A_1226 = vector.extract %slice3A_1225[0] : f32 from vector<1xf32>
      %mul3A_1227 = vector.broadcast %squeeze3A_1226 : f32 to vector<16xf32>
      %mul3A_1228 = arith.mulf %get3A_1224, %mul3A_1227 : vector<16xf32>
      %swap3A_1229 = arith.constant 46 : i32
      %swap3A_1230 = arith.index_cast %swap3A_1229 : i32 to index
      %swap3A_1231 = arith.constant 0 : index
      %swap3A_1232 = tpu.vector_load %arg11[%swap3A_1230, %swap3A_1231] {strides = array<i32>} : memref<80x16xf32, #tpu.memory_space<vmem>>, vector<1x16xf32>,
      %swap3A_1233 = vector.shape_cast %swap3A_1232 : vector<1x16xf32> to vector<16xf32>
      %swap3A_1234 = vector.shape_cast %mul3A_1228 : vector<16xf32> to vector<1x16xf32>
      tpu.vector_store %arg11[%swap3A_1230, %swap3A_1231], %swap3A_1234 {strides = array<i32>} : memref<80x16xf32, #tpu.memory_space<vmem>>, vector<1x16xf32>,
      %get3A_1235 = arith.constant 47 : i32
      %get3A_1236 = arith.index_cast %get3A_1235 : i32 to index
      %get3A_1237 = arith.constant 0 : index
      %get3A_1238 = tpu.vector_load %arg11[%get3A_1236, %get3A_1237] {strides = array<i32>} : memref<80x16xf32, #tpu.memory_space<vmem>>, vector<1x16xf32>,
      %get3A_1239 = vector.shape_cast %get3A_1238 : vector<1x16xf32> to vector<16xf32>
      %slice3A_1240 = vector.extract_strided_slice %get3A_1009 {offsets = [15], sizes = [1], strides = [1]} : vector<16xf32> to vector<1xf32>
      %squeeze3A_1241 = vector.extract %slice3A_1240[0] : f32 from vector<1xf32>
      %mul3A_1242 = vector.broadcast %squeeze3A_1241 : f32 to vector<16xf32>
      %mul3A_1243 = arith.mulf %get3A_1239, %mul3A_1242 : vector<16xf32>
      %swap3A_1244 = arith.constant 47 : i32
      %swap3A_1245 = arith.index_cast %swap3A_1244 : i32 to index
      %swap3A_1246 = arith.constant 0 : index
      %swap3A_1247 = tpu.vector_load %arg11[%swap3A_1245, %swap3A_1246] {strides = array<i32>} : memref<80x16xf32, #tpu.memory_space<vmem>>, vector<1x16xf32>,
      %swap3A_1248 = vector.shape_cast %swap3A_1247 : vector<1x16xf32> to vector<16xf32>
      %swap3A_1249 = vector.shape_cast %mul3A_1243 : vector<16xf32> to vector<1x16xf32>
      tpu.vector_store %arg11[%swap3A_1245, %swap3A_1246], %swap3A_1249 {strides = array<i32>} : memref<80x16xf32, #tpu.memory_space<vmem>>, vector<1x16xf32>,
      %get3A_1250 = arith.index_cast %scan3A_520 : i32 to index
      %get3A_1251 = arith.constant 48 : index
      %get3A_1252 = tpu.vector_load %arg10[%get3A_1250, %get3A_1251] {strides = array<i32>} : memref<125x80xf32, #tpu.memory_space<vmem>>, vector<1x16xf32>,
      %get3A_1253 = vector.shape_cast %get3A_1252 : vector<1x16xf32> to vector<16xf32>
      %get3A_1254 = arith.constant 48 : i32
      %get3A_1255 = arith.index_cast %get3A_1254 : i32 to index
      %get3A_1256 = arith.constant 0 : index
      %get3A_1257 = tpu.vector_load %arg11[%get3A_1255, %get3A_1256] {strides = array<i32>} : memref<80x16xf32, #tpu.memory_space<vmem>>, vector<1x16xf32>,
      %get3A_1258 = vector.shape_cast %get3A_1257 : vector<1x16xf32> to vector<16xf32>
      %slice3A_1259 = vector.extract_strided_slice %get3A_1253 {offsets = [0], sizes = [1], strides = [1]} : vector<16xf32> to vector<1xf32>
      %squeeze3A_1260 = vector.extract %slice3A_1259[0] : f32 from vector<1xf32>
      %mul3A_1261 = vector.broadcast %squeeze3A_1260 : f32 to vector<16xf32>
      %mul3A_1262 = arith.mulf %get3A_1258, %mul3A_1261 : vector<16xf32>
      %swap3A_1263 = arith.constant 48 : i32
      %swap3A_1264 = arith.index_cast %swap3A_1263 : i32 to index
      %swap3A_1265 = arith.constant 0 : index
      %swap3A_1266 = tpu.vector_load %arg11[%swap3A_1264, %swap3A_1265] {strides = array<i32>} : memref<80x16xf32, #tpu.memory_space<vmem>>, vector<1x16xf32>,
      %swap3A_1267 = vector.shape_cast %swap3A_1266 : vector<1x16xf32> to vector<16xf32>
      %swap3A_1268 = vector.shape_cast %mul3A_1262 : vector<16xf32> to vector<1x16xf32>
      tpu.vector_store %arg11[%swap3A_1264, %swap3A_1265], %swap3A_1268 {strides = array<i32>} : memref<80x16xf32, #tpu.memory_space<vmem>>, vector<1x16xf32>,
      %get3A_1269 = arith.constant 49 : i32
      %get3A_1270 = arith.index_cast %get3A_1269 : i32 to index
      %get3A_1271 = arith.constant 0 : index
      %get3A_1272 = tpu.vector_load %arg11[%get3A_1270, %get3A_1271] {strides = array<i32>} : memref<80x16xf32, #tpu.memory_space<vmem>>, vector<1x16xf32>,
      %get3A_1273 = vector.shape_cast %get3A_1272 : vector<1x16xf32> to vector<16xf32>
      %slice3A_1274 = vector.extract_strided_slice %get3A_1253 {offsets = [1], sizes = [1], strides = [1]} : vector<16xf32> to vector<1xf32>
      %squeeze3A_1275 = vector.extract %slice3A_1274[0] : f32 from vector<1xf32>
      %mul3A_1276 = vector.broadcast %squeeze3A_1275 : f32 to vector<16xf32>
      %mul3A_1277 = arith.mulf %get3A_1273, %mul3A_1276 : vector<16xf32>
      %swap3A_1278 = arith.constant 49 : i32
      %swap3A_1279 = arith.index_cast %swap3A_1278 : i32 to index
      %swap3A_1280 = arith.constant 0 : index
      %swap3A_1281 = tpu.vector_load %arg11[%swap3A_1279, %swap3A_1280] {strides = array<i32>} : memref<80x16xf32, #tpu.memory_space<vmem>>, vector<1x16xf32>,
      %swap3A_1282 = vector.shape_cast %swap3A_1281 : vector<1x16xf32> to vector<16xf32>
      %swap3A_1283 = vector.shape_cast %mul3A_1277 : vector<16xf32> to vector<1x16xf32>
      tpu.vector_store %arg11[%swap3A_1279, %swap3A_1280], %swap3A_1283 {strides = array<i32>} : memref<80x16xf32, #tpu.memory_space<vmem>>, vector<1x16xf32>,
      %get3A_1284 = arith.constant 50 : i32
      %get3A_1285 = arith.index_cast %get3A_1284 : i32 to index
      %get3A_1286 = arith.constant 0 : index
      %get3A_1287 = tpu.vector_load %arg11[%get3A_1285, %get3A_1286] {strides = array<i32>} : memref<80x16xf32, #tpu.memory_space<vmem>>, vector<1x16xf32>,
      %get3A_1288 = vector.shape_cast %get3A_1287 : vector<1x16xf32> to vector<16xf32>
      %slice3A_1289 = vector.extract_strided_slice %get3A_1253 {offsets = [2], sizes = [1], strides = [1]} : vector<16xf32> to vector<1xf32>
      %squeeze3A_1290 = vector.extract %slice3A_1289[0] : f32 from vector<1xf32>
      %mul3A_1291 = vector.broadcast %squeeze3A_1290 : f32 to vector<16xf32>
      %mul3A_1292 = arith.mulf %get3A_1288, %mul3A_1291 : vector<16xf32>
      %swap3A_1293 = arith.constant 50 : i32
      %swap3A_1294 = arith.index_cast %swap3A_1293 : i32 to index
      %swap3A_1295 = arith.constant 0 : index
      %swap3A_1296 = tpu.vector_load %arg11[%swap3A_1294, %swap3A_1295] {strides = array<i32>} : memref<80x16xf32, #tpu.memory_space<vmem>>, vector<1x16xf32>,
      %swap3A_1297 = vector.shape_cast %swap3A_1296 : vector<1x16xf32> to vector<16xf32>
      %swap3A_1298 = vector.shape_cast %mul3A_1292 : vector<16xf32> to vector<1x16xf32>
      tpu.vector_store %arg11[%swap3A_1294, %swap3A_1295], %swap3A_1298 {strides = array<i32>} : memref<80x16xf32, #tpu.memory_space<vmem>>, vector<1x16xf32>,
      %get3A_1299 = arith.constant 51 : i32
      %get3A_1300 = arith.index_cast %get3A_1299 : i32 to index
      %get3A_1301 = arith.constant 0 : index
      %get3A_1302 = tpu.vector_load %arg11[%get3A_1300, %get3A_1301] {strides = array<i32>} : memref<80x16xf32, #tpu.memory_space<vmem>>, vector<1x16xf32>,
      %get3A_1303 = vector.shape_cast %get3A_1302 : vector<1x16xf32> to vector<16xf32>
      %slice3A_1304 = vector.extract_strided_slice %get3A_1253 {offsets = [3], sizes = [1], strides = [1]} : vector<16xf32> to vector<1xf32>
      %squeeze3A_1305 = vector.extract %slice3A_1304[0] : f32 from vector<1xf32>
      %mul3A_1306 = vector.broadcast %squeeze3A_1305 : f32 to vector<16xf32>
      %mul3A_1307 = arith.mulf %get3A_1303, %mul3A_1306 : vector<16xf32>
      %swap3A_1308 = arith.constant 51 : i32
      %swap3A_1309 = arith.index_cast %swap3A_1308 : i32 to index
      %swap3A_1310 = arith.constant 0 : index
      %swap3A_1311 = tpu.vector_load %arg11[%swap3A_1309, %swap3A_1310] {strides = array<i32>} : memref<80x16xf32, #tpu.memory_space<vmem>>, vector<1x16xf32>,
      %swap3A_1312 = vector.shape_cast %swap3A_1311 : vector<1x16xf32> to vector<16xf32>
      %swap3A_1313 = vector.shape_cast %mul3A_1307 : vector<16xf32> to vector<1x16xf32>
      tpu.vector_store %arg11[%swap3A_1309, %swap3A_1310], %swap3A_1313 {strides = array<i32>} : memref<80x16xf32, #tpu.memory_space<vmem>>, vector<1x16xf32>,
      %get3A_1314 = arith.constant 52 : i32
      %get3A_1315 = arith.index_cast %get3A_1314 : i32 to index
      %get3A_1316 = arith.constant 0 : index
      %get3A_1317 = tpu.vector_load %arg11[%get3A_1315, %get3A_1316] {strides = array<i32>} : memref<80x16xf32, #tpu.memory_space<vmem>>, vector<1x16xf32>,
      %get3A_1318 = vector.shape_cast %get3A_1317 : vector<1x16xf32> to vector<16xf32>
      %slice3A_1319 = vector.extract_strided_slice %get3A_1253 {offsets = [4], sizes = [1], strides = [1]} : vector<16xf32> to vector<1xf32>
      %squeeze3A_1320 = vector.extract %slice3A_1319[0] : f32 from vector<1xf32>
      %mul3A_1321 = vector.broadcast %squeeze3A_1320 : f32 to vector<16xf32>
      %mul3A_1322 = arith.mulf %get3A_1318, %mul3A_1321 : vector<16xf32>
      %swap3A_1323 = arith.constant 52 : i32
      %swap3A_1324 = arith.index_cast %swap3A_1323 : i32 to index
      %swap3A_1325 = arith.constant 0 : index
      %swap3A_1326 = tpu.vector_load %arg11[%swap3A_1324, %swap3A_1325] {strides = array<i32>} : memref<80x16xf32, #tpu.memory_space<vmem>>, vector<1x16xf32>,
      %swap3A_1327 = vector.shape_cast %swap3A_1326 : vector<1x16xf32> to vector<16xf32>
      %swap3A_1328 = vector.shape_cast %mul3A_1322 : vector<16xf32> to vector<1x16xf32>
      tpu.vector_store %arg11[%swap3A_1324, %swap3A_1325], %swap3A_1328 {strides = array<i32>} : memref<80x16xf32, #tpu.memory_space<vmem>>, vector<1x16xf32>,
      %get3A_1329 = arith.constant 53 : i32
      %get3A_1330 = arith.index_cast %get3A_1329 : i32 to index
      %get3A_1331 = arith.constant 0 : index
      %get3A_1332 = tpu.vector_load %arg11[%get3A_1330, %get3A_1331] {strides = array<i32>} : memref<80x16xf32, #tpu.memory_space<vmem>>, vector<1x16xf32>,
      %get3A_1333 = vector.shape_cast %get3A_1332 : vector<1x16xf32> to vector<16xf32>
      %slice3A_1334 = vector.extract_strided_slice %get3A_1253 {offsets = [5], sizes = [1], strides = [1]} : vector<16xf32> to vector<1xf32>
      %squeeze3A_1335 = vector.extract %slice3A_1334[0] : f32 from vector<1xf32>
      %mul3A_1336 = vector.broadcast %squeeze3A_1335 : f32 to vector<16xf32>
      %mul3A_1337 = arith.mulf %get3A_1333, %mul3A_1336 : vector<16xf32>
      %swap3A_1338 = arith.constant 53 : i32
      %swap3A_1339 = arith.index_cast %swap3A_1338 : i32 to index
      %swap3A_1340 = arith.constant 0 : index
      %swap3A_1341 = tpu.vector_load %arg11[%swap3A_1339, %swap3A_1340] {strides = array<i32>} : memref<80x16xf32, #tpu.memory_space<vmem>>, vector<1x16xf32>,
      %swap3A_1342 = vector.shape_cast %swap3A_1341 : vector<1x16xf32> to vector<16xf32>
      %swap3A_1343 = vector.shape_cast %mul3A_1337 : vector<16xf32> to vector<1x16xf32>
      tpu.vector_store %arg11[%swap3A_1339, %swap3A_1340], %swap3A_1343 {strides = array<i32>} : memref<80x16xf32, #tpu.memory_space<vmem>>, vector<1x16xf32>,
      %get3A_1344 = arith.constant 54 : i32
      %get3A_1345 = arith.index_cast %get3A_1344 : i32 to index
      %get3A_1346 = arith.constant 0 : index
      %get3A_1347 = tpu.vector_load %arg11[%get3A_1345, %get3A_1346] {strides = array<i32>} : memref<80x16xf32, #tpu.memory_space<vmem>>, vector<1x16xf32>,
      %get3A_1348 = vector.shape_cast %get3A_1347 : vector<1x16xf32> to vector<16xf32>
      %slice3A_1349 = vector.extract_strided_slice %get3A_1253 {offsets = [6], sizes = [1], strides = [1]} : vector<16xf32> to vector<1xf32>
      %squeeze3A_1350 = vector.extract %slice3A_1349[0] : f32 from vector<1xf32>
      %mul3A_1351 = vector.broadcast %squeeze3A_1350 : f32 to vector<16xf32>
      %mul3A_1352 = arith.mulf %get3A_1348, %mul3A_1351 : vector<16xf32>
      %swap3A_1353 = arith.constant 54 : i32
      %swap3A_1354 = arith.index_cast %swap3A_1353 : i32 to index
      %swap3A_1355 = arith.constant 0 : index
      %swap3A_1356 = tpu.vector_load %arg11[%swap3A_1354, %swap3A_1355] {strides = array<i32>} : memref<80x16xf32, #tpu.memory_space<vmem>>, vector<1x16xf32>,
      %swap3A_1357 = vector.shape_cast %swap3A_1356 : vector<1x16xf32> to vector<16xf32>
      %swap3A_1358 = vector.shape_cast %mul3A_1352 : vector<16xf32> to vector<1x16xf32>
      tpu.vector_store %arg11[%swap3A_1354, %swap3A_1355], %swap3A_1358 {strides = array<i32>} : memref<80x16xf32, #tpu.memory_space<vmem>>, vector<1x16xf32>,
      %get3A_1359 = arith.constant 55 : i32
      %get3A_1360 = arith.index_cast %get3A_1359 : i32 to index
      %get3A_1361 = arith.constant 0 : index
      %get3A_1362 = tpu.vector_load %arg11[%get3A_1360, %get3A_1361] {strides = array<i32>} : memref<80x16xf32, #tpu.memory_space<vmem>>, vector<1x16xf32>,
      %get3A_1363 = vector.shape_cast %get3A_1362 : vector<1x16xf32> to vector<16xf32>
      %slice3A_1364 = vector.extract_strided_slice %get3A_1253 {offsets = [7], sizes = [1], strides = [1]} : vector<16xf32> to vector<1xf32>
      %squeeze3A_1365 = vector.extract %slice3A_1364[0] : f32 from vector<1xf32>
      %mul3A_1366 = vector.broadcast %squeeze3A_1365 : f32 to vector<16xf32>
      %mul3A_1367 = arith.mulf %get3A_1363, %mul3A_1366 : vector<16xf32>
      %swap3A_1368 = arith.constant 55 : i32
      %swap3A_1369 = arith.index_cast %swap3A_1368 : i32 to index
      %swap3A_1370 = arith.constant 0 : index
      %swap3A_1371 = tpu.vector_load %arg11[%swap3A_1369, %swap3A_1370] {strides = array<i32>} : memref<80x16xf32, #tpu.memory_space<vmem>>, vector<1x16xf32>,
      %swap3A_1372 = vector.shape_cast %swap3A_1371 : vector<1x16xf32> to vector<16xf32>
      %swap3A_1373 = vector.shape_cast %mul3A_1367 : vector<16xf32> to vector<1x16xf32>
      tpu.vector_store %arg11[%swap3A_1369, %swap3A_1370], %swap3A_1373 {strides = array<i32>} : memref<80x16xf32, #tpu.memory_space<vmem>>, vector<1x16xf32>,
      %get3A_1374 = arith.constant 56 : i32
      %get3A_1375 = arith.index_cast %get3A_1374 : i32 to index
      %get3A_1376 = arith.constant 0 : index
      %get3A_1377 = tpu.vector_load %arg11[%get3A_1375, %get3A_1376] {strides = array<i32>} : memref<80x16xf32, #tpu.memory_space<vmem>>, vector<1x16xf32>,
      %get3A_1378 = vector.shape_cast %get3A_1377 : vector<1x16xf32> to vector<16xf32>
      %slice3A_1379 = vector.extract_strided_slice %get3A_1253 {offsets = [8], sizes = [1], strides = [1]} : vector<16xf32> to vector<1xf32>
      %squeeze3A_1380 = vector.extract %slice3A_1379[0] : f32 from vector<1xf32>
      %mul3A_1381 = vector.broadcast %squeeze3A_1380 : f32 to vector<16xf32>
      %mul3A_1382 = arith.mulf %get3A_1378, %mul3A_1381 : vector<16xf32>
      %swap3A_1383 = arith.constant 56 : i32
      %swap3A_1384 = arith.index_cast %swap3A_1383 : i32 to index
      %swap3A_1385 = arith.constant 0 : index
      %swap3A_1386 = tpu.vector_load %arg11[%swap3A_1384, %swap3A_1385] {strides = array<i32>} : memref<80x16xf32, #tpu.memory_space<vmem>>, vector<1x16xf32>,
      %swap3A_1387 = vector.shape_cast %swap3A_1386 : vector<1x16xf32> to vector<16xf32>
      %swap3A_1388 = vector.shape_cast %mul3A_1382 : vector<16xf32> to vector<1x16xf32>
      tpu.vector_store %arg11[%swap3A_1384, %swap3A_1385], %swap3A_1388 {strides = array<i32>} : memref<80x16xf32, #tpu.memory_space<vmem>>, vector<1x16xf32>,
      %get3A_1389 = arith.constant 57 : i32
      %get3A_1390 = arith.index_cast %get3A_1389 : i32 to index
      %get3A_1391 = arith.constant 0 : index
      %get3A_1392 = tpu.vector_load %arg11[%get3A_1390, %get3A_1391] {strides = array<i32>} : memref<80x16xf32, #tpu.memory_space<vmem>>, vector<1x16xf32>,
      %get3A_1393 = vector.shape_cast %get3A_1392 : vector<1x16xf32> to vector<16xf32>
      %slice3A_1394 = vector.extract_strided_slice %get3A_1253 {offsets = [9], sizes = [1], strides = [1]} : vector<16xf32> to vector<1xf32>
      %squeeze3A_1395 = vector.extract %slice3A_1394[0] : f32 from vector<1xf32>
      %mul3A_1396 = vector.broadcast %squeeze3A_1395 : f32 to vector<16xf32>
      %mul3A_1397 = arith.mulf %get3A_1393, %mul3A_1396 : vector<16xf32>
      %swap3A_1398 = arith.constant 57 : i32
      %swap3A_1399 = arith.index_cast %swap3A_1398 : i32 to index
      %swap3A_1400 = arith.constant 0 : index
      %swap3A_1401 = tpu.vector_load %arg11[%swap3A_1399, %swap3A_1400] {strides = array<i32>} : memref<80x16xf32, #tpu.memory_space<vmem>>, vector<1x16xf32>,
      %swap3A_1402 = vector.shape_cast %swap3A_1401 : vector<1x16xf32> to vector<16xf32>
      %swap3A_1403 = vector.shape_cast %mul3A_1397 : vector<16xf32> to vector<1x16xf32>
      tpu.vector_store %arg11[%swap3A_1399, %swap3A_1400], %swap3A_1403 {strides = array<i32>} : memref<80x16xf32, #tpu.memory_space<vmem>>, vector<1x16xf32>,
      %get3A_1404 = arith.constant 58 : i32
      %get3A_1405 = arith.index_cast %get3A_1404 : i32 to index
      %get3A_1406 = arith.constant 0 : index
      %get3A_1407 = tpu.vector_load %arg11[%get3A_1405, %get3A_1406] {strides = array<i32>} : memref<80x16xf32, #tpu.memory_space<vmem>>, vector<1x16xf32>,
      %get3A_1408 = vector.shape_cast %get3A_1407 : vector<1x16xf32> to vector<16xf32>
      %slice3A_1409 = vector.extract_strided_slice %get3A_1253 {offsets = [10], sizes = [1], strides = [1]} : vector<16xf32> to vector<1xf32>
      %squeeze3A_1410 = vector.extract %slice3A_1409[0] : f32 from vector<1xf32>
      %mul3A_1411 = vector.broadcast %squeeze3A_1410 : f32 to vector<16xf32>
      %mul3A_1412 = arith.mulf %get3A_1408, %mul3A_1411 : vector<16xf32>
      %swap3A_1413 = arith.constant 58 : i32
      %swap3A_1414 = arith.index_cast %swap3A_1413 : i32 to index
      %swap3A_1415 = arith.constant 0 : index
      %swap3A_1416 = tpu.vector_load %arg11[%swap3A_1414, %swap3A_1415] {strides = array<i32>} : memref<80x16xf32, #tpu.memory_space<vmem>>, vector<1x16xf32>,
      %swap3A_1417 = vector.shape_cast %swap3A_1416 : vector<1x16xf32> to vector<16xf32>
      %swap3A_1418 = vector.shape_cast %mul3A_1412 : vector<16xf32> to vector<1x16xf32>
      tpu.vector_store %arg11[%swap3A_1414, %swap3A_1415], %swap3A_1418 {strides = array<i32>} : memref<80x16xf32, #tpu.memory_space<vmem>>, vector<1x16xf32>,
      %get3A_1419 = arith.constant 59 : i32
      %get3A_1420 = arith.index_cast %get3A_1419 : i32 to index
      %get3A_1421 = arith.constant 0 : index
      %get3A_1422 = tpu.vector_load %arg11[%get3A_1420, %get3A_1421] {strides = array<i32>} : memref<80x16xf32, #tpu.memory_space<vmem>>, vector<1x16xf32>,
      %get3A_1423 = vector.shape_cast %get3A_1422 : vector<1x16xf32> to vector<16xf32>
      %slice3A_1424 = vector.extract_strided_slice %get3A_1253 {offsets = [11], sizes = [1], strides = [1]} : vector<16xf32> to vector<1xf32>
      %squeeze3A_1425 = vector.extract %slice3A_1424[0] : f32 from vector<1xf32>
      %mul3A_1426 = vector.broadcast %squeeze3A_1425 : f32 to vector<16xf32>
      %mul3A_1427 = arith.mulf %get3A_1423, %mul3A_1426 : vector<16xf32>
      %swap3A_1428 = arith.constant 59 : i32
      %swap3A_1429 = arith.index_cast %swap3A_1428 : i32 to index
      %swap3A_1430 = arith.constant 0 : index
      %swap3A_1431 = tpu.vector_load %arg11[%swap3A_1429, %swap3A_1430] {strides = array<i32>} : memref<80x16xf32, #tpu.memory_space<vmem>>, vector<1x16xf32>,
      %swap3A_1432 = vector.shape_cast %swap3A_1431 : vector<1x16xf32> to vector<16xf32>
      %swap3A_1433 = vector.shape_cast %mul3A_1427 : vector<16xf32> to vector<1x16xf32>
      tpu.vector_store %arg11[%swap3A_1429, %swap3A_1430], %swap3A_1433 {strides = array<i32>} : memref<80x16xf32, #tpu.memory_space<vmem>>, vector<1x16xf32>,
      %get3A_1434 = arith.constant 60 : i32
      %get3A_1435 = arith.index_cast %get3A_1434 : i32 to index
      %get3A_1436 = arith.constant 0 : index
      %get3A_1437 = tpu.vector_load %arg11[%get3A_1435, %get3A_1436] {strides = array<i32>} : memref<80x16xf32, #tpu.memory_space<vmem>>, vector<1x16xf32>,
      %get3A_1438 = vector.shape_cast %get3A_1437 : vector<1x16xf32> to vector<16xf32>
      %slice3A_1439 = vector.extract_strided_slice %get3A_1253 {offsets = [12], sizes = [1], strides = [1]} : vector<16xf32> to vector<1xf32>
      %squeeze3A_1440 = vector.extract %slice3A_1439[0] : f32 from vector<1xf32>
      %mul3A_1441 = vector.broadcast %squeeze3A_1440 : f32 to vector<16xf32>
      %mul3A_1442 = arith.mulf %get3A_1438, %mul3A_1441 : vector<16xf32>
      %swap3A_1443 = arith.constant 60 : i32
      %swap3A_1444 = arith.index_cast %swap3A_1443 : i32 to index
      %swap3A_1445 = arith.constant 0 : index
      %swap3A_1446 = tpu.vector_load %arg11[%swap3A_1444, %swap3A_1445] {strides = array<i32>} : memref<80x16xf32, #tpu.memory_space<vmem>>, vector<1x16xf32>,
      %swap3A_1447 = vector.shape_cast %swap3A_1446 : vector<1x16xf32> to vector<16xf32>
      %swap3A_1448 = vector.shape_cast %mul3A_1442 : vector<16xf32> to vector<1x16xf32>
      tpu.vector_store %arg11[%swap3A_1444, %swap3A_1445], %swap3A_1448 {strides = array<i32>} : memref<80x16xf32, #tpu.memory_space<vmem>>, vector<1x16xf32>,
      %get3A_1449 = arith.constant 61 : i32
      %get3A_1450 = arith.index_cast %get3A_1449 : i32 to index
      %get3A_1451 = arith.constant 0 : index
      %get3A_1452 = tpu.vector_load %arg11[%get3A_1450, %get3A_1451] {strides = array<i32>} : memref<80x16xf32, #tpu.memory_space<vmem>>, vector<1x16xf32>,
      %get3A_1453 = vector.shape_cast %get3A_1452 : vector<1x16xf32> to vector<16xf32>
      %slice3A_1454 = vector.extract_strided_slice %get3A_1253 {offsets = [13], sizes = [1], strides = [1]} : vector<16xf32> to vector<1xf32>
      %squeeze3A_1455 = vector.extract %slice3A_1454[0] : f32 from vector<1xf32>
      %mul3A_1456 = vector.broadcast %squeeze3A_1455 : f32 to vector<16xf32>
      %mul3A_1457 = arith.mulf %get3A_1453, %mul3A_1456 : vector<16xf32>
      %swap3A_1458 = arith.constant 61 : i32
      %swap3A_1459 = arith.index_cast %swap3A_1458 : i32 to index
      %swap3A_1460 = arith.constant 0 : index
      %swap3A_1461 = tpu.vector_load %arg11[%swap3A_1459, %swap3A_1460] {strides = array<i32>} : memref<80x16xf32, #tpu.memory_space<vmem>>, vector<1x16xf32>,
      %swap3A_1462 = vector.shape_cast %swap3A_1461 : vector<1x16xf32> to vector<16xf32>
      %swap3A_1463 = vector.shape_cast %mul3A_1457 : vector<16xf32> to vector<1x16xf32>
      tpu.vector_store %arg11[%swap3A_1459, %swap3A_1460], %swap3A_1463 {strides = array<i32>} : memref<80x16xf32, #tpu.memory_space<vmem>>, vector<1x16xf32>,
      %get3A_1464 = arith.constant 62 : i32
      %get3A_1465 = arith.index_cast %get3A_1464 : i32 to index
      %get3A_1466 = arith.constant 0 : index
      %get3A_1467 = tpu.vector_load %arg11[%get3A_1465, %get3A_1466] {strides = array<i32>} : memref<80x16xf32, #tpu.memory_space<vmem>>, vector<1x16xf32>,
      %get3A_1468 = vector.shape_cast %get3A_1467 : vector<1x16xf32> to vector<16xf32>
      %slice3A_1469 = vector.extract_strided_slice %get3A_1253 {offsets = [14], sizes = [1], strides = [1]} : vector<16xf32> to vector<1xf32>
      %squeeze3A_1470 = vector.extract %slice3A_1469[0] : f32 from vector<1xf32>
      %mul3A_1471 = vector.broadcast %squeeze3A_1470 : f32 to vector<16xf32>
      %mul3A_1472 = arith.mulf %get3A_1468, %mul3A_1471 : vector<16xf32>
      %swap3A_1473 = arith.constant 62 : i32
      %swap3A_1474 = arith.index_cast %swap3A_1473 : i32 to index
      %swap3A_1475 = arith.constant 0 : index
      %swap3A_1476 = tpu.vector_load %arg11[%swap3A_1474, %swap3A_1475] {strides = array<i32>} : memref<80x16xf32, #tpu.memory_space<vmem>>, vector<1x16xf32>,
      %swap3A_1477 = vector.shape_cast %swap3A_1476 : vector<1x16xf32> to vector<16xf32>
      %swap3A_1478 = vector.shape_cast %mul3A_1472 : vector<16xf32> to vector<1x16xf32>
      tpu.vector_store %arg11[%swap3A_1474, %swap3A_1475], %swap3A_1478 {strides = array<i32>} : memref<80x16xf32, #tpu.memory_space<vmem>>, vector<1x16xf32>,
      %get3A_1479 = arith.constant 63 : i32
      %get3A_1480 = arith.index_cast %get3A_1479 : i32 to index
      %get3A_1481 = arith.constant 0 : index
      %get3A_1482 = tpu.vector_load %arg11[%get3A_1480, %get3A_1481] {strides = array<i32>} : memref<80x16xf32, #tpu.memory_space<vmem>>, vector<1x16xf32>,
      %get3A_1483 = vector.shape_cast %get3A_1482 : vector<1x16xf32> to vector<16xf32>
      %slice3A_1484 = vector.extract_strided_slice %get3A_1253 {offsets = [15], sizes = [1], strides = [1]} : vector<16xf32> to vector<1xf32>
      %squeeze3A_1485 = vector.extract %slice3A_1484[0] : f32 from vector<1xf32>
      %mul3A_1486 = vector.broadcast %squeeze3A_1485 : f32 to vector<16xf32>
      %mul3A_1487 = arith.mulf %get3A_1483, %mul3A_1486 : vector<16xf32>
      %swap3A_1488 = arith.constant 63 : i32
      %swap3A_1489 = arith.index_cast %swap3A_1488 : i32 to index
      %swap3A_1490 = arith.constant 0 : index
      %swap3A_1491 = tpu.vector_load %arg11[%swap3A_1489, %swap3A_1490] {strides = array<i32>} : memref<80x16xf32, #tpu.memory_space<vmem>>, vector<1x16xf32>,
      %swap3A_1492 = vector.shape_cast %swap3A_1491 : vector<1x16xf32> to vector<16xf32>
      %swap3A_1493 = vector.shape_cast %mul3A_1487 : vector<16xf32> to vector<1x16xf32>
      tpu.vector_store %arg11[%swap3A_1489, %swap3A_1490], %swap3A_1493 {strides = array<i32>} : memref<80x16xf32, #tpu.memory_space<vmem>>, vector<1x16xf32>,
      %get3A_1494 = arith.index_cast %scan3A_520 : i32 to index
      %get3A_1495 = arith.constant 64 : index
      %get3A_1496 = tpu.vector_load %arg10[%get3A_1494, %get3A_1495] {strides = array<i32>} : memref<125x80xf32, #tpu.memory_space<vmem>>, vector<1x16xf32>,
      %get3A_1497 = vector.shape_cast %get3A_1496 : vector<1x16xf32> to vector<16xf32>
      %get3A_1498 = arith.constant 64 : i32
      %get3A_1499 = arith.index_cast %get3A_1498 : i32 to index
      %get3A_1500 = arith.constant 0 : index
      %get3A_1501 = tpu.vector_load %arg11[%get3A_1499, %get3A_1500] {strides = array<i32>} : memref<80x16xf32, #tpu.memory_space<vmem>>, vector<1x16xf32>,
      %get3A_1502 = vector.shape_cast %get3A_1501 : vector<1x16xf32> to vector<16xf32>
      %slice3A_1503 = vector.extract_strided_slice %get3A_1497 {offsets = [0], sizes = [1], strides = [1]} : vector<16xf32> to vector<1xf32>
      %squeeze3A_1504 = vector.extract %slice3A_1503[0] : f32 from vector<1xf32>
      %mul3A_1505 = vector.broadcast %squeeze3A_1504 : f32 to vector<16xf32>
      %mul3A_1506 = arith.mulf %get3A_1502, %mul3A_1505 : vector<16xf32>
      %swap3A_1507 = arith.constant 64 : i32
      %swap3A_1508 = arith.index_cast %swap3A_1507 : i32 to index
      %swap3A_1509 = arith.constant 0 : index
      %swap3A_1510 = tpu.vector_load %arg11[%swap3A_1508, %swap3A_1509] {strides = array<i32>} : memref<80x16xf32, #tpu.memory_space<vmem>>, vector<1x16xf32>,
      %swap3A_1511 = vector.shape_cast %swap3A_1510 : vector<1x16xf32> to vector<16xf32>
      %swap3A_1512 = vector.shape_cast %mul3A_1506 : vector<16xf32> to vector<1x16xf32>
      tpu.vector_store %arg11[%swap3A_1508, %swap3A_1509], %swap3A_1512 {strides = array<i32>} : memref<80x16xf32, #tpu.memory_space<vmem>>, vector<1x16xf32>,
      %get3A_1513 = arith.constant 65 : i32
      %get3A_1514 = arith.index_cast %get3A_1513 : i32 to index
      %get3A_1515 = arith.constant 0 : index
      %get3A_1516 = tpu.vector_load %arg11[%get3A_1514, %get3A_1515] {strides = array<i32>} : memref<80x16xf32, #tpu.memory_space<vmem>>, vector<1x16xf32>,
      %get3A_1517 = vector.shape_cast %get3A_1516 : vector<1x16xf32> to vector<16xf32>
      %slice3A_1518 = vector.extract_strided_slice %get3A_1497 {offsets = [1], sizes = [1], strides = [1]} : vector<16xf32> to vector<1xf32>
      %squeeze3A_1519 = vector.extract %slice3A_1518[0] : f32 from vector<1xf32>
      %mul3A_1520 = vector.broadcast %squeeze3A_1519 : f32 to vector<16xf32>
      %mul3A_1521 = arith.mulf %get3A_1517, %mul3A_1520 : vector<16xf32>
      %swap3A_1522 = arith.constant 65 : i32
      %swap3A_1523 = arith.index_cast %swap3A_1522 : i32 to index
      %swap3A_1524 = arith.constant 0 : index
      %swap3A_1525 = tpu.vector_load %arg11[%swap3A_1523, %swap3A_1524] {strides = array<i32>} : memref<80x16xf32, #tpu.memory_space<vmem>>, vector<1x16xf32>,
      %swap3A_1526 = vector.shape_cast %swap3A_1525 : vector<1x16xf32> to vector<16xf32>
      %swap3A_1527 = vector.shape_cast %mul3A_1521 : vector<16xf32> to vector<1x16xf32>
      tpu.vector_store %arg11[%swap3A_1523, %swap3A_1524], %swap3A_1527 {strides = array<i32>} : memref<80x16xf32, #tpu.memory_space<vmem>>, vector<1x16xf32>,
      %get3A_1528 = arith.constant 66 : i32
      %get3A_1529 = arith.index_cast %get3A_1528 : i32 to index
      %get3A_1530 = arith.constant 0 : index
      %get3A_1531 = tpu.vector_load %arg11[%get3A_1529, %get3A_1530] {strides = array<i32>} : memref<80x16xf32, #tpu.memory_space<vmem>>, vector<1x16xf32>,
      %get3A_1532 = vector.shape_cast %get3A_1531 : vector<1x16xf32> to vector<16xf32>
      %slice3A_1533 = vector.extract_strided_slice %get3A_1497 {offsets = [2], sizes = [1], strides = [1]} : vector<16xf32> to vector<1xf32>
      %squeeze3A_1534 = vector.extract %slice3A_1533[0] : f32 from vector<1xf32>
      %mul3A_1535 = vector.broadcast %squeeze3A_1534 : f32 to vector<16xf32>
      %mul3A_1536 = arith.mulf %get3A_1532, %mul3A_1535 : vector<16xf32>
      %swap3A_1537 = arith.constant 66 : i32
      %swap3A_1538 = arith.index_cast %swap3A_1537 : i32 to index
      %swap3A_1539 = arith.constant 0 : index
      %swap3A_1540 = tpu.vector_load %arg11[%swap3A_1538, %swap3A_1539] {strides = array<i32>} : memref<80x16xf32, #tpu.memory_space<vmem>>, vector<1x16xf32>,
      %swap3A_1541 = vector.shape_cast %swap3A_1540 : vector<1x16xf32> to vector<16xf32>
      %swap3A_1542 = vector.shape_cast %mul3A_1536 : vector<16xf32> to vector<1x16xf32>
      tpu.vector_store %arg11[%swap3A_1538, %swap3A_1539], %swap3A_1542 {strides = array<i32>} : memref<80x16xf32, #tpu.memory_space<vmem>>, vector<1x16xf32>,
      %get3A_1543 = arith.constant 67 : i32
      %get3A_1544 = arith.index_cast %get3A_1543 : i32 to index
      %get3A_1545 = arith.constant 0 : index
      %get3A_1546 = tpu.vector_load %arg11[%get3A_1544, %get3A_1545] {strides = array<i32>} : memref<80x16xf32, #tpu.memory_space<vmem>>, vector<1x16xf32>,
      %get3A_1547 = vector.shape_cast %get3A_1546 : vector<1x16xf32> to vector<16xf32>
      %slice3A_1548 = vector.extract_strided_slice %get3A_1497 {offsets = [3], sizes = [1], strides = [1]} : vector<16xf32> to vector<1xf32>
      %squeeze3A_1549 = vector.extract %slice3A_1548[0] : f32 from vector<1xf32>
      %mul3A_1550 = vector.broadcast %squeeze3A_1549 : f32 to vector<16xf32>
      %mul3A_1551 = arith.mulf %get3A_1547, %mul3A_1550 : vector<16xf32>
      %swap3A_1552 = arith.constant 67 : i32
      %swap3A_1553 = arith.index_cast %swap3A_1552 : i32 to index
      %swap3A_1554 = arith.constant 0 : index
      %swap3A_1555 = tpu.vector_load %arg11[%swap3A_1553, %swap3A_1554] {strides = array<i32>} : memref<80x16xf32, #tpu.memory_space<vmem>>, vector<1x16xf32>,
      %swap3A_1556 = vector.shape_cast %swap3A_1555 : vector<1x16xf32> to vector<16xf32>
      %swap3A_1557 = vector.shape_cast %mul3A_1551 : vector<16xf32> to vector<1x16xf32>
      tpu.vector_store %arg11[%swap3A_1553, %swap3A_1554], %swap3A_1557 {strides = array<i32>} : memref<80x16xf32, #tpu.memory_space<vmem>>, vector<1x16xf32>,
      %get3A_1558 = arith.constant 68 : i32
      %get3A_1559 = arith.index_cast %get3A_1558 : i32 to index
      %get3A_1560 = arith.constant 0 : index
      %get3A_1561 = tpu.vector_load %arg11[%get3A_1559, %get3A_1560] {strides = array<i32>} : memref<80x16xf32, #tpu.memory_space<vmem>>, vector<1x16xf32>,
      %get3A_1562 = vector.shape_cast %get3A_1561 : vector<1x16xf32> to vector<16xf32>
      %slice3A_1563 = vector.extract_strided_slice %get3A_1497 {offsets = [4], sizes = [1], strides = [1]} : vector<16xf32> to vector<1xf32>
      %squeeze3A_1564 = vector.extract %slice3A_1563[0] : f32 from vector<1xf32>
      %mul3A_1565 = vector.broadcast %squeeze3A_1564 : f32 to vector<16xf32>
      %mul3A_1566 = arith.mulf %get3A_1562, %mul3A_1565 : vector<16xf32>
      %swap3A_1567 = arith.constant 68 : i32
      %swap3A_1568 = arith.index_cast %swap3A_1567 : i32 to index
      %swap3A_1569 = arith.constant 0 : index
      %swap3A_1570 = tpu.vector_load %arg11[%swap3A_1568, %swap3A_1569] {strides = array<i32>} : memref<80x16xf32, #tpu.memory_space<vmem>>, vector<1x16xf32>,
      %swap3A_1571 = vector.shape_cast %swap3A_1570 : vector<1x16xf32> to vector<16xf32>
      %swap3A_1572 = vector.shape_cast %mul3A_1566 : vector<16xf32> to vector<1x16xf32>
      tpu.vector_store %arg11[%swap3A_1568, %swap3A_1569], %swap3A_1572 {strides = array<i32>} : memref<80x16xf32, #tpu.memory_space<vmem>>, vector<1x16xf32>,
      %get3A_1573 = arith.constant 69 : i32
      %get3A_1574 = arith.index_cast %get3A_1573 : i32 to index
      %get3A_1575 = arith.constant 0 : index
      %get3A_1576 = tpu.vector_load %arg11[%get3A_1574, %get3A_1575] {strides = array<i32>} : memref<80x16xf32, #tpu.memory_space<vmem>>, vector<1x16xf32>,
      %get3A_1577 = vector.shape_cast %get3A_1576 : vector<1x16xf32> to vector<16xf32>
      %slice3A_1578 = vector.extract_strided_slice %get3A_1497 {offsets = [5], sizes = [1], strides = [1]} : vector<16xf32> to vector<1xf32>
      %squeeze3A_1579 = vector.extract %slice3A_1578[0] : f32 from vector<1xf32>
      %mul3A_1580 = vector.broadcast %squeeze3A_1579 : f32 to vector<16xf32>
      %mul3A_1581 = arith.mulf %get3A_1577, %mul3A_1580 : vector<16xf32>
      %swap3A_1582 = arith.constant 69 : i32
      %swap3A_1583 = arith.index_cast %swap3A_1582 : i32 to index
      %swap3A_1584 = arith.constant 0 : index
      %swap3A_1585 = tpu.vector_load %arg11[%swap3A_1583, %swap3A_1584] {strides = array<i32>} : memref<80x16xf32, #tpu.memory_space<vmem>>, vector<1x16xf32>,
      %swap3A_1586 = vector.shape_cast %swap3A_1585 : vector<1x16xf32> to vector<16xf32>
      %swap3A_1587 = vector.shape_cast %mul3A_1581 : vector<16xf32> to vector<1x16xf32>
      tpu.vector_store %arg11[%swap3A_1583, %swap3A_1584], %swap3A_1587 {strides = array<i32>} : memref<80x16xf32, #tpu.memory_space<vmem>>, vector<1x16xf32>,
      %get3A_1588 = arith.constant 70 : i32
      %get3A_1589 = arith.index_cast %get3A_1588 : i32 to index
      %get3A_1590 = arith.constant 0 : index
      %get3A_1591 = tpu.vector_load %arg11[%get3A_1589, %get3A_1590] {strides = array<i32>} : memref<80x16xf32, #tpu.memory_space<vmem>>, vector<1x16xf32>,
      %get3A_1592 = vector.shape_cast %get3A_1591 : vector<1x16xf32> to vector<16xf32>
      %slice3A_1593 = vector.extract_strided_slice %get3A_1497 {offsets = [6], sizes = [1], strides = [1]} : vector<16xf32> to vector<1xf32>
      %squeeze3A_1594 = vector.extract %slice3A_1593[0] : f32 from vector<1xf32>
      %mul3A_1595 = vector.broadcast %squeeze3A_1594 : f32 to vector<16xf32>
      %mul3A_1596 = arith.mulf %get3A_1592, %mul3A_1595 : vector<16xf32>
      %swap3A_1597 = arith.constant 70 : i32
      %swap3A_1598 = arith.index_cast %swap3A_1597 : i32 to index
      %swap3A_1599 = arith.constant 0 : index
      %swap3A_1600 = tpu.vector_load %arg11[%swap3A_1598, %swap3A_1599] {strides = array<i32>} : memref<80x16xf32, #tpu.memory_space<vmem>>, vector<1x16xf32>,
      %swap3A_1601 = vector.shape_cast %swap3A_1600 : vector<1x16xf32> to vector<16xf32>
      %swap3A_1602 = vector.shape_cast %mul3A_1596 : vector<16xf32> to vector<1x16xf32>
      tpu.vector_store %arg11[%swap3A_1598, %swap3A_1599], %swap3A_1602 {strides = array<i32>} : memref<80x16xf32, #tpu.memory_space<vmem>>, vector<1x16xf32>,
      %get3A_1603 = arith.constant 71 : i32
      %get3A_1604 = arith.index_cast %get3A_1603 : i32 to index
      %get3A_1605 = arith.constant 0 : index
      %get3A_1606 = tpu.vector_load %arg11[%get3A_1604, %get3A_1605] {strides = array<i32>} : memref<80x16xf32, #tpu.memory_space<vmem>>, vector<1x16xf32>,
      %get3A_1607 = vector.shape_cast %get3A_1606 : vector<1x16xf32> to vector<16xf32>
      %slice3A_1608 = vector.extract_strided_slice %get3A_1497 {offsets = [7], sizes = [1], strides = [1]} : vector<16xf32> to vector<1xf32>
      %squeeze3A_1609 = vector.extract %slice3A_1608[0] : f32 from vector<1xf32>
      %mul3A_1610 = vector.broadcast %squeeze3A_1609 : f32 to vector<16xf32>
      %mul3A_1611 = arith.mulf %get3A_1607, %mul3A_1610 : vector<16xf32>
      %swap3A_1612 = arith.constant 71 : i32
      %swap3A_1613 = arith.index_cast %swap3A_1612 : i32 to index
      %swap3A_1614 = arith.constant 0 : index
      %swap3A_1615 = tpu.vector_load %arg11[%swap3A_1613, %swap3A_1614] {strides = array<i32>} : memref<80x16xf32, #tpu.memory_space<vmem>>, vector<1x16xf32>,
      %swap3A_1616 = vector.shape_cast %swap3A_1615 : vector<1x16xf32> to vector<16xf32>
      %swap3A_1617 = vector.shape_cast %mul3A_1611 : vector<16xf32> to vector<1x16xf32>
      tpu.vector_store %arg11[%swap3A_1613, %swap3A_1614], %swap3A_1617 {strides = array<i32>} : memref<80x16xf32, #tpu.memory_space<vmem>>, vector<1x16xf32>,
      %get3A_1618 = arith.constant 72 : i32
      %get3A_1619 = arith.index_cast %get3A_1618 : i32 to index
      %get3A_1620 = arith.constant 0 : index
      %get3A_1621 = tpu.vector_load %arg11[%get3A_1619, %get3A_1620] {strides = array<i32>} : memref<80x16xf32, #tpu.memory_space<vmem>>, vector<1x16xf32>,
      %get3A_1622 = vector.shape_cast %get3A_1621 : vector<1x16xf32> to vector<16xf32>
      %slice3A_1623 = vector.extract_strided_slice %get3A_1497 {offsets = [8], sizes = [1], strides = [1]} : vector<16xf32> to vector<1xf32>
      %squeeze3A_1624 = vector.extract %slice3A_1623[0] : f32 from vector<1xf32>
      %mul3A_1625 = vector.broadcast %squeeze3A_1624 : f32 to vector<16xf32>
      %mul3A_1626 = arith.mulf %get3A_1622, %mul3A_1625 : vector<16xf32>
      %swap3A_1627 = arith.constant 72 : i32
      %swap3A_1628 = arith.index_cast %swap3A_1627 : i32 to index
      %swap3A_1629 = arith.constant 0 : index
      %swap3A_1630 = tpu.vector_load %arg11[%swap3A_1628, %swap3A_1629] {strides = array<i32>} : memref<80x16xf32, #tpu.memory_space<vmem>>, vector<1x16xf32>,
      %swap3A_1631 = vector.shape_cast %swap3A_1630 : vector<1x16xf32> to vector<16xf32>
      %swap3A_1632 = vector.shape_cast %mul3A_1626 : vector<16xf32> to vector<1x16xf32>
      tpu.vector_store %arg11[%swap3A_1628, %swap3A_1629], %swap3A_1632 {strides = array<i32>} : memref<80x16xf32, #tpu.memory_space<vmem>>, vector<1x16xf32>,
      %get3A_1633 = arith.constant 73 : i32
      %get3A_1634 = arith.index_cast %get3A_1633 : i32 to index
      %get3A_1635 = arith.constant 0 : index
      %get3A_1636 = tpu.vector_load %arg11[%get3A_1634, %get3A_1635] {strides = array<i32>} : memref<80x16xf32, #tpu.memory_space<vmem>>, vector<1x16xf32>,
      %get3A_1637 = vector.shape_cast %get3A_1636 : vector<1x16xf32> to vector<16xf32>
      %slice3A_1638 = vector.extract_strided_slice %get3A_1497 {offsets = [9], sizes = [1], strides = [1]} : vector<16xf32> to vector<1xf32>
      %squeeze3A_1639 = vector.extract %slice3A_1638[0] : f32 from vector<1xf32>
      %mul3A_1640 = vector.broadcast %squeeze3A_1639 : f32 to vector<16xf32>
      %mul3A_1641 = arith.mulf %get3A_1637, %mul3A_1640 : vector<16xf32>
      %swap3A_1642 = arith.constant 73 : i32
      %swap3A_1643 = arith.index_cast %swap3A_1642 : i32 to index
      %swap3A_1644 = arith.constant 0 : index
      %swap3A_1645 = tpu.vector_load %arg11[%swap3A_1643, %swap3A_1644] {strides = array<i32>} : memref<80x16xf32, #tpu.memory_space<vmem>>, vector<1x16xf32>,
      %swap3A_1646 = vector.shape_cast %swap3A_1645 : vector<1x16xf32> to vector<16xf32>
      %swap3A_1647 = vector.shape_cast %mul3A_1641 : vector<16xf32> to vector<1x16xf32>
      tpu.vector_store %arg11[%swap3A_1643, %swap3A_1644], %swap3A_1647 {strides = array<i32>} : memref<80x16xf32, #tpu.memory_space<vmem>>, vector<1x16xf32>,
      %get3A_1648 = arith.constant 74 : i32
      %get3A_1649 = arith.index_cast %get3A_1648 : i32 to index
      %get3A_1650 = arith.constant 0 : index
      %get3A_1651 = tpu.vector_load %arg11[%get3A_1649, %get3A_1650] {strides = array<i32>} : memref<80x16xf32, #tpu.memory_space<vmem>>, vector<1x16xf32>,
      %get3A_1652 = vector.shape_cast %get3A_1651 : vector<1x16xf32> to vector<16xf32>
      %slice3A_1653 = vector.extract_strided_slice %get3A_1497 {offsets = [10], sizes = [1], strides = [1]} : vector<16xf32> to vector<1xf32>
      %squeeze3A_1654 = vector.extract %slice3A_1653[0] : f32 from vector<1xf32>
      %mul3A_1655 = vector.broadcast %squeeze3A_1654 : f32 to vector<16xf32>
      %mul3A_1656 = arith.mulf %get3A_1652, %mul3A_1655 : vector<16xf32>
      %swap3A_1657 = arith.constant 74 : i32
      %swap3A_1658 = arith.index_cast %swap3A_1657 : i32 to index
      %swap3A_1659 = arith.constant 0 : index
      %swap3A_1660 = tpu.vector_load %arg11[%swap3A_1658, %swap3A_1659] {strides = array<i32>} : memref<80x16xf32, #tpu.memory_space<vmem>>, vector<1x16xf32>,
      %swap3A_1661 = vector.shape_cast %swap3A_1660 : vector<1x16xf32> to vector<16xf32>
      %swap3A_1662 = vector.shape_cast %mul3A_1656 : vector<16xf32> to vector<1x16xf32>
      tpu.vector_store %arg11[%swap3A_1658, %swap3A_1659], %swap3A_1662 {strides = array<i32>} : memref<80x16xf32, #tpu.memory_space<vmem>>, vector<1x16xf32>,
      %get3A_1663 = arith.constant 75 : i32
      %get3A_1664 = arith.index_cast %get3A_1663 : i32 to index
      %get3A_1665 = arith.constant 0 : index
      %get3A_1666 = tpu.vector_load %arg11[%get3A_1664, %get3A_1665] {strides = array<i32>} : memref<80x16xf32, #tpu.memory_space<vmem>>, vector<1x16xf32>,
      %get3A_1667 = vector.shape_cast %get3A_1666 : vector<1x16xf32> to vector<16xf32>
      %slice3A_1668 = vector.extract_strided_slice %get3A_1497 {offsets = [11], sizes = [1], strides = [1]} : vector<16xf32> to vector<1xf32>
      %squeeze3A_1669 = vector.extract %slice3A_1668[0] : f32 from vector<1xf32>
      %mul3A_1670 = vector.broadcast %squeeze3A_1669 : f32 to vector<16xf32>
      %mul3A_1671 = arith.mulf %get3A_1667, %mul3A_1670 : vector<16xf32>
      %swap3A_1672 = arith.constant 75 : i32
      %swap3A_1673 = arith.index_cast %swap3A_1672 : i32 to index
      %swap3A_1674 = arith.constant 0 : index
      %swap3A_1675 = tpu.vector_load %arg11[%swap3A_1673, %swap3A_1674] {strides = array<i32>} : memref<80x16xf32, #tpu.memory_space<vmem>>, vector<1x16xf32>,
      %swap3A_1676 = vector.shape_cast %swap3A_1675 : vector<1x16xf32> to vector<16xf32>
      %swap3A_1677 = vector.shape_cast %mul3A_1671 : vector<16xf32> to vector<1x16xf32>
      tpu.vector_store %arg11[%swap3A_1673, %swap3A_1674], %swap3A_1677 {strides = array<i32>} : memref<80x16xf32, #tpu.memory_space<vmem>>, vector<1x16xf32>,
      %get3A_1678 = arith.constant 76 : i32
      %get3A_1679 = arith.index_cast %get3A_1678 : i32 to index
      %get3A_1680 = arith.constant 0 : index
      %get3A_1681 = tpu.vector_load %arg11[%get3A_1679, %get3A_1680] {strides = array<i32>} : memref<80x16xf32, #tpu.memory_space<vmem>>, vector<1x16xf32>,
      %get3A_1682 = vector.shape_cast %get3A_1681 : vector<1x16xf32> to vector<16xf32>
      %slice3A_1683 = vector.extract_strided_slice %get3A_1497 {offsets = [12], sizes = [1], strides = [1]} : vector<16xf32> to vector<1xf32>
      %squeeze3A_1684 = vector.extract %slice3A_1683[0] : f32 from vector<1xf32>
      %mul3A_1685 = vector.broadcast %squeeze3A_1684 : f32 to vector<16xf32>
      %mul3A_1686 = arith.mulf %get3A_1682, %mul3A_1685 : vector<16xf32>
      %swap3A_1687 = arith.constant 76 : i32
      %swap3A_1688 = arith.index_cast %swap3A_1687 : i32 to index
      %swap3A_1689 = arith.constant 0 : index
      %swap3A_1690 = tpu.vector_load %arg11[%swap3A_1688, %swap3A_1689] {strides = array<i32>} : memref<80x16xf32, #tpu.memory_space<vmem>>, vector<1x16xf32>,
      %swap3A_1691 = vector.shape_cast %swap3A_1690 : vector<1x16xf32> to vector<16xf32>
      %swap3A_1692 = vector.shape_cast %mul3A_1686 : vector<16xf32> to vector<1x16xf32>
      tpu.vector_store %arg11[%swap3A_1688, %swap3A_1689], %swap3A_1692 {strides = array<i32>} : memref<80x16xf32, #tpu.memory_space<vmem>>, vector<1x16xf32>,
      %get3A_1693 = arith.constant 77 : i32
      %get3A_1694 = arith.index_cast %get3A_1693 : i32 to index
      %get3A_1695 = arith.constant 0 : index
      %get3A_1696 = tpu.vector_load %arg11[%get3A_1694, %get3A_1695] {strides = array<i32>} : memref<80x16xf32, #tpu.memory_space<vmem>>, vector<1x16xf32>,
      %get3A_1697 = vector.shape_cast %get3A_1696 : vector<1x16xf32> to vector<16xf32>
      %slice3A_1698 = vector.extract_strided_slice %get3A_1497 {offsets = [13], sizes = [1], strides = [1]} : vector<16xf32> to vector<1xf32>
      %squeeze3A_1699 = vector.extract %slice3A_1698[0] : f32 from vector<1xf32>
      %mul3A_1700 = vector.broadcast %squeeze3A_1699 : f32 to vector<16xf32>
      %mul3A_1701 = arith.mulf %get3A_1697, %mul3A_1700 : vector<16xf32>
      %swap3A_1702 = arith.constant 77 : i32
      %swap3A_1703 = arith.index_cast %swap3A_1702 : i32 to index
      %swap3A_1704 = arith.constant 0 : index
      %swap3A_1705 = tpu.vector_load %arg11[%swap3A_1703, %swap3A_1704] {strides = array<i32>} : memref<80x16xf32, #tpu.memory_space<vmem>>, vector<1x16xf32>,
      %swap3A_1706 = vector.shape_cast %swap3A_1705 : vector<1x16xf32> to vector<16xf32>
      %swap3A_1707 = vector.shape_cast %mul3A_1701 : vector<16xf32> to vector<1x16xf32>
      tpu.vector_store %arg11[%swap3A_1703, %swap3A_1704], %swap3A_1707 {strides = array<i32>} : memref<80x16xf32, #tpu.memory_space<vmem>>, vector<1x16xf32>,
      %get3A_1708 = arith.constant 78 : i32
      %get3A_1709 = arith.index_cast %get3A_1708 : i32 to index
      %get3A_1710 = arith.constant 0 : index
      %get3A_1711 = tpu.vector_load %arg11[%get3A_1709, %get3A_1710] {strides = array<i32>} : memref<80x16xf32, #tpu.memory_space<vmem>>, vector<1x16xf32>,
      %get3A_1712 = vector.shape_cast %get3A_1711 : vector<1x16xf32> to vector<16xf32>
      %slice3A_1713 = vector.extract_strided_slice %get3A_1497 {offsets = [14], sizes = [1], strides = [1]} : vector<16xf32> to vector<1xf32>
      %squeeze3A_1714 = vector.extract %slice3A_1713[0] : f32 from vector<1xf32>
      %mul3A_1715 = vector.broadcast %squeeze3A_1714 : f32 to vector<16xf32>
      %mul3A_1716 = arith.mulf %get3A_1712, %mul3A_1715 : vector<16xf32>
      %swap3A_1717 = arith.constant 78 : i32
      %swap3A_1718 = arith.index_cast %swap3A_1717 : i32 to index
      %swap3A_1719 = arith.constant 0 : index
      %swap3A_1720 = tpu.vector_load %arg11[%swap3A_1718, %swap3A_1719] {strides = array<i32>} : memref<80x16xf32, #tpu.memory_space<vmem>>, vector<1x16xf32>,
      %swap3A_1721 = vector.shape_cast %swap3A_1720 : vector<1x16xf32> to vector<16xf32>
      %swap3A_1722 = vector.shape_cast %mul3A_1716 : vector<16xf32> to vector<1x16xf32>
      tpu.vector_store %arg11[%swap3A_1718, %swap3A_1719], %swap3A_1722 {strides = array<i32>} : memref<80x16xf32, #tpu.memory_space<vmem>>, vector<1x16xf32>,
      %get3A_1723 = arith.constant 79 : i32
      %get3A_1724 = arith.index_cast %get3A_1723 : i32 to index
      %get3A_1725 = arith.constant 0 : index
      %get3A_1726 = tpu.vector_load %arg11[%get3A_1724, %get3A_1725] {strides = array<i32>} : memref<80x16xf32, #tpu.memory_space<vmem>>, vector<1x16xf32>,
      %get3A_1727 = vector.shape_cast %get3A_1726 : vector<1x16xf32> to vector<16xf32>
      %slice3A_1728 = vector.extract_strided_slice %get3A_1497 {offsets = [15], sizes = [1], strides = [1]} : vector<16xf32> to vector<1xf32>
      %squeeze3A_1729 = vector.extract %slice3A_1728[0] : f32 from vector<1xf32>
      %mul3A_1730 = vector.broadcast %squeeze3A_1729 : f32 to vector<16xf32>
      %mul3A_1731 = arith.mulf %get3A_1727, %mul3A_1730 : vector<16xf32>
      %swap3A_1732 = arith.constant 79 : i32
      %swap3A_1733 = arith.index_cast %swap3A_1732 : i32 to index
      %swap3A_1734 = arith.constant 0 : index
      %swap3A_1735 = tpu.vector_load %arg11[%swap3A_1733, %swap3A_1734] {strides = array<i32>} : memref<80x16xf32, #tpu.memory_space<vmem>>, vector<1x16xf32>,
      %swap3A_1736 = vector.shape_cast %swap3A_1735 : vector<1x16xf32> to vector<16xf32>
      %swap3A_1737 = vector.shape_cast %mul3A_1731 : vector<16xf32> to vector<1x16xf32>
      tpu.vector_store %arg11[%swap3A_1733, %swap3A_1734], %swap3A_1737 {strides = array<i32>} : memref<80x16xf32, #tpu.memory_space<vmem>>, vector<1x16xf32>,
      "tpu.region"() ({
        %run_scoped3A = tpu.sem_alloc : memref<!tpu.dma_semaphore, #tpu.memory_space<semaphore_mem>>
        %dma_start3A = arith.constant 0 : i32
        %dma_start3A_1738 = tpu.memref_slice %arg9[%scan3A_520, %dma_start3A] : memref<125x80xi32, #tpu.memory_space<vmem>> -> memref<1x80xi32, #tpu.memory_space<vmem>>
        %dma_start3A_1739 = tpu.memref_squeeze %dma_start3A_1738 : memref<1x80xi32, #tpu.memory_space<vmem>> -> memref<80xi32, #tpu.memory_space<vmem>>
        %dma_start3A_1740 = arith.constant 0 : i32
        %dma_start3A_1741 = arith.constant 0 : i32
        %dma_start3A_1742 = tpu.memref_slice %arg7[%dma_start3A_1740, %dma_start3A_1741] : memref<10240x16xf32, #tpu.memory_space<vmem_shared>> -> memref<10240x16xf32, #tpu.memory_space<vmem_shared>>
        tpu.enqueue_indirect_dma source(%arg11 : memref<80x16xf32, #tpu.memory_space<vmem>>) target(%dma_start3A_1742 : memref<10240x16xf32, #tpu.memory_space<vmem_shared>>) offsets(%dma_start3A_1739 : memref<80xi32, #tpu.memory_space<vmem>>) semaphore(%run_scoped3A : memref<!tpu.dma_semaphore, #tpu.memory_space<semaphore_mem>>) {add = true}
        %dma_wait3A = arith.constant 0 : i32
        %dma_wait3A_1743 = tpu.memref_slice %arg9[%scan3A_520, %dma_wait3A] : memref<125x80xi32, #tpu.memory_space<vmem>> -> memref<1x80xi32, #tpu.memory_space<vmem>>
        %dma_wait3A_1744 = tpu.memref_squeeze %dma_wait3A_1743 : memref<1x80xi32, #tpu.memory_space<vmem>> -> memref<80xi32, #tpu.memory_space<vmem>>
        %dma_wait3A_1745 = arith.constant 0 : i32
        %dma_wait3A_1746 = arith.constant 0 : i32
        %dma_wait3A_1747 = tpu.memref_slice %arg7[%dma_wait3A_1745, %dma_wait3A_1746] : memref<10240x16xf32, #tpu.memory_space<vmem_shared>> -> memref<10240x16xf32, #tpu.memory_space<vmem_shared>>
        tpu.wait_indirect_dma semaphore(%run_scoped3A : memref<!tpu.dma_semaphore, #tpu.memory_space<semaphore_mem>>) src(%arg11 : memref<80x16xf32, #tpu.memory_space<vmem>>) dst(%dma_wait3A_1747 : memref<10240x16xf32, #tpu.memory_space<vmem_shared>>)
        tpu.yield
      }) : () -> ()
    }
    %scan3A_516 = arith.constant 125 : i32
    %barrier3A_517 = arith.constant 0 : index
    tpu.barrier barrier_id(%barrier3A_517)
    %mul3A_518 = arith.constant 640 : i32
    %mul3A_519 = arith.muli %arg1, %mul3A_518 : i32
    "tpu.region"() ({
      %run_scoped3A = tpu.sem_alloc : memref<!tpu.dma_semaphore, #tpu.memory_space<semaphore_mem>>
      %dma_start3A = arith.constant 0 : i32
      %dma_start3A_520 = arith.constant 0 : i32
      %dma_start3A_521 = tpu.memref_slice %arg6[%arg0, %arg1, %dma_start3A, %dma_start3A_520] : memref<2x16x640x16xf32, #tpu.memory_space<hbm>> -> memref<1x1x640x16xf32, #tpu.memory_space<hbm>>
      %dma_start3A_522 = tpu.memref_squeeze %dma_start3A_521 : memref<1x1x640x16xf32, #tpu.memory_space<hbm>> -> memref<640x16xf32, #tpu.memory_space<hbm>>
      %dma_start3A_523 = arith.constant 0 : i32
      %dma_start3A_524 = tpu.memref_slice %arg7[%mul3A_519, %dma_start3A_523] : memref<10240x16xf32, #tpu.memory_space<vmem_shared>> -> memref<640x16xf32, #tpu.memory_space<vmem_shared>>
      tpu.enqueue_dma source(%dma_start3A_524 : memref<640x16xf32, #tpu.memory_space<vmem_shared>>) target(%dma_start3A_522 : memref<640x16xf32, #tpu.memory_space<hbm>>) target_semaphore(%run_scoped3A : memref<!tpu.dma_semaphore, #tpu.memory_space<semaphore_mem>>)
      %dma_wait3A = arith.constant 0 : i32
      %dma_wait3A_525 = arith.constant 0 : i32
      %dma_wait3A_526 = tpu.memref_slice %arg6[%arg0, %arg1, %dma_wait3A, %dma_wait3A_525] : memref<2x16x640x16xf32, #tpu.memory_space<hbm>> -> memref<1x1x640x16xf32, #tpu.memory_space<hbm>>
      %dma_wait3A_527 = tpu.memref_squeeze %dma_wait3A_526 : memref<1x1x640x16xf32, #tpu.memory_space<hbm>> -> memref<640x16xf32, #tpu.memory_space<hbm>>
      %dma_wait3A_528 = arith.constant 0 : i32
      %dma_wait3A_529 = tpu.memref_slice %arg7[%mul3A_519, %dma_wait3A_528] : memref<10240x16xf32, #tpu.memory_space<vmem_shared>> -> memref<640x16xf32, #tpu.memory_space<vmem_shared>>
      tpu.wait_dma2 semaphore(%run_scoped3A : memref<!tpu.dma_semaphore, #tpu.memory_space<semaphore_mem>>) src(%dma_wait3A_529 : memref<640x16xf32, #tpu.memory_space<vmem_shared>>) dst(%dma_wait3A_527 : memref<640x16xf32, #tpu.memory_space<hbm>>)
      tpu.yield
    }) : () -> ()
    return
  }
}

#map = affine_map<(d0, d1) -> (0, 0, 0)>
#map1 = affine_map<(d0, d1) -> (0)>
module attributes {stable_mosaic.version = 14 : i64} {
  func.func @_sc_degree(%arg0: i32, %arg1: i32, %arg2: memref<32x125x80xi32, #tpu.memory_space<hbm>>, %arg3: memref<32x125x80xf32, #tpu.memory_space<hbm>>, %arg4: memref<20480xf32, #tpu.memory_space<hbm>>, %arg5: memref<10240xf32, #tpu.memory_space<vmem_shared>>, %arg6: memref<125x80xi32, #tpu.memory_space<vmem>>, %arg7: memref<125x80xf32, #tpu.memory_space<vmem>>, %arg8: memref<640xf32, #tpu.memory_space<vmem>>) attributes {dimension_semantics = [#tpu.dimension_semantics<core_parallel>, #tpu.dimension_semantics<subcore_parallel>], iteration_bounds = array<i64: 2, 16>, scalar_prefetch = 0 : i64, scratch_operands = 4 : i64, tpu.core_type = #tpu.core_type<sc_vector_subcore>, window_params = [{transform_indices = #map}, {transform_indices = #map}, {transform_indices = #map1}]} {
    %mul3A = arith.constant 16 : i32
    %mul3A_0 = arith.muli %arg0, %mul3A : i32
    %add3A = arith.addi %mul3A_0, %arg1 : i32
    %broadcast_in_dim3A = arith.constant 0.000000e+00 : f32
    %broadcast_in_dim3A_1 = vector.broadcast %broadcast_in_dim3A : f32 to vector<16xf32>
    %swap3A = arith.constant 0 : index
    %swap3A_2 = tpu.vector_load %arg8[%swap3A] {strides = array<i32>} : memref<640xf32, #tpu.memory_space<vmem>>, vector<16xf32>,
    %swap3A_3 = vector.shape_cast %swap3A_2 : vector<16xf32> to vector<16xf32>
    %swap3A_4 = vector.shape_cast %broadcast_in_dim3A_1 : vector<16xf32> to vector<16xf32>
    tpu.vector_store %arg8[%swap3A], %swap3A_4 {strides = array<i32>} : memref<640xf32, #tpu.memory_space<vmem>>, vector<16xf32>,
    %swap3A_5 = arith.constant 16 : index
    %swap3A_6 = tpu.vector_load %arg8[%swap3A_5] {strides = array<i32>} : memref<640xf32, #tpu.memory_space<vmem>>, vector<16xf32>,
    %swap3A_7 = vector.shape_cast %swap3A_6 : vector<16xf32> to vector<16xf32>
    %swap3A_8 = vector.shape_cast %broadcast_in_dim3A_1 : vector<16xf32> to vector<16xf32>
    tpu.vector_store %arg8[%swap3A_5], %swap3A_8 {strides = array<i32>} : memref<640xf32, #tpu.memory_space<vmem>>, vector<16xf32>,
    %swap3A_9 = arith.constant 32 : index
    %swap3A_10 = tpu.vector_load %arg8[%swap3A_9] {strides = array<i32>} : memref<640xf32, #tpu.memory_space<vmem>>, vector<16xf32>,
    %swap3A_11 = vector.shape_cast %swap3A_10 : vector<16xf32> to vector<16xf32>
    %swap3A_12 = vector.shape_cast %broadcast_in_dim3A_1 : vector<16xf32> to vector<16xf32>
    tpu.vector_store %arg8[%swap3A_9], %swap3A_12 {strides = array<i32>} : memref<640xf32, #tpu.memory_space<vmem>>, vector<16xf32>,
    %swap3A_13 = arith.constant 48 : index
    %swap3A_14 = tpu.vector_load %arg8[%swap3A_13] {strides = array<i32>} : memref<640xf32, #tpu.memory_space<vmem>>, vector<16xf32>,
    %swap3A_15 = vector.shape_cast %swap3A_14 : vector<16xf32> to vector<16xf32>
    %swap3A_16 = vector.shape_cast %broadcast_in_dim3A_1 : vector<16xf32> to vector<16xf32>
    tpu.vector_store %arg8[%swap3A_13], %swap3A_16 {strides = array<i32>} : memref<640xf32, #tpu.memory_space<vmem>>, vector<16xf32>,
    %swap3A_17 = arith.constant 64 : index
    %swap3A_18 = tpu.vector_load %arg8[%swap3A_17] {strides = array<i32>} : memref<640xf32, #tpu.memory_space<vmem>>, vector<16xf32>,
    %swap3A_19 = vector.shape_cast %swap3A_18 : vector<16xf32> to vector<16xf32>
    %swap3A_20 = vector.shape_cast %broadcast_in_dim3A_1 : vector<16xf32> to vector<16xf32>
    tpu.vector_store %arg8[%swap3A_17], %swap3A_20 {strides = array<i32>} : memref<640xf32, #tpu.memory_space<vmem>>, vector<16xf32>,
    %swap3A_21 = arith.constant 80 : index
    %swap3A_22 = tpu.vector_load %arg8[%swap3A_21] {strides = array<i32>} : memref<640xf32, #tpu.memory_space<vmem>>, vector<16xf32>,
    %swap3A_23 = vector.shape_cast %swap3A_22 : vector<16xf32> to vector<16xf32>
    %swap3A_24 = vector.shape_cast %broadcast_in_dim3A_1 : vector<16xf32> to vector<16xf32>
    tpu.vector_store %arg8[%swap3A_21], %swap3A_24 {strides = array<i32>} : memref<640xf32, #tpu.memory_space<vmem>>, vector<16xf32>,
    %swap3A_25 = arith.constant 96 : index
    %swap3A_26 = tpu.vector_load %arg8[%swap3A_25] {strides = array<i32>} : memref<640xf32, #tpu.memory_space<vmem>>, vector<16xf32>,
    %swap3A_27 = vector.shape_cast %swap3A_26 : vector<16xf32> to vector<16xf32>
    %swap3A_28 = vector.shape_cast %broadcast_in_dim3A_1 : vector<16xf32> to vector<16xf32>
    tpu.vector_store %arg8[%swap3A_25], %swap3A_28 {strides = array<i32>} : memref<640xf32, #tpu.memory_space<vmem>>, vector<16xf32>,
    %swap3A_29 = arith.constant 112 : index
    %swap3A_30 = tpu.vector_load %arg8[%swap3A_29] {strides = array<i32>} : memref<640xf32, #tpu.memory_space<vmem>>, vector<16xf32>,
    %swap3A_31 = vector.shape_cast %swap3A_30 : vector<16xf32> to vector<16xf32>
    %swap3A_32 = vector.shape_cast %broadcast_in_dim3A_1 : vector<16xf32> to vector<16xf32>
    tpu.vector_store %arg8[%swap3A_29], %swap3A_32 {strides = array<i32>} : memref<640xf32, #tpu.memory_space<vmem>>, vector<16xf32>,
    %swap3A_33 = arith.constant 128 : index
    %swap3A_34 = tpu.vector_load %arg8[%swap3A_33] {strides = array<i32>} : memref<640xf32, #tpu.memory_space<vmem>>, vector<16xf32>,
    %swap3A_35 = vector.shape_cast %swap3A_34 : vector<16xf32> to vector<16xf32>
    %swap3A_36 = vector.shape_cast %broadcast_in_dim3A_1 : vector<16xf32> to vector<16xf32>
    tpu.vector_store %arg8[%swap3A_33], %swap3A_36 {strides = array<i32>} : memref<640xf32, #tpu.memory_space<vmem>>, vector<16xf32>,
    %swap3A_37 = arith.constant 144 : index
    %swap3A_38 = tpu.vector_load %arg8[%swap3A_37] {strides = array<i32>} : memref<640xf32, #tpu.memory_space<vmem>>, vector<16xf32>,
    %swap3A_39 = vector.shape_cast %swap3A_38 : vector<16xf32> to vector<16xf32>
    %swap3A_40 = vector.shape_cast %broadcast_in_dim3A_1 : vector<16xf32> to vector<16xf32>
    tpu.vector_store %arg8[%swap3A_37], %swap3A_40 {strides = array<i32>} : memref<640xf32, #tpu.memory_space<vmem>>, vector<16xf32>,
    %swap3A_41 = arith.constant 160 : index
    %swap3A_42 = tpu.vector_load %arg8[%swap3A_41] {strides = array<i32>} : memref<640xf32, #tpu.memory_space<vmem>>, vector<16xf32>,
    %swap3A_43 = vector.shape_cast %swap3A_42 : vector<16xf32> to vector<16xf32>
    %swap3A_44 = vector.shape_cast %broadcast_in_dim3A_1 : vector<16xf32> to vector<16xf32>
    tpu.vector_store %arg8[%swap3A_41], %swap3A_44 {strides = array<i32>} : memref<640xf32, #tpu.memory_space<vmem>>, vector<16xf32>,
    %swap3A_45 = arith.constant 176 : index
    %swap3A_46 = tpu.vector_load %arg8[%swap3A_45] {strides = array<i32>} : memref<640xf32, #tpu.memory_space<vmem>>, vector<16xf32>,
    %swap3A_47 = vector.shape_cast %swap3A_46 : vector<16xf32> to vector<16xf32>
    %swap3A_48 = vector.shape_cast %broadcast_in_dim3A_1 : vector<16xf32> to vector<16xf32>
    tpu.vector_store %arg8[%swap3A_45], %swap3A_48 {strides = array<i32>} : memref<640xf32, #tpu.memory_space<vmem>>, vector<16xf32>,
    %swap3A_49 = arith.constant 192 : index
    %swap3A_50 = tpu.vector_load %arg8[%swap3A_49] {strides = array<i32>} : memref<640xf32, #tpu.memory_space<vmem>>, vector<16xf32>,
    %swap3A_51 = vector.shape_cast %swap3A_50 : vector<16xf32> to vector<16xf32>
    %swap3A_52 = vector.shape_cast %broadcast_in_dim3A_1 : vector<16xf32> to vector<16xf32>
    tpu.vector_store %arg8[%swap3A_49], %swap3A_52 {strides = array<i32>} : memref<640xf32, #tpu.memory_space<vmem>>, vector<16xf32>,
    %swap3A_53 = arith.constant 208 : index
    %swap3A_54 = tpu.vector_load %arg8[%swap3A_53] {strides = array<i32>} : memref<640xf32, #tpu.memory_space<vmem>>, vector<16xf32>,
    %swap3A_55 = vector.shape_cast %swap3A_54 : vector<16xf32> to vector<16xf32>
    %swap3A_56 = vector.shape_cast %broadcast_in_dim3A_1 : vector<16xf32> to vector<16xf32>
    tpu.vector_store %arg8[%swap3A_53], %swap3A_56 {strides = array<i32>} : memref<640xf32, #tpu.memory_space<vmem>>, vector<16xf32>,
    %swap3A_57 = arith.constant 224 : index
    %swap3A_58 = tpu.vector_load %arg8[%swap3A_57] {strides = array<i32>} : memref<640xf32, #tpu.memory_space<vmem>>, vector<16xf32>,
    %swap3A_59 = vector.shape_cast %swap3A_58 : vector<16xf32> to vector<16xf32>
    %swap3A_60 = vector.shape_cast %broadcast_in_dim3A_1 : vector<16xf32> to vector<16xf32>
    tpu.vector_store %arg8[%swap3A_57], %swap3A_60 {strides = array<i32>} : memref<640xf32, #tpu.memory_space<vmem>>, vector<16xf32>,
    %swap3A_61 = arith.constant 240 : index
    %swap3A_62 = tpu.vector_load %arg8[%swap3A_61] {strides = array<i32>} : memref<640xf32, #tpu.memory_space<vmem>>, vector<16xf32>,
    %swap3A_63 = vector.shape_cast %swap3A_62 : vector<16xf32> to vector<16xf32>
    %swap3A_64 = vector.shape_cast %broadcast_in_dim3A_1 : vector<16xf32> to vector<16xf32>
    tpu.vector_store %arg8[%swap3A_61], %swap3A_64 {strides = array<i32>} : memref<640xf32, #tpu.memory_space<vmem>>, vector<16xf32>,
    %swap3A_65 = arith.constant 256 : index
    %swap3A_66 = tpu.vector_load %arg8[%swap3A_65] {strides = array<i32>} : memref<640xf32, #tpu.memory_space<vmem>>, vector<16xf32>,
    %swap3A_67 = vector.shape_cast %swap3A_66 : vector<16xf32> to vector<16xf32>
    %swap3A_68 = vector.shape_cast %broadcast_in_dim3A_1 : vector<16xf32> to vector<16xf32>
    tpu.vector_store %arg8[%swap3A_65], %swap3A_68 {strides = array<i32>} : memref<640xf32, #tpu.memory_space<vmem>>, vector<16xf32>,
    %swap3A_69 = arith.constant 272 : index
    %swap3A_70 = tpu.vector_load %arg8[%swap3A_69] {strides = array<i32>} : memref<640xf32, #tpu.memory_space<vmem>>, vector<16xf32>,
    %swap3A_71 = vector.shape_cast %swap3A_70 : vector<16xf32> to vector<16xf32>
    %swap3A_72 = vector.shape_cast %broadcast_in_dim3A_1 : vector<16xf32> to vector<16xf32>
    tpu.vector_store %arg8[%swap3A_69], %swap3A_72 {strides = array<i32>} : memref<640xf32, #tpu.memory_space<vmem>>, vector<16xf32>,
    %swap3A_73 = arith.constant 288 : index
    %swap3A_74 = tpu.vector_load %arg8[%swap3A_73] {strides = array<i32>} : memref<640xf32, #tpu.memory_space<vmem>>, vector<16xf32>,
    %swap3A_75 = vector.shape_cast %swap3A_74 : vector<16xf32> to vector<16xf32>
    %swap3A_76 = vector.shape_cast %broadcast_in_dim3A_1 : vector<16xf32> to vector<16xf32>
    tpu.vector_store %arg8[%swap3A_73], %swap3A_76 {strides = array<i32>} : memref<640xf32, #tpu.memory_space<vmem>>, vector<16xf32>,
    %swap3A_77 = arith.constant 304 : index
    %swap3A_78 = tpu.vector_load %arg8[%swap3A_77] {strides = array<i32>} : memref<640xf32, #tpu.memory_space<vmem>>, vector<16xf32>,
    %swap3A_79 = vector.shape_cast %swap3A_78 : vector<16xf32> to vector<16xf32>
    %swap3A_80 = vector.shape_cast %broadcast_in_dim3A_1 : vector<16xf32> to vector<16xf32>
    tpu.vector_store %arg8[%swap3A_77], %swap3A_80 {strides = array<i32>} : memref<640xf32, #tpu.memory_space<vmem>>, vector<16xf32>,
    %swap3A_81 = arith.constant 320 : index
    %swap3A_82 = tpu.vector_load %arg8[%swap3A_81] {strides = array<i32>} : memref<640xf32, #tpu.memory_space<vmem>>, vector<16xf32>,
    %swap3A_83 = vector.shape_cast %swap3A_82 : vector<16xf32> to vector<16xf32>
    %swap3A_84 = vector.shape_cast %broadcast_in_dim3A_1 : vector<16xf32> to vector<16xf32>
    tpu.vector_store %arg8[%swap3A_81], %swap3A_84 {strides = array<i32>} : memref<640xf32, #tpu.memory_space<vmem>>, vector<16xf32>,
    %swap3A_85 = arith.constant 336 : index
    %swap3A_86 = tpu.vector_load %arg8[%swap3A_85] {strides = array<i32>} : memref<640xf32, #tpu.memory_space<vmem>>, vector<16xf32>,
    %swap3A_87 = vector.shape_cast %swap3A_86 : vector<16xf32> to vector<16xf32>
    %swap3A_88 = vector.shape_cast %broadcast_in_dim3A_1 : vector<16xf32> to vector<16xf32>
    tpu.vector_store %arg8[%swap3A_85], %swap3A_88 {strides = array<i32>} : memref<640xf32, #tpu.memory_space<vmem>>, vector<16xf32>,
    %swap3A_89 = arith.constant 352 : index
    %swap3A_90 = tpu.vector_load %arg8[%swap3A_89] {strides = array<i32>} : memref<640xf32, #tpu.memory_space<vmem>>, vector<16xf32>,
    %swap3A_91 = vector.shape_cast %swap3A_90 : vector<16xf32> to vector<16xf32>
    %swap3A_92 = vector.shape_cast %broadcast_in_dim3A_1 : vector<16xf32> to vector<16xf32>
    tpu.vector_store %arg8[%swap3A_89], %swap3A_92 {strides = array<i32>} : memref<640xf32, #tpu.memory_space<vmem>>, vector<16xf32>,
    %swap3A_93 = arith.constant 368 : index
    %swap3A_94 = tpu.vector_load %arg8[%swap3A_93] {strides = array<i32>} : memref<640xf32, #tpu.memory_space<vmem>>, vector<16xf32>,
    %swap3A_95 = vector.shape_cast %swap3A_94 : vector<16xf32> to vector<16xf32>
    %swap3A_96 = vector.shape_cast %broadcast_in_dim3A_1 : vector<16xf32> to vector<16xf32>
    tpu.vector_store %arg8[%swap3A_93], %swap3A_96 {strides = array<i32>} : memref<640xf32, #tpu.memory_space<vmem>>, vector<16xf32>,
    %swap3A_97 = arith.constant 384 : index
    %swap3A_98 = tpu.vector_load %arg8[%swap3A_97] {strides = array<i32>} : memref<640xf32, #tpu.memory_space<vmem>>, vector<16xf32>,
    %swap3A_99 = vector.shape_cast %swap3A_98 : vector<16xf32> to vector<16xf32>
    %swap3A_100 = vector.shape_cast %broadcast_in_dim3A_1 : vector<16xf32> to vector<16xf32>
    tpu.vector_store %arg8[%swap3A_97], %swap3A_100 {strides = array<i32>} : memref<640xf32, #tpu.memory_space<vmem>>, vector<16xf32>,
    %swap3A_101 = arith.constant 400 : index
    %swap3A_102 = tpu.vector_load %arg8[%swap3A_101] {strides = array<i32>} : memref<640xf32, #tpu.memory_space<vmem>>, vector<16xf32>,
    %swap3A_103 = vector.shape_cast %swap3A_102 : vector<16xf32> to vector<16xf32>
    %swap3A_104 = vector.shape_cast %broadcast_in_dim3A_1 : vector<16xf32> to vector<16xf32>
    tpu.vector_store %arg8[%swap3A_101], %swap3A_104 {strides = array<i32>} : memref<640xf32, #tpu.memory_space<vmem>>, vector<16xf32>,
    %swap3A_105 = arith.constant 416 : index
    %swap3A_106 = tpu.vector_load %arg8[%swap3A_105] {strides = array<i32>} : memref<640xf32, #tpu.memory_space<vmem>>, vector<16xf32>,
    %swap3A_107 = vector.shape_cast %swap3A_106 : vector<16xf32> to vector<16xf32>
    %swap3A_108 = vector.shape_cast %broadcast_in_dim3A_1 : vector<16xf32> to vector<16xf32>
    tpu.vector_store %arg8[%swap3A_105], %swap3A_108 {strides = array<i32>} : memref<640xf32, #tpu.memory_space<vmem>>, vector<16xf32>,
    %swap3A_109 = arith.constant 432 : index
    %swap3A_110 = tpu.vector_load %arg8[%swap3A_109] {strides = array<i32>} : memref<640xf32, #tpu.memory_space<vmem>>, vector<16xf32>,
    %swap3A_111 = vector.shape_cast %swap3A_110 : vector<16xf32> to vector<16xf32>
    %swap3A_112 = vector.shape_cast %broadcast_in_dim3A_1 : vector<16xf32> to vector<16xf32>
    tpu.vector_store %arg8[%swap3A_109], %swap3A_112 {strides = array<i32>} : memref<640xf32, #tpu.memory_space<vmem>>, vector<16xf32>,
    %swap3A_113 = arith.constant 448 : index
    %swap3A_114 = tpu.vector_load %arg8[%swap3A_113] {strides = array<i32>} : memref<640xf32, #tpu.memory_space<vmem>>, vector<16xf32>,
    %swap3A_115 = vector.shape_cast %swap3A_114 : vector<16xf32> to vector<16xf32>
    %swap3A_116 = vector.shape_cast %broadcast_in_dim3A_1 : vector<16xf32> to vector<16xf32>
    tpu.vector_store %arg8[%swap3A_113], %swap3A_116 {strides = array<i32>} : memref<640xf32, #tpu.memory_space<vmem>>, vector<16xf32>,
    %swap3A_117 = arith.constant 464 : index
    %swap3A_118 = tpu.vector_load %arg8[%swap3A_117] {strides = array<i32>} : memref<640xf32, #tpu.memory_space<vmem>>, vector<16xf32>,
    %swap3A_119 = vector.shape_cast %swap3A_118 : vector<16xf32> to vector<16xf32>
    %swap3A_120 = vector.shape_cast %broadcast_in_dim3A_1 : vector<16xf32> to vector<16xf32>
    tpu.vector_store %arg8[%swap3A_117], %swap3A_120 {strides = array<i32>} : memref<640xf32, #tpu.memory_space<vmem>>, vector<16xf32>,
    %swap3A_121 = arith.constant 480 : index
    %swap3A_122 = tpu.vector_load %arg8[%swap3A_121] {strides = array<i32>} : memref<640xf32, #tpu.memory_space<vmem>>, vector<16xf32>,
    %swap3A_123 = vector.shape_cast %swap3A_122 : vector<16xf32> to vector<16xf32>
    %swap3A_124 = vector.shape_cast %broadcast_in_dim3A_1 : vector<16xf32> to vector<16xf32>
    tpu.vector_store %arg8[%swap3A_121], %swap3A_124 {strides = array<i32>} : memref<640xf32, #tpu.memory_space<vmem>>, vector<16xf32>,
    %swap3A_125 = arith.constant 496 : index
    %swap3A_126 = tpu.vector_load %arg8[%swap3A_125] {strides = array<i32>} : memref<640xf32, #tpu.memory_space<vmem>>, vector<16xf32>,
    %swap3A_127 = vector.shape_cast %swap3A_126 : vector<16xf32> to vector<16xf32>
    %swap3A_128 = vector.shape_cast %broadcast_in_dim3A_1 : vector<16xf32> to vector<16xf32>
    tpu.vector_store %arg8[%swap3A_125], %swap3A_128 {strides = array<i32>} : memref<640xf32, #tpu.memory_space<vmem>>, vector<16xf32>,
    %swap3A_129 = arith.constant 512 : index
    %swap3A_130 = tpu.vector_load %arg8[%swap3A_129] {strides = array<i32>} : memref<640xf32, #tpu.memory_space<vmem>>, vector<16xf32>,
    %swap3A_131 = vector.shape_cast %swap3A_130 : vector<16xf32> to vector<16xf32>
    %swap3A_132 = vector.shape_cast %broadcast_in_dim3A_1 : vector<16xf32> to vector<16xf32>
    tpu.vector_store %arg8[%swap3A_129], %swap3A_132 {strides = array<i32>} : memref<640xf32, #tpu.memory_space<vmem>>, vector<16xf32>,
    %swap3A_133 = arith.constant 528 : index
    %swap3A_134 = tpu.vector_load %arg8[%swap3A_133] {strides = array<i32>} : memref<640xf32, #tpu.memory_space<vmem>>, vector<16xf32>,
    %swap3A_135 = vector.shape_cast %swap3A_134 : vector<16xf32> to vector<16xf32>
    %swap3A_136 = vector.shape_cast %broadcast_in_dim3A_1 : vector<16xf32> to vector<16xf32>
    tpu.vector_store %arg8[%swap3A_133], %swap3A_136 {strides = array<i32>} : memref<640xf32, #tpu.memory_space<vmem>>, vector<16xf32>,
    %swap3A_137 = arith.constant 544 : index
    %swap3A_138 = tpu.vector_load %arg8[%swap3A_137] {strides = array<i32>} : memref<640xf32, #tpu.memory_space<vmem>>, vector<16xf32>,
    %swap3A_139 = vector.shape_cast %swap3A_138 : vector<16xf32> to vector<16xf32>
    %swap3A_140 = vector.shape_cast %broadcast_in_dim3A_1 : vector<16xf32> to vector<16xf32>
    tpu.vector_store %arg8[%swap3A_137], %swap3A_140 {strides = array<i32>} : memref<640xf32, #tpu.memory_space<vmem>>, vector<16xf32>,
    %swap3A_141 = arith.constant 560 : index
    %swap3A_142 = tpu.vector_load %arg8[%swap3A_141] {strides = array<i32>} : memref<640xf32, #tpu.memory_space<vmem>>, vector<16xf32>,
    %swap3A_143 = vector.shape_cast %swap3A_142 : vector<16xf32> to vector<16xf32>
    %swap3A_144 = vector.shape_cast %broadcast_in_dim3A_1 : vector<16xf32> to vector<16xf32>
    tpu.vector_store %arg8[%swap3A_141], %swap3A_144 {strides = array<i32>} : memref<640xf32, #tpu.memory_space<vmem>>, vector<16xf32>,
    %swap3A_145 = arith.constant 576 : index
    %swap3A_146 = tpu.vector_load %arg8[%swap3A_145] {strides = array<i32>} : memref<640xf32, #tpu.memory_space<vmem>>, vector<16xf32>,
    %swap3A_147 = vector.shape_cast %swap3A_146 : vector<16xf32> to vector<16xf32>
    %swap3A_148 = vector.shape_cast %broadcast_in_dim3A_1 : vector<16xf32> to vector<16xf32>
    tpu.vector_store %arg8[%swap3A_145], %swap3A_148 {strides = array<i32>} : memref<640xf32, #tpu.memory_space<vmem>>, vector<16xf32>,
    %swap3A_149 = arith.constant 592 : index
    %swap3A_150 = tpu.vector_load %arg8[%swap3A_149] {strides = array<i32>} : memref<640xf32, #tpu.memory_space<vmem>>, vector<16xf32>,
    %swap3A_151 = vector.shape_cast %swap3A_150 : vector<16xf32> to vector<16xf32>
    %swap3A_152 = vector.shape_cast %broadcast_in_dim3A_1 : vector<16xf32> to vector<16xf32>
    tpu.vector_store %arg8[%swap3A_149], %swap3A_152 {strides = array<i32>} : memref<640xf32, #tpu.memory_space<vmem>>, vector<16xf32>,
    %swap3A_153 = arith.constant 608 : index
    %swap3A_154 = tpu.vector_load %arg8[%swap3A_153] {strides = array<i32>} : memref<640xf32, #tpu.memory_space<vmem>>, vector<16xf32>,
    %swap3A_155 = vector.shape_cast %swap3A_154 : vector<16xf32> to vector<16xf32>
    %swap3A_156 = vector.shape_cast %broadcast_in_dim3A_1 : vector<16xf32> to vector<16xf32>
    tpu.vector_store %arg8[%swap3A_153], %swap3A_156 {strides = array<i32>} : memref<640xf32, #tpu.memory_space<vmem>>, vector<16xf32>,
    %swap3A_157 = arith.constant 624 : index
    %swap3A_158 = tpu.vector_load %arg8[%swap3A_157] {strides = array<i32>} : memref<640xf32, #tpu.memory_space<vmem>>, vector<16xf32>,
    %swap3A_159 = vector.shape_cast %swap3A_158 : vector<16xf32> to vector<16xf32>
    %swap3A_160 = vector.shape_cast %broadcast_in_dim3A_1 : vector<16xf32> to vector<16xf32>
    tpu.vector_store %arg8[%swap3A_157], %swap3A_160 {strides = array<i32>} : memref<640xf32, #tpu.memory_space<vmem>>, vector<16xf32>,
    %mul3A_161 = arith.constant 640 : i32
    %mul3A_162 = arith.muli %arg1, %mul3A_161 : i32
    "tpu.region"() ({
      %run_scoped3A = tpu.sem_alloc : memref<!tpu.dma_semaphore, #tpu.memory_space<semaphore_mem>>
      %dma_start3A = tpu.memref_slice %arg5[%mul3A_162] : memref<10240xf32, #tpu.memory_space<vmem_shared>> -> memref<640xf32, #tpu.memory_space<vmem_shared>>
      %dma_start3A_175 = tpu.memref_slice %arg5[%mul3A_162] : memref<10240xf32, #tpu.memory_space<vmem_shared>> -> memref<640xf32, #tpu.memory_space<vmem_shared>>
      tpu.enqueue_dma source(%arg8 : memref<640xf32, #tpu.memory_space<vmem>>) target(%dma_start3A_175 : memref<640xf32, #tpu.memory_space<vmem_shared>>) target_semaphore(%run_scoped3A : memref<!tpu.dma_semaphore, #tpu.memory_space<semaphore_mem>>)
      %dma_wait3A = tpu.memref_slice %arg5[%mul3A_162] : memref<10240xf32, #tpu.memory_space<vmem_shared>> -> memref<640xf32, #tpu.memory_space<vmem_shared>>
      %dma_wait3A_176 = tpu.memref_slice %arg5[%mul3A_162] : memref<10240xf32, #tpu.memory_space<vmem_shared>> -> memref<640xf32, #tpu.memory_space<vmem_shared>>
      tpu.wait_dma2 semaphore(%run_scoped3A : memref<!tpu.dma_semaphore, #tpu.memory_space<semaphore_mem>>) src(%arg8 : memref<640xf32, #tpu.memory_space<vmem>>) dst(%dma_wait3A_176 : memref<640xf32, #tpu.memory_space<vmem_shared>>)
      tpu.yield
    }) : () -> ()
    "tpu.region"() ({
      %run_scoped3A = tpu.sem_alloc : memref<!tpu.dma_semaphore, #tpu.memory_space<semaphore_mem>>
      %dma_start3A = arith.constant 0 : i32
      %dma_start3A_175 = arith.constant 0 : i32
      %dma_start3A_176 = tpu.memref_slice %arg2[%add3A, %dma_start3A, %dma_start3A_175] : memref<32x125x80xi32, #tpu.memory_space<hbm>> -> memref<1x125x80xi32, #tpu.memory_space<hbm>>
      %dma_start3A_177 = tpu.memref_squeeze %dma_start3A_176 : memref<1x125x80xi32, #tpu.memory_space<hbm>> -> memref<125x80xi32, #tpu.memory_space<hbm>>
      %dma_start3A_178 = arith.constant 0 : i32
      %dma_start3A_179 = arith.constant 0 : i32
      %dma_start3A_180 = tpu.memref_slice %arg2[%add3A, %dma_start3A_178, %dma_start3A_179] : memref<32x125x80xi32, #tpu.memory_space<hbm>> -> memref<1x125x80xi32, #tpu.memory_space<hbm>>
      %dma_start3A_181 = tpu.memref_squeeze %dma_start3A_180 : memref<1x125x80xi32, #tpu.memory_space<hbm>> -> memref<125x80xi32, #tpu.memory_space<hbm>>
      tpu.enqueue_dma source(%dma_start3A_181 : memref<125x80xi32, #tpu.memory_space<hbm>>) target(%arg6 : memref<125x80xi32, #tpu.memory_space<vmem>>) target_semaphore(%run_scoped3A : memref<!tpu.dma_semaphore, #tpu.memory_space<semaphore_mem>>)
      %dma_wait3A = arith.constant 0 : i32
      %dma_wait3A_182 = arith.constant 0 : i32
      %dma_wait3A_183 = tpu.memref_slice %arg2[%add3A, %dma_wait3A, %dma_wait3A_182] : memref<32x125x80xi32, #tpu.memory_space<hbm>> -> memref<1x125x80xi32, #tpu.memory_space<hbm>>
      %dma_wait3A_184 = tpu.memref_squeeze %dma_wait3A_183 : memref<1x125x80xi32, #tpu.memory_space<hbm>> -> memref<125x80xi32, #tpu.memory_space<hbm>>
      %dma_wait3A_185 = arith.constant 0 : i32
      %dma_wait3A_186 = arith.constant 0 : i32
      %dma_wait3A_187 = tpu.memref_slice %arg2[%add3A, %dma_wait3A_185, %dma_wait3A_186] : memref<32x125x80xi32, #tpu.memory_space<hbm>> -> memref<1x125x80xi32, #tpu.memory_space<hbm>>
      %dma_wait3A_188 = tpu.memref_squeeze %dma_wait3A_187 : memref<1x125x80xi32, #tpu.memory_space<hbm>> -> memref<125x80xi32, #tpu.memory_space<hbm>>
      tpu.wait_dma2 semaphore(%run_scoped3A : memref<!tpu.dma_semaphore, #tpu.memory_space<semaphore_mem>>) src(%dma_wait3A_188 : memref<125x80xi32, #tpu.memory_space<hbm>>) dst(%arg6 : memref<125x80xi32, #tpu.memory_space<vmem>>)
      tpu.yield
    }) : () -> ()
    "tpu.region"() ({
      %run_scoped3A = tpu.sem_alloc : memref<!tpu.dma_semaphore, #tpu.memory_space<semaphore_mem>>
      %dma_start3A = arith.constant 0 : i32
      %dma_start3A_175 = arith.constant 0 : i32
      %dma_start3A_176 = tpu.memref_slice %arg3[%add3A, %dma_start3A, %dma_start3A_175] : memref<32x125x80xf32, #tpu.memory_space<hbm>> -> memref<1x125x80xf32, #tpu.memory_space<hbm>>
      %dma_start3A_177 = tpu.memref_squeeze %dma_start3A_176 : memref<1x125x80xf32, #tpu.memory_space<hbm>> -> memref<125x80xf32, #tpu.memory_space<hbm>>
      %dma_start3A_178 = arith.constant 0 : i32
      %dma_start3A_179 = arith.constant 0 : i32
      %dma_start3A_180 = tpu.memref_slice %arg3[%add3A, %dma_start3A_178, %dma_start3A_179] : memref<32x125x80xf32, #tpu.memory_space<hbm>> -> memref<1x125x80xf32, #tpu.memory_space<hbm>>
      %dma_start3A_181 = tpu.memref_squeeze %dma_start3A_180 : memref<1x125x80xf32, #tpu.memory_space<hbm>> -> memref<125x80xf32, #tpu.memory_space<hbm>>
      tpu.enqueue_dma source(%dma_start3A_181 : memref<125x80xf32, #tpu.memory_space<hbm>>) target(%arg7 : memref<125x80xf32, #tpu.memory_space<vmem>>) target_semaphore(%run_scoped3A : memref<!tpu.dma_semaphore, #tpu.memory_space<semaphore_mem>>)
      %dma_wait3A = arith.constant 0 : i32
      %dma_wait3A_182 = arith.constant 0 : i32
      %dma_wait3A_183 = tpu.memref_slice %arg3[%add3A, %dma_wait3A, %dma_wait3A_182] : memref<32x125x80xf32, #tpu.memory_space<hbm>> -> memref<1x125x80xf32, #tpu.memory_space<hbm>>
      %dma_wait3A_184 = tpu.memref_squeeze %dma_wait3A_183 : memref<1x125x80xf32, #tpu.memory_space<hbm>> -> memref<125x80xf32, #tpu.memory_space<hbm>>
      %dma_wait3A_185 = arith.constant 0 : i32
      %dma_wait3A_186 = arith.constant 0 : i32
      %dma_wait3A_187 = tpu.memref_slice %arg3[%add3A, %dma_wait3A_185, %dma_wait3A_186] : memref<32x125x80xf32, #tpu.memory_space<hbm>> -> memref<1x125x80xf32, #tpu.memory_space<hbm>>
      %dma_wait3A_188 = tpu.memref_squeeze %dma_wait3A_187 : memref<1x125x80xf32, #tpu.memory_space<hbm>> -> memref<125x80xf32, #tpu.memory_space<hbm>>
      tpu.wait_dma2 semaphore(%run_scoped3A : memref<!tpu.dma_semaphore, #tpu.memory_space<semaphore_mem>>) src(%dma_wait3A_188 : memref<125x80xf32, #tpu.memory_space<hbm>>) dst(%arg7 : memref<125x80xf32, #tpu.memory_space<vmem>>)
      tpu.yield
    }) : () -> ()
    %barrier3A = arith.constant 0 : index
    tpu.barrier barrier_id(%barrier3A)
    %scan3A = arith.constant 0 : i32
    %scan3A_163 = arith.constant 125 : i32
    %scan3A_164 = arith.addi %scan3A, %scan3A_163 : i32
    %scan3A_165 = arith.constant 1 : i32
    scf.for %scan3A_175 = %scan3A to %scan3A_164 step %scan3A_165  : i32 {
      "tpu.region"() ({
        %run_scoped3A = tpu.sem_alloc : memref<!tpu.dma_semaphore, #tpu.memory_space<semaphore_mem>>
        %dma_start3A = arith.constant 0 : i32
        %dma_start3A_176 = tpu.memref_slice %arg7[%scan3A_175, %dma_start3A] : memref<125x80xf32, #tpu.memory_space<vmem>> -> memref<1x80xf32, #tpu.memory_space<vmem>>
        %dma_start3A_177 = tpu.memref_squeeze %dma_start3A_176 : memref<1x80xf32, #tpu.memory_space<vmem>> -> memref<80xf32, #tpu.memory_space<vmem>>
        %dma_start3A_178 = arith.constant 0 : i32
        %dma_start3A_179 = tpu.memref_slice %arg6[%scan3A_175, %dma_start3A_178] : memref<125x80xi32, #tpu.memory_space<vmem>> -> memref<1x80xi32, #tpu.memory_space<vmem>>
        %dma_start3A_180 = tpu.memref_squeeze %dma_start3A_179 : memref<1x80xi32, #tpu.memory_space<vmem>> -> memref<80xi32, #tpu.memory_space<vmem>>
        %dma_start3A_181 = arith.constant 0 : i32
        %dma_start3A_182 = tpu.memref_slice %arg5[%dma_start3A_181] : memref<10240xf32, #tpu.memory_space<vmem_shared>> -> memref<10240xf32, #tpu.memory_space<vmem_shared>>
        tpu.enqueue_indirect_dma source(%dma_start3A_177 : memref<80xf32, #tpu.memory_space<vmem>>) target(%dma_start3A_182 : memref<10240xf32, #tpu.memory_space<vmem_shared>>) offsets(%dma_start3A_180 : memref<80xi32, #tpu.memory_space<vmem>>) semaphore(%run_scoped3A : memref<!tpu.dma_semaphore, #tpu.memory_space<semaphore_mem>>) {add = true}
        %dma_wait3A = arith.constant 0 : i32
        %dma_wait3A_183 = tpu.memref_slice %arg7[%scan3A_175, %dma_wait3A] : memref<125x80xf32, #tpu.memory_space<vmem>> -> memref<1x80xf32, #tpu.memory_space<vmem>>
        %dma_wait3A_184 = tpu.memref_squeeze %dma_wait3A_183 : memref<1x80xf32, #tpu.memory_space<vmem>> -> memref<80xf32, #tpu.memory_space<vmem>>
        %dma_wait3A_185 = arith.constant 0 : i32
        %dma_wait3A_186 = tpu.memref_slice %arg6[%scan3A_175, %dma_wait3A_185] : memref<125x80xi32, #tpu.memory_space<vmem>> -> memref<1x80xi32, #tpu.memory_space<vmem>>
        %dma_wait3A_187 = tpu.memref_squeeze %dma_wait3A_186 : memref<1x80xi32, #tpu.memory_space<vmem>> -> memref<80xi32, #tpu.memory_space<vmem>>
        %dma_wait3A_188 = arith.constant 0 : i32
        %dma_wait3A_189 = tpu.memref_slice %arg5[%dma_wait3A_188] : memref<10240xf32, #tpu.memory_space<vmem_shared>> -> memref<10240xf32, #tpu.memory_space<vmem_shared>>
        tpu.wait_indirect_dma semaphore(%run_scoped3A : memref<!tpu.dma_semaphore, #tpu.memory_space<semaphore_mem>>) src(%dma_wait3A_184 : memref<80xf32, #tpu.memory_space<vmem>>) dst(%dma_wait3A_189 : memref<10240xf32, #tpu.memory_space<vmem_shared>>)
        tpu.yield
      }) : () -> ()
    }
    %scan3A_166 = arith.constant 125 : i32
    %barrier3A_167 = arith.constant 0 : index
    tpu.barrier barrier_id(%barrier3A_167)
    %mul3A_168 = arith.constant 640 : i32
    %mul3A_169 = arith.muli %arg1, %mul3A_168 : i32
    %mul3A_170 = arith.constant 10240 : i32
    %mul3A_171 = arith.muli %arg0, %mul3A_170 : i32
    %mul3A_172 = arith.constant 640 : i32
    %mul3A_173 = arith.muli %arg1, %mul3A_172 : i32
    %add3A_174 = arith.addi %mul3A_171, %mul3A_173 : i32
    "tpu.region"() ({
      %run_scoped3A = tpu.sem_alloc : memref<!tpu.dma_semaphore, #tpu.memory_space<semaphore_mem>>
      %dma_start3A = tpu.memref_slice %arg4[%add3A_174] : memref<20480xf32, #tpu.memory_space<hbm>> -> memref<640xf32, #tpu.memory_space<hbm>>
      %dma_start3A_175 = tpu.memref_slice %arg5[%mul3A_169] : memref<10240xf32, #tpu.memory_space<vmem_shared>> -> memref<640xf32, #tpu.memory_space<vmem_shared>>
      tpu.enqueue_dma source(%dma_start3A_175 : memref<640xf32, #tpu.memory_space<vmem_shared>>) target(%dma_start3A : memref<640xf32, #tpu.memory_space<hbm>>) target_semaphore(%run_scoped3A : memref<!tpu.dma_semaphore, #tpu.memory_space<semaphore_mem>>)
      %dma_wait3A = tpu.memref_slice %arg4[%add3A_174] : memref<20480xf32, #tpu.memory_space<hbm>> -> memref<640xf32, #tpu.memory_space<hbm>>
      %dma_wait3A_176 = tpu.memref_slice %arg5[%mul3A_169] : memref<10240xf32, #tpu.memory_space<vmem_shared>> -> memref<640xf32, #tpu.memory_space<vmem_shared>>
      tpu.wait_dma2 semaphore(%run_scoped3A : memref<!tpu.dma_semaphore, #tpu.memory_space<semaphore_mem>>) src(%dma_wait3A_176 : memref<640xf32, #tpu.memory_space<vmem_shared>>) dst(%dma_wait3A : memref<640xf32, #tpu.memory_space<hbm>>)
      tpu.yield
    }) : () -> ()
    return
  }
}

#map = affine_map<(d0, d1) -> (0, 0)>
#map1 = affine_map<(d0, d1) -> (0, 0, 0)>
#map2 = affine_map<(d0, d1) -> (0, 0, 0, 0)>
module attributes {stable_mosaic.version = 14 : i64} {
  func.func @_sc_aggregate(%arg0: i32, %arg1: i32, %arg2: memref<10000x16xf32, #tpu.memory_space<hbm>>, %arg3: memref<32x125x80xi32, #tpu.memory_space<hbm>>, %arg4: memref<32x125x80xi32, #tpu.memory_space<hbm>>, %arg5: memref<32x125x80xf32, #tpu.memory_space<hbm>>, %arg6: memref<2x16x640x16xf32, #tpu.memory_space<hbm>>, %arg7: memref<10240x16xf32, #tpu.memory_space<vmem_shared>>, %arg8: memref<125x80xi32, #tpu.memory_space<vmem>>, %arg9: memref<125x80xi32, #tpu.memory_space<vmem>>, %arg10: memref<125x80xf32, #tpu.memory_space<vmem>>, %arg11: memref<80x16xf32, #tpu.memory_space<vmem>>) attributes {dimension_semantics = [#tpu.dimension_semantics<core_parallel>, #tpu.dimension_semantics<subcore_parallel>], iteration_bounds = array<i64: 2, 16>, scalar_prefetch = 0 : i64, scratch_operands = 5 : i64, tpu.core_type = #tpu.core_type<sc_vector_subcore>, window_params = [{transform_indices = #map}, {transform_indices = #map1}, {transform_indices = #map1}, {transform_indices = #map1}, {transform_indices = #map2}]} {
    %mul3A = arith.constant 16 : i32
    %mul3A_0 = arith.muli %arg0, %mul3A : i32
    %add3A = arith.addi %mul3A_0, %arg1 : i32
    %broadcast_in_dim3A = arith.constant 0.000000e+00 : f32
    %broadcast_in_dim3A_1 = vector.broadcast %broadcast_in_dim3A : f32 to vector<16xf32>
    %swap3A = arith.constant 0 : i32
    %swap3A_2 = arith.index_cast %swap3A : i32 to index
    %swap3A_3 = arith.constant 0 : index
    %swap3A_4 = tpu.vector_load %arg11[%swap3A_2, %swap3A_3] {strides = array<i32>} : memref<80x16xf32, #tpu.memory_space<vmem>>, vector<1x16xf32>,
    %swap3A_5 = vector.shape_cast %swap3A_4 : vector<1x16xf32> to vector<16xf32>
    %swap3A_6 = vector.shape_cast %broadcast_in_dim3A_1 : vector<16xf32> to vector<1x16xf32>
    tpu.vector_store %arg11[%swap3A_2, %swap3A_3], %swap3A_6 {strides = array<i32>} : memref<80x16xf32, #tpu.memory_space<vmem>>, vector<1x16xf32>,
    %swap3A_7 = arith.constant 1 : i32
    %swap3A_8 = arith.index_cast %swap3A_7 : i32 to index
    %swap3A_9 = arith.constant 0 : index
    %swap3A_10 = tpu.vector_load %arg11[%swap3A_8, %swap3A_9] {strides = array<i32>} : memref<80x16xf32, #tpu.memory_space<vmem>>, vector<1x16xf32>,
    %swap3A_11 = vector.shape_cast %swap3A_10 : vector<1x16xf32> to vector<16xf32>
    %swap3A_12 = vector.shape_cast %broadcast_in_dim3A_1 : vector<16xf32> to vector<1x16xf32>
    tpu.vector_store %arg11[%swap3A_8, %swap3A_9], %swap3A_12 {strides = array<i32>} : memref<80x16xf32, #tpu.memory_space<vmem>>, vector<1x16xf32>,
    %swap3A_13 = arith.constant 2 : i32
    %swap3A_14 = arith.index_cast %swap3A_13 : i32 to index
    %swap3A_15 = arith.constant 0 : index
    %swap3A_16 = tpu.vector_load %arg11[%swap3A_14, %swap3A_15] {strides = array<i32>} : memref<80x16xf32, #tpu.memory_space<vmem>>, vector<1x16xf32>,
    %swap3A_17 = vector.shape_cast %swap3A_16 : vector<1x16xf32> to vector<16xf32>
    %swap3A_18 = vector.shape_cast %broadcast_in_dim3A_1 : vector<16xf32> to vector<1x16xf32>
    tpu.vector_store %arg11[%swap3A_14, %swap3A_15], %swap3A_18 {strides = array<i32>} : memref<80x16xf32, #tpu.memory_space<vmem>>, vector<1x16xf32>,
    %swap3A_19 = arith.constant 3 : i32
    %swap3A_20 = arith.index_cast %swap3A_19 : i32 to index
    %swap3A_21 = arith.constant 0 : index
    %swap3A_22 = tpu.vector_load %arg11[%swap3A_20, %swap3A_21] {strides = array<i32>} : memref<80x16xf32, #tpu.memory_space<vmem>>, vector<1x16xf32>,
    %swap3A_23 = vector.shape_cast %swap3A_22 : vector<1x16xf32> to vector<16xf32>
    %swap3A_24 = vector.shape_cast %broadcast_in_dim3A_1 : vector<16xf32> to vector<1x16xf32>
    tpu.vector_store %arg11[%swap3A_20, %swap3A_21], %swap3A_24 {strides = array<i32>} : memref<80x16xf32, #tpu.memory_space<vmem>>, vector<1x16xf32>,
    %swap3A_25 = arith.constant 4 : i32
    %swap3A_26 = arith.index_cast %swap3A_25 : i32 to index
    %swap3A_27 = arith.constant 0 : index
    %swap3A_28 = tpu.vector_load %arg11[%swap3A_26, %swap3A_27] {strides = array<i32>} : memref<80x16xf32, #tpu.memory_space<vmem>>, vector<1x16xf32>,
    %swap3A_29 = vector.shape_cast %swap3A_28 : vector<1x16xf32> to vector<16xf32>
    %swap3A_30 = vector.shape_cast %broadcast_in_dim3A_1 : vector<16xf32> to vector<1x16xf32>
    tpu.vector_store %arg11[%swap3A_26, %swap3A_27], %swap3A_30 {strides = array<i32>} : memref<80x16xf32, #tpu.memory_space<vmem>>, vector<1x16xf32>,
    %swap3A_31 = arith.constant 5 : i32
    %swap3A_32 = arith.index_cast %swap3A_31 : i32 to index
    %swap3A_33 = arith.constant 0 : index
    %swap3A_34 = tpu.vector_load %arg11[%swap3A_32, %swap3A_33] {strides = array<i32>} : memref<80x16xf32, #tpu.memory_space<vmem>>, vector<1x16xf32>,
    %swap3A_35 = vector.shape_cast %swap3A_34 : vector<1x16xf32> to vector<16xf32>
    %swap3A_36 = vector.shape_cast %broadcast_in_dim3A_1 : vector<16xf32> to vector<1x16xf32>
    tpu.vector_store %arg11[%swap3A_32, %swap3A_33], %swap3A_36 {strides = array<i32>} : memref<80x16xf32, #tpu.memory_space<vmem>>, vector<1x16xf32>,
    %swap3A_37 = arith.constant 6 : i32
    %swap3A_38 = arith.index_cast %swap3A_37 : i32 to index
    %swap3A_39 = arith.constant 0 : index
    %swap3A_40 = tpu.vector_load %arg11[%swap3A_38, %swap3A_39] {strides = array<i32>} : memref<80x16xf32, #tpu.memory_space<vmem>>, vector<1x16xf32>,
    %swap3A_41 = vector.shape_cast %swap3A_40 : vector<1x16xf32> to vector<16xf32>
    %swap3A_42 = vector.shape_cast %broadcast_in_dim3A_1 : vector<16xf32> to vector<1x16xf32>
    tpu.vector_store %arg11[%swap3A_38, %swap3A_39], %swap3A_42 {strides = array<i32>} : memref<80x16xf32, #tpu.memory_space<vmem>>, vector<1x16xf32>,
    %swap3A_43 = arith.constant 7 : i32
    %swap3A_44 = arith.index_cast %swap3A_43 : i32 to index
    %swap3A_45 = arith.constant 0 : index
    %swap3A_46 = tpu.vector_load %arg11[%swap3A_44, %swap3A_45] {strides = array<i32>} : memref<80x16xf32, #tpu.memory_space<vmem>>, vector<1x16xf32>,
    %swap3A_47 = vector.shape_cast %swap3A_46 : vector<1x16xf32> to vector<16xf32>
    %swap3A_48 = vector.shape_cast %broadcast_in_dim3A_1 : vector<16xf32> to vector<1x16xf32>
    tpu.vector_store %arg11[%swap3A_44, %swap3A_45], %swap3A_48 {strides = array<i32>} : memref<80x16xf32, #tpu.memory_space<vmem>>, vector<1x16xf32>,
    %swap3A_49 = arith.constant 8 : i32
    %swap3A_50 = arith.index_cast %swap3A_49 : i32 to index
    %swap3A_51 = arith.constant 0 : index
    %swap3A_52 = tpu.vector_load %arg11[%swap3A_50, %swap3A_51] {strides = array<i32>} : memref<80x16xf32, #tpu.memory_space<vmem>>, vector<1x16xf32>,
    %swap3A_53 = vector.shape_cast %swap3A_52 : vector<1x16xf32> to vector<16xf32>
    %swap3A_54 = vector.shape_cast %broadcast_in_dim3A_1 : vector<16xf32> to vector<1x16xf32>
    tpu.vector_store %arg11[%swap3A_50, %swap3A_51], %swap3A_54 {strides = array<i32>} : memref<80x16xf32, #tpu.memory_space<vmem>>, vector<1x16xf32>,
    %swap3A_55 = arith.constant 9 : i32
    %swap3A_56 = arith.index_cast %swap3A_55 : i32 to index
    %swap3A_57 = arith.constant 0 : index
    %swap3A_58 = tpu.vector_load %arg11[%swap3A_56, %swap3A_57] {strides = array<i32>} : memref<80x16xf32, #tpu.memory_space<vmem>>, vector<1x16xf32>,
    %swap3A_59 = vector.shape_cast %swap3A_58 : vector<1x16xf32> to vector<16xf32>
    %swap3A_60 = vector.shape_cast %broadcast_in_dim3A_1 : vector<16xf32> to vector<1x16xf32>
    tpu.vector_store %arg11[%swap3A_56, %swap3A_57], %swap3A_60 {strides = array<i32>} : memref<80x16xf32, #tpu.memory_space<vmem>>, vector<1x16xf32>,
    %swap3A_61 = arith.constant 10 : i32
    %swap3A_62 = arith.index_cast %swap3A_61 : i32 to index
    %swap3A_63 = arith.constant 0 : index
    %swap3A_64 = tpu.vector_load %arg11[%swap3A_62, %swap3A_63] {strides = array<i32>} : memref<80x16xf32, #tpu.memory_space<vmem>>, vector<1x16xf32>,
    %swap3A_65 = vector.shape_cast %swap3A_64 : vector<1x16xf32> to vector<16xf32>
    %swap3A_66 = vector.shape_cast %broadcast_in_dim3A_1 : vector<16xf32> to vector<1x16xf32>
    tpu.vector_store %arg11[%swap3A_62, %swap3A_63], %swap3A_66 {strides = array<i32>} : memref<80x16xf32, #tpu.memory_space<vmem>>, vector<1x16xf32>,
    %swap3A_67 = arith.constant 11 : i32
    %swap3A_68 = arith.index_cast %swap3A_67 : i32 to index
    %swap3A_69 = arith.constant 0 : index
    %swap3A_70 = tpu.vector_load %arg11[%swap3A_68, %swap3A_69] {strides = array<i32>} : memref<80x16xf32, #tpu.memory_space<vmem>>, vector<1x16xf32>,
    %swap3A_71 = vector.shape_cast %swap3A_70 : vector<1x16xf32> to vector<16xf32>
    %swap3A_72 = vector.shape_cast %broadcast_in_dim3A_1 : vector<16xf32> to vector<1x16xf32>
    tpu.vector_store %arg11[%swap3A_68, %swap3A_69], %swap3A_72 {strides = array<i32>} : memref<80x16xf32, #tpu.memory_space<vmem>>, vector<1x16xf32>,
    %swap3A_73 = arith.constant 12 : i32
    %swap3A_74 = arith.index_cast %swap3A_73 : i32 to index
    %swap3A_75 = arith.constant 0 : index
    %swap3A_76 = tpu.vector_load %arg11[%swap3A_74, %swap3A_75] {strides = array<i32>} : memref<80x16xf32, #tpu.memory_space<vmem>>, vector<1x16xf32>,
    %swap3A_77 = vector.shape_cast %swap3A_76 : vector<1x16xf32> to vector<16xf32>
    %swap3A_78 = vector.shape_cast %broadcast_in_dim3A_1 : vector<16xf32> to vector<1x16xf32>
    tpu.vector_store %arg11[%swap3A_74, %swap3A_75], %swap3A_78 {strides = array<i32>} : memref<80x16xf32, #tpu.memory_space<vmem>>, vector<1x16xf32>,
    %swap3A_79 = arith.constant 13 : i32
    %swap3A_80 = arith.index_cast %swap3A_79 : i32 to index
    %swap3A_81 = arith.constant 0 : index
    %swap3A_82 = tpu.vector_load %arg11[%swap3A_80, %swap3A_81] {strides = array<i32>} : memref<80x16xf32, #tpu.memory_space<vmem>>, vector<1x16xf32>,
    %swap3A_83 = vector.shape_cast %swap3A_82 : vector<1x16xf32> to vector<16xf32>
    %swap3A_84 = vector.shape_cast %broadcast_in_dim3A_1 : vector<16xf32> to vector<1x16xf32>
    tpu.vector_store %arg11[%swap3A_80, %swap3A_81], %swap3A_84 {strides = array<i32>} : memref<80x16xf32, #tpu.memory_space<vmem>>, vector<1x16xf32>,
    %swap3A_85 = arith.constant 14 : i32
    %swap3A_86 = arith.index_cast %swap3A_85 : i32 to index
    %swap3A_87 = arith.constant 0 : index
    %swap3A_88 = tpu.vector_load %arg11[%swap3A_86, %swap3A_87] {strides = array<i32>} : memref<80x16xf32, #tpu.memory_space<vmem>>, vector<1x16xf32>,
    %swap3A_89 = vector.shape_cast %swap3A_88 : vector<1x16xf32> to vector<16xf32>
    %swap3A_90 = vector.shape_cast %broadcast_in_dim3A_1 : vector<16xf32> to vector<1x16xf32>
    tpu.vector_store %arg11[%swap3A_86, %swap3A_87], %swap3A_90 {strides = array<i32>} : memref<80x16xf32, #tpu.memory_space<vmem>>, vector<1x16xf32>,
    %swap3A_91 = arith.constant 15 : i32
    %swap3A_92 = arith.index_cast %swap3A_91 : i32 to index
    %swap3A_93 = arith.constant 0 : index
    %swap3A_94 = tpu.vector_load %arg11[%swap3A_92, %swap3A_93] {strides = array<i32>} : memref<80x16xf32, #tpu.memory_space<vmem>>, vector<1x16xf32>,
    %swap3A_95 = vector.shape_cast %swap3A_94 : vector<1x16xf32> to vector<16xf32>
    %swap3A_96 = vector.shape_cast %broadcast_in_dim3A_1 : vector<16xf32> to vector<1x16xf32>
    tpu.vector_store %arg11[%swap3A_92, %swap3A_93], %swap3A_96 {strides = array<i32>} : memref<80x16xf32, #tpu.memory_space<vmem>>, vector<1x16xf32>,
    %swap3A_97 = arith.constant 16 : i32
    %swap3A_98 = arith.index_cast %swap3A_97 : i32 to index
    %swap3A_99 = arith.constant 0 : index
    %swap3A_100 = tpu.vector_load %arg11[%swap3A_98, %swap3A_99] {strides = array<i32>} : memref<80x16xf32, #tpu.memory_space<vmem>>, vector<1x16xf32>,
    %swap3A_101 = vector.shape_cast %swap3A_100 : vector<1x16xf32> to vector<16xf32>
    %swap3A_102 = vector.shape_cast %broadcast_in_dim3A_1 : vector<16xf32> to vector<1x16xf32>
    tpu.vector_store %arg11[%swap3A_98, %swap3A_99], %swap3A_102 {strides = array<i32>} : memref<80x16xf32, #tpu.memory_space<vmem>>, vector<1x16xf32>,
    %swap3A_103 = arith.constant 17 : i32
    %swap3A_104 = arith.index_cast %swap3A_103 : i32 to index
    %swap3A_105 = arith.constant 0 : index
    %swap3A_106 = tpu.vector_load %arg11[%swap3A_104, %swap3A_105] {strides = array<i32>} : memref<80x16xf32, #tpu.memory_space<vmem>>, vector<1x16xf32>,
    %swap3A_107 = vector.shape_cast %swap3A_106 : vector<1x16xf32> to vector<16xf32>
    %swap3A_108 = vector.shape_cast %broadcast_in_dim3A_1 : vector<16xf32> to vector<1x16xf32>
    tpu.vector_store %arg11[%swap3A_104, %swap3A_105], %swap3A_108 {strides = array<i32>} : memref<80x16xf32, #tpu.memory_space<vmem>>, vector<1x16xf32>,
    %swap3A_109 = arith.constant 18 : i32
    %swap3A_110 = arith.index_cast %swap3A_109 : i32 to index
    %swap3A_111 = arith.constant 0 : index
    %swap3A_112 = tpu.vector_load %arg11[%swap3A_110, %swap3A_111] {strides = array<i32>} : memref<80x16xf32, #tpu.memory_space<vmem>>, vector<1x16xf32>,
    %swap3A_113 = vector.shape_cast %swap3A_112 : vector<1x16xf32> to vector<16xf32>
    %swap3A_114 = vector.shape_cast %broadcast_in_dim3A_1 : vector<16xf32> to vector<1x16xf32>
    tpu.vector_store %arg11[%swap3A_110, %swap3A_111], %swap3A_114 {strides = array<i32>} : memref<80x16xf32, #tpu.memory_space<vmem>>, vector<1x16xf32>,
    %swap3A_115 = arith.constant 19 : i32
    %swap3A_116 = arith.index_cast %swap3A_115 : i32 to index
    %swap3A_117 = arith.constant 0 : index
    %swap3A_118 = tpu.vector_load %arg11[%swap3A_116, %swap3A_117] {strides = array<i32>} : memref<80x16xf32, #tpu.memory_space<vmem>>, vector<1x16xf32>,
    %swap3A_119 = vector.shape_cast %swap3A_118 : vector<1x16xf32> to vector<16xf32>
    %swap3A_120 = vector.shape_cast %broadcast_in_dim3A_1 : vector<16xf32> to vector<1x16xf32>
    tpu.vector_store %arg11[%swap3A_116, %swap3A_117], %swap3A_120 {strides = array<i32>} : memref<80x16xf32, #tpu.memory_space<vmem>>, vector<1x16xf32>,
    %swap3A_121 = arith.constant 20 : i32
    %swap3A_122 = arith.index_cast %swap3A_121 : i32 to index
    %swap3A_123 = arith.constant 0 : index
    %swap3A_124 = tpu.vector_load %arg11[%swap3A_122, %swap3A_123] {strides = array<i32>} : memref<80x16xf32, #tpu.memory_space<vmem>>, vector<1x16xf32>,
    %swap3A_125 = vector.shape_cast %swap3A_124 : vector<1x16xf32> to vector<16xf32>
    %swap3A_126 = vector.shape_cast %broadcast_in_dim3A_1 : vector<16xf32> to vector<1x16xf32>
    tpu.vector_store %arg11[%swap3A_122, %swap3A_123], %swap3A_126 {strides = array<i32>} : memref<80x16xf32, #tpu.memory_space<vmem>>, vector<1x16xf32>,
    %swap3A_127 = arith.constant 21 : i32
    %swap3A_128 = arith.index_cast %swap3A_127 : i32 to index
    %swap3A_129 = arith.constant 0 : index
    %swap3A_130 = tpu.vector_load %arg11[%swap3A_128, %swap3A_129] {strides = array<i32>} : memref<80x16xf32, #tpu.memory_space<vmem>>, vector<1x16xf32>,
    %swap3A_131 = vector.shape_cast %swap3A_130 : vector<1x16xf32> to vector<16xf32>
    %swap3A_132 = vector.shape_cast %broadcast_in_dim3A_1 : vector<16xf32> to vector<1x16xf32>
    tpu.vector_store %arg11[%swap3A_128, %swap3A_129], %swap3A_132 {strides = array<i32>} : memref<80x16xf32, #tpu.memory_space<vmem>>, vector<1x16xf32>,
    %swap3A_133 = arith.constant 22 : i32
    %swap3A_134 = arith.index_cast %swap3A_133 : i32 to index
    %swap3A_135 = arith.constant 0 : index
    %swap3A_136 = tpu.vector_load %arg11[%swap3A_134, %swap3A_135] {strides = array<i32>} : memref<80x16xf32, #tpu.memory_space<vmem>>, vector<1x16xf32>,
    %swap3A_137 = vector.shape_cast %swap3A_136 : vector<1x16xf32> to vector<16xf32>
    %swap3A_138 = vector.shape_cast %broadcast_in_dim3A_1 : vector<16xf32> to vector<1x16xf32>
    tpu.vector_store %arg11[%swap3A_134, %swap3A_135], %swap3A_138 {strides = array<i32>} : memref<80x16xf32, #tpu.memory_space<vmem>>, vector<1x16xf32>,
    %swap3A_139 = arith.constant 23 : i32
    %swap3A_140 = arith.index_cast %swap3A_139 : i32 to index
    %swap3A_141 = arith.constant 0 : index
    %swap3A_142 = tpu.vector_load %arg11[%swap3A_140, %swap3A_141] {strides = array<i32>} : memref<80x16xf32, #tpu.memory_space<vmem>>, vector<1x16xf32>,
    %swap3A_143 = vector.shape_cast %swap3A_142 : vector<1x16xf32> to vector<16xf32>
    %swap3A_144 = vector.shape_cast %broadcast_in_dim3A_1 : vector<16xf32> to vector<1x16xf32>
    tpu.vector_store %arg11[%swap3A_140, %swap3A_141], %swap3A_144 {strides = array<i32>} : memref<80x16xf32, #tpu.memory_space<vmem>>, vector<1x16xf32>,
    %swap3A_145 = arith.constant 24 : i32
    %swap3A_146 = arith.index_cast %swap3A_145 : i32 to index
    %swap3A_147 = arith.constant 0 : index
    %swap3A_148 = tpu.vector_load %arg11[%swap3A_146, %swap3A_147] {strides = array<i32>} : memref<80x16xf32, #tpu.memory_space<vmem>>, vector<1x16xf32>,
    %swap3A_149 = vector.shape_cast %swap3A_148 : vector<1x16xf32> to vector<16xf32>
    %swap3A_150 = vector.shape_cast %broadcast_in_dim3A_1 : vector<16xf32> to vector<1x16xf32>
    tpu.vector_store %arg11[%swap3A_146, %swap3A_147], %swap3A_150 {strides = array<i32>} : memref<80x16xf32, #tpu.memory_space<vmem>>, vector<1x16xf32>,
    %swap3A_151 = arith.constant 25 : i32
    %swap3A_152 = arith.index_cast %swap3A_151 : i32 to index
    %swap3A_153 = arith.constant 0 : index
    %swap3A_154 = tpu.vector_load %arg11[%swap3A_152, %swap3A_153] {strides = array<i32>} : memref<80x16xf32, #tpu.memory_space<vmem>>, vector<1x16xf32>,
    %swap3A_155 = vector.shape_cast %swap3A_154 : vector<1x16xf32> to vector<16xf32>
    %swap3A_156 = vector.shape_cast %broadcast_in_dim3A_1 : vector<16xf32> to vector<1x16xf32>
    tpu.vector_store %arg11[%swap3A_152, %swap3A_153], %swap3A_156 {strides = array<i32>} : memref<80x16xf32, #tpu.memory_space<vmem>>, vector<1x16xf32>,
    %swap3A_157 = arith.constant 26 : i32
    %swap3A_158 = arith.index_cast %swap3A_157 : i32 to index
    %swap3A_159 = arith.constant 0 : index
    %swap3A_160 = tpu.vector_load %arg11[%swap3A_158, %swap3A_159] {strides = array<i32>} : memref<80x16xf32, #tpu.memory_space<vmem>>, vector<1x16xf32>,
    %swap3A_161 = vector.shape_cast %swap3A_160 : vector<1x16xf32> to vector<16xf32>
    %swap3A_162 = vector.shape_cast %broadcast_in_dim3A_1 : vector<16xf32> to vector<1x16xf32>
    tpu.vector_store %arg11[%swap3A_158, %swap3A_159], %swap3A_162 {strides = array<i32>} : memref<80x16xf32, #tpu.memory_space<vmem>>, vector<1x16xf32>,
    %swap3A_163 = arith.constant 27 : i32
    %swap3A_164 = arith.index_cast %swap3A_163 : i32 to index
    %swap3A_165 = arith.constant 0 : index
    %swap3A_166 = tpu.vector_load %arg11[%swap3A_164, %swap3A_165] {strides = array<i32>} : memref<80x16xf32, #tpu.memory_space<vmem>>, vector<1x16xf32>,
    %swap3A_167 = vector.shape_cast %swap3A_166 : vector<1x16xf32> to vector<16xf32>
    %swap3A_168 = vector.shape_cast %broadcast_in_dim3A_1 : vector<16xf32> to vector<1x16xf32>
    tpu.vector_store %arg11[%swap3A_164, %swap3A_165], %swap3A_168 {strides = array<i32>} : memref<80x16xf32, #tpu.memory_space<vmem>>, vector<1x16xf32>,
    %swap3A_169 = arith.constant 28 : i32
    %swap3A_170 = arith.index_cast %swap3A_169 : i32 to index
    %swap3A_171 = arith.constant 0 : index
    %swap3A_172 = tpu.vector_load %arg11[%swap3A_170, %swap3A_171] {strides = array<i32>} : memref<80x16xf32, #tpu.memory_space<vmem>>, vector<1x16xf32>,
    %swap3A_173 = vector.shape_cast %swap3A_172 : vector<1x16xf32> to vector<16xf32>
    %swap3A_174 = vector.shape_cast %broadcast_in_dim3A_1 : vector<16xf32> to vector<1x16xf32>
    tpu.vector_store %arg11[%swap3A_170, %swap3A_171], %swap3A_174 {strides = array<i32>} : memref<80x16xf32, #tpu.memory_space<vmem>>, vector<1x16xf32>,
    %swap3A_175 = arith.constant 29 : i32
    %swap3A_176 = arith.index_cast %swap3A_175 : i32 to index
    %swap3A_177 = arith.constant 0 : index
    %swap3A_178 = tpu.vector_load %arg11[%swap3A_176, %swap3A_177] {strides = array<i32>} : memref<80x16xf32, #tpu.memory_space<vmem>>, vector<1x16xf32>,
    %swap3A_179 = vector.shape_cast %swap3A_178 : vector<1x16xf32> to vector<16xf32>
    %swap3A_180 = vector.shape_cast %broadcast_in_dim3A_1 : vector<16xf32> to vector<1x16xf32>
    tpu.vector_store %arg11[%swap3A_176, %swap3A_177], %swap3A_180 {strides = array<i32>} : memref<80x16xf32, #tpu.memory_space<vmem>>, vector<1x16xf32>,
    %swap3A_181 = arith.constant 30 : i32
    %swap3A_182 = arith.index_cast %swap3A_181 : i32 to index
    %swap3A_183 = arith.constant 0 : index
    %swap3A_184 = tpu.vector_load %arg11[%swap3A_182, %swap3A_183] {strides = array<i32>} : memref<80x16xf32, #tpu.memory_space<vmem>>, vector<1x16xf32>,
    %swap3A_185 = vector.shape_cast %swap3A_184 : vector<1x16xf32> to vector<16xf32>
    %swap3A_186 = vector.shape_cast %broadcast_in_dim3A_1 : vector<16xf32> to vector<1x16xf32>
    tpu.vector_store %arg11[%swap3A_182, %swap3A_183], %swap3A_186 {strides = array<i32>} : memref<80x16xf32, #tpu.memory_space<vmem>>, vector<1x16xf32>,
    %swap3A_187 = arith.constant 31 : i32
    %swap3A_188 = arith.index_cast %swap3A_187 : i32 to index
    %swap3A_189 = arith.constant 0 : index
    %swap3A_190 = tpu.vector_load %arg11[%swap3A_188, %swap3A_189] {strides = array<i32>} : memref<80x16xf32, #tpu.memory_space<vmem>>, vector<1x16xf32>,
    %swap3A_191 = vector.shape_cast %swap3A_190 : vector<1x16xf32> to vector<16xf32>
    %swap3A_192 = vector.shape_cast %broadcast_in_dim3A_1 : vector<16xf32> to vector<1x16xf32>
    tpu.vector_store %arg11[%swap3A_188, %swap3A_189], %swap3A_192 {strides = array<i32>} : memref<80x16xf32, #tpu.memory_space<vmem>>, vector<1x16xf32>,
    %swap3A_193 = arith.constant 32 : i32
    %swap3A_194 = arith.index_cast %swap3A_193 : i32 to index
    %swap3A_195 = arith.constant 0 : index
    %swap3A_196 = tpu.vector_load %arg11[%swap3A_194, %swap3A_195] {strides = array<i32>} : memref<80x16xf32, #tpu.memory_space<vmem>>, vector<1x16xf32>,
    %swap3A_197 = vector.shape_cast %swap3A_196 : vector<1x16xf32> to vector<16xf32>
    %swap3A_198 = vector.shape_cast %broadcast_in_dim3A_1 : vector<16xf32> to vector<1x16xf32>
    tpu.vector_store %arg11[%swap3A_194, %swap3A_195], %swap3A_198 {strides = array<i32>} : memref<80x16xf32, #tpu.memory_space<vmem>>, vector<1x16xf32>,
    %swap3A_199 = arith.constant 33 : i32
    %swap3A_200 = arith.index_cast %swap3A_199 : i32 to index
    %swap3A_201 = arith.constant 0 : index
    %swap3A_202 = tpu.vector_load %arg11[%swap3A_200, %swap3A_201] {strides = array<i32>} : memref<80x16xf32, #tpu.memory_space<vmem>>, vector<1x16xf32>,
    %swap3A_203 = vector.shape_cast %swap3A_202 : vector<1x16xf32> to vector<16xf32>
    %swap3A_204 = vector.shape_cast %broadcast_in_dim3A_1 : vector<16xf32> to vector<1x16xf32>
    tpu.vector_store %arg11[%swap3A_200, %swap3A_201], %swap3A_204 {strides = array<i32>} : memref<80x16xf32, #tpu.memory_space<vmem>>, vector<1x16xf32>,
    %swap3A_205 = arith.constant 34 : i32
    %swap3A_206 = arith.index_cast %swap3A_205 : i32 to index
    %swap3A_207 = arith.constant 0 : index
    %swap3A_208 = tpu.vector_load %arg11[%swap3A_206, %swap3A_207] {strides = array<i32>} : memref<80x16xf32, #tpu.memory_space<vmem>>, vector<1x16xf32>,
    %swap3A_209 = vector.shape_cast %swap3A_208 : vector<1x16xf32> to vector<16xf32>
    %swap3A_210 = vector.shape_cast %broadcast_in_dim3A_1 : vector<16xf32> to vector<1x16xf32>
    tpu.vector_store %arg11[%swap3A_206, %swap3A_207], %swap3A_210 {strides = array<i32>} : memref<80x16xf32, #tpu.memory_space<vmem>>, vector<1x16xf32>,
    %swap3A_211 = arith.constant 35 : i32
    %swap3A_212 = arith.index_cast %swap3A_211 : i32 to index
    %swap3A_213 = arith.constant 0 : index
    %swap3A_214 = tpu.vector_load %arg11[%swap3A_212, %swap3A_213] {strides = array<i32>} : memref<80x16xf32, #tpu.memory_space<vmem>>, vector<1x16xf32>,
    %swap3A_215 = vector.shape_cast %swap3A_214 : vector<1x16xf32> to vector<16xf32>
    %swap3A_216 = vector.shape_cast %broadcast_in_dim3A_1 : vector<16xf32> to vector<1x16xf32>
    tpu.vector_store %arg11[%swap3A_212, %swap3A_213], %swap3A_216 {strides = array<i32>} : memref<80x16xf32, #tpu.memory_space<vmem>>, vector<1x16xf32>,
    %swap3A_217 = arith.constant 36 : i32
    %swap3A_218 = arith.index_cast %swap3A_217 : i32 to index
    %swap3A_219 = arith.constant 0 : index
    %swap3A_220 = tpu.vector_load %arg11[%swap3A_218, %swap3A_219] {strides = array<i32>} : memref<80x16xf32, #tpu.memory_space<vmem>>, vector<1x16xf32>,
    %swap3A_221 = vector.shape_cast %swap3A_220 : vector<1x16xf32> to vector<16xf32>
    %swap3A_222 = vector.shape_cast %broadcast_in_dim3A_1 : vector<16xf32> to vector<1x16xf32>
    tpu.vector_store %arg11[%swap3A_218, %swap3A_219], %swap3A_222 {strides = array<i32>} : memref<80x16xf32, #tpu.memory_space<vmem>>, vector<1x16xf32>,
    %swap3A_223 = arith.constant 37 : i32
    %swap3A_224 = arith.index_cast %swap3A_223 : i32 to index
    %swap3A_225 = arith.constant 0 : index
    %swap3A_226 = tpu.vector_load %arg11[%swap3A_224, %swap3A_225] {strides = array<i32>} : memref<80x16xf32, #tpu.memory_space<vmem>>, vector<1x16xf32>,
    %swap3A_227 = vector.shape_cast %swap3A_226 : vector<1x16xf32> to vector<16xf32>
    %swap3A_228 = vector.shape_cast %broadcast_in_dim3A_1 : vector<16xf32> to vector<1x16xf32>
    tpu.vector_store %arg11[%swap3A_224, %swap3A_225], %swap3A_228 {strides = array<i32>} : memref<80x16xf32, #tpu.memory_space<vmem>>, vector<1x16xf32>,
    %swap3A_229 = arith.constant 38 : i32
    %swap3A_230 = arith.index_cast %swap3A_229 : i32 to index
    %swap3A_231 = arith.constant 0 : index
    %swap3A_232 = tpu.vector_load %arg11[%swap3A_230, %swap3A_231] {strides = array<i32>} : memref<80x16xf32, #tpu.memory_space<vmem>>, vector<1x16xf32>,
    %swap3A_233 = vector.shape_cast %swap3A_232 : vector<1x16xf32> to vector<16xf32>
    %swap3A_234 = vector.shape_cast %broadcast_in_dim3A_1 : vector<16xf32> to vector<1x16xf32>
    tpu.vector_store %arg11[%swap3A_230, %swap3A_231], %swap3A_234 {strides = array<i32>} : memref<80x16xf32, #tpu.memory_space<vmem>>, vector<1x16xf32>,
    %swap3A_235 = arith.constant 39 : i32
    %swap3A_236 = arith.index_cast %swap3A_235 : i32 to index
    %swap3A_237 = arith.constant 0 : index
    %swap3A_238 = tpu.vector_load %arg11[%swap3A_236, %swap3A_237] {strides = array<i32>} : memref<80x16xf32, #tpu.memory_space<vmem>>, vector<1x16xf32>,
    %swap3A_239 = vector.shape_cast %swap3A_238 : vector<1x16xf32> to vector<16xf32>
    %swap3A_240 = vector.shape_cast %broadcast_in_dim3A_1 : vector<16xf32> to vector<1x16xf32>
    tpu.vector_store %arg11[%swap3A_236, %swap3A_237], %swap3A_240 {strides = array<i32>} : memref<80x16xf32, #tpu.memory_space<vmem>>, vector<1x16xf32>,
    %swap3A_241 = arith.constant 40 : i32
    %swap3A_242 = arith.index_cast %swap3A_241 : i32 to index
    %swap3A_243 = arith.constant 0 : index
    %swap3A_244 = tpu.vector_load %arg11[%swap3A_242, %swap3A_243] {strides = array<i32>} : memref<80x16xf32, #tpu.memory_space<vmem>>, vector<1x16xf32>,
    %swap3A_245 = vector.shape_cast %swap3A_244 : vector<1x16xf32> to vector<16xf32>
    %swap3A_246 = vector.shape_cast %broadcast_in_dim3A_1 : vector<16xf32> to vector<1x16xf32>
    tpu.vector_store %arg11[%swap3A_242, %swap3A_243], %swap3A_246 {strides = array<i32>} : memref<80x16xf32, #tpu.memory_space<vmem>>, vector<1x16xf32>,
    %swap3A_247 = arith.constant 41 : i32
    %swap3A_248 = arith.index_cast %swap3A_247 : i32 to index
    %swap3A_249 = arith.constant 0 : index
    %swap3A_250 = tpu.vector_load %arg11[%swap3A_248, %swap3A_249] {strides = array<i32>} : memref<80x16xf32, #tpu.memory_space<vmem>>, vector<1x16xf32>,
    %swap3A_251 = vector.shape_cast %swap3A_250 : vector<1x16xf32> to vector<16xf32>
    %swap3A_252 = vector.shape_cast %broadcast_in_dim3A_1 : vector<16xf32> to vector<1x16xf32>
    tpu.vector_store %arg11[%swap3A_248, %swap3A_249], %swap3A_252 {strides = array<i32>} : memref<80x16xf32, #tpu.memory_space<vmem>>, vector<1x16xf32>,
    %swap3A_253 = arith.constant 42 : i32
    %swap3A_254 = arith.index_cast %swap3A_253 : i32 to index
    %swap3A_255 = arith.constant 0 : index
    %swap3A_256 = tpu.vector_load %arg11[%swap3A_254, %swap3A_255] {strides = array<i32>} : memref<80x16xf32, #tpu.memory_space<vmem>>, vector<1x16xf32>,
    %swap3A_257 = vector.shape_cast %swap3A_256 : vector<1x16xf32> to vector<16xf32>
    %swap3A_258 = vector.shape_cast %broadcast_in_dim3A_1 : vector<16xf32> to vector<1x16xf32>
    tpu.vector_store %arg11[%swap3A_254, %swap3A_255], %swap3A_258 {strides = array<i32>} : memref<80x16xf32, #tpu.memory_space<vmem>>, vector<1x16xf32>,
    %swap3A_259 = arith.constant 43 : i32
    %swap3A_260 = arith.index_cast %swap3A_259 : i32 to index
    %swap3A_261 = arith.constant 0 : index
    %swap3A_262 = tpu.vector_load %arg11[%swap3A_260, %swap3A_261] {strides = array<i32>} : memref<80x16xf32, #tpu.memory_space<vmem>>, vector<1x16xf32>,
    %swap3A_263 = vector.shape_cast %swap3A_262 : vector<1x16xf32> to vector<16xf32>
    %swap3A_264 = vector.shape_cast %broadcast_in_dim3A_1 : vector<16xf32> to vector<1x16xf32>
    tpu.vector_store %arg11[%swap3A_260, %swap3A_261], %swap3A_264 {strides = array<i32>} : memref<80x16xf32, #tpu.memory_space<vmem>>, vector<1x16xf32>,
    %swap3A_265 = arith.constant 44 : i32
    %swap3A_266 = arith.index_cast %swap3A_265 : i32 to index
    %swap3A_267 = arith.constant 0 : index
    %swap3A_268 = tpu.vector_load %arg11[%swap3A_266, %swap3A_267] {strides = array<i32>} : memref<80x16xf32, #tpu.memory_space<vmem>>, vector<1x16xf32>,
    %swap3A_269 = vector.shape_cast %swap3A_268 : vector<1x16xf32> to vector<16xf32>
    %swap3A_270 = vector.shape_cast %broadcast_in_dim3A_1 : vector<16xf32> to vector<1x16xf32>
    tpu.vector_store %arg11[%swap3A_266, %swap3A_267], %swap3A_270 {strides = array<i32>} : memref<80x16xf32, #tpu.memory_space<vmem>>, vector<1x16xf32>,
    %swap3A_271 = arith.constant 45 : i32
    %swap3A_272 = arith.index_cast %swap3A_271 : i32 to index
    %swap3A_273 = arith.constant 0 : index
    %swap3A_274 = tpu.vector_load %arg11[%swap3A_272, %swap3A_273] {strides = array<i32>} : memref<80x16xf32, #tpu.memory_space<vmem>>, vector<1x16xf32>,
    %swap3A_275 = vector.shape_cast %swap3A_274 : vector<1x16xf32> to vector<16xf32>
    %swap3A_276 = vector.shape_cast %broadcast_in_dim3A_1 : vector<16xf32> to vector<1x16xf32>
    tpu.vector_store %arg11[%swap3A_272, %swap3A_273], %swap3A_276 {strides = array<i32>} : memref<80x16xf32, #tpu.memory_space<vmem>>, vector<1x16xf32>,
    %swap3A_277 = arith.constant 46 : i32
    %swap3A_278 = arith.index_cast %swap3A_277 : i32 to index
    %swap3A_279 = arith.constant 0 : index
    %swap3A_280 = tpu.vector_load %arg11[%swap3A_278, %swap3A_279] {strides = array<i32>} : memref<80x16xf32, #tpu.memory_space<vmem>>, vector<1x16xf32>,
    %swap3A_281 = vector.shape_cast %swap3A_280 : vector<1x16xf32> to vector<16xf32>
    %swap3A_282 = vector.shape_cast %broadcast_in_dim3A_1 : vector<16xf32> to vector<1x16xf32>
    tpu.vector_store %arg11[%swap3A_278, %swap3A_279], %swap3A_282 {strides = array<i32>} : memref<80x16xf32, #tpu.memory_space<vmem>>, vector<1x16xf32>,
    %swap3A_283 = arith.constant 47 : i32
    %swap3A_284 = arith.index_cast %swap3A_283 : i32 to index
    %swap3A_285 = arith.constant 0 : index
    %swap3A_286 = tpu.vector_load %arg11[%swap3A_284, %swap3A_285] {strides = array<i32>} : memref<80x16xf32, #tpu.memory_space<vmem>>, vector<1x16xf32>,
    %swap3A_287 = vector.shape_cast %swap3A_286 : vector<1x16xf32> to vector<16xf32>
    %swap3A_288 = vector.shape_cast %broadcast_in_dim3A_1 : vector<16xf32> to vector<1x16xf32>
    tpu.vector_store %arg11[%swap3A_284, %swap3A_285], %swap3A_288 {strides = array<i32>} : memref<80x16xf32, #tpu.memory_space<vmem>>, vector<1x16xf32>,
    %swap3A_289 = arith.constant 48 : i32
    %swap3A_290 = arith.index_cast %swap3A_289 : i32 to index
    %swap3A_291 = arith.constant 0 : index
    %swap3A_292 = tpu.vector_load %arg11[%swap3A_290, %swap3A_291] {strides = array<i32>} : memref<80x16xf32, #tpu.memory_space<vmem>>, vector<1x16xf32>,
    %swap3A_293 = vector.shape_cast %swap3A_292 : vector<1x16xf32> to vector<16xf32>
    %swap3A_294 = vector.shape_cast %broadcast_in_dim3A_1 : vector<16xf32> to vector<1x16xf32>
    tpu.vector_store %arg11[%swap3A_290, %swap3A_291], %swap3A_294 {strides = array<i32>} : memref<80x16xf32, #tpu.memory_space<vmem>>, vector<1x16xf32>,
    %swap3A_295 = arith.constant 49 : i32
    %swap3A_296 = arith.index_cast %swap3A_295 : i32 to index
    %swap3A_297 = arith.constant 0 : index
    %swap3A_298 = tpu.vector_load %arg11[%swap3A_296, %swap3A_297] {strides = array<i32>} : memref<80x16xf32, #tpu.memory_space<vmem>>, vector<1x16xf32>,
    %swap3A_299 = vector.shape_cast %swap3A_298 : vector<1x16xf32> to vector<16xf32>
    %swap3A_300 = vector.shape_cast %broadcast_in_dim3A_1 : vector<16xf32> to vector<1x16xf32>
    tpu.vector_store %arg11[%swap3A_296, %swap3A_297], %swap3A_300 {strides = array<i32>} : memref<80x16xf32, #tpu.memory_space<vmem>>, vector<1x16xf32>,
    %swap3A_301 = arith.constant 50 : i32
    %swap3A_302 = arith.index_cast %swap3A_301 : i32 to index
    %swap3A_303 = arith.constant 0 : index
    %swap3A_304 = tpu.vector_load %arg11[%swap3A_302, %swap3A_303] {strides = array<i32>} : memref<80x16xf32, #tpu.memory_space<vmem>>, vector<1x16xf32>,
    %swap3A_305 = vector.shape_cast %swap3A_304 : vector<1x16xf32> to vector<16xf32>
    %swap3A_306 = vector.shape_cast %broadcast_in_dim3A_1 : vector<16xf32> to vector<1x16xf32>
    tpu.vector_store %arg11[%swap3A_302, %swap3A_303], %swap3A_306 {strides = array<i32>} : memref<80x16xf32, #tpu.memory_space<vmem>>, vector<1x16xf32>,
    %swap3A_307 = arith.constant 51 : i32
    %swap3A_308 = arith.index_cast %swap3A_307 : i32 to index
    %swap3A_309 = arith.constant 0 : index
    %swap3A_310 = tpu.vector_load %arg11[%swap3A_308, %swap3A_309] {strides = array<i32>} : memref<80x16xf32, #tpu.memory_space<vmem>>, vector<1x16xf32>,
    %swap3A_311 = vector.shape_cast %swap3A_310 : vector<1x16xf32> to vector<16xf32>
    %swap3A_312 = vector.shape_cast %broadcast_in_dim3A_1 : vector<16xf32> to vector<1x16xf32>
    tpu.vector_store %arg11[%swap3A_308, %swap3A_309], %swap3A_312 {strides = array<i32>} : memref<80x16xf32, #tpu.memory_space<vmem>>, vector<1x16xf32>,
    %swap3A_313 = arith.constant 52 : i32
    %swap3A_314 = arith.index_cast %swap3A_313 : i32 to index
    %swap3A_315 = arith.constant 0 : index
    %swap3A_316 = tpu.vector_load %arg11[%swap3A_314, %swap3A_315] {strides = array<i32>} : memref<80x16xf32, #tpu.memory_space<vmem>>, vector<1x16xf32>,
    %swap3A_317 = vector.shape_cast %swap3A_316 : vector<1x16xf32> to vector<16xf32>
    %swap3A_318 = vector.shape_cast %broadcast_in_dim3A_1 : vector<16xf32> to vector<1x16xf32>
    tpu.vector_store %arg11[%swap3A_314, %swap3A_315], %swap3A_318 {strides = array<i32>} : memref<80x16xf32, #tpu.memory_space<vmem>>, vector<1x16xf32>,
    %swap3A_319 = arith.constant 53 : i32
    %swap3A_320 = arith.index_cast %swap3A_319 : i32 to index
    %swap3A_321 = arith.constant 0 : index
    %swap3A_322 = tpu.vector_load %arg11[%swap3A_320, %swap3A_321] {strides = array<i32>} : memref<80x16xf32, #tpu.memory_space<vmem>>, vector<1x16xf32>,
    %swap3A_323 = vector.shape_cast %swap3A_322 : vector<1x16xf32> to vector<16xf32>
    %swap3A_324 = vector.shape_cast %broadcast_in_dim3A_1 : vector<16xf32> to vector<1x16xf32>
    tpu.vector_store %arg11[%swap3A_320, %swap3A_321], %swap3A_324 {strides = array<i32>} : memref<80x16xf32, #tpu.memory_space<vmem>>, vector<1x16xf32>,
    %swap3A_325 = arith.constant 54 : i32
    %swap3A_326 = arith.index_cast %swap3A_325 : i32 to index
    %swap3A_327 = arith.constant 0 : index
    %swap3A_328 = tpu.vector_load %arg11[%swap3A_326, %swap3A_327] {strides = array<i32>} : memref<80x16xf32, #tpu.memory_space<vmem>>, vector<1x16xf32>,
    %swap3A_329 = vector.shape_cast %swap3A_328 : vector<1x16xf32> to vector<16xf32>
    %swap3A_330 = vector.shape_cast %broadcast_in_dim3A_1 : vector<16xf32> to vector<1x16xf32>
    tpu.vector_store %arg11[%swap3A_326, %swap3A_327], %swap3A_330 {strides = array<i32>} : memref<80x16xf32, #tpu.memory_space<vmem>>, vector<1x16xf32>,
    %swap3A_331 = arith.constant 55 : i32
    %swap3A_332 = arith.index_cast %swap3A_331 : i32 to index
    %swap3A_333 = arith.constant 0 : index
    %swap3A_334 = tpu.vector_load %arg11[%swap3A_332, %swap3A_333] {strides = array<i32>} : memref<80x16xf32, #tpu.memory_space<vmem>>, vector<1x16xf32>,
    %swap3A_335 = vector.shape_cast %swap3A_334 : vector<1x16xf32> to vector<16xf32>
    %swap3A_336 = vector.shape_cast %broadcast_in_dim3A_1 : vector<16xf32> to vector<1x16xf32>
    tpu.vector_store %arg11[%swap3A_332, %swap3A_333], %swap3A_336 {strides = array<i32>} : memref<80x16xf32, #tpu.memory_space<vmem>>, vector<1x16xf32>,
    %swap3A_337 = arith.constant 56 : i32
    %swap3A_338 = arith.index_cast %swap3A_337 : i32 to index
    %swap3A_339 = arith.constant 0 : index
    %swap3A_340 = tpu.vector_load %arg11[%swap3A_338, %swap3A_339] {strides = array<i32>} : memref<80x16xf32, #tpu.memory_space<vmem>>, vector<1x16xf32>,
    %swap3A_341 = vector.shape_cast %swap3A_340 : vector<1x16xf32> to vector<16xf32>
    %swap3A_342 = vector.shape_cast %broadcast_in_dim3A_1 : vector<16xf32> to vector<1x16xf32>
    tpu.vector_store %arg11[%swap3A_338, %swap3A_339], %swap3A_342 {strides = array<i32>} : memref<80x16xf32, #tpu.memory_space<vmem>>, vector<1x16xf32>,
    %swap3A_343 = arith.constant 57 : i32
    %swap3A_344 = arith.index_cast %swap3A_343 : i32 to index
    %swap3A_345 = arith.constant 0 : index
    %swap3A_346 = tpu.vector_load %arg11[%swap3A_344, %swap3A_345] {strides = array<i32>} : memref<80x16xf32, #tpu.memory_space<vmem>>, vector<1x16xf32>,
    %swap3A_347 = vector.shape_cast %swap3A_346 : vector<1x16xf32> to vector<16xf32>
    %swap3A_348 = vector.shape_cast %broadcast_in_dim3A_1 : vector<16xf32> to vector<1x16xf32>
    tpu.vector_store %arg11[%swap3A_344, %swap3A_345], %swap3A_348 {strides = array<i32>} : memref<80x16xf32, #tpu.memory_space<vmem>>, vector<1x16xf32>,
    %swap3A_349 = arith.constant 58 : i32
    %swap3A_350 = arith.index_cast %swap3A_349 : i32 to index
    %swap3A_351 = arith.constant 0 : index
    %swap3A_352 = tpu.vector_load %arg11[%swap3A_350, %swap3A_351] {strides = array<i32>} : memref<80x16xf32, #tpu.memory_space<vmem>>, vector<1x16xf32>,
    %swap3A_353 = vector.shape_cast %swap3A_352 : vector<1x16xf32> to vector<16xf32>
    %swap3A_354 = vector.shape_cast %broadcast_in_dim3A_1 : vector<16xf32> to vector<1x16xf32>
    tpu.vector_store %arg11[%swap3A_350, %swap3A_351], %swap3A_354 {strides = array<i32>} : memref<80x16xf32, #tpu.memory_space<vmem>>, vector<1x16xf32>,
    %swap3A_355 = arith.constant 59 : i32
    %swap3A_356 = arith.index_cast %swap3A_355 : i32 to index
    %swap3A_357 = arith.constant 0 : index
    %swap3A_358 = tpu.vector_load %arg11[%swap3A_356, %swap3A_357] {strides = array<i32>} : memref<80x16xf32, #tpu.memory_space<vmem>>, vector<1x16xf32>,
    %swap3A_359 = vector.shape_cast %swap3A_358 : vector<1x16xf32> to vector<16xf32>
    %swap3A_360 = vector.shape_cast %broadcast_in_dim3A_1 : vector<16xf32> to vector<1x16xf32>
    tpu.vector_store %arg11[%swap3A_356, %swap3A_357], %swap3A_360 {strides = array<i32>} : memref<80x16xf32, #tpu.memory_space<vmem>>, vector<1x16xf32>,
    %swap3A_361 = arith.constant 60 : i32
    %swap3A_362 = arith.index_cast %swap3A_361 : i32 to index
    %swap3A_363 = arith.constant 0 : index
    %swap3A_364 = tpu.vector_load %arg11[%swap3A_362, %swap3A_363] {strides = array<i32>} : memref<80x16xf32, #tpu.memory_space<vmem>>, vector<1x16xf32>,
    %swap3A_365 = vector.shape_cast %swap3A_364 : vector<1x16xf32> to vector<16xf32>
    %swap3A_366 = vector.shape_cast %broadcast_in_dim3A_1 : vector<16xf32> to vector<1x16xf32>
    tpu.vector_store %arg11[%swap3A_362, %swap3A_363], %swap3A_366 {strides = array<i32>} : memref<80x16xf32, #tpu.memory_space<vmem>>, vector<1x16xf32>,
    %swap3A_367 = arith.constant 61 : i32
    %swap3A_368 = arith.index_cast %swap3A_367 : i32 to index
    %swap3A_369 = arith.constant 0 : index
    %swap3A_370 = tpu.vector_load %arg11[%swap3A_368, %swap3A_369] {strides = array<i32>} : memref<80x16xf32, #tpu.memory_space<vmem>>, vector<1x16xf32>,
    %swap3A_371 = vector.shape_cast %swap3A_370 : vector<1x16xf32> to vector<16xf32>
    %swap3A_372 = vector.shape_cast %broadcast_in_dim3A_1 : vector<16xf32> to vector<1x16xf32>
    tpu.vector_store %arg11[%swap3A_368, %swap3A_369], %swap3A_372 {strides = array<i32>} : memref<80x16xf32, #tpu.memory_space<vmem>>, vector<1x16xf32>,
    %swap3A_373 = arith.constant 62 : i32
    %swap3A_374 = arith.index_cast %swap3A_373 : i32 to index
    %swap3A_375 = arith.constant 0 : index
    %swap3A_376 = tpu.vector_load %arg11[%swap3A_374, %swap3A_375] {strides = array<i32>} : memref<80x16xf32, #tpu.memory_space<vmem>>, vector<1x16xf32>,
    %swap3A_377 = vector.shape_cast %swap3A_376 : vector<1x16xf32> to vector<16xf32>
    %swap3A_378 = vector.shape_cast %broadcast_in_dim3A_1 : vector<16xf32> to vector<1x16xf32>
    tpu.vector_store %arg11[%swap3A_374, %swap3A_375], %swap3A_378 {strides = array<i32>} : memref<80x16xf32, #tpu.memory_space<vmem>>, vector<1x16xf32>,
    %swap3A_379 = arith.constant 63 : i32
    %swap3A_380 = arith.index_cast %swap3A_379 : i32 to index
    %swap3A_381 = arith.constant 0 : index
    %swap3A_382 = tpu.vector_load %arg11[%swap3A_380, %swap3A_381] {strides = array<i32>} : memref<80x16xf32, #tpu.memory_space<vmem>>, vector<1x16xf32>,
    %swap3A_383 = vector.shape_cast %swap3A_382 : vector<1x16xf32> to vector<16xf32>
    %swap3A_384 = vector.shape_cast %broadcast_in_dim3A_1 : vector<16xf32> to vector<1x16xf32>
    tpu.vector_store %arg11[%swap3A_380, %swap3A_381], %swap3A_384 {strides = array<i32>} : memref<80x16xf32, #tpu.memory_space<vmem>>, vector<1x16xf32>,
    %swap3A_385 = arith.constant 64 : i32
    %swap3A_386 = arith.index_cast %swap3A_385 : i32 to index
    %swap3A_387 = arith.constant 0 : index
    %swap3A_388 = tpu.vector_load %arg11[%swap3A_386, %swap3A_387] {strides = array<i32>} : memref<80x16xf32, #tpu.memory_space<vmem>>, vector<1x16xf32>,
    %swap3A_389 = vector.shape_cast %swap3A_388 : vector<1x16xf32> to vector<16xf32>
    %swap3A_390 = vector.shape_cast %broadcast_in_dim3A_1 : vector<16xf32> to vector<1x16xf32>
    tpu.vector_store %arg11[%swap3A_386, %swap3A_387], %swap3A_390 {strides = array<i32>} : memref<80x16xf32, #tpu.memory_space<vmem>>, vector<1x16xf32>,
    %swap3A_391 = arith.constant 65 : i32
    %swap3A_392 = arith.index_cast %swap3A_391 : i32 to index
    %swap3A_393 = arith.constant 0 : index
    %swap3A_394 = tpu.vector_load %arg11[%swap3A_392, %swap3A_393] {strides = array<i32>} : memref<80x16xf32, #tpu.memory_space<vmem>>, vector<1x16xf32>,
    %swap3A_395 = vector.shape_cast %swap3A_394 : vector<1x16xf32> to vector<16xf32>
    %swap3A_396 = vector.shape_cast %broadcast_in_dim3A_1 : vector<16xf32> to vector<1x16xf32>
    tpu.vector_store %arg11[%swap3A_392, %swap3A_393], %swap3A_396 {strides = array<i32>} : memref<80x16xf32, #tpu.memory_space<vmem>>, vector<1x16xf32>,
    %swap3A_397 = arith.constant 66 : i32
    %swap3A_398 = arith.index_cast %swap3A_397 : i32 to index
    %swap3A_399 = arith.constant 0 : index
    %swap3A_400 = tpu.vector_load %arg11[%swap3A_398, %swap3A_399] {strides = array<i32>} : memref<80x16xf32, #tpu.memory_space<vmem>>, vector<1x16xf32>,
    %swap3A_401 = vector.shape_cast %swap3A_400 : vector<1x16xf32> to vector<16xf32>
    %swap3A_402 = vector.shape_cast %broadcast_in_dim3A_1 : vector<16xf32> to vector<1x16xf32>
    tpu.vector_store %arg11[%swap3A_398, %swap3A_399], %swap3A_402 {strides = array<i32>} : memref<80x16xf32, #tpu.memory_space<vmem>>, vector<1x16xf32>,
    %swap3A_403 = arith.constant 67 : i32
    %swap3A_404 = arith.index_cast %swap3A_403 : i32 to index
    %swap3A_405 = arith.constant 0 : index
    %swap3A_406 = tpu.vector_load %arg11[%swap3A_404, %swap3A_405] {strides = array<i32>} : memref<80x16xf32, #tpu.memory_space<vmem>>, vector<1x16xf32>,
    %swap3A_407 = vector.shape_cast %swap3A_406 : vector<1x16xf32> to vector<16xf32>
    %swap3A_408 = vector.shape_cast %broadcast_in_dim3A_1 : vector<16xf32> to vector<1x16xf32>
    tpu.vector_store %arg11[%swap3A_404, %swap3A_405], %swap3A_408 {strides = array<i32>} : memref<80x16xf32, #tpu.memory_space<vmem>>, vector<1x16xf32>,
    %swap3A_409 = arith.constant 68 : i32
    %swap3A_410 = arith.index_cast %swap3A_409 : i32 to index
    %swap3A_411 = arith.constant 0 : index
    %swap3A_412 = tpu.vector_load %arg11[%swap3A_410, %swap3A_411] {strides = array<i32>} : memref<80x16xf32, #tpu.memory_space<vmem>>, vector<1x16xf32>,
    %swap3A_413 = vector.shape_cast %swap3A_412 : vector<1x16xf32> to vector<16xf32>
    %swap3A_414 = vector.shape_cast %broadcast_in_dim3A_1 : vector<16xf32> to vector<1x16xf32>
    tpu.vector_store %arg11[%swap3A_410, %swap3A_411], %swap3A_414 {strides = array<i32>} : memref<80x16xf32, #tpu.memory_space<vmem>>, vector<1x16xf32>,
    %swap3A_415 = arith.constant 69 : i32
    %swap3A_416 = arith.index_cast %swap3A_415 : i32 to index
    %swap3A_417 = arith.constant 0 : index
    %swap3A_418 = tpu.vector_load %arg11[%swap3A_416, %swap3A_417] {strides = array<i32>} : memref<80x16xf32, #tpu.memory_space<vmem>>, vector<1x16xf32>,
    %swap3A_419 = vector.shape_cast %swap3A_418 : vector<1x16xf32> to vector<16xf32>
    %swap3A_420 = vector.shape_cast %broadcast_in_dim3A_1 : vector<16xf32> to vector<1x16xf32>
    tpu.vector_store %arg11[%swap3A_416, %swap3A_417], %swap3A_420 {strides = array<i32>} : memref<80x16xf32, #tpu.memory_space<vmem>>, vector<1x16xf32>,
    %swap3A_421 = arith.constant 70 : i32
    %swap3A_422 = arith.index_cast %swap3A_421 : i32 to index
    %swap3A_423 = arith.constant 0 : index
    %swap3A_424 = tpu.vector_load %arg11[%swap3A_422, %swap3A_423] {strides = array<i32>} : memref<80x16xf32, #tpu.memory_space<vmem>>, vector<1x16xf32>,
    %swap3A_425 = vector.shape_cast %swap3A_424 : vector<1x16xf32> to vector<16xf32>
    %swap3A_426 = vector.shape_cast %broadcast_in_dim3A_1 : vector<16xf32> to vector<1x16xf32>
    tpu.vector_store %arg11[%swap3A_422, %swap3A_423], %swap3A_426 {strides = array<i32>} : memref<80x16xf32, #tpu.memory_space<vmem>>, vector<1x16xf32>,
    %swap3A_427 = arith.constant 71 : i32
    %swap3A_428 = arith.index_cast %swap3A_427 : i32 to index
    %swap3A_429 = arith.constant 0 : index
    %swap3A_430 = tpu.vector_load %arg11[%swap3A_428, %swap3A_429] {strides = array<i32>} : memref<80x16xf32, #tpu.memory_space<vmem>>, vector<1x16xf32>,
    %swap3A_431 = vector.shape_cast %swap3A_430 : vector<1x16xf32> to vector<16xf32>
    %swap3A_432 = vector.shape_cast %broadcast_in_dim3A_1 : vector<16xf32> to vector<1x16xf32>
    tpu.vector_store %arg11[%swap3A_428, %swap3A_429], %swap3A_432 {strides = array<i32>} : memref<80x16xf32, #tpu.memory_space<vmem>>, vector<1x16xf32>,
    %swap3A_433 = arith.constant 72 : i32
    %swap3A_434 = arith.index_cast %swap3A_433 : i32 to index
    %swap3A_435 = arith.constant 0 : index
    %swap3A_436 = tpu.vector_load %arg11[%swap3A_434, %swap3A_435] {strides = array<i32>} : memref<80x16xf32, #tpu.memory_space<vmem>>, vector<1x16xf32>,
    %swap3A_437 = vector.shape_cast %swap3A_436 : vector<1x16xf32> to vector<16xf32>
    %swap3A_438 = vector.shape_cast %broadcast_in_dim3A_1 : vector<16xf32> to vector<1x16xf32>
    tpu.vector_store %arg11[%swap3A_434, %swap3A_435], %swap3A_438 {strides = array<i32>} : memref<80x16xf32, #tpu.memory_space<vmem>>, vector<1x16xf32>,
    %swap3A_439 = arith.constant 73 : i32
    %swap3A_440 = arith.index_cast %swap3A_439 : i32 to index
    %swap3A_441 = arith.constant 0 : index
    %swap3A_442 = tpu.vector_load %arg11[%swap3A_440, %swap3A_441] {strides = array<i32>} : memref<80x16xf32, #tpu.memory_space<vmem>>, vector<1x16xf32>,
    %swap3A_443 = vector.shape_cast %swap3A_442 : vector<1x16xf32> to vector<16xf32>
    %swap3A_444 = vector.shape_cast %broadcast_in_dim3A_1 : vector<16xf32> to vector<1x16xf32>
    tpu.vector_store %arg11[%swap3A_440, %swap3A_441], %swap3A_444 {strides = array<i32>} : memref<80x16xf32, #tpu.memory_space<vmem>>, vector<1x16xf32>,
    %swap3A_445 = arith.constant 74 : i32
    %swap3A_446 = arith.index_cast %swap3A_445 : i32 to index
    %swap3A_447 = arith.constant 0 : index
    %swap3A_448 = tpu.vector_load %arg11[%swap3A_446, %swap3A_447] {strides = array<i32>} : memref<80x16xf32, #tpu.memory_space<vmem>>, vector<1x16xf32>,
    %swap3A_449 = vector.shape_cast %swap3A_448 : vector<1x16xf32> to vector<16xf32>
    %swap3A_450 = vector.shape_cast %broadcast_in_dim3A_1 : vector<16xf32> to vector<1x16xf32>
    tpu.vector_store %arg11[%swap3A_446, %swap3A_447], %swap3A_450 {strides = array<i32>} : memref<80x16xf32, #tpu.memory_space<vmem>>, vector<1x16xf32>,
    %swap3A_451 = arith.constant 75 : i32
    %swap3A_452 = arith.index_cast %swap3A_451 : i32 to index
    %swap3A_453 = arith.constant 0 : index
    %swap3A_454 = tpu.vector_load %arg11[%swap3A_452, %swap3A_453] {strides = array<i32>} : memref<80x16xf32, #tpu.memory_space<vmem>>, vector<1x16xf32>,
    %swap3A_455 = vector.shape_cast %swap3A_454 : vector<1x16xf32> to vector<16xf32>
    %swap3A_456 = vector.shape_cast %broadcast_in_dim3A_1 : vector<16xf32> to vector<1x16xf32>
    tpu.vector_store %arg11[%swap3A_452, %swap3A_453], %swap3A_456 {strides = array<i32>} : memref<80x16xf32, #tpu.memory_space<vmem>>, vector<1x16xf32>,
    %swap3A_457 = arith.constant 76 : i32
    %swap3A_458 = arith.index_cast %swap3A_457 : i32 to index
    %swap3A_459 = arith.constant 0 : index
    %swap3A_460 = tpu.vector_load %arg11[%swap3A_458, %swap3A_459] {strides = array<i32>} : memref<80x16xf32, #tpu.memory_space<vmem>>, vector<1x16xf32>,
    %swap3A_461 = vector.shape_cast %swap3A_460 : vector<1x16xf32> to vector<16xf32>
    %swap3A_462 = vector.shape_cast %broadcast_in_dim3A_1 : vector<16xf32> to vector<1x16xf32>
    tpu.vector_store %arg11[%swap3A_458, %swap3A_459], %swap3A_462 {strides = array<i32>} : memref<80x16xf32, #tpu.memory_space<vmem>>, vector<1x16xf32>,
    %swap3A_463 = arith.constant 77 : i32
    %swap3A_464 = arith.index_cast %swap3A_463 : i32 to index
    %swap3A_465 = arith.constant 0 : index
    %swap3A_466 = tpu.vector_load %arg11[%swap3A_464, %swap3A_465] {strides = array<i32>} : memref<80x16xf32, #tpu.memory_space<vmem>>, vector<1x16xf32>,
    %swap3A_467 = vector.shape_cast %swap3A_466 : vector<1x16xf32> to vector<16xf32>
    %swap3A_468 = vector.shape_cast %broadcast_in_dim3A_1 : vector<16xf32> to vector<1x16xf32>
    tpu.vector_store %arg11[%swap3A_464, %swap3A_465], %swap3A_468 {strides = array<i32>} : memref<80x16xf32, #tpu.memory_space<vmem>>, vector<1x16xf32>,
    %swap3A_469 = arith.constant 78 : i32
    %swap3A_470 = arith.index_cast %swap3A_469 : i32 to index
    %swap3A_471 = arith.constant 0 : index
    %swap3A_472 = tpu.vector_load %arg11[%swap3A_470, %swap3A_471] {strides = array<i32>} : memref<80x16xf32, #tpu.memory_space<vmem>>, vector<1x16xf32>,
    %swap3A_473 = vector.shape_cast %swap3A_472 : vector<1x16xf32> to vector<16xf32>
    %swap3A_474 = vector.shape_cast %broadcast_in_dim3A_1 : vector<16xf32> to vector<1x16xf32>
    tpu.vector_store %arg11[%swap3A_470, %swap3A_471], %swap3A_474 {strides = array<i32>} : memref<80x16xf32, #tpu.memory_space<vmem>>, vector<1x16xf32>,
    %swap3A_475 = arith.constant 79 : i32
    %swap3A_476 = arith.index_cast %swap3A_475 : i32 to index
    %swap3A_477 = arith.constant 0 : index
    %swap3A_478 = tpu.vector_load %arg11[%swap3A_476, %swap3A_477] {strides = array<i32>} : memref<80x16xf32, #tpu.memory_space<vmem>>, vector<1x16xf32>,
    %swap3A_479 = vector.shape_cast %swap3A_478 : vector<1x16xf32> to vector<16xf32>
    %swap3A_480 = vector.shape_cast %broadcast_in_dim3A_1 : vector<16xf32> to vector<1x16xf32>
    tpu.vector_store %arg11[%swap3A_476, %swap3A_477], %swap3A_480 {strides = array<i32>} : memref<80x16xf32, #tpu.memory_space<vmem>>, vector<1x16xf32>,
    %mul3A_481 = arith.constant 640 : i32
    %mul3A_482 = arith.muli %arg1, %mul3A_481 : i32
    %add3A_483 = arith.constant 0 : i32
    %add3A_484 = arith.addi %mul3A_482, %add3A_483 : i32
    "tpu.region"() ({
      %run_scoped3A = tpu.sem_alloc : memref<!tpu.dma_semaphore, #tpu.memory_space<semaphore_mem>>
      %dma_start3A = arith.constant 0 : i32
      %dma_start3A_520 = tpu.memref_slice %arg7[%add3A_484, %dma_start3A] : memref<10240x16xf32, #tpu.memory_space<vmem_shared>> -> memref<80x16xf32, #tpu.memory_space<vmem_shared>>
      %dma_start3A_521 = arith.constant 0 : i32
      %dma_start3A_522 = tpu.memref_slice %arg7[%add3A_484, %dma_start3A_521] : memref<10240x16xf32, #tpu.memory_space<vmem_shared>> -> memref<80x16xf32, #tpu.memory_space<vmem_shared>>
      tpu.enqueue_dma source(%arg11 : memref<80x16xf32, #tpu.memory_space<vmem>>) target(%dma_start3A_522 : memref<80x16xf32, #tpu.memory_space<vmem_shared>>) target_semaphore(%run_scoped3A : memref<!tpu.dma_semaphore, #tpu.memory_space<semaphore_mem>>)
      %dma_wait3A = arith.constant 0 : i32
      %dma_wait3A_523 = tpu.memref_slice %arg7[%add3A_484, %dma_wait3A] : memref<10240x16xf32, #tpu.memory_space<vmem_shared>> -> memref<80x16xf32, #tpu.memory_space<vmem_shared>>
      %dma_wait3A_524 = arith.constant 0 : i32
      %dma_wait3A_525 = tpu.memref_slice %arg7[%add3A_484, %dma_wait3A_524] : memref<10240x16xf32, #tpu.memory_space<vmem_shared>> -> memref<80x16xf32, #tpu.memory_space<vmem_shared>>
      tpu.wait_dma2 semaphore(%run_scoped3A : memref<!tpu.dma_semaphore, #tpu.memory_space<semaphore_mem>>) src(%arg11 : memref<80x16xf32, #tpu.memory_space<vmem>>) dst(%dma_wait3A_525 : memref<80x16xf32, #tpu.memory_space<vmem_shared>>)
      tpu.yield
    }) : () -> ()
    %mul3A_485 = arith.constant 640 : i32
    %mul3A_486 = arith.muli %arg1, %mul3A_485 : i32
    %add3A_487 = arith.constant 80 : i32
    %add3A_488 = arith.addi %mul3A_486, %add3A_487 : i32
    "tpu.region"() ({
      %run_scoped3A = tpu.sem_alloc : memref<!tpu.dma_semaphore, #tpu.memory_space<semaphore_mem>>
      %dma_start3A = arith.constant 0 : i32
      %dma_start3A_520 = tpu.memref_slice %arg7[%add3A_488, %dma_start3A] : memref<10240x16xf32, #tpu.memory_space<vmem_shared>> -> memref<80x16xf32, #tpu.memory_space<vmem_shared>>
      %dma_start3A_521 = arith.constant 0 : i32
      %dma_start3A_522 = tpu.memref_slice %arg7[%add3A_488, %dma_start3A_521] : memref<10240x16xf32, #tpu.memory_space<vmem_shared>> -> memref<80x16xf32, #tpu.memory_space<vmem_shared>>
      tpu.enqueue_dma source(%arg11 : memref<80x16xf32, #tpu.memory_space<vmem>>) target(%dma_start3A_522 : memref<80x16xf32, #tpu.memory_space<vmem_shared>>) target_semaphore(%run_scoped3A : memref<!tpu.dma_semaphore, #tpu.memory_space<semaphore_mem>>)
      %dma_wait3A = arith.constant 0 : i32
      %dma_wait3A_523 = tpu.memref_slice %arg7[%add3A_488, %dma_wait3A] : memref<10240x16xf32, #tpu.memory_space<vmem_shared>> -> memref<80x16xf32, #tpu.memory_space<vmem_shared>>
      %dma_wait3A_524 = arith.constant 0 : i32
      %dma_wait3A_525 = tpu.memref_slice %arg7[%add3A_488, %dma_wait3A_524] : memref<10240x16xf32, #tpu.memory_space<vmem_shared>> -> memref<80x16xf32, #tpu.memory_space<vmem_shared>>
      tpu.wait_dma2 semaphore(%run_scoped3A : memref<!tpu.dma_semaphore, #tpu.memory_space<semaphore_mem>>) src(%arg11 : memref<80x16xf32, #tpu.memory_space<vmem>>) dst(%dma_wait3A_525 : memref<80x16xf32, #tpu.memory_space<vmem_shared>>)
      tpu.yield
    }) : () -> ()
    %mul3A_489 = arith.constant 640 : i32
    %mul3A_490 = arith.muli %arg1, %mul3A_489 : i32
    %add3A_491 = arith.constant 160 : i32
    %add3A_492 = arith.addi %mul3A_490, %add3A_491 : i32
    "tpu.region"() ({
      %run_scoped3A = tpu.sem_alloc : memref<!tpu.dma_semaphore, #tpu.memory_space<semaphore_mem>>
      %dma_start3A = arith.constant 0 : i32
      %dma_start3A_520 = tpu.memref_slice %arg7[%add3A_492, %dma_start3A] : memref<10240x16xf32, #tpu.memory_space<vmem_shared>> -> memref<80x16xf32, #tpu.memory_space<vmem_shared>>
      %dma_start3A_521 = arith.constant 0 : i32
      %dma_start3A_522 = tpu.memref_slice %arg7[%add3A_492, %dma_start3A_521] : memref<10240x16xf32, #tpu.memory_space<vmem_shared>> -> memref<80x16xf32, #tpu.memory_space<vmem_shared>>
      tpu.enqueue_dma source(%arg11 : memref<80x16xf32, #tpu.memory_space<vmem>>) target(%dma_start3A_522 : memref<80x16xf32, #tpu.memory_space<vmem_shared>>) target_semaphore(%run_scoped3A : memref<!tpu.dma_semaphore, #tpu.memory_space<semaphore_mem>>)
      %dma_wait3A = arith.constant 0 : i32
      %dma_wait3A_523 = tpu.memref_slice %arg7[%add3A_492, %dma_wait3A] : memref<10240x16xf32, #tpu.memory_space<vmem_shared>> -> memref<80x16xf32, #tpu.memory_space<vmem_shared>>
      %dma_wait3A_524 = arith.constant 0 : i32
      %dma_wait3A_525 = tpu.memref_slice %arg7[%add3A_492, %dma_wait3A_524] : memref<10240x16xf32, #tpu.memory_space<vmem_shared>> -> memref<80x16xf32, #tpu.memory_space<vmem_shared>>
      tpu.wait_dma2 semaphore(%run_scoped3A : memref<!tpu.dma_semaphore, #tpu.memory_space<semaphore_mem>>) src(%arg11 : memref<80x16xf32, #tpu.memory_space<vmem>>) dst(%dma_wait3A_525 : memref<80x16xf32, #tpu.memory_space<vmem_shared>>)
      tpu.yield
    }) : () -> ()
    %mul3A_493 = arith.constant 640 : i32
    %mul3A_494 = arith.muli %arg1, %mul3A_493 : i32
    %add3A_495 = arith.constant 240 : i32
    %add3A_496 = arith.addi %mul3A_494, %add3A_495 : i32
    "tpu.region"() ({
      %run_scoped3A = tpu.sem_alloc : memref<!tpu.dma_semaphore, #tpu.memory_space<semaphore_mem>>
      %dma_start3A = arith.constant 0 : i32
      %dma_start3A_520 = tpu.memref_slice %arg7[%add3A_496, %dma_start3A] : memref<10240x16xf32, #tpu.memory_space<vmem_shared>> -> memref<80x16xf32, #tpu.memory_space<vmem_shared>>
      %dma_start3A_521 = arith.constant 0 : i32
      %dma_start3A_522 = tpu.memref_slice %arg7[%add3A_496, %dma_start3A_521] : memref<10240x16xf32, #tpu.memory_space<vmem_shared>> -> memref<80x16xf32, #tpu.memory_space<vmem_shared>>
      tpu.enqueue_dma source(%arg11 : memref<80x16xf32, #tpu.memory_space<vmem>>) target(%dma_start3A_522 : memref<80x16xf32, #tpu.memory_space<vmem_shared>>) target_semaphore(%run_scoped3A : memref<!tpu.dma_semaphore, #tpu.memory_space<semaphore_mem>>)
      %dma_wait3A = arith.constant 0 : i32
      %dma_wait3A_523 = tpu.memref_slice %arg7[%add3A_496, %dma_wait3A] : memref<10240x16xf32, #tpu.memory_space<vmem_shared>> -> memref<80x16xf32, #tpu.memory_space<vmem_shared>>
      %dma_wait3A_524 = arith.constant 0 : i32
      %dma_wait3A_525 = tpu.memref_slice %arg7[%add3A_496, %dma_wait3A_524] : memref<10240x16xf32, #tpu.memory_space<vmem_shared>> -> memref<80x16xf32, #tpu.memory_space<vmem_shared>>
      tpu.wait_dma2 semaphore(%run_scoped3A : memref<!tpu.dma_semaphore, #tpu.memory_space<semaphore_mem>>) src(%arg11 : memref<80x16xf32, #tpu.memory_space<vmem>>) dst(%dma_wait3A_525 : memref<80x16xf32, #tpu.memory_space<vmem_shared>>)
      tpu.yield
    }) : () -> ()
    %mul3A_497 = arith.constant 640 : i32
    %mul3A_498 = arith.muli %arg1, %mul3A_497 : i32
    %add3A_499 = arith.constant 320 : i32
    %add3A_500 = arith.addi %mul3A_498, %add3A_499 : i32
    "tpu.region"() ({
      %run_scoped3A = tpu.sem_alloc : memref<!tpu.dma_semaphore, #tpu.memory_space<semaphore_mem>>
      %dma_start3A = arith.constant 0 : i32
      %dma_start3A_520 = tpu.memref_slice %arg7[%add3A_500, %dma_start3A] : memref<10240x16xf32, #tpu.memory_space<vmem_shared>> -> memref<80x16xf32, #tpu.memory_space<vmem_shared>>
      %dma_start3A_521 = arith.constant 0 : i32
      %dma_start3A_522 = tpu.memref_slice %arg7[%add3A_500, %dma_start3A_521] : memref<10240x16xf32, #tpu.memory_space<vmem_shared>> -> memref<80x16xf32, #tpu.memory_space<vmem_shared>>
      tpu.enqueue_dma source(%arg11 : memref<80x16xf32, #tpu.memory_space<vmem>>) target(%dma_start3A_522 : memref<80x16xf32, #tpu.memory_space<vmem_shared>>) target_semaphore(%run_scoped3A : memref<!tpu.dma_semaphore, #tpu.memory_space<semaphore_mem>>)
      %dma_wait3A = arith.constant 0 : i32
      %dma_wait3A_523 = tpu.memref_slice %arg7[%add3A_500, %dma_wait3A] : memref<10240x16xf32, #tpu.memory_space<vmem_shared>> -> memref<80x16xf32, #tpu.memory_space<vmem_shared>>
      %dma_wait3A_524 = arith.constant 0 : i32
      %dma_wait3A_525 = tpu.memref_slice %arg7[%add3A_500, %dma_wait3A_524] : memref<10240x16xf32, #tpu.memory_space<vmem_shared>> -> memref<80x16xf32, #tpu.memory_space<vmem_shared>>
      tpu.wait_dma2 semaphore(%run_scoped3A : memref<!tpu.dma_semaphore, #tpu.memory_space<semaphore_mem>>) src(%arg11 : memref<80x16xf32, #tpu.memory_space<vmem>>) dst(%dma_wait3A_525 : memref<80x16xf32, #tpu.memory_space<vmem_shared>>)
      tpu.yield
    }) : () -> ()
    %mul3A_501 = arith.constant 640 : i32
    %mul3A_502 = arith.muli %arg1, %mul3A_501 : i32
    %add3A_503 = arith.constant 400 : i32
    %add3A_504 = arith.addi %mul3A_502, %add3A_503 : i32
    "tpu.region"() ({
      %run_scoped3A = tpu.sem_alloc : memref<!tpu.dma_semaphore, #tpu.memory_space<semaphore_mem>>
      %dma_start3A = arith.constant 0 : i32
      %dma_start3A_520 = tpu.memref_slice %arg7[%add3A_504, %dma_start3A] : memref<10240x16xf32, #tpu.memory_space<vmem_shared>> -> memref<80x16xf32, #tpu.memory_space<vmem_shared>>
      %dma_start3A_521 = arith.constant 0 : i32
      %dma_start3A_522 = tpu.memref_slice %arg7[%add3A_504, %dma_start3A_521] : memref<10240x16xf32, #tpu.memory_space<vmem_shared>> -> memref<80x16xf32, #tpu.memory_space<vmem_shared>>
      tpu.enqueue_dma source(%arg11 : memref<80x16xf32, #tpu.memory_space<vmem>>) target(%dma_start3A_522 : memref<80x16xf32, #tpu.memory_space<vmem_shared>>) target_semaphore(%run_scoped3A : memref<!tpu.dma_semaphore, #tpu.memory_space<semaphore_mem>>)
      %dma_wait3A = arith.constant 0 : i32
      %dma_wait3A_523 = tpu.memref_slice %arg7[%add3A_504, %dma_wait3A] : memref<10240x16xf32, #tpu.memory_space<vmem_shared>> -> memref<80x16xf32, #tpu.memory_space<vmem_shared>>
      %dma_wait3A_524 = arith.constant 0 : i32
      %dma_wait3A_525 = tpu.memref_slice %arg7[%add3A_504, %dma_wait3A_524] : memref<10240x16xf32, #tpu.memory_space<vmem_shared>> -> memref<80x16xf32, #tpu.memory_space<vmem_shared>>
      tpu.wait_dma2 semaphore(%run_scoped3A : memref<!tpu.dma_semaphore, #tpu.memory_space<semaphore_mem>>) src(%arg11 : memref<80x16xf32, #tpu.memory_space<vmem>>) dst(%dma_wait3A_525 : memref<80x16xf32, #tpu.memory_space<vmem_shared>>)
      tpu.yield
    }) : () -> ()
    %mul3A_505 = arith.constant 640 : i32
    %mul3A_506 = arith.muli %arg1, %mul3A_505 : i32
    %add3A_507 = arith.constant 480 : i32
    %add3A_508 = arith.addi %mul3A_506, %add3A_507 : i32
    "tpu.region"() ({
      %run_scoped3A = tpu.sem_alloc : memref<!tpu.dma_semaphore, #tpu.memory_space<semaphore_mem>>
      %dma_start3A = arith.constant 0 : i32
      %dma_start3A_520 = tpu.memref_slice %arg7[%add3A_508, %dma_start3A] : memref<10240x16xf32, #tpu.memory_space<vmem_shared>> -> memref<80x16xf32, #tpu.memory_space<vmem_shared>>
      %dma_start3A_521 = arith.constant 0 : i32
      %dma_start3A_522 = tpu.memref_slice %arg7[%add3A_508, %dma_start3A_521] : memref<10240x16xf32, #tpu.memory_space<vmem_shared>> -> memref<80x16xf32, #tpu.memory_space<vmem_shared>>
      tpu.enqueue_dma source(%arg11 : memref<80x16xf32, #tpu.memory_space<vmem>>) target(%dma_start3A_522 : memref<80x16xf32, #tpu.memory_space<vmem_shared>>) target_semaphore(%run_scoped3A : memref<!tpu.dma_semaphore, #tpu.memory_space<semaphore_mem>>)
      %dma_wait3A = arith.constant 0 : i32
      %dma_wait3A_523 = tpu.memref_slice %arg7[%add3A_508, %dma_wait3A] : memref<10240x16xf32, #tpu.memory_space<vmem_shared>> -> memref<80x16xf32, #tpu.memory_space<vmem_shared>>
      %dma_wait3A_524 = arith.constant 0 : i32
      %dma_wait3A_525 = tpu.memref_slice %arg7[%add3A_508, %dma_wait3A_524] : memref<10240x16xf32, #tpu.memory_space<vmem_shared>> -> memref<80x16xf32, #tpu.memory_space<vmem_shared>>
      tpu.wait_dma2 semaphore(%run_scoped3A : memref<!tpu.dma_semaphore, #tpu.memory_space<semaphore_mem>>) src(%arg11 : memref<80x16xf32, #tpu.memory_space<vmem>>) dst(%dma_wait3A_525 : memref<80x16xf32, #tpu.memory_space<vmem_shared>>)
      tpu.yield
    }) : () -> ()
    %mul3A_509 = arith.constant 640 : i32
    %mul3A_510 = arith.muli %arg1, %mul3A_509 : i32
    %add3A_511 = arith.constant 560 : i32
    %add3A_512 = arith.addi %mul3A_510, %add3A_511 : i32
    "tpu.region"() ({
      %run_scoped3A = tpu.sem_alloc : memref<!tpu.dma_semaphore, #tpu.memory_space<semaphore_mem>>
      %dma_start3A = arith.constant 0 : i32
      %dma_start3A_520 = tpu.memref_slice %arg7[%add3A_512, %dma_start3A] : memref<10240x16xf32, #tpu.memory_space<vmem_shared>> -> memref<80x16xf32, #tpu.memory_space<vmem_shared>>
      %dma_start3A_521 = arith.constant 0 : i32
      %dma_start3A_522 = tpu.memref_slice %arg7[%add3A_512, %dma_start3A_521] : memref<10240x16xf32, #tpu.memory_space<vmem_shared>> -> memref<80x16xf32, #tpu.memory_space<vmem_shared>>
      tpu.enqueue_dma source(%arg11 : memref<80x16xf32, #tpu.memory_space<vmem>>) target(%dma_start3A_522 : memref<80x16xf32, #tpu.memory_space<vmem_shared>>) target_semaphore(%run_scoped3A : memref<!tpu.dma_semaphore, #tpu.memory_space<semaphore_mem>>)
      %dma_wait3A = arith.constant 0 : i32
      %dma_wait3A_523 = tpu.memref_slice %arg7[%add3A_512, %dma_wait3A] : memref<10240x16xf32, #tpu.memory_space<vmem_shared>> -> memref<80x16xf32, #tpu.memory_space<vmem_shared>>
      %dma_wait3A_524 = arith.constant 0 : i32
      %dma_wait3A_525 = tpu.memref_slice %arg7[%add3A_512, %dma_wait3A_524] : memref<10240x16xf32, #tpu.memory_space<vmem_shared>> -> memref<80x16xf32, #tpu.memory_space<vmem_shared>>
      tpu.wait_dma2 semaphore(%run_scoped3A : memref<!tpu.dma_semaphore, #tpu.memory_space<semaphore_mem>>) src(%arg11 : memref<80x16xf32, #tpu.memory_space<vmem>>) dst(%dma_wait3A_525 : memref<80x16xf32, #tpu.memory_space<vmem_shared>>)
      tpu.yield
    }) : () -> ()
    "tpu.region"() ({
      %run_scoped3A = tpu.sem_alloc : memref<!tpu.dma_semaphore, #tpu.memory_space<semaphore_mem>>
      %dma_start3A = arith.constant 0 : i32
      %dma_start3A_520 = arith.constant 0 : i32
      %dma_start3A_521 = tpu.memref_slice %arg3[%add3A, %dma_start3A, %dma_start3A_520] : memref<32x125x80xi32, #tpu.memory_space<hbm>> -> memref<1x125x80xi32, #tpu.memory_space<hbm>>
      %dma_start3A_522 = tpu.memref_squeeze %dma_start3A_521 : memref<1x125x80xi32, #tpu.memory_space<hbm>> -> memref<125x80xi32, #tpu.memory_space<hbm>>
      %dma_start3A_523 = arith.constant 0 : i32
      %dma_start3A_524 = arith.constant 0 : i32
      %dma_start3A_525 = tpu.memref_slice %arg3[%add3A, %dma_start3A_523, %dma_start3A_524] : memref<32x125x80xi32, #tpu.memory_space<hbm>> -> memref<1x125x80xi32, #tpu.memory_space<hbm>>
      %dma_start3A_526 = tpu.memref_squeeze %dma_start3A_525 : memref<1x125x80xi32, #tpu.memory_space<hbm>> -> memref<125x80xi32, #tpu.memory_space<hbm>>
      tpu.enqueue_dma source(%dma_start3A_526 : memref<125x80xi32, #tpu.memory_space<hbm>>) target(%arg8 : memref<125x80xi32, #tpu.memory_space<vmem>>) target_semaphore(%run_scoped3A : memref<!tpu.dma_semaphore, #tpu.memory_space<semaphore_mem>>)
      %dma_wait3A = arith.constant 0 : i32
      %dma_wait3A_527 = arith.constant 0 : i32
      %dma_wait3A_528 = tpu.memref_slice %arg3[%add3A, %dma_wait3A, %dma_wait3A_527] : memref<32x125x80xi32, #tpu.memory_space<hbm>> -> memref<1x125x80xi32, #tpu.memory_space<hbm>>
      %dma_wait3A_529 = tpu.memref_squeeze %dma_wait3A_528 : memref<1x125x80xi32, #tpu.memory_space<hbm>> -> memref<125x80xi32, #tpu.memory_space<hbm>>
      %dma_wait3A_530 = arith.constant 0 : i32
      %dma_wait3A_531 = arith.constant 0 : i32
      %dma_wait3A_532 = tpu.memref_slice %arg3[%add3A, %dma_wait3A_530, %dma_wait3A_531] : memref<32x125x80xi32, #tpu.memory_space<hbm>> -> memref<1x125x80xi32, #tpu.memory_space<hbm>>
      %dma_wait3A_533 = tpu.memref_squeeze %dma_wait3A_532 : memref<1x125x80xi32, #tpu.memory_space<hbm>> -> memref<125x80xi32, #tpu.memory_space<hbm>>
      tpu.wait_dma2 semaphore(%run_scoped3A : memref<!tpu.dma_semaphore, #tpu.memory_space<semaphore_mem>>) src(%dma_wait3A_533 : memref<125x80xi32, #tpu.memory_space<hbm>>) dst(%arg8 : memref<125x80xi32, #tpu.memory_space<vmem>>)
      tpu.yield
    }) : () -> ()
    "tpu.region"() ({
      %run_scoped3A = tpu.sem_alloc : memref<!tpu.dma_semaphore, #tpu.memory_space<semaphore_mem>>
      %dma_start3A = arith.constant 0 : i32
      %dma_start3A_520 = arith.constant 0 : i32
      %dma_start3A_521 = tpu.memref_slice %arg4[%add3A, %dma_start3A, %dma_start3A_520] : memref<32x125x80xi32, #tpu.memory_space<hbm>> -> memref<1x125x80xi32, #tpu.memory_space<hbm>>
      %dma_start3A_522 = tpu.memref_squeeze %dma_start3A_521 : memref<1x125x80xi32, #tpu.memory_space<hbm>> -> memref<125x80xi32, #tpu.memory_space<hbm>>
      %dma_start3A_523 = arith.constant 0 : i32
      %dma_start3A_524 = arith.constant 0 : i32
      %dma_start3A_525 = tpu.memref_slice %arg4[%add3A, %dma_start3A_523, %dma_start3A_524] : memref<32x125x80xi32, #tpu.memory_space<hbm>> -> memref<1x125x80xi32, #tpu.memory_space<hbm>>
      %dma_start3A_526 = tpu.memref_squeeze %dma_start3A_525 : memref<1x125x80xi32, #tpu.memory_space<hbm>> -> memref<125x80xi32, #tpu.memory_space<hbm>>
      tpu.enqueue_dma source(%dma_start3A_526 : memref<125x80xi32, #tpu.memory_space<hbm>>) target(%arg9 : memref<125x80xi32, #tpu.memory_space<vmem>>) target_semaphore(%run_scoped3A : memref<!tpu.dma_semaphore, #tpu.memory_space<semaphore_mem>>)
      %dma_wait3A = arith.constant 0 : i32
      %dma_wait3A_527 = arith.constant 0 : i32
      %dma_wait3A_528 = tpu.memref_slice %arg4[%add3A, %dma_wait3A, %dma_wait3A_527] : memref<32x125x80xi32, #tpu.memory_space<hbm>> -> memref<1x125x80xi32, #tpu.memory_space<hbm>>
      %dma_wait3A_529 = tpu.memref_squeeze %dma_wait3A_528 : memref<1x125x80xi32, #tpu.memory_space<hbm>> -> memref<125x80xi32, #tpu.memory_space<hbm>>
      %dma_wait3A_530 = arith.constant 0 : i32
      %dma_wait3A_531 = arith.constant 0 : i32
      %dma_wait3A_532 = tpu.memref_slice %arg4[%add3A, %dma_wait3A_530, %dma_wait3A_531] : memref<32x125x80xi32, #tpu.memory_space<hbm>> -> memref<1x125x80xi32, #tpu.memory_space<hbm>>
      %dma_wait3A_533 = tpu.memref_squeeze %dma_wait3A_532 : memref<1x125x80xi32, #tpu.memory_space<hbm>> -> memref<125x80xi32, #tpu.memory_space<hbm>>
      tpu.wait_dma2 semaphore(%run_scoped3A : memref<!tpu.dma_semaphore, #tpu.memory_space<semaphore_mem>>) src(%dma_wait3A_533 : memref<125x80xi32, #tpu.memory_space<hbm>>) dst(%arg9 : memref<125x80xi32, #tpu.memory_space<vmem>>)
      tpu.yield
    }) : () -> ()
    "tpu.region"() ({
      %run_scoped3A = tpu.sem_alloc : memref<!tpu.dma_semaphore, #tpu.memory_space<semaphore_mem>>
      %dma_start3A = arith.constant 0 : i32
      %dma_start3A_520 = arith.constant 0 : i32
      %dma_start3A_521 = tpu.memref_slice %arg5[%add3A, %dma_start3A, %dma_start3A_520] : memref<32x125x80xf32, #tpu.memory_space<hbm>> -> memref<1x125x80xf32, #tpu.memory_space<hbm>>
      %dma_start3A_522 = tpu.memref_squeeze %dma_start3A_521 : memref<1x125x80xf32, #tpu.memory_space<hbm>> -> memref<125x80xf32, #tpu.memory_space<hbm>>
      %dma_start3A_523 = arith.constant 0 : i32
      %dma_start3A_524 = arith.constant 0 : i32
      %dma_start3A_525 = tpu.memref_slice %arg5[%add3A, %dma_start3A_523, %dma_start3A_524] : memref<32x125x80xf32, #tpu.memory_space<hbm>> -> memref<1x125x80xf32, #tpu.memory_space<hbm>>
      %dma_start3A_526 = tpu.memref_squeeze %dma_start3A_525 : memref<1x125x80xf32, #tpu.memory_space<hbm>> -> memref<125x80xf32, #tpu.memory_space<hbm>>
      tpu.enqueue_dma source(%dma_start3A_526 : memref<125x80xf32, #tpu.memory_space<hbm>>) target(%arg10 : memref<125x80xf32, #tpu.memory_space<vmem>>) target_semaphore(%run_scoped3A : memref<!tpu.dma_semaphore, #tpu.memory_space<semaphore_mem>>)
      %dma_wait3A = arith.constant 0 : i32
      %dma_wait3A_527 = arith.constant 0 : i32
      %dma_wait3A_528 = tpu.memref_slice %arg5[%add3A, %dma_wait3A, %dma_wait3A_527] : memref<32x125x80xf32, #tpu.memory_space<hbm>> -> memref<1x125x80xf32, #tpu.memory_space<hbm>>
      %dma_wait3A_529 = tpu.memref_squeeze %dma_wait3A_528 : memref<1x125x80xf32, #tpu.memory_space<hbm>> -> memref<125x80xf32, #tpu.memory_space<hbm>>
      %dma_wait3A_530 = arith.constant 0 : i32
      %dma_wait3A_531 = arith.constant 0 : i32
      %dma_wait3A_532 = tpu.memref_slice %arg5[%add3A, %dma_wait3A_530, %dma_wait3A_531] : memref<32x125x80xf32, #tpu.memory_space<hbm>> -> memref<1x125x80xf32, #tpu.memory_space<hbm>>
      %dma_wait3A_533 = tpu.memref_squeeze %dma_wait3A_532 : memref<1x125x80xf32, #tpu.memory_space<hbm>> -> memref<125x80xf32, #tpu.memory_space<hbm>>
      tpu.wait_dma2 semaphore(%run_scoped3A : memref<!tpu.dma_semaphore, #tpu.memory_space<semaphore_mem>>) src(%dma_wait3A_533 : memref<125x80xf32, #tpu.memory_space<hbm>>) dst(%arg10 : memref<125x80xf32, #tpu.memory_space<vmem>>)
      tpu.yield
    }) : () -> ()
    %barrier3A = arith.constant 0 : index
    tpu.barrier barrier_id(%barrier3A)
    %scan3A = arith.constant 0 : i32
    %scan3A_513 = arith.constant 125 : i32
    %scan3A_514 = arith.addi %scan3A, %scan3A_513 : i32
    %scan3A_515 = arith.constant 1 : i32
    scf.for %scan3A_520 = %scan3A to %scan3A_514 step %scan3A_515  : i32 {
      "tpu.region"() ({
        %run_scoped3A = tpu.sem_alloc : memref<!tpu.dma_semaphore, #tpu.memory_space<semaphore_mem>>
        %dma_start3A = arith.constant 0 : i32
        %dma_start3A_1738 = tpu.memref_slice %arg8[%scan3A_520, %dma_start3A] : memref<125x80xi32, #tpu.memory_space<vmem>> -> memref<1x80xi32, #tpu.memory_space<vmem>>
        %dma_start3A_1739 = tpu.memref_squeeze %dma_start3A_1738 : memref<1x80xi32, #tpu.memory_space<vmem>> -> memref<80xi32, #tpu.memory_space<vmem>>
        %dma_start3A_1740 = arith.constant 0 : i32
        %dma_start3A_1741 = arith.constant 0 : i32
        %dma_start3A_1742 = tpu.memref_slice %arg2[%dma_start3A_1740, %dma_start3A_1741] : memref<10000x16xf32, #tpu.memory_space<hbm>> -> memref<10000x16xf32, #tpu.memory_space<hbm>>
        tpu.enqueue_indirect_dma source(%dma_start3A_1742 : memref<10000x16xf32, #tpu.memory_space<hbm>>) target(%arg11 : memref<80x16xf32, #tpu.memory_space<vmem>>) offsets(%dma_start3A_1739 : memref<80xi32, #tpu.memory_space<vmem>>) semaphore(%run_scoped3A : memref<!tpu.dma_semaphore, #tpu.memory_space<semaphore_mem>>)
        %dma_wait3A = arith.constant 0 : i32
        %dma_wait3A_1743 = tpu.memref_slice %arg8[%scan3A_520, %dma_wait3A] : memref<125x80xi32, #tpu.memory_space<vmem>> -> memref<1x80xi32, #tpu.memory_space<vmem>>
        %dma_wait3A_1744 = tpu.memref_squeeze %dma_wait3A_1743 : memref<1x80xi32, #tpu.memory_space<vmem>> -> memref<80xi32, #tpu.memory_space<vmem>>
        %dma_wait3A_1745 = arith.constant 0 : i32
        %dma_wait3A_1746 = arith.constant 0 : i32
        %dma_wait3A_1747 = tpu.memref_slice %arg2[%dma_wait3A_1745, %dma_wait3A_1746] : memref<10000x16xf32, #tpu.memory_space<hbm>> -> memref<10000x16xf32, #tpu.memory_space<hbm>>
        tpu.wait_indirect_dma semaphore(%run_scoped3A : memref<!tpu.dma_semaphore, #tpu.memory_space<semaphore_mem>>) src(%dma_wait3A_1747 : memref<10000x16xf32, #tpu.memory_space<hbm>>) dst(%arg11 : memref<80x16xf32, #tpu.memory_space<vmem>>)
        tpu.yield
      }) : () -> ()
      %get3A = arith.index_cast %scan3A_520 : i32 to index
      %get3A_521 = arith.constant 0 : index
      %get3A_522 = tpu.vector_load %arg10[%get3A, %get3A_521] {strides = array<i32>} : memref<125x80xf32, #tpu.memory_space<vmem>>, vector<1x16xf32>,
      %get3A_523 = vector.shape_cast %get3A_522 : vector<1x16xf32> to vector<16xf32>
      %get3A_524 = arith.constant 0 : i32
      %get3A_525 = arith.index_cast %get3A_524 : i32 to index
      %get3A_526 = arith.constant 0 : index
      %get3A_527 = tpu.vector_load %arg11[%get3A_525, %get3A_526] {strides = array<i32>} : memref<80x16xf32, #tpu.memory_space<vmem>>, vector<1x16xf32>,
      %get3A_528 = vector.shape_cast %get3A_527 : vector<1x16xf32> to vector<16xf32>
      %slice3A = vector.extract_strided_slice %get3A_523 {offsets = [0], sizes = [1], strides = [1]} : vector<16xf32> to vector<1xf32>
      %squeeze3A = vector.extract %slice3A[0] : f32 from vector<1xf32>
      %mul3A_529 = vector.broadcast %squeeze3A : f32 to vector<16xf32>
      %mul3A_530 = arith.mulf %get3A_528, %mul3A_529 : vector<16xf32>
      %swap3A_531 = arith.constant 0 : i32
      %swap3A_532 = arith.index_cast %swap3A_531 : i32 to index
      %swap3A_533 = arith.constant 0 : index
      %swap3A_534 = tpu.vector_load %arg11[%swap3A_532, %swap3A_533] {strides = array<i32>} : memref<80x16xf32, #tpu.memory_space<vmem>>, vector<1x16xf32>,
      %swap3A_535 = vector.shape_cast %swap3A_534 : vector<1x16xf32> to vector<16xf32>
      %swap3A_536 = vector.shape_cast %mul3A_530 : vector<16xf32> to vector<1x16xf32>
      tpu.vector_store %arg11[%swap3A_532, %swap3A_533], %swap3A_536 {strides = array<i32>} : memref<80x16xf32, #tpu.memory_space<vmem>>, vector<1x16xf32>,
      %get3A_537 = arith.constant 1 : i32
      %get3A_538 = arith.index_cast %get3A_537 : i32 to index
      %get3A_539 = arith.constant 0 : index
      %get3A_540 = tpu.vector_load %arg11[%get3A_538, %get3A_539] {strides = array<i32>} : memref<80x16xf32, #tpu.memory_space<vmem>>, vector<1x16xf32>,
      %get3A_541 = vector.shape_cast %get3A_540 : vector<1x16xf32> to vector<16xf32>
      %slice3A_542 = vector.extract_strided_slice %get3A_523 {offsets = [1], sizes = [1], strides = [1]} : vector<16xf32> to vector<1xf32>
      %squeeze3A_543 = vector.extract %slice3A_542[0] : f32 from vector<1xf32>
      %mul3A_544 = vector.broadcast %squeeze3A_543 : f32 to vector<16xf32>
      %mul3A_545 = arith.mulf %get3A_541, %mul3A_544 : vector<16xf32>
      %swap3A_546 = arith.constant 1 : i32
      %swap3A_547 = arith.index_cast %swap3A_546 : i32 to index
      %swap3A_548 = arith.constant 0 : index
      %swap3A_549 = tpu.vector_load %arg11[%swap3A_547, %swap3A_548] {strides = array<i32>} : memref<80x16xf32, #tpu.memory_space<vmem>>, vector<1x16xf32>,
      %swap3A_550 = vector.shape_cast %swap3A_549 : vector<1x16xf32> to vector<16xf32>
      %swap3A_551 = vector.shape_cast %mul3A_545 : vector<16xf32> to vector<1x16xf32>
      tpu.vector_store %arg11[%swap3A_547, %swap3A_548], %swap3A_551 {strides = array<i32>} : memref<80x16xf32, #tpu.memory_space<vmem>>, vector<1x16xf32>,
      %get3A_552 = arith.constant 2 : i32
      %get3A_553 = arith.index_cast %get3A_552 : i32 to index
      %get3A_554 = arith.constant 0 : index
      %get3A_555 = tpu.vector_load %arg11[%get3A_553, %get3A_554] {strides = array<i32>} : memref<80x16xf32, #tpu.memory_space<vmem>>, vector<1x16xf32>,
      %get3A_556 = vector.shape_cast %get3A_555 : vector<1x16xf32> to vector<16xf32>
      %slice3A_557 = vector.extract_strided_slice %get3A_523 {offsets = [2], sizes = [1], strides = [1]} : vector<16xf32> to vector<1xf32>
      %squeeze3A_558 = vector.extract %slice3A_557[0] : f32 from vector<1xf32>
      %mul3A_559 = vector.broadcast %squeeze3A_558 : f32 to vector<16xf32>
      %mul3A_560 = arith.mulf %get3A_556, %mul3A_559 : vector<16xf32>
      %swap3A_561 = arith.constant 2 : i32
      %swap3A_562 = arith.index_cast %swap3A_561 : i32 to index
      %swap3A_563 = arith.constant 0 : index
      %swap3A_564 = tpu.vector_load %arg11[%swap3A_562, %swap3A_563] {strides = array<i32>} : memref<80x16xf32, #tpu.memory_space<vmem>>, vector<1x16xf32>,
      %swap3A_565 = vector.shape_cast %swap3A_564 : vector<1x16xf32> to vector<16xf32>
      %swap3A_566 = vector.shape_cast %mul3A_560 : vector<16xf32> to vector<1x16xf32>
      tpu.vector_store %arg11[%swap3A_562, %swap3A_563], %swap3A_566 {strides = array<i32>} : memref<80x16xf32, #tpu.memory_space<vmem>>, vector<1x16xf32>,
      %get3A_567 = arith.constant 3 : i32
      %get3A_568 = arith.index_cast %get3A_567 : i32 to index
      %get3A_569 = arith.constant 0 : index
      %get3A_570 = tpu.vector_load %arg11[%get3A_568, %get3A_569] {strides = array<i32>} : memref<80x16xf32, #tpu.memory_space<vmem>>, vector<1x16xf32>,
      %get3A_571 = vector.shape_cast %get3A_570 : vector<1x16xf32> to vector<16xf32>
      %slice3A_572 = vector.extract_strided_slice %get3A_523 {offsets = [3], sizes = [1], strides = [1]} : vector<16xf32> to vector<1xf32>
      %squeeze3A_573 = vector.extract %slice3A_572[0] : f32 from vector<1xf32>
      %mul3A_574 = vector.broadcast %squeeze3A_573 : f32 to vector<16xf32>
      %mul3A_575 = arith.mulf %get3A_571, %mul3A_574 : vector<16xf32>
      %swap3A_576 = arith.constant 3 : i32
      %swap3A_577 = arith.index_cast %swap3A_576 : i32 to index
      %swap3A_578 = arith.constant 0 : index
      %swap3A_579 = tpu.vector_load %arg11[%swap3A_577, %swap3A_578] {strides = array<i32>} : memref<80x16xf32, #tpu.memory_space<vmem>>, vector<1x16xf32>,
      %swap3A_580 = vector.shape_cast %swap3A_579 : vector<1x16xf32> to vector<16xf32>
      %swap3A_581 = vector.shape_cast %mul3A_575 : vector<16xf32> to vector<1x16xf32>
      tpu.vector_store %arg11[%swap3A_577, %swap3A_578], %swap3A_581 {strides = array<i32>} : memref<80x16xf32, #tpu.memory_space<vmem>>, vector<1x16xf32>,
      %get3A_582 = arith.constant 4 : i32
      %get3A_583 = arith.index_cast %get3A_582 : i32 to index
      %get3A_584 = arith.constant 0 : index
      %get3A_585 = tpu.vector_load %arg11[%get3A_583, %get3A_584] {strides = array<i32>} : memref<80x16xf32, #tpu.memory_space<vmem>>, vector<1x16xf32>,
      %get3A_586 = vector.shape_cast %get3A_585 : vector<1x16xf32> to vector<16xf32>
      %slice3A_587 = vector.extract_strided_slice %get3A_523 {offsets = [4], sizes = [1], strides = [1]} : vector<16xf32> to vector<1xf32>
      %squeeze3A_588 = vector.extract %slice3A_587[0] : f32 from vector<1xf32>
      %mul3A_589 = vector.broadcast %squeeze3A_588 : f32 to vector<16xf32>
      %mul3A_590 = arith.mulf %get3A_586, %mul3A_589 : vector<16xf32>
      %swap3A_591 = arith.constant 4 : i32
      %swap3A_592 = arith.index_cast %swap3A_591 : i32 to index
      %swap3A_593 = arith.constant 0 : index
      %swap3A_594 = tpu.vector_load %arg11[%swap3A_592, %swap3A_593] {strides = array<i32>} : memref<80x16xf32, #tpu.memory_space<vmem>>, vector<1x16xf32>,
      %swap3A_595 = vector.shape_cast %swap3A_594 : vector<1x16xf32> to vector<16xf32>
      %swap3A_596 = vector.shape_cast %mul3A_590 : vector<16xf32> to vector<1x16xf32>
      tpu.vector_store %arg11[%swap3A_592, %swap3A_593], %swap3A_596 {strides = array<i32>} : memref<80x16xf32, #tpu.memory_space<vmem>>, vector<1x16xf32>,
      %get3A_597 = arith.constant 5 : i32
      %get3A_598 = arith.index_cast %get3A_597 : i32 to index
      %get3A_599 = arith.constant 0 : index
      %get3A_600 = tpu.vector_load %arg11[%get3A_598, %get3A_599] {strides = array<i32>} : memref<80x16xf32, #tpu.memory_space<vmem>>, vector<1x16xf32>,
      %get3A_601 = vector.shape_cast %get3A_600 : vector<1x16xf32> to vector<16xf32>
      %slice3A_602 = vector.extract_strided_slice %get3A_523 {offsets = [5], sizes = [1], strides = [1]} : vector<16xf32> to vector<1xf32>
      %squeeze3A_603 = vector.extract %slice3A_602[0] : f32 from vector<1xf32>
      %mul3A_604 = vector.broadcast %squeeze3A_603 : f32 to vector<16xf32>
      %mul3A_605 = arith.mulf %get3A_601, %mul3A_604 : vector<16xf32>
      %swap3A_606 = arith.constant 5 : i32
      %swap3A_607 = arith.index_cast %swap3A_606 : i32 to index
      %swap3A_608 = arith.constant 0 : index
      %swap3A_609 = tpu.vector_load %arg11[%swap3A_607, %swap3A_608] {strides = array<i32>} : memref<80x16xf32, #tpu.memory_space<vmem>>, vector<1x16xf32>,
      %swap3A_610 = vector.shape_cast %swap3A_609 : vector<1x16xf32> to vector<16xf32>
      %swap3A_611 = vector.shape_cast %mul3A_605 : vector<16xf32> to vector<1x16xf32>
      tpu.vector_store %arg11[%swap3A_607, %swap3A_608], %swap3A_611 {strides = array<i32>} : memref<80x16xf32, #tpu.memory_space<vmem>>, vector<1x16xf32>,
      %get3A_612 = arith.constant 6 : i32
      %get3A_613 = arith.index_cast %get3A_612 : i32 to index
      %get3A_614 = arith.constant 0 : index
      %get3A_615 = tpu.vector_load %arg11[%get3A_613, %get3A_614] {strides = array<i32>} : memref<80x16xf32, #tpu.memory_space<vmem>>, vector<1x16xf32>,
      %get3A_616 = vector.shape_cast %get3A_615 : vector<1x16xf32> to vector<16xf32>
      %slice3A_617 = vector.extract_strided_slice %get3A_523 {offsets = [6], sizes = [1], strides = [1]} : vector<16xf32> to vector<1xf32>
      %squeeze3A_618 = vector.extract %slice3A_617[0] : f32 from vector<1xf32>
      %mul3A_619 = vector.broadcast %squeeze3A_618 : f32 to vector<16xf32>
      %mul3A_620 = arith.mulf %get3A_616, %mul3A_619 : vector<16xf32>
      %swap3A_621 = arith.constant 6 : i32
      %swap3A_622 = arith.index_cast %swap3A_621 : i32 to index
      %swap3A_623 = arith.constant 0 : index
      %swap3A_624 = tpu.vector_load %arg11[%swap3A_622, %swap3A_623] {strides = array<i32>} : memref<80x16xf32, #tpu.memory_space<vmem>>, vector<1x16xf32>,
      %swap3A_625 = vector.shape_cast %swap3A_624 : vector<1x16xf32> to vector<16xf32>
      %swap3A_626 = vector.shape_cast %mul3A_620 : vector<16xf32> to vector<1x16xf32>
      tpu.vector_store %arg11[%swap3A_622, %swap3A_623], %swap3A_626 {strides = array<i32>} : memref<80x16xf32, #tpu.memory_space<vmem>>, vector<1x16xf32>,
      %get3A_627 = arith.constant 7 : i32
      %get3A_628 = arith.index_cast %get3A_627 : i32 to index
      %get3A_629 = arith.constant 0 : index
      %get3A_630 = tpu.vector_load %arg11[%get3A_628, %get3A_629] {strides = array<i32>} : memref<80x16xf32, #tpu.memory_space<vmem>>, vector<1x16xf32>,
      %get3A_631 = vector.shape_cast %get3A_630 : vector<1x16xf32> to vector<16xf32>
      %slice3A_632 = vector.extract_strided_slice %get3A_523 {offsets = [7], sizes = [1], strides = [1]} : vector<16xf32> to vector<1xf32>
      %squeeze3A_633 = vector.extract %slice3A_632[0] : f32 from vector<1xf32>
      %mul3A_634 = vector.broadcast %squeeze3A_633 : f32 to vector<16xf32>
      %mul3A_635 = arith.mulf %get3A_631, %mul3A_634 : vector<16xf32>
      %swap3A_636 = arith.constant 7 : i32
      %swap3A_637 = arith.index_cast %swap3A_636 : i32 to index
      %swap3A_638 = arith.constant 0 : index
      %swap3A_639 = tpu.vector_load %arg11[%swap3A_637, %swap3A_638] {strides = array<i32>} : memref<80x16xf32, #tpu.memory_space<vmem>>, vector<1x16xf32>,
      %swap3A_640 = vector.shape_cast %swap3A_639 : vector<1x16xf32> to vector<16xf32>
      %swap3A_641 = vector.shape_cast %mul3A_635 : vector<16xf32> to vector<1x16xf32>
      tpu.vector_store %arg11[%swap3A_637, %swap3A_638], %swap3A_641 {strides = array<i32>} : memref<80x16xf32, #tpu.memory_space<vmem>>, vector<1x16xf32>,
      %get3A_642 = arith.constant 8 : i32
      %get3A_643 = arith.index_cast %get3A_642 : i32 to index
      %get3A_644 = arith.constant 0 : index
      %get3A_645 = tpu.vector_load %arg11[%get3A_643, %get3A_644] {strides = array<i32>} : memref<80x16xf32, #tpu.memory_space<vmem>>, vector<1x16xf32>,
      %get3A_646 = vector.shape_cast %get3A_645 : vector<1x16xf32> to vector<16xf32>
      %slice3A_647 = vector.extract_strided_slice %get3A_523 {offsets = [8], sizes = [1], strides = [1]} : vector<16xf32> to vector<1xf32>
      %squeeze3A_648 = vector.extract %slice3A_647[0] : f32 from vector<1xf32>
      %mul3A_649 = vector.broadcast %squeeze3A_648 : f32 to vector<16xf32>
      %mul3A_650 = arith.mulf %get3A_646, %mul3A_649 : vector<16xf32>
      %swap3A_651 = arith.constant 8 : i32
      %swap3A_652 = arith.index_cast %swap3A_651 : i32 to index
      %swap3A_653 = arith.constant 0 : index
      %swap3A_654 = tpu.vector_load %arg11[%swap3A_652, %swap3A_653] {strides = array<i32>} : memref<80x16xf32, #tpu.memory_space<vmem>>, vector<1x16xf32>,
      %swap3A_655 = vector.shape_cast %swap3A_654 : vector<1x16xf32> to vector<16xf32>
      %swap3A_656 = vector.shape_cast %mul3A_650 : vector<16xf32> to vector<1x16xf32>
      tpu.vector_store %arg11[%swap3A_652, %swap3A_653], %swap3A_656 {strides = array<i32>} : memref<80x16xf32, #tpu.memory_space<vmem>>, vector<1x16xf32>,
      %get3A_657 = arith.constant 9 : i32
      %get3A_658 = arith.index_cast %get3A_657 : i32 to index
      %get3A_659 = arith.constant 0 : index
      %get3A_660 = tpu.vector_load %arg11[%get3A_658, %get3A_659] {strides = array<i32>} : memref<80x16xf32, #tpu.memory_space<vmem>>, vector<1x16xf32>,
      %get3A_661 = vector.shape_cast %get3A_660 : vector<1x16xf32> to vector<16xf32>
      %slice3A_662 = vector.extract_strided_slice %get3A_523 {offsets = [9], sizes = [1], strides = [1]} : vector<16xf32> to vector<1xf32>
      %squeeze3A_663 = vector.extract %slice3A_662[0] : f32 from vector<1xf32>
      %mul3A_664 = vector.broadcast %squeeze3A_663 : f32 to vector<16xf32>
      %mul3A_665 = arith.mulf %get3A_661, %mul3A_664 : vector<16xf32>
      %swap3A_666 = arith.constant 9 : i32
      %swap3A_667 = arith.index_cast %swap3A_666 : i32 to index
      %swap3A_668 = arith.constant 0 : index
      %swap3A_669 = tpu.vector_load %arg11[%swap3A_667, %swap3A_668] {strides = array<i32>} : memref<80x16xf32, #tpu.memory_space<vmem>>, vector<1x16xf32>,
      %swap3A_670 = vector.shape_cast %swap3A_669 : vector<1x16xf32> to vector<16xf32>
      %swap3A_671 = vector.shape_cast %mul3A_665 : vector<16xf32> to vector<1x16xf32>
      tpu.vector_store %arg11[%swap3A_667, %swap3A_668], %swap3A_671 {strides = array<i32>} : memref<80x16xf32, #tpu.memory_space<vmem>>, vector<1x16xf32>,
      %get3A_672 = arith.constant 10 : i32
      %get3A_673 = arith.index_cast %get3A_672 : i32 to index
      %get3A_674 = arith.constant 0 : index
      %get3A_675 = tpu.vector_load %arg11[%get3A_673, %get3A_674] {strides = array<i32>} : memref<80x16xf32, #tpu.memory_space<vmem>>, vector<1x16xf32>,
      %get3A_676 = vector.shape_cast %get3A_675 : vector<1x16xf32> to vector<16xf32>
      %slice3A_677 = vector.extract_strided_slice %get3A_523 {offsets = [10], sizes = [1], strides = [1]} : vector<16xf32> to vector<1xf32>
      %squeeze3A_678 = vector.extract %slice3A_677[0] : f32 from vector<1xf32>
      %mul3A_679 = vector.broadcast %squeeze3A_678 : f32 to vector<16xf32>
      %mul3A_680 = arith.mulf %get3A_676, %mul3A_679 : vector<16xf32>
      %swap3A_681 = arith.constant 10 : i32
      %swap3A_682 = arith.index_cast %swap3A_681 : i32 to index
      %swap3A_683 = arith.constant 0 : index
      %swap3A_684 = tpu.vector_load %arg11[%swap3A_682, %swap3A_683] {strides = array<i32>} : memref<80x16xf32, #tpu.memory_space<vmem>>, vector<1x16xf32>,
      %swap3A_685 = vector.shape_cast %swap3A_684 : vector<1x16xf32> to vector<16xf32>
      %swap3A_686 = vector.shape_cast %mul3A_680 : vector<16xf32> to vector<1x16xf32>
      tpu.vector_store %arg11[%swap3A_682, %swap3A_683], %swap3A_686 {strides = array<i32>} : memref<80x16xf32, #tpu.memory_space<vmem>>, vector<1x16xf32>,
      %get3A_687 = arith.constant 11 : i32
      %get3A_688 = arith.index_cast %get3A_687 : i32 to index
      %get3A_689 = arith.constant 0 : index
      %get3A_690 = tpu.vector_load %arg11[%get3A_688, %get3A_689] {strides = array<i32>} : memref<80x16xf32, #tpu.memory_space<vmem>>, vector<1x16xf32>,
      %get3A_691 = vector.shape_cast %get3A_690 : vector<1x16xf32> to vector<16xf32>
      %slice3A_692 = vector.extract_strided_slice %get3A_523 {offsets = [11], sizes = [1], strides = [1]} : vector<16xf32> to vector<1xf32>
      %squeeze3A_693 = vector.extract %slice3A_692[0] : f32 from vector<1xf32>
      %mul3A_694 = vector.broadcast %squeeze3A_693 : f32 to vector<16xf32>
      %mul3A_695 = arith.mulf %get3A_691, %mul3A_694 : vector<16xf32>
      %swap3A_696 = arith.constant 11 : i32
      %swap3A_697 = arith.index_cast %swap3A_696 : i32 to index
      %swap3A_698 = arith.constant 0 : index
      %swap3A_699 = tpu.vector_load %arg11[%swap3A_697, %swap3A_698] {strides = array<i32>} : memref<80x16xf32, #tpu.memory_space<vmem>>, vector<1x16xf32>,
      %swap3A_700 = vector.shape_cast %swap3A_699 : vector<1x16xf32> to vector<16xf32>
      %swap3A_701 = vector.shape_cast %mul3A_695 : vector<16xf32> to vector<1x16xf32>
      tpu.vector_store %arg11[%swap3A_697, %swap3A_698], %swap3A_701 {strides = array<i32>} : memref<80x16xf32, #tpu.memory_space<vmem>>, vector<1x16xf32>,
      %get3A_702 = arith.constant 12 : i32
      %get3A_703 = arith.index_cast %get3A_702 : i32 to index
      %get3A_704 = arith.constant 0 : index
      %get3A_705 = tpu.vector_load %arg11[%get3A_703, %get3A_704] {strides = array<i32>} : memref<80x16xf32, #tpu.memory_space<vmem>>, vector<1x16xf32>,
      %get3A_706 = vector.shape_cast %get3A_705 : vector<1x16xf32> to vector<16xf32>
      %slice3A_707 = vector.extract_strided_slice %get3A_523 {offsets = [12], sizes = [1], strides = [1]} : vector<16xf32> to vector<1xf32>
      %squeeze3A_708 = vector.extract %slice3A_707[0] : f32 from vector<1xf32>
      %mul3A_709 = vector.broadcast %squeeze3A_708 : f32 to vector<16xf32>
      %mul3A_710 = arith.mulf %get3A_706, %mul3A_709 : vector<16xf32>
      %swap3A_711 = arith.constant 12 : i32
      %swap3A_712 = arith.index_cast %swap3A_711 : i32 to index
      %swap3A_713 = arith.constant 0 : index
      %swap3A_714 = tpu.vector_load %arg11[%swap3A_712, %swap3A_713] {strides = array<i32>} : memref<80x16xf32, #tpu.memory_space<vmem>>, vector<1x16xf32>,
      %swap3A_715 = vector.shape_cast %swap3A_714 : vector<1x16xf32> to vector<16xf32>
      %swap3A_716 = vector.shape_cast %mul3A_710 : vector<16xf32> to vector<1x16xf32>
      tpu.vector_store %arg11[%swap3A_712, %swap3A_713], %swap3A_716 {strides = array<i32>} : memref<80x16xf32, #tpu.memory_space<vmem>>, vector<1x16xf32>,
      %get3A_717 = arith.constant 13 : i32
      %get3A_718 = arith.index_cast %get3A_717 : i32 to index
      %get3A_719 = arith.constant 0 : index
      %get3A_720 = tpu.vector_load %arg11[%get3A_718, %get3A_719] {strides = array<i32>} : memref<80x16xf32, #tpu.memory_space<vmem>>, vector<1x16xf32>,
      %get3A_721 = vector.shape_cast %get3A_720 : vector<1x16xf32> to vector<16xf32>
      %slice3A_722 = vector.extract_strided_slice %get3A_523 {offsets = [13], sizes = [1], strides = [1]} : vector<16xf32> to vector<1xf32>
      %squeeze3A_723 = vector.extract %slice3A_722[0] : f32 from vector<1xf32>
      %mul3A_724 = vector.broadcast %squeeze3A_723 : f32 to vector<16xf32>
      %mul3A_725 = arith.mulf %get3A_721, %mul3A_724 : vector<16xf32>
      %swap3A_726 = arith.constant 13 : i32
      %swap3A_727 = arith.index_cast %swap3A_726 : i32 to index
      %swap3A_728 = arith.constant 0 : index
      %swap3A_729 = tpu.vector_load %arg11[%swap3A_727, %swap3A_728] {strides = array<i32>} : memref<80x16xf32, #tpu.memory_space<vmem>>, vector<1x16xf32>,
      %swap3A_730 = vector.shape_cast %swap3A_729 : vector<1x16xf32> to vector<16xf32>
      %swap3A_731 = vector.shape_cast %mul3A_725 : vector<16xf32> to vector<1x16xf32>
      tpu.vector_store %arg11[%swap3A_727, %swap3A_728], %swap3A_731 {strides = array<i32>} : memref<80x16xf32, #tpu.memory_space<vmem>>, vector<1x16xf32>,
      %get3A_732 = arith.constant 14 : i32
      %get3A_733 = arith.index_cast %get3A_732 : i32 to index
      %get3A_734 = arith.constant 0 : index
      %get3A_735 = tpu.vector_load %arg11[%get3A_733, %get3A_734] {strides = array<i32>} : memref<80x16xf32, #tpu.memory_space<vmem>>, vector<1x16xf32>,
      %get3A_736 = vector.shape_cast %get3A_735 : vector<1x16xf32> to vector<16xf32>
      %slice3A_737 = vector.extract_strided_slice %get3A_523 {offsets = [14], sizes = [1], strides = [1]} : vector<16xf32> to vector<1xf32>
      %squeeze3A_738 = vector.extract %slice3A_737[0] : f32 from vector<1xf32>
      %mul3A_739 = vector.broadcast %squeeze3A_738 : f32 to vector<16xf32>
      %mul3A_740 = arith.mulf %get3A_736, %mul3A_739 : vector<16xf32>
      %swap3A_741 = arith.constant 14 : i32
      %swap3A_742 = arith.index_cast %swap3A_741 : i32 to index
      %swap3A_743 = arith.constant 0 : index
      %swap3A_744 = tpu.vector_load %arg11[%swap3A_742, %swap3A_743] {strides = array<i32>} : memref<80x16xf32, #tpu.memory_space<vmem>>, vector<1x16xf32>,
      %swap3A_745 = vector.shape_cast %swap3A_744 : vector<1x16xf32> to vector<16xf32>
      %swap3A_746 = vector.shape_cast %mul3A_740 : vector<16xf32> to vector<1x16xf32>
      tpu.vector_store %arg11[%swap3A_742, %swap3A_743], %swap3A_746 {strides = array<i32>} : memref<80x16xf32, #tpu.memory_space<vmem>>, vector<1x16xf32>,
      %get3A_747 = arith.constant 15 : i32
      %get3A_748 = arith.index_cast %get3A_747 : i32 to index
      %get3A_749 = arith.constant 0 : index
      %get3A_750 = tpu.vector_load %arg11[%get3A_748, %get3A_749] {strides = array<i32>} : memref<80x16xf32, #tpu.memory_space<vmem>>, vector<1x16xf32>,
      %get3A_751 = vector.shape_cast %get3A_750 : vector<1x16xf32> to vector<16xf32>
      %slice3A_752 = vector.extract_strided_slice %get3A_523 {offsets = [15], sizes = [1], strides = [1]} : vector<16xf32> to vector<1xf32>
      %squeeze3A_753 = vector.extract %slice3A_752[0] : f32 from vector<1xf32>
      %mul3A_754 = vector.broadcast %squeeze3A_753 : f32 to vector<16xf32>
      %mul3A_755 = arith.mulf %get3A_751, %mul3A_754 : vector<16xf32>
      %swap3A_756 = arith.constant 15 : i32
      %swap3A_757 = arith.index_cast %swap3A_756 : i32 to index
      %swap3A_758 = arith.constant 0 : index
      %swap3A_759 = tpu.vector_load %arg11[%swap3A_757, %swap3A_758] {strides = array<i32>} : memref<80x16xf32, #tpu.memory_space<vmem>>, vector<1x16xf32>,
      %swap3A_760 = vector.shape_cast %swap3A_759 : vector<1x16xf32> to vector<16xf32>
      %swap3A_761 = vector.shape_cast %mul3A_755 : vector<16xf32> to vector<1x16xf32>
      tpu.vector_store %arg11[%swap3A_757, %swap3A_758], %swap3A_761 {strides = array<i32>} : memref<80x16xf32, #tpu.memory_space<vmem>>, vector<1x16xf32>,
      %get3A_762 = arith.index_cast %scan3A_520 : i32 to index
      %get3A_763 = arith.constant 16 : index
      %get3A_764 = tpu.vector_load %arg10[%get3A_762, %get3A_763] {strides = array<i32>} : memref<125x80xf32, #tpu.memory_space<vmem>>, vector<1x16xf32>,
      %get3A_765 = vector.shape_cast %get3A_764 : vector<1x16xf32> to vector<16xf32>
      %get3A_766 = arith.constant 16 : i32
      %get3A_767 = arith.index_cast %get3A_766 : i32 to index
      %get3A_768 = arith.constant 0 : index
      %get3A_769 = tpu.vector_load %arg11[%get3A_767, %get3A_768] {strides = array<i32>} : memref<80x16xf32, #tpu.memory_space<vmem>>, vector<1x16xf32>,
      %get3A_770 = vector.shape_cast %get3A_769 : vector<1x16xf32> to vector<16xf32>
      %slice3A_771 = vector.extract_strided_slice %get3A_765 {offsets = [0], sizes = [1], strides = [1]} : vector<16xf32> to vector<1xf32>
      %squeeze3A_772 = vector.extract %slice3A_771[0] : f32 from vector<1xf32>
      %mul3A_773 = vector.broadcast %squeeze3A_772 : f32 to vector<16xf32>
      %mul3A_774 = arith.mulf %get3A_770, %mul3A_773 : vector<16xf32>
      %swap3A_775 = arith.constant 16 : i32
      %swap3A_776 = arith.index_cast %swap3A_775 : i32 to index
      %swap3A_777 = arith.constant 0 : index
      %swap3A_778 = tpu.vector_load %arg11[%swap3A_776, %swap3A_777] {strides = array<i32>} : memref<80x16xf32, #tpu.memory_space<vmem>>, vector<1x16xf32>,
      %swap3A_779 = vector.shape_cast %swap3A_778 : vector<1x16xf32> to vector<16xf32>
      %swap3A_780 = vector.shape_cast %mul3A_774 : vector<16xf32> to vector<1x16xf32>
      tpu.vector_store %arg11[%swap3A_776, %swap3A_777], %swap3A_780 {strides = array<i32>} : memref<80x16xf32, #tpu.memory_space<vmem>>, vector<1x16xf32>,
      %get3A_781 = arith.constant 17 : i32
      %get3A_782 = arith.index_cast %get3A_781 : i32 to index
      %get3A_783 = arith.constant 0 : index
      %get3A_784 = tpu.vector_load %arg11[%get3A_782, %get3A_783] {strides = array<i32>} : memref<80x16xf32, #tpu.memory_space<vmem>>, vector<1x16xf32>,
      %get3A_785 = vector.shape_cast %get3A_784 : vector<1x16xf32> to vector<16xf32>
      %slice3A_786 = vector.extract_strided_slice %get3A_765 {offsets = [1], sizes = [1], strides = [1]} : vector<16xf32> to vector<1xf32>
      %squeeze3A_787 = vector.extract %slice3A_786[0] : f32 from vector<1xf32>
      %mul3A_788 = vector.broadcast %squeeze3A_787 : f32 to vector<16xf32>
      %mul3A_789 = arith.mulf %get3A_785, %mul3A_788 : vector<16xf32>
      %swap3A_790 = arith.constant 17 : i32
      %swap3A_791 = arith.index_cast %swap3A_790 : i32 to index
      %swap3A_792 = arith.constant 0 : index
      %swap3A_793 = tpu.vector_load %arg11[%swap3A_791, %swap3A_792] {strides = array<i32>} : memref<80x16xf32, #tpu.memory_space<vmem>>, vector<1x16xf32>,
      %swap3A_794 = vector.shape_cast %swap3A_793 : vector<1x16xf32> to vector<16xf32>
      %swap3A_795 = vector.shape_cast %mul3A_789 : vector<16xf32> to vector<1x16xf32>
      tpu.vector_store %arg11[%swap3A_791, %swap3A_792], %swap3A_795 {strides = array<i32>} : memref<80x16xf32, #tpu.memory_space<vmem>>, vector<1x16xf32>,
      %get3A_796 = arith.constant 18 : i32
      %get3A_797 = arith.index_cast %get3A_796 : i32 to index
      %get3A_798 = arith.constant 0 : index
      %get3A_799 = tpu.vector_load %arg11[%get3A_797, %get3A_798] {strides = array<i32>} : memref<80x16xf32, #tpu.memory_space<vmem>>, vector<1x16xf32>,
      %get3A_800 = vector.shape_cast %get3A_799 : vector<1x16xf32> to vector<16xf32>
      %slice3A_801 = vector.extract_strided_slice %get3A_765 {offsets = [2], sizes = [1], strides = [1]} : vector<16xf32> to vector<1xf32>
      %squeeze3A_802 = vector.extract %slice3A_801[0] : f32 from vector<1xf32>
      %mul3A_803 = vector.broadcast %squeeze3A_802 : f32 to vector<16xf32>
      %mul3A_804 = arith.mulf %get3A_800, %mul3A_803 : vector<16xf32>
      %swap3A_805 = arith.constant 18 : i32
      %swap3A_806 = arith.index_cast %swap3A_805 : i32 to index
      %swap3A_807 = arith.constant 0 : index
      %swap3A_808 = tpu.vector_load %arg11[%swap3A_806, %swap3A_807] {strides = array<i32>} : memref<80x16xf32, #tpu.memory_space<vmem>>, vector<1x16xf32>,
      %swap3A_809 = vector.shape_cast %swap3A_808 : vector<1x16xf32> to vector<16xf32>
      %swap3A_810 = vector.shape_cast %mul3A_804 : vector<16xf32> to vector<1x16xf32>
      tpu.vector_store %arg11[%swap3A_806, %swap3A_807], %swap3A_810 {strides = array<i32>} : memref<80x16xf32, #tpu.memory_space<vmem>>, vector<1x16xf32>,
      %get3A_811 = arith.constant 19 : i32
      %get3A_812 = arith.index_cast %get3A_811 : i32 to index
      %get3A_813 = arith.constant 0 : index
      %get3A_814 = tpu.vector_load %arg11[%get3A_812, %get3A_813] {strides = array<i32>} : memref<80x16xf32, #tpu.memory_space<vmem>>, vector<1x16xf32>,
      %get3A_815 = vector.shape_cast %get3A_814 : vector<1x16xf32> to vector<16xf32>
      %slice3A_816 = vector.extract_strided_slice %get3A_765 {offsets = [3], sizes = [1], strides = [1]} : vector<16xf32> to vector<1xf32>
      %squeeze3A_817 = vector.extract %slice3A_816[0] : f32 from vector<1xf32>
      %mul3A_818 = vector.broadcast %squeeze3A_817 : f32 to vector<16xf32>
      %mul3A_819 = arith.mulf %get3A_815, %mul3A_818 : vector<16xf32>
      %swap3A_820 = arith.constant 19 : i32
      %swap3A_821 = arith.index_cast %swap3A_820 : i32 to index
      %swap3A_822 = arith.constant 0 : index
      %swap3A_823 = tpu.vector_load %arg11[%swap3A_821, %swap3A_822] {strides = array<i32>} : memref<80x16xf32, #tpu.memory_space<vmem>>, vector<1x16xf32>,
      %swap3A_824 = vector.shape_cast %swap3A_823 : vector<1x16xf32> to vector<16xf32>
      %swap3A_825 = vector.shape_cast %mul3A_819 : vector<16xf32> to vector<1x16xf32>
      tpu.vector_store %arg11[%swap3A_821, %swap3A_822], %swap3A_825 {strides = array<i32>} : memref<80x16xf32, #tpu.memory_space<vmem>>, vector<1x16xf32>,
      %get3A_826 = arith.constant 20 : i32
      %get3A_827 = arith.index_cast %get3A_826 : i32 to index
      %get3A_828 = arith.constant 0 : index
      %get3A_829 = tpu.vector_load %arg11[%get3A_827, %get3A_828] {strides = array<i32>} : memref<80x16xf32, #tpu.memory_space<vmem>>, vector<1x16xf32>,
      %get3A_830 = vector.shape_cast %get3A_829 : vector<1x16xf32> to vector<16xf32>
      %slice3A_831 = vector.extract_strided_slice %get3A_765 {offsets = [4], sizes = [1], strides = [1]} : vector<16xf32> to vector<1xf32>
      %squeeze3A_832 = vector.extract %slice3A_831[0] : f32 from vector<1xf32>
      %mul3A_833 = vector.broadcast %squeeze3A_832 : f32 to vector<16xf32>
      %mul3A_834 = arith.mulf %get3A_830, %mul3A_833 : vector<16xf32>
      %swap3A_835 = arith.constant 20 : i32
      %swap3A_836 = arith.index_cast %swap3A_835 : i32 to index
      %swap3A_837 = arith.constant 0 : index
      %swap3A_838 = tpu.vector_load %arg11[%swap3A_836, %swap3A_837] {strides = array<i32>} : memref<80x16xf32, #tpu.memory_space<vmem>>, vector<1x16xf32>,
      %swap3A_839 = vector.shape_cast %swap3A_838 : vector<1x16xf32> to vector<16xf32>
      %swap3A_840 = vector.shape_cast %mul3A_834 : vector<16xf32> to vector<1x16xf32>
      tpu.vector_store %arg11[%swap3A_836, %swap3A_837], %swap3A_840 {strides = array<i32>} : memref<80x16xf32, #tpu.memory_space<vmem>>, vector<1x16xf32>,
      %get3A_841 = arith.constant 21 : i32
      %get3A_842 = arith.index_cast %get3A_841 : i32 to index
      %get3A_843 = arith.constant 0 : index
      %get3A_844 = tpu.vector_load %arg11[%get3A_842, %get3A_843] {strides = array<i32>} : memref<80x16xf32, #tpu.memory_space<vmem>>, vector<1x16xf32>,
      %get3A_845 = vector.shape_cast %get3A_844 : vector<1x16xf32> to vector<16xf32>
      %slice3A_846 = vector.extract_strided_slice %get3A_765 {offsets = [5], sizes = [1], strides = [1]} : vector<16xf32> to vector<1xf32>
      %squeeze3A_847 = vector.extract %slice3A_846[0] : f32 from vector<1xf32>
      %mul3A_848 = vector.broadcast %squeeze3A_847 : f32 to vector<16xf32>
      %mul3A_849 = arith.mulf %get3A_845, %mul3A_848 : vector<16xf32>
      %swap3A_850 = arith.constant 21 : i32
      %swap3A_851 = arith.index_cast %swap3A_850 : i32 to index
      %swap3A_852 = arith.constant 0 : index
      %swap3A_853 = tpu.vector_load %arg11[%swap3A_851, %swap3A_852] {strides = array<i32>} : memref<80x16xf32, #tpu.memory_space<vmem>>, vector<1x16xf32>,
      %swap3A_854 = vector.shape_cast %swap3A_853 : vector<1x16xf32> to vector<16xf32>
      %swap3A_855 = vector.shape_cast %mul3A_849 : vector<16xf32> to vector<1x16xf32>
      tpu.vector_store %arg11[%swap3A_851, %swap3A_852], %swap3A_855 {strides = array<i32>} : memref<80x16xf32, #tpu.memory_space<vmem>>, vector<1x16xf32>,
      %get3A_856 = arith.constant 22 : i32
      %get3A_857 = arith.index_cast %get3A_856 : i32 to index
      %get3A_858 = arith.constant 0 : index
      %get3A_859 = tpu.vector_load %arg11[%get3A_857, %get3A_858] {strides = array<i32>} : memref<80x16xf32, #tpu.memory_space<vmem>>, vector<1x16xf32>,
      %get3A_860 = vector.shape_cast %get3A_859 : vector<1x16xf32> to vector<16xf32>
      %slice3A_861 = vector.extract_strided_slice %get3A_765 {offsets = [6], sizes = [1], strides = [1]} : vector<16xf32> to vector<1xf32>
      %squeeze3A_862 = vector.extract %slice3A_861[0] : f32 from vector<1xf32>
      %mul3A_863 = vector.broadcast %squeeze3A_862 : f32 to vector<16xf32>
      %mul3A_864 = arith.mulf %get3A_860, %mul3A_863 : vector<16xf32>
      %swap3A_865 = arith.constant 22 : i32
      %swap3A_866 = arith.index_cast %swap3A_865 : i32 to index
      %swap3A_867 = arith.constant 0 : index
      %swap3A_868 = tpu.vector_load %arg11[%swap3A_866, %swap3A_867] {strides = array<i32>} : memref<80x16xf32, #tpu.memory_space<vmem>>, vector<1x16xf32>,
      %swap3A_869 = vector.shape_cast %swap3A_868 : vector<1x16xf32> to vector<16xf32>
      %swap3A_870 = vector.shape_cast %mul3A_864 : vector<16xf32> to vector<1x16xf32>
      tpu.vector_store %arg11[%swap3A_866, %swap3A_867], %swap3A_870 {strides = array<i32>} : memref<80x16xf32, #tpu.memory_space<vmem>>, vector<1x16xf32>,
      %get3A_871 = arith.constant 23 : i32
      %get3A_872 = arith.index_cast %get3A_871 : i32 to index
      %get3A_873 = arith.constant 0 : index
      %get3A_874 = tpu.vector_load %arg11[%get3A_872, %get3A_873] {strides = array<i32>} : memref<80x16xf32, #tpu.memory_space<vmem>>, vector<1x16xf32>,
      %get3A_875 = vector.shape_cast %get3A_874 : vector<1x16xf32> to vector<16xf32>
      %slice3A_876 = vector.extract_strided_slice %get3A_765 {offsets = [7], sizes = [1], strides = [1]} : vector<16xf32> to vector<1xf32>
      %squeeze3A_877 = vector.extract %slice3A_876[0] : f32 from vector<1xf32>
      %mul3A_878 = vector.broadcast %squeeze3A_877 : f32 to vector<16xf32>
      %mul3A_879 = arith.mulf %get3A_875, %mul3A_878 : vector<16xf32>
      %swap3A_880 = arith.constant 23 : i32
      %swap3A_881 = arith.index_cast %swap3A_880 : i32 to index
      %swap3A_882 = arith.constant 0 : index
      %swap3A_883 = tpu.vector_load %arg11[%swap3A_881, %swap3A_882] {strides = array<i32>} : memref<80x16xf32, #tpu.memory_space<vmem>>, vector<1x16xf32>,
      %swap3A_884 = vector.shape_cast %swap3A_883 : vector<1x16xf32> to vector<16xf32>
      %swap3A_885 = vector.shape_cast %mul3A_879 : vector<16xf32> to vector<1x16xf32>
      tpu.vector_store %arg11[%swap3A_881, %swap3A_882], %swap3A_885 {strides = array<i32>} : memref<80x16xf32, #tpu.memory_space<vmem>>, vector<1x16xf32>,
      %get3A_886 = arith.constant 24 : i32
      %get3A_887 = arith.index_cast %get3A_886 : i32 to index
      %get3A_888 = arith.constant 0 : index
      %get3A_889 = tpu.vector_load %arg11[%get3A_887, %get3A_888] {strides = array<i32>} : memref<80x16xf32, #tpu.memory_space<vmem>>, vector<1x16xf32>,
      %get3A_890 = vector.shape_cast %get3A_889 : vector<1x16xf32> to vector<16xf32>
      %slice3A_891 = vector.extract_strided_slice %get3A_765 {offsets = [8], sizes = [1], strides = [1]} : vector<16xf32> to vector<1xf32>
      %squeeze3A_892 = vector.extract %slice3A_891[0] : f32 from vector<1xf32>
      %mul3A_893 = vector.broadcast %squeeze3A_892 : f32 to vector<16xf32>
      %mul3A_894 = arith.mulf %get3A_890, %mul3A_893 : vector<16xf32>
      %swap3A_895 = arith.constant 24 : i32
      %swap3A_896 = arith.index_cast %swap3A_895 : i32 to index
      %swap3A_897 = arith.constant 0 : index
      %swap3A_898 = tpu.vector_load %arg11[%swap3A_896, %swap3A_897] {strides = array<i32>} : memref<80x16xf32, #tpu.memory_space<vmem>>, vector<1x16xf32>,
      %swap3A_899 = vector.shape_cast %swap3A_898 : vector<1x16xf32> to vector<16xf32>
      %swap3A_900 = vector.shape_cast %mul3A_894 : vector<16xf32> to vector<1x16xf32>
      tpu.vector_store %arg11[%swap3A_896, %swap3A_897], %swap3A_900 {strides = array<i32>} : memref<80x16xf32, #tpu.memory_space<vmem>>, vector<1x16xf32>,
      %get3A_901 = arith.constant 25 : i32
      %get3A_902 = arith.index_cast %get3A_901 : i32 to index
      %get3A_903 = arith.constant 0 : index
      %get3A_904 = tpu.vector_load %arg11[%get3A_902, %get3A_903] {strides = array<i32>} : memref<80x16xf32, #tpu.memory_space<vmem>>, vector<1x16xf32>,
      %get3A_905 = vector.shape_cast %get3A_904 : vector<1x16xf32> to vector<16xf32>
      %slice3A_906 = vector.extract_strided_slice %get3A_765 {offsets = [9], sizes = [1], strides = [1]} : vector<16xf32> to vector<1xf32>
      %squeeze3A_907 = vector.extract %slice3A_906[0] : f32 from vector<1xf32>
      %mul3A_908 = vector.broadcast %squeeze3A_907 : f32 to vector<16xf32>
      %mul3A_909 = arith.mulf %get3A_905, %mul3A_908 : vector<16xf32>
      %swap3A_910 = arith.constant 25 : i32
      %swap3A_911 = arith.index_cast %swap3A_910 : i32 to index
      %swap3A_912 = arith.constant 0 : index
      %swap3A_913 = tpu.vector_load %arg11[%swap3A_911, %swap3A_912] {strides = array<i32>} : memref<80x16xf32, #tpu.memory_space<vmem>>, vector<1x16xf32>,
      %swap3A_914 = vector.shape_cast %swap3A_913 : vector<1x16xf32> to vector<16xf32>
      %swap3A_915 = vector.shape_cast %mul3A_909 : vector<16xf32> to vector<1x16xf32>
      tpu.vector_store %arg11[%swap3A_911, %swap3A_912], %swap3A_915 {strides = array<i32>} : memref<80x16xf32, #tpu.memory_space<vmem>>, vector<1x16xf32>,
      %get3A_916 = arith.constant 26 : i32
      %get3A_917 = arith.index_cast %get3A_916 : i32 to index
      %get3A_918 = arith.constant 0 : index
      %get3A_919 = tpu.vector_load %arg11[%get3A_917, %get3A_918] {strides = array<i32>} : memref<80x16xf32, #tpu.memory_space<vmem>>, vector<1x16xf32>,
      %get3A_920 = vector.shape_cast %get3A_919 : vector<1x16xf32> to vector<16xf32>
      %slice3A_921 = vector.extract_strided_slice %get3A_765 {offsets = [10], sizes = [1], strides = [1]} : vector<16xf32> to vector<1xf32>
      %squeeze3A_922 = vector.extract %slice3A_921[0] : f32 from vector<1xf32>
      %mul3A_923 = vector.broadcast %squeeze3A_922 : f32 to vector<16xf32>
      %mul3A_924 = arith.mulf %get3A_920, %mul3A_923 : vector<16xf32>
      %swap3A_925 = arith.constant 26 : i32
      %swap3A_926 = arith.index_cast %swap3A_925 : i32 to index
      %swap3A_927 = arith.constant 0 : index
      %swap3A_928 = tpu.vector_load %arg11[%swap3A_926, %swap3A_927] {strides = array<i32>} : memref<80x16xf32, #tpu.memory_space<vmem>>, vector<1x16xf32>,
      %swap3A_929 = vector.shape_cast %swap3A_928 : vector<1x16xf32> to vector<16xf32>
      %swap3A_930 = vector.shape_cast %mul3A_924 : vector<16xf32> to vector<1x16xf32>
      tpu.vector_store %arg11[%swap3A_926, %swap3A_927], %swap3A_930 {strides = array<i32>} : memref<80x16xf32, #tpu.memory_space<vmem>>, vector<1x16xf32>,
      %get3A_931 = arith.constant 27 : i32
      %get3A_932 = arith.index_cast %get3A_931 : i32 to index
      %get3A_933 = arith.constant 0 : index
      %get3A_934 = tpu.vector_load %arg11[%get3A_932, %get3A_933] {strides = array<i32>} : memref<80x16xf32, #tpu.memory_space<vmem>>, vector<1x16xf32>,
      %get3A_935 = vector.shape_cast %get3A_934 : vector<1x16xf32> to vector<16xf32>
      %slice3A_936 = vector.extract_strided_slice %get3A_765 {offsets = [11], sizes = [1], strides = [1]} : vector<16xf32> to vector<1xf32>
      %squeeze3A_937 = vector.extract %slice3A_936[0] : f32 from vector<1xf32>
      %mul3A_938 = vector.broadcast %squeeze3A_937 : f32 to vector<16xf32>
      %mul3A_939 = arith.mulf %get3A_935, %mul3A_938 : vector<16xf32>
      %swap3A_940 = arith.constant 27 : i32
      %swap3A_941 = arith.index_cast %swap3A_940 : i32 to index
      %swap3A_942 = arith.constant 0 : index
      %swap3A_943 = tpu.vector_load %arg11[%swap3A_941, %swap3A_942] {strides = array<i32>} : memref<80x16xf32, #tpu.memory_space<vmem>>, vector<1x16xf32>,
      %swap3A_944 = vector.shape_cast %swap3A_943 : vector<1x16xf32> to vector<16xf32>
      %swap3A_945 = vector.shape_cast %mul3A_939 : vector<16xf32> to vector<1x16xf32>
      tpu.vector_store %arg11[%swap3A_941, %swap3A_942], %swap3A_945 {strides = array<i32>} : memref<80x16xf32, #tpu.memory_space<vmem>>, vector<1x16xf32>,
      %get3A_946 = arith.constant 28 : i32
      %get3A_947 = arith.index_cast %get3A_946 : i32 to index
      %get3A_948 = arith.constant 0 : index
      %get3A_949 = tpu.vector_load %arg11[%get3A_947, %get3A_948] {strides = array<i32>} : memref<80x16xf32, #tpu.memory_space<vmem>>, vector<1x16xf32>,
      %get3A_950 = vector.shape_cast %get3A_949 : vector<1x16xf32> to vector<16xf32>
      %slice3A_951 = vector.extract_strided_slice %get3A_765 {offsets = [12], sizes = [1], strides = [1]} : vector<16xf32> to vector<1xf32>
      %squeeze3A_952 = vector.extract %slice3A_951[0] : f32 from vector<1xf32>
      %mul3A_953 = vector.broadcast %squeeze3A_952 : f32 to vector<16xf32>
      %mul3A_954 = arith.mulf %get3A_950, %mul3A_953 : vector<16xf32>
      %swap3A_955 = arith.constant 28 : i32
      %swap3A_956 = arith.index_cast %swap3A_955 : i32 to index
      %swap3A_957 = arith.constant 0 : index
      %swap3A_958 = tpu.vector_load %arg11[%swap3A_956, %swap3A_957] {strides = array<i32>} : memref<80x16xf32, #tpu.memory_space<vmem>>, vector<1x16xf32>,
      %swap3A_959 = vector.shape_cast %swap3A_958 : vector<1x16xf32> to vector<16xf32>
      %swap3A_960 = vector.shape_cast %mul3A_954 : vector<16xf32> to vector<1x16xf32>
      tpu.vector_store %arg11[%swap3A_956, %swap3A_957], %swap3A_960 {strides = array<i32>} : memref<80x16xf32, #tpu.memory_space<vmem>>, vector<1x16xf32>,
      %get3A_961 = arith.constant 29 : i32
      %get3A_962 = arith.index_cast %get3A_961 : i32 to index
      %get3A_963 = arith.constant 0 : index
      %get3A_964 = tpu.vector_load %arg11[%get3A_962, %get3A_963] {strides = array<i32>} : memref<80x16xf32, #tpu.memory_space<vmem>>, vector<1x16xf32>,
      %get3A_965 = vector.shape_cast %get3A_964 : vector<1x16xf32> to vector<16xf32>
      %slice3A_966 = vector.extract_strided_slice %get3A_765 {offsets = [13], sizes = [1], strides = [1]} : vector<16xf32> to vector<1xf32>
      %squeeze3A_967 = vector.extract %slice3A_966[0] : f32 from vector<1xf32>
      %mul3A_968 = vector.broadcast %squeeze3A_967 : f32 to vector<16xf32>
      %mul3A_969 = arith.mulf %get3A_965, %mul3A_968 : vector<16xf32>
      %swap3A_970 = arith.constant 29 : i32
      %swap3A_971 = arith.index_cast %swap3A_970 : i32 to index
      %swap3A_972 = arith.constant 0 : index
      %swap3A_973 = tpu.vector_load %arg11[%swap3A_971, %swap3A_972] {strides = array<i32>} : memref<80x16xf32, #tpu.memory_space<vmem>>, vector<1x16xf32>,
      %swap3A_974 = vector.shape_cast %swap3A_973 : vector<1x16xf32> to vector<16xf32>
      %swap3A_975 = vector.shape_cast %mul3A_969 : vector<16xf32> to vector<1x16xf32>
      tpu.vector_store %arg11[%swap3A_971, %swap3A_972], %swap3A_975 {strides = array<i32>} : memref<80x16xf32, #tpu.memory_space<vmem>>, vector<1x16xf32>,
      %get3A_976 = arith.constant 30 : i32
      %get3A_977 = arith.index_cast %get3A_976 : i32 to index
      %get3A_978 = arith.constant 0 : index
      %get3A_979 = tpu.vector_load %arg11[%get3A_977, %get3A_978] {strides = array<i32>} : memref<80x16xf32, #tpu.memory_space<vmem>>, vector<1x16xf32>,
      %get3A_980 = vector.shape_cast %get3A_979 : vector<1x16xf32> to vector<16xf32>
      %slice3A_981 = vector.extract_strided_slice %get3A_765 {offsets = [14], sizes = [1], strides = [1]} : vector<16xf32> to vector<1xf32>
      %squeeze3A_982 = vector.extract %slice3A_981[0] : f32 from vector<1xf32>
      %mul3A_983 = vector.broadcast %squeeze3A_982 : f32 to vector<16xf32>
      %mul3A_984 = arith.mulf %get3A_980, %mul3A_983 : vector<16xf32>
      %swap3A_985 = arith.constant 30 : i32
      %swap3A_986 = arith.index_cast %swap3A_985 : i32 to index
      %swap3A_987 = arith.constant 0 : index
      %swap3A_988 = tpu.vector_load %arg11[%swap3A_986, %swap3A_987] {strides = array<i32>} : memref<80x16xf32, #tpu.memory_space<vmem>>, vector<1x16xf32>,
      %swap3A_989 = vector.shape_cast %swap3A_988 : vector<1x16xf32> to vector<16xf32>
      %swap3A_990 = vector.shape_cast %mul3A_984 : vector<16xf32> to vector<1x16xf32>
      tpu.vector_store %arg11[%swap3A_986, %swap3A_987], %swap3A_990 {strides = array<i32>} : memref<80x16xf32, #tpu.memory_space<vmem>>, vector<1x16xf32>,
      %get3A_991 = arith.constant 31 : i32
      %get3A_992 = arith.index_cast %get3A_991 : i32 to index
      %get3A_993 = arith.constant 0 : index
      %get3A_994 = tpu.vector_load %arg11[%get3A_992, %get3A_993] {strides = array<i32>} : memref<80x16xf32, #tpu.memory_space<vmem>>, vector<1x16xf32>,
      %get3A_995 = vector.shape_cast %get3A_994 : vector<1x16xf32> to vector<16xf32>
      %slice3A_996 = vector.extract_strided_slice %get3A_765 {offsets = [15], sizes = [1], strides = [1]} : vector<16xf32> to vector<1xf32>
      %squeeze3A_997 = vector.extract %slice3A_996[0] : f32 from vector<1xf32>
      %mul3A_998 = vector.broadcast %squeeze3A_997 : f32 to vector<16xf32>
      %mul3A_999 = arith.mulf %get3A_995, %mul3A_998 : vector<16xf32>
      %swap3A_1000 = arith.constant 31 : i32
      %swap3A_1001 = arith.index_cast %swap3A_1000 : i32 to index
      %swap3A_1002 = arith.constant 0 : index
      %swap3A_1003 = tpu.vector_load %arg11[%swap3A_1001, %swap3A_1002] {strides = array<i32>} : memref<80x16xf32, #tpu.memory_space<vmem>>, vector<1x16xf32>,
      %swap3A_1004 = vector.shape_cast %swap3A_1003 : vector<1x16xf32> to vector<16xf32>
      %swap3A_1005 = vector.shape_cast %mul3A_999 : vector<16xf32> to vector<1x16xf32>
      tpu.vector_store %arg11[%swap3A_1001, %swap3A_1002], %swap3A_1005 {strides = array<i32>} : memref<80x16xf32, #tpu.memory_space<vmem>>, vector<1x16xf32>,
      %get3A_1006 = arith.index_cast %scan3A_520 : i32 to index
      %get3A_1007 = arith.constant 32 : index
      %get3A_1008 = tpu.vector_load %arg10[%get3A_1006, %get3A_1007] {strides = array<i32>} : memref<125x80xf32, #tpu.memory_space<vmem>>, vector<1x16xf32>,
      %get3A_1009 = vector.shape_cast %get3A_1008 : vector<1x16xf32> to vector<16xf32>
      %get3A_1010 = arith.constant 32 : i32
      %get3A_1011 = arith.index_cast %get3A_1010 : i32 to index
      %get3A_1012 = arith.constant 0 : index
      %get3A_1013 = tpu.vector_load %arg11[%get3A_1011, %get3A_1012] {strides = array<i32>} : memref<80x16xf32, #tpu.memory_space<vmem>>, vector<1x16xf32>,
      %get3A_1014 = vector.shape_cast %get3A_1013 : vector<1x16xf32> to vector<16xf32>
      %slice3A_1015 = vector.extract_strided_slice %get3A_1009 {offsets = [0], sizes = [1], strides = [1]} : vector<16xf32> to vector<1xf32>
      %squeeze3A_1016 = vector.extract %slice3A_1015[0] : f32 from vector<1xf32>
      %mul3A_1017 = vector.broadcast %squeeze3A_1016 : f32 to vector<16xf32>
      %mul3A_1018 = arith.mulf %get3A_1014, %mul3A_1017 : vector<16xf32>
      %swap3A_1019 = arith.constant 32 : i32
      %swap3A_1020 = arith.index_cast %swap3A_1019 : i32 to index
      %swap3A_1021 = arith.constant 0 : index
      %swap3A_1022 = tpu.vector_load %arg11[%swap3A_1020, %swap3A_1021] {strides = array<i32>} : memref<80x16xf32, #tpu.memory_space<vmem>>, vector<1x16xf32>,
      %swap3A_1023 = vector.shape_cast %swap3A_1022 : vector<1x16xf32> to vector<16xf32>
      %swap3A_1024 = vector.shape_cast %mul3A_1018 : vector<16xf32> to vector<1x16xf32>
      tpu.vector_store %arg11[%swap3A_1020, %swap3A_1021], %swap3A_1024 {strides = array<i32>} : memref<80x16xf32, #tpu.memory_space<vmem>>, vector<1x16xf32>,
      %get3A_1025 = arith.constant 33 : i32
      %get3A_1026 = arith.index_cast %get3A_1025 : i32 to index
      %get3A_1027 = arith.constant 0 : index
      %get3A_1028 = tpu.vector_load %arg11[%get3A_1026, %get3A_1027] {strides = array<i32>} : memref<80x16xf32, #tpu.memory_space<vmem>>, vector<1x16xf32>,
      %get3A_1029 = vector.shape_cast %get3A_1028 : vector<1x16xf32> to vector<16xf32>
      %slice3A_1030 = vector.extract_strided_slice %get3A_1009 {offsets = [1], sizes = [1], strides = [1]} : vector<16xf32> to vector<1xf32>
      %squeeze3A_1031 = vector.extract %slice3A_1030[0] : f32 from vector<1xf32>
      %mul3A_1032 = vector.broadcast %squeeze3A_1031 : f32 to vector<16xf32>
      %mul3A_1033 = arith.mulf %get3A_1029, %mul3A_1032 : vector<16xf32>
      %swap3A_1034 = arith.constant 33 : i32
      %swap3A_1035 = arith.index_cast %swap3A_1034 : i32 to index
      %swap3A_1036 = arith.constant 0 : index
      %swap3A_1037 = tpu.vector_load %arg11[%swap3A_1035, %swap3A_1036] {strides = array<i32>} : memref<80x16xf32, #tpu.memory_space<vmem>>, vector<1x16xf32>,
      %swap3A_1038 = vector.shape_cast %swap3A_1037 : vector<1x16xf32> to vector<16xf32>
      %swap3A_1039 = vector.shape_cast %mul3A_1033 : vector<16xf32> to vector<1x16xf32>
      tpu.vector_store %arg11[%swap3A_1035, %swap3A_1036], %swap3A_1039 {strides = array<i32>} : memref<80x16xf32, #tpu.memory_space<vmem>>, vector<1x16xf32>,
      %get3A_1040 = arith.constant 34 : i32
      %get3A_1041 = arith.index_cast %get3A_1040 : i32 to index
      %get3A_1042 = arith.constant 0 : index
      %get3A_1043 = tpu.vector_load %arg11[%get3A_1041, %get3A_1042] {strides = array<i32>} : memref<80x16xf32, #tpu.memory_space<vmem>>, vector<1x16xf32>,
      %get3A_1044 = vector.shape_cast %get3A_1043 : vector<1x16xf32> to vector<16xf32>
      %slice3A_1045 = vector.extract_strided_slice %get3A_1009 {offsets = [2], sizes = [1], strides = [1]} : vector<16xf32> to vector<1xf32>
      %squeeze3A_1046 = vector.extract %slice3A_1045[0] : f32 from vector<1xf32>
      %mul3A_1047 = vector.broadcast %squeeze3A_1046 : f32 to vector<16xf32>
      %mul3A_1048 = arith.mulf %get3A_1044, %mul3A_1047 : vector<16xf32>
      %swap3A_1049 = arith.constant 34 : i32
      %swap3A_1050 = arith.index_cast %swap3A_1049 : i32 to index
      %swap3A_1051 = arith.constant 0 : index
      %swap3A_1052 = tpu.vector_load %arg11[%swap3A_1050, %swap3A_1051] {strides = array<i32>} : memref<80x16xf32, #tpu.memory_space<vmem>>, vector<1x16xf32>,
      %swap3A_1053 = vector.shape_cast %swap3A_1052 : vector<1x16xf32> to vector<16xf32>
      %swap3A_1054 = vector.shape_cast %mul3A_1048 : vector<16xf32> to vector<1x16xf32>
      tpu.vector_store %arg11[%swap3A_1050, %swap3A_1051], %swap3A_1054 {strides = array<i32>} : memref<80x16xf32, #tpu.memory_space<vmem>>, vector<1x16xf32>,
      %get3A_1055 = arith.constant 35 : i32
      %get3A_1056 = arith.index_cast %get3A_1055 : i32 to index
      %get3A_1057 = arith.constant 0 : index
      %get3A_1058 = tpu.vector_load %arg11[%get3A_1056, %get3A_1057] {strides = array<i32>} : memref<80x16xf32, #tpu.memory_space<vmem>>, vector<1x16xf32>,
      %get3A_1059 = vector.shape_cast %get3A_1058 : vector<1x16xf32> to vector<16xf32>
      %slice3A_1060 = vector.extract_strided_slice %get3A_1009 {offsets = [3], sizes = [1], strides = [1]} : vector<16xf32> to vector<1xf32>
      %squeeze3A_1061 = vector.extract %slice3A_1060[0] : f32 from vector<1xf32>
      %mul3A_1062 = vector.broadcast %squeeze3A_1061 : f32 to vector<16xf32>
      %mul3A_1063 = arith.mulf %get3A_1059, %mul3A_1062 : vector<16xf32>
      %swap3A_1064 = arith.constant 35 : i32
      %swap3A_1065 = arith.index_cast %swap3A_1064 : i32 to index
      %swap3A_1066 = arith.constant 0 : index
      %swap3A_1067 = tpu.vector_load %arg11[%swap3A_1065, %swap3A_1066] {strides = array<i32>} : memref<80x16xf32, #tpu.memory_space<vmem>>, vector<1x16xf32>,
      %swap3A_1068 = vector.shape_cast %swap3A_1067 : vector<1x16xf32> to vector<16xf32>
      %swap3A_1069 = vector.shape_cast %mul3A_1063 : vector<16xf32> to vector<1x16xf32>
      tpu.vector_store %arg11[%swap3A_1065, %swap3A_1066], %swap3A_1069 {strides = array<i32>} : memref<80x16xf32, #tpu.memory_space<vmem>>, vector<1x16xf32>,
      %get3A_1070 = arith.constant 36 : i32
      %get3A_1071 = arith.index_cast %get3A_1070 : i32 to index
      %get3A_1072 = arith.constant 0 : index
      %get3A_1073 = tpu.vector_load %arg11[%get3A_1071, %get3A_1072] {strides = array<i32>} : memref<80x16xf32, #tpu.memory_space<vmem>>, vector<1x16xf32>,
      %get3A_1074 = vector.shape_cast %get3A_1073 : vector<1x16xf32> to vector<16xf32>
      %slice3A_1075 = vector.extract_strided_slice %get3A_1009 {offsets = [4], sizes = [1], strides = [1]} : vector<16xf32> to vector<1xf32>
      %squeeze3A_1076 = vector.extract %slice3A_1075[0] : f32 from vector<1xf32>
      %mul3A_1077 = vector.broadcast %squeeze3A_1076 : f32 to vector<16xf32>
      %mul3A_1078 = arith.mulf %get3A_1074, %mul3A_1077 : vector<16xf32>
      %swap3A_1079 = arith.constant 36 : i32
      %swap3A_1080 = arith.index_cast %swap3A_1079 : i32 to index
      %swap3A_1081 = arith.constant 0 : index
      %swap3A_1082 = tpu.vector_load %arg11[%swap3A_1080, %swap3A_1081] {strides = array<i32>} : memref<80x16xf32, #tpu.memory_space<vmem>>, vector<1x16xf32>,
      %swap3A_1083 = vector.shape_cast %swap3A_1082 : vector<1x16xf32> to vector<16xf32>
      %swap3A_1084 = vector.shape_cast %mul3A_1078 : vector<16xf32> to vector<1x16xf32>
      tpu.vector_store %arg11[%swap3A_1080, %swap3A_1081], %swap3A_1084 {strides = array<i32>} : memref<80x16xf32, #tpu.memory_space<vmem>>, vector<1x16xf32>,
      %get3A_1085 = arith.constant 37 : i32
      %get3A_1086 = arith.index_cast %get3A_1085 : i32 to index
      %get3A_1087 = arith.constant 0 : index
      %get3A_1088 = tpu.vector_load %arg11[%get3A_1086, %get3A_1087] {strides = array<i32>} : memref<80x16xf32, #tpu.memory_space<vmem>>, vector<1x16xf32>,
      %get3A_1089 = vector.shape_cast %get3A_1088 : vector<1x16xf32> to vector<16xf32>
      %slice3A_1090 = vector.extract_strided_slice %get3A_1009 {offsets = [5], sizes = [1], strides = [1]} : vector<16xf32> to vector<1xf32>
      %squeeze3A_1091 = vector.extract %slice3A_1090[0] : f32 from vector<1xf32>
      %mul3A_1092 = vector.broadcast %squeeze3A_1091 : f32 to vector<16xf32>
      %mul3A_1093 = arith.mulf %get3A_1089, %mul3A_1092 : vector<16xf32>
      %swap3A_1094 = arith.constant 37 : i32
      %swap3A_1095 = arith.index_cast %swap3A_1094 : i32 to index
      %swap3A_1096 = arith.constant 0 : index
      %swap3A_1097 = tpu.vector_load %arg11[%swap3A_1095, %swap3A_1096] {strides = array<i32>} : memref<80x16xf32, #tpu.memory_space<vmem>>, vector<1x16xf32>,
      %swap3A_1098 = vector.shape_cast %swap3A_1097 : vector<1x16xf32> to vector<16xf32>
      %swap3A_1099 = vector.shape_cast %mul3A_1093 : vector<16xf32> to vector<1x16xf32>
      tpu.vector_store %arg11[%swap3A_1095, %swap3A_1096], %swap3A_1099 {strides = array<i32>} : memref<80x16xf32, #tpu.memory_space<vmem>>, vector<1x16xf32>,
      %get3A_1100 = arith.constant 38 : i32
      %get3A_1101 = arith.index_cast %get3A_1100 : i32 to index
      %get3A_1102 = arith.constant 0 : index
      %get3A_1103 = tpu.vector_load %arg11[%get3A_1101, %get3A_1102] {strides = array<i32>} : memref<80x16xf32, #tpu.memory_space<vmem>>, vector<1x16xf32>,
      %get3A_1104 = vector.shape_cast %get3A_1103 : vector<1x16xf32> to vector<16xf32>
      %slice3A_1105 = vector.extract_strided_slice %get3A_1009 {offsets = [6], sizes = [1], strides = [1]} : vector<16xf32> to vector<1xf32>
      %squeeze3A_1106 = vector.extract %slice3A_1105[0] : f32 from vector<1xf32>
      %mul3A_1107 = vector.broadcast %squeeze3A_1106 : f32 to vector<16xf32>
      %mul3A_1108 = arith.mulf %get3A_1104, %mul3A_1107 : vector<16xf32>
      %swap3A_1109 = arith.constant 38 : i32
      %swap3A_1110 = arith.index_cast %swap3A_1109 : i32 to index
      %swap3A_1111 = arith.constant 0 : index
      %swap3A_1112 = tpu.vector_load %arg11[%swap3A_1110, %swap3A_1111] {strides = array<i32>} : memref<80x16xf32, #tpu.memory_space<vmem>>, vector<1x16xf32>,
      %swap3A_1113 = vector.shape_cast %swap3A_1112 : vector<1x16xf32> to vector<16xf32>
      %swap3A_1114 = vector.shape_cast %mul3A_1108 : vector<16xf32> to vector<1x16xf32>
      tpu.vector_store %arg11[%swap3A_1110, %swap3A_1111], %swap3A_1114 {strides = array<i32>} : memref<80x16xf32, #tpu.memory_space<vmem>>, vector<1x16xf32>,
      %get3A_1115 = arith.constant 39 : i32
      %get3A_1116 = arith.index_cast %get3A_1115 : i32 to index
      %get3A_1117 = arith.constant 0 : index
      %get3A_1118 = tpu.vector_load %arg11[%get3A_1116, %get3A_1117] {strides = array<i32>} : memref<80x16xf32, #tpu.memory_space<vmem>>, vector<1x16xf32>,
      %get3A_1119 = vector.shape_cast %get3A_1118 : vector<1x16xf32> to vector<16xf32>
      %slice3A_1120 = vector.extract_strided_slice %get3A_1009 {offsets = [7], sizes = [1], strides = [1]} : vector<16xf32> to vector<1xf32>
      %squeeze3A_1121 = vector.extract %slice3A_1120[0] : f32 from vector<1xf32>
      %mul3A_1122 = vector.broadcast %squeeze3A_1121 : f32 to vector<16xf32>
      %mul3A_1123 = arith.mulf %get3A_1119, %mul3A_1122 : vector<16xf32>
      %swap3A_1124 = arith.constant 39 : i32
      %swap3A_1125 = arith.index_cast %swap3A_1124 : i32 to index
      %swap3A_1126 = arith.constant 0 : index
      %swap3A_1127 = tpu.vector_load %arg11[%swap3A_1125, %swap3A_1126] {strides = array<i32>} : memref<80x16xf32, #tpu.memory_space<vmem>>, vector<1x16xf32>,
      %swap3A_1128 = vector.shape_cast %swap3A_1127 : vector<1x16xf32> to vector<16xf32>
      %swap3A_1129 = vector.shape_cast %mul3A_1123 : vector<16xf32> to vector<1x16xf32>
      tpu.vector_store %arg11[%swap3A_1125, %swap3A_1126], %swap3A_1129 {strides = array<i32>} : memref<80x16xf32, #tpu.memory_space<vmem>>, vector<1x16xf32>,
      %get3A_1130 = arith.constant 40 : i32
      %get3A_1131 = arith.index_cast %get3A_1130 : i32 to index
      %get3A_1132 = arith.constant 0 : index
      %get3A_1133 = tpu.vector_load %arg11[%get3A_1131, %get3A_1132] {strides = array<i32>} : memref<80x16xf32, #tpu.memory_space<vmem>>, vector<1x16xf32>,
      %get3A_1134 = vector.shape_cast %get3A_1133 : vector<1x16xf32> to vector<16xf32>
      %slice3A_1135 = vector.extract_strided_slice %get3A_1009 {offsets = [8], sizes = [1], strides = [1]} : vector<16xf32> to vector<1xf32>
      %squeeze3A_1136 = vector.extract %slice3A_1135[0] : f32 from vector<1xf32>
      %mul3A_1137 = vector.broadcast %squeeze3A_1136 : f32 to vector<16xf32>
      %mul3A_1138 = arith.mulf %get3A_1134, %mul3A_1137 : vector<16xf32>
      %swap3A_1139 = arith.constant 40 : i32
      %swap3A_1140 = arith.index_cast %swap3A_1139 : i32 to index
      %swap3A_1141 = arith.constant 0 : index
      %swap3A_1142 = tpu.vector_load %arg11[%swap3A_1140, %swap3A_1141] {strides = array<i32>} : memref<80x16xf32, #tpu.memory_space<vmem>>, vector<1x16xf32>,
      %swap3A_1143 = vector.shape_cast %swap3A_1142 : vector<1x16xf32> to vector<16xf32>
      %swap3A_1144 = vector.shape_cast %mul3A_1138 : vector<16xf32> to vector<1x16xf32>
      tpu.vector_store %arg11[%swap3A_1140, %swap3A_1141], %swap3A_1144 {strides = array<i32>} : memref<80x16xf32, #tpu.memory_space<vmem>>, vector<1x16xf32>,
      %get3A_1145 = arith.constant 41 : i32
      %get3A_1146 = arith.index_cast %get3A_1145 : i32 to index
      %get3A_1147 = arith.constant 0 : index
      %get3A_1148 = tpu.vector_load %arg11[%get3A_1146, %get3A_1147] {strides = array<i32>} : memref<80x16xf32, #tpu.memory_space<vmem>>, vector<1x16xf32>,
      %get3A_1149 = vector.shape_cast %get3A_1148 : vector<1x16xf32> to vector<16xf32>
      %slice3A_1150 = vector.extract_strided_slice %get3A_1009 {offsets = [9], sizes = [1], strides = [1]} : vector<16xf32> to vector<1xf32>
      %squeeze3A_1151 = vector.extract %slice3A_1150[0] : f32 from vector<1xf32>
      %mul3A_1152 = vector.broadcast %squeeze3A_1151 : f32 to vector<16xf32>
      %mul3A_1153 = arith.mulf %get3A_1149, %mul3A_1152 : vector<16xf32>
      %swap3A_1154 = arith.constant 41 : i32
      %swap3A_1155 = arith.index_cast %swap3A_1154 : i32 to index
      %swap3A_1156 = arith.constant 0 : index
      %swap3A_1157 = tpu.vector_load %arg11[%swap3A_1155, %swap3A_1156] {strides = array<i32>} : memref<80x16xf32, #tpu.memory_space<vmem>>, vector<1x16xf32>,
      %swap3A_1158 = vector.shape_cast %swap3A_1157 : vector<1x16xf32> to vector<16xf32>
      %swap3A_1159 = vector.shape_cast %mul3A_1153 : vector<16xf32> to vector<1x16xf32>
      tpu.vector_store %arg11[%swap3A_1155, %swap3A_1156], %swap3A_1159 {strides = array<i32>} : memref<80x16xf32, #tpu.memory_space<vmem>>, vector<1x16xf32>,
      %get3A_1160 = arith.constant 42 : i32
      %get3A_1161 = arith.index_cast %get3A_1160 : i32 to index
      %get3A_1162 = arith.constant 0 : index
      %get3A_1163 = tpu.vector_load %arg11[%get3A_1161, %get3A_1162] {strides = array<i32>} : memref<80x16xf32, #tpu.memory_space<vmem>>, vector<1x16xf32>,
      %get3A_1164 = vector.shape_cast %get3A_1163 : vector<1x16xf32> to vector<16xf32>
      %slice3A_1165 = vector.extract_strided_slice %get3A_1009 {offsets = [10], sizes = [1], strides = [1]} : vector<16xf32> to vector<1xf32>
      %squeeze3A_1166 = vector.extract %slice3A_1165[0] : f32 from vector<1xf32>
      %mul3A_1167 = vector.broadcast %squeeze3A_1166 : f32 to vector<16xf32>
      %mul3A_1168 = arith.mulf %get3A_1164, %mul3A_1167 : vector<16xf32>
      %swap3A_1169 = arith.constant 42 : i32
      %swap3A_1170 = arith.index_cast %swap3A_1169 : i32 to index
      %swap3A_1171 = arith.constant 0 : index
      %swap3A_1172 = tpu.vector_load %arg11[%swap3A_1170, %swap3A_1171] {strides = array<i32>} : memref<80x16xf32, #tpu.memory_space<vmem>>, vector<1x16xf32>,
      %swap3A_1173 = vector.shape_cast %swap3A_1172 : vector<1x16xf32> to vector<16xf32>
      %swap3A_1174 = vector.shape_cast %mul3A_1168 : vector<16xf32> to vector<1x16xf32>
      tpu.vector_store %arg11[%swap3A_1170, %swap3A_1171], %swap3A_1174 {strides = array<i32>} : memref<80x16xf32, #tpu.memory_space<vmem>>, vector<1x16xf32>,
      %get3A_1175 = arith.constant 43 : i32
      %get3A_1176 = arith.index_cast %get3A_1175 : i32 to index
      %get3A_1177 = arith.constant 0 : index
      %get3A_1178 = tpu.vector_load %arg11[%get3A_1176, %get3A_1177] {strides = array<i32>} : memref<80x16xf32, #tpu.memory_space<vmem>>, vector<1x16xf32>,
      %get3A_1179 = vector.shape_cast %get3A_1178 : vector<1x16xf32> to vector<16xf32>
      %slice3A_1180 = vector.extract_strided_slice %get3A_1009 {offsets = [11], sizes = [1], strides = [1]} : vector<16xf32> to vector<1xf32>
      %squeeze3A_1181 = vector.extract %slice3A_1180[0] : f32 from vector<1xf32>
      %mul3A_1182 = vector.broadcast %squeeze3A_1181 : f32 to vector<16xf32>
      %mul3A_1183 = arith.mulf %get3A_1179, %mul3A_1182 : vector<16xf32>
      %swap3A_1184 = arith.constant 43 : i32
      %swap3A_1185 = arith.index_cast %swap3A_1184 : i32 to index
      %swap3A_1186 = arith.constant 0 : index
      %swap3A_1187 = tpu.vector_load %arg11[%swap3A_1185, %swap3A_1186] {strides = array<i32>} : memref<80x16xf32, #tpu.memory_space<vmem>>, vector<1x16xf32>,
      %swap3A_1188 = vector.shape_cast %swap3A_1187 : vector<1x16xf32> to vector<16xf32>
      %swap3A_1189 = vector.shape_cast %mul3A_1183 : vector<16xf32> to vector<1x16xf32>
      tpu.vector_store %arg11[%swap3A_1185, %swap3A_1186], %swap3A_1189 {strides = array<i32>} : memref<80x16xf32, #tpu.memory_space<vmem>>, vector<1x16xf32>,
      %get3A_1190 = arith.constant 44 : i32
      %get3A_1191 = arith.index_cast %get3A_1190 : i32 to index
      %get3A_1192 = arith.constant 0 : index
      %get3A_1193 = tpu.vector_load %arg11[%get3A_1191, %get3A_1192] {strides = array<i32>} : memref<80x16xf32, #tpu.memory_space<vmem>>, vector<1x16xf32>,
      %get3A_1194 = vector.shape_cast %get3A_1193 : vector<1x16xf32> to vector<16xf32>
      %slice3A_1195 = vector.extract_strided_slice %get3A_1009 {offsets = [12], sizes = [1], strides = [1]} : vector<16xf32> to vector<1xf32>
      %squeeze3A_1196 = vector.extract %slice3A_1195[0] : f32 from vector<1xf32>
      %mul3A_1197 = vector.broadcast %squeeze3A_1196 : f32 to vector<16xf32>
      %mul3A_1198 = arith.mulf %get3A_1194, %mul3A_1197 : vector<16xf32>
      %swap3A_1199 = arith.constant 44 : i32
      %swap3A_1200 = arith.index_cast %swap3A_1199 : i32 to index
      %swap3A_1201 = arith.constant 0 : index
      %swap3A_1202 = tpu.vector_load %arg11[%swap3A_1200, %swap3A_1201] {strides = array<i32>} : memref<80x16xf32, #tpu.memory_space<vmem>>, vector<1x16xf32>,
      %swap3A_1203 = vector.shape_cast %swap3A_1202 : vector<1x16xf32> to vector<16xf32>
      %swap3A_1204 = vector.shape_cast %mul3A_1198 : vector<16xf32> to vector<1x16xf32>
      tpu.vector_store %arg11[%swap3A_1200, %swap3A_1201], %swap3A_1204 {strides = array<i32>} : memref<80x16xf32, #tpu.memory_space<vmem>>, vector<1x16xf32>,
      %get3A_1205 = arith.constant 45 : i32
      %get3A_1206 = arith.index_cast %get3A_1205 : i32 to index
      %get3A_1207 = arith.constant 0 : index
      %get3A_1208 = tpu.vector_load %arg11[%get3A_1206, %get3A_1207] {strides = array<i32>} : memref<80x16xf32, #tpu.memory_space<vmem>>, vector<1x16xf32>,
      %get3A_1209 = vector.shape_cast %get3A_1208 : vector<1x16xf32> to vector<16xf32>
      %slice3A_1210 = vector.extract_strided_slice %get3A_1009 {offsets = [13], sizes = [1], strides = [1]} : vector<16xf32> to vector<1xf32>
      %squeeze3A_1211 = vector.extract %slice3A_1210[0] : f32 from vector<1xf32>
      %mul3A_1212 = vector.broadcast %squeeze3A_1211 : f32 to vector<16xf32>
      %mul3A_1213 = arith.mulf %get3A_1209, %mul3A_1212 : vector<16xf32>
      %swap3A_1214 = arith.constant 45 : i32
      %swap3A_1215 = arith.index_cast %swap3A_1214 : i32 to index
      %swap3A_1216 = arith.constant 0 : index
      %swap3A_1217 = tpu.vector_load %arg11[%swap3A_1215, %swap3A_1216] {strides = array<i32>} : memref<80x16xf32, #tpu.memory_space<vmem>>, vector<1x16xf32>,
      %swap3A_1218 = vector.shape_cast %swap3A_1217 : vector<1x16xf32> to vector<16xf32>
      %swap3A_1219 = vector.shape_cast %mul3A_1213 : vector<16xf32> to vector<1x16xf32>
      tpu.vector_store %arg11[%swap3A_1215, %swap3A_1216], %swap3A_1219 {strides = array<i32>} : memref<80x16xf32, #tpu.memory_space<vmem>>, vector<1x16xf32>,
      %get3A_1220 = arith.constant 46 : i32
      %get3A_1221 = arith.index_cast %get3A_1220 : i32 to index
      %get3A_1222 = arith.constant 0 : index
      %get3A_1223 = tpu.vector_load %arg11[%get3A_1221, %get3A_1222] {strides = array<i32>} : memref<80x16xf32, #tpu.memory_space<vmem>>, vector<1x16xf32>,
      %get3A_1224 = vector.shape_cast %get3A_1223 : vector<1x16xf32> to vector<16xf32>
      %slice3A_1225 = vector.extract_strided_slice %get3A_1009 {offsets = [14], sizes = [1], strides = [1]} : vector<16xf32> to vector<1xf32>
      %squeeze3A_1226 = vector.extract %slice3A_1225[0] : f32 from vector<1xf32>
      %mul3A_1227 = vector.broadcast %squeeze3A_1226 : f32 to vector<16xf32>
      %mul3A_1228 = arith.mulf %get3A_1224, %mul3A_1227 : vector<16xf32>
      %swap3A_1229 = arith.constant 46 : i32
      %swap3A_1230 = arith.index_cast %swap3A_1229 : i32 to index
      %swap3A_1231 = arith.constant 0 : index
      %swap3A_1232 = tpu.vector_load %arg11[%swap3A_1230, %swap3A_1231] {strides = array<i32>} : memref<80x16xf32, #tpu.memory_space<vmem>>, vector<1x16xf32>,
      %swap3A_1233 = vector.shape_cast %swap3A_1232 : vector<1x16xf32> to vector<16xf32>
      %swap3A_1234 = vector.shape_cast %mul3A_1228 : vector<16xf32> to vector<1x16xf32>
      tpu.vector_store %arg11[%swap3A_1230, %swap3A_1231], %swap3A_1234 {strides = array<i32>} : memref<80x16xf32, #tpu.memory_space<vmem>>, vector<1x16xf32>,
      %get3A_1235 = arith.constant 47 : i32
      %get3A_1236 = arith.index_cast %get3A_1235 : i32 to index
      %get3A_1237 = arith.constant 0 : index
      %get3A_1238 = tpu.vector_load %arg11[%get3A_1236, %get3A_1237] {strides = array<i32>} : memref<80x16xf32, #tpu.memory_space<vmem>>, vector<1x16xf32>,
      %get3A_1239 = vector.shape_cast %get3A_1238 : vector<1x16xf32> to vector<16xf32>
      %slice3A_1240 = vector.extract_strided_slice %get3A_1009 {offsets = [15], sizes = [1], strides = [1]} : vector<16xf32> to vector<1xf32>
      %squeeze3A_1241 = vector.extract %slice3A_1240[0] : f32 from vector<1xf32>
      %mul3A_1242 = vector.broadcast %squeeze3A_1241 : f32 to vector<16xf32>
      %mul3A_1243 = arith.mulf %get3A_1239, %mul3A_1242 : vector<16xf32>
      %swap3A_1244 = arith.constant 47 : i32
      %swap3A_1245 = arith.index_cast %swap3A_1244 : i32 to index
      %swap3A_1246 = arith.constant 0 : index
      %swap3A_1247 = tpu.vector_load %arg11[%swap3A_1245, %swap3A_1246] {strides = array<i32>} : memref<80x16xf32, #tpu.memory_space<vmem>>, vector<1x16xf32>,
      %swap3A_1248 = vector.shape_cast %swap3A_1247 : vector<1x16xf32> to vector<16xf32>
      %swap3A_1249 = vector.shape_cast %mul3A_1243 : vector<16xf32> to vector<1x16xf32>
      tpu.vector_store %arg11[%swap3A_1245, %swap3A_1246], %swap3A_1249 {strides = array<i32>} : memref<80x16xf32, #tpu.memory_space<vmem>>, vector<1x16xf32>,
      %get3A_1250 = arith.index_cast %scan3A_520 : i32 to index
      %get3A_1251 = arith.constant 48 : index
      %get3A_1252 = tpu.vector_load %arg10[%get3A_1250, %get3A_1251] {strides = array<i32>} : memref<125x80xf32, #tpu.memory_space<vmem>>, vector<1x16xf32>,
      %get3A_1253 = vector.shape_cast %get3A_1252 : vector<1x16xf32> to vector<16xf32>
      %get3A_1254 = arith.constant 48 : i32
      %get3A_1255 = arith.index_cast %get3A_1254 : i32 to index
      %get3A_1256 = arith.constant 0 : index
      %get3A_1257 = tpu.vector_load %arg11[%get3A_1255, %get3A_1256] {strides = array<i32>} : memref<80x16xf32, #tpu.memory_space<vmem>>, vector<1x16xf32>,
      %get3A_1258 = vector.shape_cast %get3A_1257 : vector<1x16xf32> to vector<16xf32>
      %slice3A_1259 = vector.extract_strided_slice %get3A_1253 {offsets = [0], sizes = [1], strides = [1]} : vector<16xf32> to vector<1xf32>
      %squeeze3A_1260 = vector.extract %slice3A_1259[0] : f32 from vector<1xf32>
      %mul3A_1261 = vector.broadcast %squeeze3A_1260 : f32 to vector<16xf32>
      %mul3A_1262 = arith.mulf %get3A_1258, %mul3A_1261 : vector<16xf32>
      %swap3A_1263 = arith.constant 48 : i32
      %swap3A_1264 = arith.index_cast %swap3A_1263 : i32 to index
      %swap3A_1265 = arith.constant 0 : index
      %swap3A_1266 = tpu.vector_load %arg11[%swap3A_1264, %swap3A_1265] {strides = array<i32>} : memref<80x16xf32, #tpu.memory_space<vmem>>, vector<1x16xf32>,
      %swap3A_1267 = vector.shape_cast %swap3A_1266 : vector<1x16xf32> to vector<16xf32>
      %swap3A_1268 = vector.shape_cast %mul3A_1262 : vector<16xf32> to vector<1x16xf32>
      tpu.vector_store %arg11[%swap3A_1264, %swap3A_1265], %swap3A_1268 {strides = array<i32>} : memref<80x16xf32, #tpu.memory_space<vmem>>, vector<1x16xf32>,
      %get3A_1269 = arith.constant 49 : i32
      %get3A_1270 = arith.index_cast %get3A_1269 : i32 to index
      %get3A_1271 = arith.constant 0 : index
      %get3A_1272 = tpu.vector_load %arg11[%get3A_1270, %get3A_1271] {strides = array<i32>} : memref<80x16xf32, #tpu.memory_space<vmem>>, vector<1x16xf32>,
      %get3A_1273 = vector.shape_cast %get3A_1272 : vector<1x16xf32> to vector<16xf32>
      %slice3A_1274 = vector.extract_strided_slice %get3A_1253 {offsets = [1], sizes = [1], strides = [1]} : vector<16xf32> to vector<1xf32>
      %squeeze3A_1275 = vector.extract %slice3A_1274[0] : f32 from vector<1xf32>
      %mul3A_1276 = vector.broadcast %squeeze3A_1275 : f32 to vector<16xf32>
      %mul3A_1277 = arith.mulf %get3A_1273, %mul3A_1276 : vector<16xf32>
      %swap3A_1278 = arith.constant 49 : i32
      %swap3A_1279 = arith.index_cast %swap3A_1278 : i32 to index
      %swap3A_1280 = arith.constant 0 : index
      %swap3A_1281 = tpu.vector_load %arg11[%swap3A_1279, %swap3A_1280] {strides = array<i32>} : memref<80x16xf32, #tpu.memory_space<vmem>>, vector<1x16xf32>,
      %swap3A_1282 = vector.shape_cast %swap3A_1281 : vector<1x16xf32> to vector<16xf32>
      %swap3A_1283 = vector.shape_cast %mul3A_1277 : vector<16xf32> to vector<1x16xf32>
      tpu.vector_store %arg11[%swap3A_1279, %swap3A_1280], %swap3A_1283 {strides = array<i32>} : memref<80x16xf32, #tpu.memory_space<vmem>>, vector<1x16xf32>,
      %get3A_1284 = arith.constant 50 : i32
      %get3A_1285 = arith.index_cast %get3A_1284 : i32 to index
      %get3A_1286 = arith.constant 0 : index
      %get3A_1287 = tpu.vector_load %arg11[%get3A_1285, %get3A_1286] {strides = array<i32>} : memref<80x16xf32, #tpu.memory_space<vmem>>, vector<1x16xf32>,
      %get3A_1288 = vector.shape_cast %get3A_1287 : vector<1x16xf32> to vector<16xf32>
      %slice3A_1289 = vector.extract_strided_slice %get3A_1253 {offsets = [2], sizes = [1], strides = [1]} : vector<16xf32> to vector<1xf32>
      %squeeze3A_1290 = vector.extract %slice3A_1289[0] : f32 from vector<1xf32>
      %mul3A_1291 = vector.broadcast %squeeze3A_1290 : f32 to vector<16xf32>
      %mul3A_1292 = arith.mulf %get3A_1288, %mul3A_1291 : vector<16xf32>
      %swap3A_1293 = arith.constant 50 : i32
      %swap3A_1294 = arith.index_cast %swap3A_1293 : i32 to index
      %swap3A_1295 = arith.constant 0 : index
      %swap3A_1296 = tpu.vector_load %arg11[%swap3A_1294, %swap3A_1295] {strides = array<i32>} : memref<80x16xf32, #tpu.memory_space<vmem>>, vector<1x16xf32>,
      %swap3A_1297 = vector.shape_cast %swap3A_1296 : vector<1x16xf32> to vector<16xf32>
      %swap3A_1298 = vector.shape_cast %mul3A_1292 : vector<16xf32> to vector<1x16xf32>
      tpu.vector_store %arg11[%swap3A_1294, %swap3A_1295], %swap3A_1298 {strides = array<i32>} : memref<80x16xf32, #tpu.memory_space<vmem>>, vector<1x16xf32>,
      %get3A_1299 = arith.constant 51 : i32
      %get3A_1300 = arith.index_cast %get3A_1299 : i32 to index
      %get3A_1301 = arith.constant 0 : index
      %get3A_1302 = tpu.vector_load %arg11[%get3A_1300, %get3A_1301] {strides = array<i32>} : memref<80x16xf32, #tpu.memory_space<vmem>>, vector<1x16xf32>,
      %get3A_1303 = vector.shape_cast %get3A_1302 : vector<1x16xf32> to vector<16xf32>
      %slice3A_1304 = vector.extract_strided_slice %get3A_1253 {offsets = [3], sizes = [1], strides = [1]} : vector<16xf32> to vector<1xf32>
      %squeeze3A_1305 = vector.extract %slice3A_1304[0] : f32 from vector<1xf32>
      %mul3A_1306 = vector.broadcast %squeeze3A_1305 : f32 to vector<16xf32>
      %mul3A_1307 = arith.mulf %get3A_1303, %mul3A_1306 : vector<16xf32>
      %swap3A_1308 = arith.constant 51 : i32
      %swap3A_1309 = arith.index_cast %swap3A_1308 : i32 to index
      %swap3A_1310 = arith.constant 0 : index
      %swap3A_1311 = tpu.vector_load %arg11[%swap3A_1309, %swap3A_1310] {strides = array<i32>} : memref<80x16xf32, #tpu.memory_space<vmem>>, vector<1x16xf32>,
      %swap3A_1312 = vector.shape_cast %swap3A_1311 : vector<1x16xf32> to vector<16xf32>
      %swap3A_1313 = vector.shape_cast %mul3A_1307 : vector<16xf32> to vector<1x16xf32>
      tpu.vector_store %arg11[%swap3A_1309, %swap3A_1310], %swap3A_1313 {strides = array<i32>} : memref<80x16xf32, #tpu.memory_space<vmem>>, vector<1x16xf32>,
      %get3A_1314 = arith.constant 52 : i32
      %get3A_1315 = arith.index_cast %get3A_1314 : i32 to index
      %get3A_1316 = arith.constant 0 : index
      %get3A_1317 = tpu.vector_load %arg11[%get3A_1315, %get3A_1316] {strides = array<i32>} : memref<80x16xf32, #tpu.memory_space<vmem>>, vector<1x16xf32>,
      %get3A_1318 = vector.shape_cast %get3A_1317 : vector<1x16xf32> to vector<16xf32>
      %slice3A_1319 = vector.extract_strided_slice %get3A_1253 {offsets = [4], sizes = [1], strides = [1]} : vector<16xf32> to vector<1xf32>
      %squeeze3A_1320 = vector.extract %slice3A_1319[0] : f32 from vector<1xf32>
      %mul3A_1321 = vector.broadcast %squeeze3A_1320 : f32 to vector<16xf32>
      %mul3A_1322 = arith.mulf %get3A_1318, %mul3A_1321 : vector<16xf32>
      %swap3A_1323 = arith.constant 52 : i32
      %swap3A_1324 = arith.index_cast %swap3A_1323 : i32 to index
      %swap3A_1325 = arith.constant 0 : index
      %swap3A_1326 = tpu.vector_load %arg11[%swap3A_1324, %swap3A_1325] {strides = array<i32>} : memref<80x16xf32, #tpu.memory_space<vmem>>, vector<1x16xf32>,
      %swap3A_1327 = vector.shape_cast %swap3A_1326 : vector<1x16xf32> to vector<16xf32>
      %swap3A_1328 = vector.shape_cast %mul3A_1322 : vector<16xf32> to vector<1x16xf32>
      tpu.vector_store %arg11[%swap3A_1324, %swap3A_1325], %swap3A_1328 {strides = array<i32>} : memref<80x16xf32, #tpu.memory_space<vmem>>, vector<1x16xf32>,
      %get3A_1329 = arith.constant 53 : i32
      %get3A_1330 = arith.index_cast %get3A_1329 : i32 to index
      %get3A_1331 = arith.constant 0 : index
      %get3A_1332 = tpu.vector_load %arg11[%get3A_1330, %get3A_1331] {strides = array<i32>} : memref<80x16xf32, #tpu.memory_space<vmem>>, vector<1x16xf32>,
      %get3A_1333 = vector.shape_cast %get3A_1332 : vector<1x16xf32> to vector<16xf32>
      %slice3A_1334 = vector.extract_strided_slice %get3A_1253 {offsets = [5], sizes = [1], strides = [1]} : vector<16xf32> to vector<1xf32>
      %squeeze3A_1335 = vector.extract %slice3A_1334[0] : f32 from vector<1xf32>
      %mul3A_1336 = vector.broadcast %squeeze3A_1335 : f32 to vector<16xf32>
      %mul3A_1337 = arith.mulf %get3A_1333, %mul3A_1336 : vector<16xf32>
      %swap3A_1338 = arith.constant 53 : i32
      %swap3A_1339 = arith.index_cast %swap3A_1338 : i32 to index
      %swap3A_1340 = arith.constant 0 : index
      %swap3A_1341 = tpu.vector_load %arg11[%swap3A_1339, %swap3A_1340] {strides = array<i32>} : memref<80x16xf32, #tpu.memory_space<vmem>>, vector<1x16xf32>,
      %swap3A_1342 = vector.shape_cast %swap3A_1341 : vector<1x16xf32> to vector<16xf32>
      %swap3A_1343 = vector.shape_cast %mul3A_1337 : vector<16xf32> to vector<1x16xf32>
      tpu.vector_store %arg11[%swap3A_1339, %swap3A_1340], %swap3A_1343 {strides = array<i32>} : memref<80x16xf32, #tpu.memory_space<vmem>>, vector<1x16xf32>,
      %get3A_1344 = arith.constant 54 : i32
      %get3A_1345 = arith.index_cast %get3A_1344 : i32 to index
      %get3A_1346 = arith.constant 0 : index
      %get3A_1347 = tpu.vector_load %arg11[%get3A_1345, %get3A_1346] {strides = array<i32>} : memref<80x16xf32, #tpu.memory_space<vmem>>, vector<1x16xf32>,
      %get3A_1348 = vector.shape_cast %get3A_1347 : vector<1x16xf32> to vector<16xf32>
      %slice3A_1349 = vector.extract_strided_slice %get3A_1253 {offsets = [6], sizes = [1], strides = [1]} : vector<16xf32> to vector<1xf32>
      %squeeze3A_1350 = vector.extract %slice3A_1349[0] : f32 from vector<1xf32>
      %mul3A_1351 = vector.broadcast %squeeze3A_1350 : f32 to vector<16xf32>
      %mul3A_1352 = arith.mulf %get3A_1348, %mul3A_1351 : vector<16xf32>
      %swap3A_1353 = arith.constant 54 : i32
      %swap3A_1354 = arith.index_cast %swap3A_1353 : i32 to index
      %swap3A_1355 = arith.constant 0 : index
      %swap3A_1356 = tpu.vector_load %arg11[%swap3A_1354, %swap3A_1355] {strides = array<i32>} : memref<80x16xf32, #tpu.memory_space<vmem>>, vector<1x16xf32>,
      %swap3A_1357 = vector.shape_cast %swap3A_1356 : vector<1x16xf32> to vector<16xf32>
      %swap3A_1358 = vector.shape_cast %mul3A_1352 : vector<16xf32> to vector<1x16xf32>
      tpu.vector_store %arg11[%swap3A_1354, %swap3A_1355], %swap3A_1358 {strides = array<i32>} : memref<80x16xf32, #tpu.memory_space<vmem>>, vector<1x16xf32>,
      %get3A_1359 = arith.constant 55 : i32
      %get3A_1360 = arith.index_cast %get3A_1359 : i32 to index
      %get3A_1361 = arith.constant 0 : index
      %get3A_1362 = tpu.vector_load %arg11[%get3A_1360, %get3A_1361] {strides = array<i32>} : memref<80x16xf32, #tpu.memory_space<vmem>>, vector<1x16xf32>,
      %get3A_1363 = vector.shape_cast %get3A_1362 : vector<1x16xf32> to vector<16xf32>
      %slice3A_1364 = vector.extract_strided_slice %get3A_1253 {offsets = [7], sizes = [1], strides = [1]} : vector<16xf32> to vector<1xf32>
      %squeeze3A_1365 = vector.extract %slice3A_1364[0] : f32 from vector<1xf32>
      %mul3A_1366 = vector.broadcast %squeeze3A_1365 : f32 to vector<16xf32>
      %mul3A_1367 = arith.mulf %get3A_1363, %mul3A_1366 : vector<16xf32>
      %swap3A_1368 = arith.constant 55 : i32
      %swap3A_1369 = arith.index_cast %swap3A_1368 : i32 to index
      %swap3A_1370 = arith.constant 0 : index
      %swap3A_1371 = tpu.vector_load %arg11[%swap3A_1369, %swap3A_1370] {strides = array<i32>} : memref<80x16xf32, #tpu.memory_space<vmem>>, vector<1x16xf32>,
      %swap3A_1372 = vector.shape_cast %swap3A_1371 : vector<1x16xf32> to vector<16xf32>
      %swap3A_1373 = vector.shape_cast %mul3A_1367 : vector<16xf32> to vector<1x16xf32>
      tpu.vector_store %arg11[%swap3A_1369, %swap3A_1370], %swap3A_1373 {strides = array<i32>} : memref<80x16xf32, #tpu.memory_space<vmem>>, vector<1x16xf32>,
      %get3A_1374 = arith.constant 56 : i32
      %get3A_1375 = arith.index_cast %get3A_1374 : i32 to index
      %get3A_1376 = arith.constant 0 : index
      %get3A_1377 = tpu.vector_load %arg11[%get3A_1375, %get3A_1376] {strides = array<i32>} : memref<80x16xf32, #tpu.memory_space<vmem>>, vector<1x16xf32>,
      %get3A_1378 = vector.shape_cast %get3A_1377 : vector<1x16xf32> to vector<16xf32>
      %slice3A_1379 = vector.extract_strided_slice %get3A_1253 {offsets = [8], sizes = [1], strides = [1]} : vector<16xf32> to vector<1xf32>
      %squeeze3A_1380 = vector.extract %slice3A_1379[0] : f32 from vector<1xf32>
      %mul3A_1381 = vector.broadcast %squeeze3A_1380 : f32 to vector<16xf32>
      %mul3A_1382 = arith.mulf %get3A_1378, %mul3A_1381 : vector<16xf32>
      %swap3A_1383 = arith.constant 56 : i32
      %swap3A_1384 = arith.index_cast %swap3A_1383 : i32 to index
      %swap3A_1385 = arith.constant 0 : index
      %swap3A_1386 = tpu.vector_load %arg11[%swap3A_1384, %swap3A_1385] {strides = array<i32>} : memref<80x16xf32, #tpu.memory_space<vmem>>, vector<1x16xf32>,
      %swap3A_1387 = vector.shape_cast %swap3A_1386 : vector<1x16xf32> to vector<16xf32>
      %swap3A_1388 = vector.shape_cast %mul3A_1382 : vector<16xf32> to vector<1x16xf32>
      tpu.vector_store %arg11[%swap3A_1384, %swap3A_1385], %swap3A_1388 {strides = array<i32>} : memref<80x16xf32, #tpu.memory_space<vmem>>, vector<1x16xf32>,
      %get3A_1389 = arith.constant 57 : i32
      %get3A_1390 = arith.index_cast %get3A_1389 : i32 to index
      %get3A_1391 = arith.constant 0 : index
      %get3A_1392 = tpu.vector_load %arg11[%get3A_1390, %get3A_1391] {strides = array<i32>} : memref<80x16xf32, #tpu.memory_space<vmem>>, vector<1x16xf32>,
      %get3A_1393 = vector.shape_cast %get3A_1392 : vector<1x16xf32> to vector<16xf32>
      %slice3A_1394 = vector.extract_strided_slice %get3A_1253 {offsets = [9], sizes = [1], strides = [1]} : vector<16xf32> to vector<1xf32>
      %squeeze3A_1395 = vector.extract %slice3A_1394[0] : f32 from vector<1xf32>
      %mul3A_1396 = vector.broadcast %squeeze3A_1395 : f32 to vector<16xf32>
      %mul3A_1397 = arith.mulf %get3A_1393, %mul3A_1396 : vector<16xf32>
      %swap3A_1398 = arith.constant 57 : i32
      %swap3A_1399 = arith.index_cast %swap3A_1398 : i32 to index
      %swap3A_1400 = arith.constant 0 : index
      %swap3A_1401 = tpu.vector_load %arg11[%swap3A_1399, %swap3A_1400] {strides = array<i32>} : memref<80x16xf32, #tpu.memory_space<vmem>>, vector<1x16xf32>,
      %swap3A_1402 = vector.shape_cast %swap3A_1401 : vector<1x16xf32> to vector<16xf32>
      %swap3A_1403 = vector.shape_cast %mul3A_1397 : vector<16xf32> to vector<1x16xf32>
      tpu.vector_store %arg11[%swap3A_1399, %swap3A_1400], %swap3A_1403 {strides = array<i32>} : memref<80x16xf32, #tpu.memory_space<vmem>>, vector<1x16xf32>,
      %get3A_1404 = arith.constant 58 : i32
      %get3A_1405 = arith.index_cast %get3A_1404 : i32 to index
      %get3A_1406 = arith.constant 0 : index
      %get3A_1407 = tpu.vector_load %arg11[%get3A_1405, %get3A_1406] {strides = array<i32>} : memref<80x16xf32, #tpu.memory_space<vmem>>, vector<1x16xf32>,
      %get3A_1408 = vector.shape_cast %get3A_1407 : vector<1x16xf32> to vector<16xf32>
      %slice3A_1409 = vector.extract_strided_slice %get3A_1253 {offsets = [10], sizes = [1], strides = [1]} : vector<16xf32> to vector<1xf32>
      %squeeze3A_1410 = vector.extract %slice3A_1409[0] : f32 from vector<1xf32>
      %mul3A_1411 = vector.broadcast %squeeze3A_1410 : f32 to vector<16xf32>
      %mul3A_1412 = arith.mulf %get3A_1408, %mul3A_1411 : vector<16xf32>
      %swap3A_1413 = arith.constant 58 : i32
      %swap3A_1414 = arith.index_cast %swap3A_1413 : i32 to index
      %swap3A_1415 = arith.constant 0 : index
      %swap3A_1416 = tpu.vector_load %arg11[%swap3A_1414, %swap3A_1415] {strides = array<i32>} : memref<80x16xf32, #tpu.memory_space<vmem>>, vector<1x16xf32>,
      %swap3A_1417 = vector.shape_cast %swap3A_1416 : vector<1x16xf32> to vector<16xf32>
      %swap3A_1418 = vector.shape_cast %mul3A_1412 : vector<16xf32> to vector<1x16xf32>
      tpu.vector_store %arg11[%swap3A_1414, %swap3A_1415], %swap3A_1418 {strides = array<i32>} : memref<80x16xf32, #tpu.memory_space<vmem>>, vector<1x16xf32>,
      %get3A_1419 = arith.constant 59 : i32
      %get3A_1420 = arith.index_cast %get3A_1419 : i32 to index
      %get3A_1421 = arith.constant 0 : index
      %get3A_1422 = tpu.vector_load %arg11[%get3A_1420, %get3A_1421] {strides = array<i32>} : memref<80x16xf32, #tpu.memory_space<vmem>>, vector<1x16xf32>,
      %get3A_1423 = vector.shape_cast %get3A_1422 : vector<1x16xf32> to vector<16xf32>
      %slice3A_1424 = vector.extract_strided_slice %get3A_1253 {offsets = [11], sizes = [1], strides = [1]} : vector<16xf32> to vector<1xf32>
      %squeeze3A_1425 = vector.extract %slice3A_1424[0] : f32 from vector<1xf32>
      %mul3A_1426 = vector.broadcast %squeeze3A_1425 : f32 to vector<16xf32>
      %mul3A_1427 = arith.mulf %get3A_1423, %mul3A_1426 : vector<16xf32>
      %swap3A_1428 = arith.constant 59 : i32
      %swap3A_1429 = arith.index_cast %swap3A_1428 : i32 to index
      %swap3A_1430 = arith.constant 0 : index
      %swap3A_1431 = tpu.vector_load %arg11[%swap3A_1429, %swap3A_1430] {strides = array<i32>} : memref<80x16xf32, #tpu.memory_space<vmem>>, vector<1x16xf32>,
      %swap3A_1432 = vector.shape_cast %swap3A_1431 : vector<1x16xf32> to vector<16xf32>
      %swap3A_1433 = vector.shape_cast %mul3A_1427 : vector<16xf32> to vector<1x16xf32>
      tpu.vector_store %arg11[%swap3A_1429, %swap3A_1430], %swap3A_1433 {strides = array<i32>} : memref<80x16xf32, #tpu.memory_space<vmem>>, vector<1x16xf32>,
      %get3A_1434 = arith.constant 60 : i32
      %get3A_1435 = arith.index_cast %get3A_1434 : i32 to index
      %get3A_1436 = arith.constant 0 : index
      %get3A_1437 = tpu.vector_load %arg11[%get3A_1435, %get3A_1436] {strides = array<i32>} : memref<80x16xf32, #tpu.memory_space<vmem>>, vector<1x16xf32>,
      %get3A_1438 = vector.shape_cast %get3A_1437 : vector<1x16xf32> to vector<16xf32>
      %slice3A_1439 = vector.extract_strided_slice %get3A_1253 {offsets = [12], sizes = [1], strides = [1]} : vector<16xf32> to vector<1xf32>
      %squeeze3A_1440 = vector.extract %slice3A_1439[0] : f32 from vector<1xf32>
      %mul3A_1441 = vector.broadcast %squeeze3A_1440 : f32 to vector<16xf32>
      %mul3A_1442 = arith.mulf %get3A_1438, %mul3A_1441 : vector<16xf32>
      %swap3A_1443 = arith.constant 60 : i32
      %swap3A_1444 = arith.index_cast %swap3A_1443 : i32 to index
      %swap3A_1445 = arith.constant 0 : index
      %swap3A_1446 = tpu.vector_load %arg11[%swap3A_1444, %swap3A_1445] {strides = array<i32>} : memref<80x16xf32, #tpu.memory_space<vmem>>, vector<1x16xf32>,
      %swap3A_1447 = vector.shape_cast %swap3A_1446 : vector<1x16xf32> to vector<16xf32>
      %swap3A_1448 = vector.shape_cast %mul3A_1442 : vector<16xf32> to vector<1x16xf32>
      tpu.vector_store %arg11[%swap3A_1444, %swap3A_1445], %swap3A_1448 {strides = array<i32>} : memref<80x16xf32, #tpu.memory_space<vmem>>, vector<1x16xf32>,
      %get3A_1449 = arith.constant 61 : i32
      %get3A_1450 = arith.index_cast %get3A_1449 : i32 to index
      %get3A_1451 = arith.constant 0 : index
      %get3A_1452 = tpu.vector_load %arg11[%get3A_1450, %get3A_1451] {strides = array<i32>} : memref<80x16xf32, #tpu.memory_space<vmem>>, vector<1x16xf32>,
      %get3A_1453 = vector.shape_cast %get3A_1452 : vector<1x16xf32> to vector<16xf32>
      %slice3A_1454 = vector.extract_strided_slice %get3A_1253 {offsets = [13], sizes = [1], strides = [1]} : vector<16xf32> to vector<1xf32>
      %squeeze3A_1455 = vector.extract %slice3A_1454[0] : f32 from vector<1xf32>
      %mul3A_1456 = vector.broadcast %squeeze3A_1455 : f32 to vector<16xf32>
      %mul3A_1457 = arith.mulf %get3A_1453, %mul3A_1456 : vector<16xf32>
      %swap3A_1458 = arith.constant 61 : i32
      %swap3A_1459 = arith.index_cast %swap3A_1458 : i32 to index
      %swap3A_1460 = arith.constant 0 : index
      %swap3A_1461 = tpu.vector_load %arg11[%swap3A_1459, %swap3A_1460] {strides = array<i32>} : memref<80x16xf32, #tpu.memory_space<vmem>>, vector<1x16xf32>,
      %swap3A_1462 = vector.shape_cast %swap3A_1461 : vector<1x16xf32> to vector<16xf32>
      %swap3A_1463 = vector.shape_cast %mul3A_1457 : vector<16xf32> to vector<1x16xf32>
      tpu.vector_store %arg11[%swap3A_1459, %swap3A_1460], %swap3A_1463 {strides = array<i32>} : memref<80x16xf32, #tpu.memory_space<vmem>>, vector<1x16xf32>,
      %get3A_1464 = arith.constant 62 : i32
      %get3A_1465 = arith.index_cast %get3A_1464 : i32 to index
      %get3A_1466 = arith.constant 0 : index
      %get3A_1467 = tpu.vector_load %arg11[%get3A_1465, %get3A_1466] {strides = array<i32>} : memref<80x16xf32, #tpu.memory_space<vmem>>, vector<1x16xf32>,
      %get3A_1468 = vector.shape_cast %get3A_1467 : vector<1x16xf32> to vector<16xf32>
      %slice3A_1469 = vector.extract_strided_slice %get3A_1253 {offsets = [14], sizes = [1], strides = [1]} : vector<16xf32> to vector<1xf32>
      %squeeze3A_1470 = vector.extract %slice3A_1469[0] : f32 from vector<1xf32>
      %mul3A_1471 = vector.broadcast %squeeze3A_1470 : f32 to vector<16xf32>
      %mul3A_1472 = arith.mulf %get3A_1468, %mul3A_1471 : vector<16xf32>
      %swap3A_1473 = arith.constant 62 : i32
      %swap3A_1474 = arith.index_cast %swap3A_1473 : i32 to index
      %swap3A_1475 = arith.constant 0 : index
      %swap3A_1476 = tpu.vector_load %arg11[%swap3A_1474, %swap3A_1475] {strides = array<i32>} : memref<80x16xf32, #tpu.memory_space<vmem>>, vector<1x16xf32>,
      %swap3A_1477 = vector.shape_cast %swap3A_1476 : vector<1x16xf32> to vector<16xf32>
      %swap3A_1478 = vector.shape_cast %mul3A_1472 : vector<16xf32> to vector<1x16xf32>
      tpu.vector_store %arg11[%swap3A_1474, %swap3A_1475], %swap3A_1478 {strides = array<i32>} : memref<80x16xf32, #tpu.memory_space<vmem>>, vector<1x16xf32>,
      %get3A_1479 = arith.constant 63 : i32
      %get3A_1480 = arith.index_cast %get3A_1479 : i32 to index
      %get3A_1481 = arith.constant 0 : index
      %get3A_1482 = tpu.vector_load %arg11[%get3A_1480, %get3A_1481] {strides = array<i32>} : memref<80x16xf32, #tpu.memory_space<vmem>>, vector<1x16xf32>,
      %get3A_1483 = vector.shape_cast %get3A_1482 : vector<1x16xf32> to vector<16xf32>
      %slice3A_1484 = vector.extract_strided_slice %get3A_1253 {offsets = [15], sizes = [1], strides = [1]} : vector<16xf32> to vector<1xf32>
      %squeeze3A_1485 = vector.extract %slice3A_1484[0] : f32 from vector<1xf32>
      %mul3A_1486 = vector.broadcast %squeeze3A_1485 : f32 to vector<16xf32>
      %mul3A_1487 = arith.mulf %get3A_1483, %mul3A_1486 : vector<16xf32>
      %swap3A_1488 = arith.constant 63 : i32
      %swap3A_1489 = arith.index_cast %swap3A_1488 : i32 to index
      %swap3A_1490 = arith.constant 0 : index
      %swap3A_1491 = tpu.vector_load %arg11[%swap3A_1489, %swap3A_1490] {strides = array<i32>} : memref<80x16xf32, #tpu.memory_space<vmem>>, vector<1x16xf32>,
      %swap3A_1492 = vector.shape_cast %swap3A_1491 : vector<1x16xf32> to vector<16xf32>
      %swap3A_1493 = vector.shape_cast %mul3A_1487 : vector<16xf32> to vector<1x16xf32>
      tpu.vector_store %arg11[%swap3A_1489, %swap3A_1490], %swap3A_1493 {strides = array<i32>} : memref<80x16xf32, #tpu.memory_space<vmem>>, vector<1x16xf32>,
      %get3A_1494 = arith.index_cast %scan3A_520 : i32 to index
      %get3A_1495 = arith.constant 64 : index
      %get3A_1496 = tpu.vector_load %arg10[%get3A_1494, %get3A_1495] {strides = array<i32>} : memref<125x80xf32, #tpu.memory_space<vmem>>, vector<1x16xf32>,
      %get3A_1497 = vector.shape_cast %get3A_1496 : vector<1x16xf32> to vector<16xf32>
      %get3A_1498 = arith.constant 64 : i32
      %get3A_1499 = arith.index_cast %get3A_1498 : i32 to index
      %get3A_1500 = arith.constant 0 : index
      %get3A_1501 = tpu.vector_load %arg11[%get3A_1499, %get3A_1500] {strides = array<i32>} : memref<80x16xf32, #tpu.memory_space<vmem>>, vector<1x16xf32>,
      %get3A_1502 = vector.shape_cast %get3A_1501 : vector<1x16xf32> to vector<16xf32>
      %slice3A_1503 = vector.extract_strided_slice %get3A_1497 {offsets = [0], sizes = [1], strides = [1]} : vector<16xf32> to vector<1xf32>
      %squeeze3A_1504 = vector.extract %slice3A_1503[0] : f32 from vector<1xf32>
      %mul3A_1505 = vector.broadcast %squeeze3A_1504 : f32 to vector<16xf32>
      %mul3A_1506 = arith.mulf %get3A_1502, %mul3A_1505 : vector<16xf32>
      %swap3A_1507 = arith.constant 64 : i32
      %swap3A_1508 = arith.index_cast %swap3A_1507 : i32 to index
      %swap3A_1509 = arith.constant 0 : index
      %swap3A_1510 = tpu.vector_load %arg11[%swap3A_1508, %swap3A_1509] {strides = array<i32>} : memref<80x16xf32, #tpu.memory_space<vmem>>, vector<1x16xf32>,
      %swap3A_1511 = vector.shape_cast %swap3A_1510 : vector<1x16xf32> to vector<16xf32>
      %swap3A_1512 = vector.shape_cast %mul3A_1506 : vector<16xf32> to vector<1x16xf32>
      tpu.vector_store %arg11[%swap3A_1508, %swap3A_1509], %swap3A_1512 {strides = array<i32>} : memref<80x16xf32, #tpu.memory_space<vmem>>, vector<1x16xf32>,
      %get3A_1513 = arith.constant 65 : i32
      %get3A_1514 = arith.index_cast %get3A_1513 : i32 to index
      %get3A_1515 = arith.constant 0 : index
      %get3A_1516 = tpu.vector_load %arg11[%get3A_1514, %get3A_1515] {strides = array<i32>} : memref<80x16xf32, #tpu.memory_space<vmem>>, vector<1x16xf32>,
      %get3A_1517 = vector.shape_cast %get3A_1516 : vector<1x16xf32> to vector<16xf32>
      %slice3A_1518 = vector.extract_strided_slice %get3A_1497 {offsets = [1], sizes = [1], strides = [1]} : vector<16xf32> to vector<1xf32>
      %squeeze3A_1519 = vector.extract %slice3A_1518[0] : f32 from vector<1xf32>
      %mul3A_1520 = vector.broadcast %squeeze3A_1519 : f32 to vector<16xf32>
      %mul3A_1521 = arith.mulf %get3A_1517, %mul3A_1520 : vector<16xf32>
      %swap3A_1522 = arith.constant 65 : i32
      %swap3A_1523 = arith.index_cast %swap3A_1522 : i32 to index
      %swap3A_1524 = arith.constant 0 : index
      %swap3A_1525 = tpu.vector_load %arg11[%swap3A_1523, %swap3A_1524] {strides = array<i32>} : memref<80x16xf32, #tpu.memory_space<vmem>>, vector<1x16xf32>,
      %swap3A_1526 = vector.shape_cast %swap3A_1525 : vector<1x16xf32> to vector<16xf32>
      %swap3A_1527 = vector.shape_cast %mul3A_1521 : vector<16xf32> to vector<1x16xf32>
      tpu.vector_store %arg11[%swap3A_1523, %swap3A_1524], %swap3A_1527 {strides = array<i32>} : memref<80x16xf32, #tpu.memory_space<vmem>>, vector<1x16xf32>,
      %get3A_1528 = arith.constant 66 : i32
      %get3A_1529 = arith.index_cast %get3A_1528 : i32 to index
      %get3A_1530 = arith.constant 0 : index
      %get3A_1531 = tpu.vector_load %arg11[%get3A_1529, %get3A_1530] {strides = array<i32>} : memref<80x16xf32, #tpu.memory_space<vmem>>, vector<1x16xf32>,
      %get3A_1532 = vector.shape_cast %get3A_1531 : vector<1x16xf32> to vector<16xf32>
      %slice3A_1533 = vector.extract_strided_slice %get3A_1497 {offsets = [2], sizes = [1], strides = [1]} : vector<16xf32> to vector<1xf32>
      %squeeze3A_1534 = vector.extract %slice3A_1533[0] : f32 from vector<1xf32>
      %mul3A_1535 = vector.broadcast %squeeze3A_1534 : f32 to vector<16xf32>
      %mul3A_1536 = arith.mulf %get3A_1532, %mul3A_1535 : vector<16xf32>
      %swap3A_1537 = arith.constant 66 : i32
      %swap3A_1538 = arith.index_cast %swap3A_1537 : i32 to index
      %swap3A_1539 = arith.constant 0 : index
      %swap3A_1540 = tpu.vector_load %arg11[%swap3A_1538, %swap3A_1539] {strides = array<i32>} : memref<80x16xf32, #tpu.memory_space<vmem>>, vector<1x16xf32>,
      %swap3A_1541 = vector.shape_cast %swap3A_1540 : vector<1x16xf32> to vector<16xf32>
      %swap3A_1542 = vector.shape_cast %mul3A_1536 : vector<16xf32> to vector<1x16xf32>
      tpu.vector_store %arg11[%swap3A_1538, %swap3A_1539], %swap3A_1542 {strides = array<i32>} : memref<80x16xf32, #tpu.memory_space<vmem>>, vector<1x16xf32>,
      %get3A_1543 = arith.constant 67 : i32
      %get3A_1544 = arith.index_cast %get3A_1543 : i32 to index
      %get3A_1545 = arith.constant 0 : index
      %get3A_1546 = tpu.vector_load %arg11[%get3A_1544, %get3A_1545] {strides = array<i32>} : memref<80x16xf32, #tpu.memory_space<vmem>>, vector<1x16xf32>,
      %get3A_1547 = vector.shape_cast %get3A_1546 : vector<1x16xf32> to vector<16xf32>
      %slice3A_1548 = vector.extract_strided_slice %get3A_1497 {offsets = [3], sizes = [1], strides = [1]} : vector<16xf32> to vector<1xf32>
      %squeeze3A_1549 = vector.extract %slice3A_1548[0] : f32 from vector<1xf32>
      %mul3A_1550 = vector.broadcast %squeeze3A_1549 : f32 to vector<16xf32>
      %mul3A_1551 = arith.mulf %get3A_1547, %mul3A_1550 : vector<16xf32>
      %swap3A_1552 = arith.constant 67 : i32
      %swap3A_1553 = arith.index_cast %swap3A_1552 : i32 to index
      %swap3A_1554 = arith.constant 0 : index
      %swap3A_1555 = tpu.vector_load %arg11[%swap3A_1553, %swap3A_1554] {strides = array<i32>} : memref<80x16xf32, #tpu.memory_space<vmem>>, vector<1x16xf32>,
      %swap3A_1556 = vector.shape_cast %swap3A_1555 : vector<1x16xf32> to vector<16xf32>
      %swap3A_1557 = vector.shape_cast %mul3A_1551 : vector<16xf32> to vector<1x16xf32>
      tpu.vector_store %arg11[%swap3A_1553, %swap3A_1554], %swap3A_1557 {strides = array<i32>} : memref<80x16xf32, #tpu.memory_space<vmem>>, vector<1x16xf32>,
      %get3A_1558 = arith.constant 68 : i32
      %get3A_1559 = arith.index_cast %get3A_1558 : i32 to index
      %get3A_1560 = arith.constant 0 : index
      %get3A_1561 = tpu.vector_load %arg11[%get3A_1559, %get3A_1560] {strides = array<i32>} : memref<80x16xf32, #tpu.memory_space<vmem>>, vector<1x16xf32>,
      %get3A_1562 = vector.shape_cast %get3A_1561 : vector<1x16xf32> to vector<16xf32>
      %slice3A_1563 = vector.extract_strided_slice %get3A_1497 {offsets = [4], sizes = [1], strides = [1]} : vector<16xf32> to vector<1xf32>
      %squeeze3A_1564 = vector.extract %slice3A_1563[0] : f32 from vector<1xf32>
      %mul3A_1565 = vector.broadcast %squeeze3A_1564 : f32 to vector<16xf32>
      %mul3A_1566 = arith.mulf %get3A_1562, %mul3A_1565 : vector<16xf32>
      %swap3A_1567 = arith.constant 68 : i32
      %swap3A_1568 = arith.index_cast %swap3A_1567 : i32 to index
      %swap3A_1569 = arith.constant 0 : index
      %swap3A_1570 = tpu.vector_load %arg11[%swap3A_1568, %swap3A_1569] {strides = array<i32>} : memref<80x16xf32, #tpu.memory_space<vmem>>, vector<1x16xf32>,
      %swap3A_1571 = vector.shape_cast %swap3A_1570 : vector<1x16xf32> to vector<16xf32>
      %swap3A_1572 = vector.shape_cast %mul3A_1566 : vector<16xf32> to vector<1x16xf32>
      tpu.vector_store %arg11[%swap3A_1568, %swap3A_1569], %swap3A_1572 {strides = array<i32>} : memref<80x16xf32, #tpu.memory_space<vmem>>, vector<1x16xf32>,
      %get3A_1573 = arith.constant 69 : i32
      %get3A_1574 = arith.index_cast %get3A_1573 : i32 to index
      %get3A_1575 = arith.constant 0 : index
      %get3A_1576 = tpu.vector_load %arg11[%get3A_1574, %get3A_1575] {strides = array<i32>} : memref<80x16xf32, #tpu.memory_space<vmem>>, vector<1x16xf32>,
      %get3A_1577 = vector.shape_cast %get3A_1576 : vector<1x16xf32> to vector<16xf32>
      %slice3A_1578 = vector.extract_strided_slice %get3A_1497 {offsets = [5], sizes = [1], strides = [1]} : vector<16xf32> to vector<1xf32>
      %squeeze3A_1579 = vector.extract %slice3A_1578[0] : f32 from vector<1xf32>
      %mul3A_1580 = vector.broadcast %squeeze3A_1579 : f32 to vector<16xf32>
      %mul3A_1581 = arith.mulf %get3A_1577, %mul3A_1580 : vector<16xf32>
      %swap3A_1582 = arith.constant 69 : i32
      %swap3A_1583 = arith.index_cast %swap3A_1582 : i32 to index
      %swap3A_1584 = arith.constant 0 : index
      %swap3A_1585 = tpu.vector_load %arg11[%swap3A_1583, %swap3A_1584] {strides = array<i32>} : memref<80x16xf32, #tpu.memory_space<vmem>>, vector<1x16xf32>,
      %swap3A_1586 = vector.shape_cast %swap3A_1585 : vector<1x16xf32> to vector<16xf32>
      %swap3A_1587 = vector.shape_cast %mul3A_1581 : vector<16xf32> to vector<1x16xf32>
      tpu.vector_store %arg11[%swap3A_1583, %swap3A_1584], %swap3A_1587 {strides = array<i32>} : memref<80x16xf32, #tpu.memory_space<vmem>>, vector<1x16xf32>,
      %get3A_1588 = arith.constant 70 : i32
      %get3A_1589 = arith.index_cast %get3A_1588 : i32 to index
      %get3A_1590 = arith.constant 0 : index
      %get3A_1591 = tpu.vector_load %arg11[%get3A_1589, %get3A_1590] {strides = array<i32>} : memref<80x16xf32, #tpu.memory_space<vmem>>, vector<1x16xf32>,
      %get3A_1592 = vector.shape_cast %get3A_1591 : vector<1x16xf32> to vector<16xf32>
      %slice3A_1593 = vector.extract_strided_slice %get3A_1497 {offsets = [6], sizes = [1], strides = [1]} : vector<16xf32> to vector<1xf32>
      %squeeze3A_1594 = vector.extract %slice3A_1593[0] : f32 from vector<1xf32>
      %mul3A_1595 = vector.broadcast %squeeze3A_1594 : f32 to vector<16xf32>
      %mul3A_1596 = arith.mulf %get3A_1592, %mul3A_1595 : vector<16xf32>
      %swap3A_1597 = arith.constant 70 : i32
      %swap3A_1598 = arith.index_cast %swap3A_1597 : i32 to index
      %swap3A_1599 = arith.constant 0 : index
      %swap3A_1600 = tpu.vector_load %arg11[%swap3A_1598, %swap3A_1599] {strides = array<i32>} : memref<80x16xf32, #tpu.memory_space<vmem>>, vector<1x16xf32>,
      %swap3A_1601 = vector.shape_cast %swap3A_1600 : vector<1x16xf32> to vector<16xf32>
      %swap3A_1602 = vector.shape_cast %mul3A_1596 : vector<16xf32> to vector<1x16xf32>
      tpu.vector_store %arg11[%swap3A_1598, %swap3A_1599], %swap3A_1602 {strides = array<i32>} : memref<80x16xf32, #tpu.memory_space<vmem>>, vector<1x16xf32>,
      %get3A_1603 = arith.constant 71 : i32
      %get3A_1604 = arith.index_cast %get3A_1603 : i32 to index
      %get3A_1605 = arith.constant 0 : index
      %get3A_1606 = tpu.vector_load %arg11[%get3A_1604, %get3A_1605] {strides = array<i32>} : memref<80x16xf32, #tpu.memory_space<vmem>>, vector<1x16xf32>,
      %get3A_1607 = vector.shape_cast %get3A_1606 : vector<1x16xf32> to vector<16xf32>
      %slice3A_1608 = vector.extract_strided_slice %get3A_1497 {offsets = [7], sizes = [1], strides = [1]} : vector<16xf32> to vector<1xf32>
      %squeeze3A_1609 = vector.extract %slice3A_1608[0] : f32 from vector<1xf32>
      %mul3A_1610 = vector.broadcast %squeeze3A_1609 : f32 to vector<16xf32>
      %mul3A_1611 = arith.mulf %get3A_1607, %mul3A_1610 : vector<16xf32>
      %swap3A_1612 = arith.constant 71 : i32
      %swap3A_1613 = arith.index_cast %swap3A_1612 : i32 to index
      %swap3A_1614 = arith.constant 0 : index
      %swap3A_1615 = tpu.vector_load %arg11[%swap3A_1613, %swap3A_1614] {strides = array<i32>} : memref<80x16xf32, #tpu.memory_space<vmem>>, vector<1x16xf32>,
      %swap3A_1616 = vector.shape_cast %swap3A_1615 : vector<1x16xf32> to vector<16xf32>
      %swap3A_1617 = vector.shape_cast %mul3A_1611 : vector<16xf32> to vector<1x16xf32>
      tpu.vector_store %arg11[%swap3A_1613, %swap3A_1614], %swap3A_1617 {strides = array<i32>} : memref<80x16xf32, #tpu.memory_space<vmem>>, vector<1x16xf32>,
      %get3A_1618 = arith.constant 72 : i32
      %get3A_1619 = arith.index_cast %get3A_1618 : i32 to index
      %get3A_1620 = arith.constant 0 : index
      %get3A_1621 = tpu.vector_load %arg11[%get3A_1619, %get3A_1620] {strides = array<i32>} : memref<80x16xf32, #tpu.memory_space<vmem>>, vector<1x16xf32>,
      %get3A_1622 = vector.shape_cast %get3A_1621 : vector<1x16xf32> to vector<16xf32>
      %slice3A_1623 = vector.extract_strided_slice %get3A_1497 {offsets = [8], sizes = [1], strides = [1]} : vector<16xf32> to vector<1xf32>
      %squeeze3A_1624 = vector.extract %slice3A_1623[0] : f32 from vector<1xf32>
      %mul3A_1625 = vector.broadcast %squeeze3A_1624 : f32 to vector<16xf32>
      %mul3A_1626 = arith.mulf %get3A_1622, %mul3A_1625 : vector<16xf32>
      %swap3A_1627 = arith.constant 72 : i32
      %swap3A_1628 = arith.index_cast %swap3A_1627 : i32 to index
      %swap3A_1629 = arith.constant 0 : index
      %swap3A_1630 = tpu.vector_load %arg11[%swap3A_1628, %swap3A_1629] {strides = array<i32>} : memref<80x16xf32, #tpu.memory_space<vmem>>, vector<1x16xf32>,
      %swap3A_1631 = vector.shape_cast %swap3A_1630 : vector<1x16xf32> to vector<16xf32>
      %swap3A_1632 = vector.shape_cast %mul3A_1626 : vector<16xf32> to vector<1x16xf32>
      tpu.vector_store %arg11[%swap3A_1628, %swap3A_1629], %swap3A_1632 {strides = array<i32>} : memref<80x16xf32, #tpu.memory_space<vmem>>, vector<1x16xf32>,
      %get3A_1633 = arith.constant 73 : i32
      %get3A_1634 = arith.index_cast %get3A_1633 : i32 to index
      %get3A_1635 = arith.constant 0 : index
      %get3A_1636 = tpu.vector_load %arg11[%get3A_1634, %get3A_1635] {strides = array<i32>} : memref<80x16xf32, #tpu.memory_space<vmem>>, vector<1x16xf32>,
      %get3A_1637 = vector.shape_cast %get3A_1636 : vector<1x16xf32> to vector<16xf32>
      %slice3A_1638 = vector.extract_strided_slice %get3A_1497 {offsets = [9], sizes = [1], strides = [1]} : vector<16xf32> to vector<1xf32>
      %squeeze3A_1639 = vector.extract %slice3A_1638[0] : f32 from vector<1xf32>
      %mul3A_1640 = vector.broadcast %squeeze3A_1639 : f32 to vector<16xf32>
      %mul3A_1641 = arith.mulf %get3A_1637, %mul3A_1640 : vector<16xf32>
      %swap3A_1642 = arith.constant 73 : i32
      %swap3A_1643 = arith.index_cast %swap3A_1642 : i32 to index
      %swap3A_1644 = arith.constant 0 : index
      %swap3A_1645 = tpu.vector_load %arg11[%swap3A_1643, %swap3A_1644] {strides = array<i32>} : memref<80x16xf32, #tpu.memory_space<vmem>>, vector<1x16xf32>,
      %swap3A_1646 = vector.shape_cast %swap3A_1645 : vector<1x16xf32> to vector<16xf32>
      %swap3A_1647 = vector.shape_cast %mul3A_1641 : vector<16xf32> to vector<1x16xf32>
      tpu.vector_store %arg11[%swap3A_1643, %swap3A_1644], %swap3A_1647 {strides = array<i32>} : memref<80x16xf32, #tpu.memory_space<vmem>>, vector<1x16xf32>,
      %get3A_1648 = arith.constant 74 : i32
      %get3A_1649 = arith.index_cast %get3A_1648 : i32 to index
      %get3A_1650 = arith.constant 0 : index
      %get3A_1651 = tpu.vector_load %arg11[%get3A_1649, %get3A_1650] {strides = array<i32>} : memref<80x16xf32, #tpu.memory_space<vmem>>, vector<1x16xf32>,
      %get3A_1652 = vector.shape_cast %get3A_1651 : vector<1x16xf32> to vector<16xf32>
      %slice3A_1653 = vector.extract_strided_slice %get3A_1497 {offsets = [10], sizes = [1], strides = [1]} : vector<16xf32> to vector<1xf32>
      %squeeze3A_1654 = vector.extract %slice3A_1653[0] : f32 from vector<1xf32>
      %mul3A_1655 = vector.broadcast %squeeze3A_1654 : f32 to vector<16xf32>
      %mul3A_1656 = arith.mulf %get3A_1652, %mul3A_1655 : vector<16xf32>
      %swap3A_1657 = arith.constant 74 : i32
      %swap3A_1658 = arith.index_cast %swap3A_1657 : i32 to index
      %swap3A_1659 = arith.constant 0 : index
      %swap3A_1660 = tpu.vector_load %arg11[%swap3A_1658, %swap3A_1659] {strides = array<i32>} : memref<80x16xf32, #tpu.memory_space<vmem>>, vector<1x16xf32>,
      %swap3A_1661 = vector.shape_cast %swap3A_1660 : vector<1x16xf32> to vector<16xf32>
      %swap3A_1662 = vector.shape_cast %mul3A_1656 : vector<16xf32> to vector<1x16xf32>
      tpu.vector_store %arg11[%swap3A_1658, %swap3A_1659], %swap3A_1662 {strides = array<i32>} : memref<80x16xf32, #tpu.memory_space<vmem>>, vector<1x16xf32>,
      %get3A_1663 = arith.constant 75 : i32
      %get3A_1664 = arith.index_cast %get3A_1663 : i32 to index
      %get3A_1665 = arith.constant 0 : index
      %get3A_1666 = tpu.vector_load %arg11[%get3A_1664, %get3A_1665] {strides = array<i32>} : memref<80x16xf32, #tpu.memory_space<vmem>>, vector<1x16xf32>,
      %get3A_1667 = vector.shape_cast %get3A_1666 : vector<1x16xf32> to vector<16xf32>
      %slice3A_1668 = vector.extract_strided_slice %get3A_1497 {offsets = [11], sizes = [1], strides = [1]} : vector<16xf32> to vector<1xf32>
      %squeeze3A_1669 = vector.extract %slice3A_1668[0] : f32 from vector<1xf32>
      %mul3A_1670 = vector.broadcast %squeeze3A_1669 : f32 to vector<16xf32>
      %mul3A_1671 = arith.mulf %get3A_1667, %mul3A_1670 : vector<16xf32>
      %swap3A_1672 = arith.constant 75 : i32
      %swap3A_1673 = arith.index_cast %swap3A_1672 : i32 to index
      %swap3A_1674 = arith.constant 0 : index
      %swap3A_1675 = tpu.vector_load %arg11[%swap3A_1673, %swap3A_1674] {strides = array<i32>} : memref<80x16xf32, #tpu.memory_space<vmem>>, vector<1x16xf32>,
      %swap3A_1676 = vector.shape_cast %swap3A_1675 : vector<1x16xf32> to vector<16xf32>
      %swap3A_1677 = vector.shape_cast %mul3A_1671 : vector<16xf32> to vector<1x16xf32>
      tpu.vector_store %arg11[%swap3A_1673, %swap3A_1674], %swap3A_1677 {strides = array<i32>} : memref<80x16xf32, #tpu.memory_space<vmem>>, vector<1x16xf32>,
      %get3A_1678 = arith.constant 76 : i32
      %get3A_1679 = arith.index_cast %get3A_1678 : i32 to index
      %get3A_1680 = arith.constant 0 : index
      %get3A_1681 = tpu.vector_load %arg11[%get3A_1679, %get3A_1680] {strides = array<i32>} : memref<80x16xf32, #tpu.memory_space<vmem>>, vector<1x16xf32>,
      %get3A_1682 = vector.shape_cast %get3A_1681 : vector<1x16xf32> to vector<16xf32>
      %slice3A_1683 = vector.extract_strided_slice %get3A_1497 {offsets = [12], sizes = [1], strides = [1]} : vector<16xf32> to vector<1xf32>
      %squeeze3A_1684 = vector.extract %slice3A_1683[0] : f32 from vector<1xf32>
      %mul3A_1685 = vector.broadcast %squeeze3A_1684 : f32 to vector<16xf32>
      %mul3A_1686 = arith.mulf %get3A_1682, %mul3A_1685 : vector<16xf32>
      %swap3A_1687 = arith.constant 76 : i32
      %swap3A_1688 = arith.index_cast %swap3A_1687 : i32 to index
      %swap3A_1689 = arith.constant 0 : index
      %swap3A_1690 = tpu.vector_load %arg11[%swap3A_1688, %swap3A_1689] {strides = array<i32>} : memref<80x16xf32, #tpu.memory_space<vmem>>, vector<1x16xf32>,
      %swap3A_1691 = vector.shape_cast %swap3A_1690 : vector<1x16xf32> to vector<16xf32>
      %swap3A_1692 = vector.shape_cast %mul3A_1686 : vector<16xf32> to vector<1x16xf32>
      tpu.vector_store %arg11[%swap3A_1688, %swap3A_1689], %swap3A_1692 {strides = array<i32>} : memref<80x16xf32, #tpu.memory_space<vmem>>, vector<1x16xf32>,
      %get3A_1693 = arith.constant 77 : i32
      %get3A_1694 = arith.index_cast %get3A_1693 : i32 to index
      %get3A_1695 = arith.constant 0 : index
      %get3A_1696 = tpu.vector_load %arg11[%get3A_1694, %get3A_1695] {strides = array<i32>} : memref<80x16xf32, #tpu.memory_space<vmem>>, vector<1x16xf32>,
      %get3A_1697 = vector.shape_cast %get3A_1696 : vector<1x16xf32> to vector<16xf32>
      %slice3A_1698 = vector.extract_strided_slice %get3A_1497 {offsets = [13], sizes = [1], strides = [1]} : vector<16xf32> to vector<1xf32>
      %squeeze3A_1699 = vector.extract %slice3A_1698[0] : f32 from vector<1xf32>
      %mul3A_1700 = vector.broadcast %squeeze3A_1699 : f32 to vector<16xf32>
      %mul3A_1701 = arith.mulf %get3A_1697, %mul3A_1700 : vector<16xf32>
      %swap3A_1702 = arith.constant 77 : i32
      %swap3A_1703 = arith.index_cast %swap3A_1702 : i32 to index
      %swap3A_1704 = arith.constant 0 : index
      %swap3A_1705 = tpu.vector_load %arg11[%swap3A_1703, %swap3A_1704] {strides = array<i32>} : memref<80x16xf32, #tpu.memory_space<vmem>>, vector<1x16xf32>,
      %swap3A_1706 = vector.shape_cast %swap3A_1705 : vector<1x16xf32> to vector<16xf32>
      %swap3A_1707 = vector.shape_cast %mul3A_1701 : vector<16xf32> to vector<1x16xf32>
      tpu.vector_store %arg11[%swap3A_1703, %swap3A_1704], %swap3A_1707 {strides = array<i32>} : memref<80x16xf32, #tpu.memory_space<vmem>>, vector<1x16xf32>,
      %get3A_1708 = arith.constant 78 : i32
      %get3A_1709 = arith.index_cast %get3A_1708 : i32 to index
      %get3A_1710 = arith.constant 0 : index
      %get3A_1711 = tpu.vector_load %arg11[%get3A_1709, %get3A_1710] {strides = array<i32>} : memref<80x16xf32, #tpu.memory_space<vmem>>, vector<1x16xf32>,
      %get3A_1712 = vector.shape_cast %get3A_1711 : vector<1x16xf32> to vector<16xf32>
      %slice3A_1713 = vector.extract_strided_slice %get3A_1497 {offsets = [14], sizes = [1], strides = [1]} : vector<16xf32> to vector<1xf32>
      %squeeze3A_1714 = vector.extract %slice3A_1713[0] : f32 from vector<1xf32>
      %mul3A_1715 = vector.broadcast %squeeze3A_1714 : f32 to vector<16xf32>
      %mul3A_1716 = arith.mulf %get3A_1712, %mul3A_1715 : vector<16xf32>
      %swap3A_1717 = arith.constant 78 : i32
      %swap3A_1718 = arith.index_cast %swap3A_1717 : i32 to index
      %swap3A_1719 = arith.constant 0 : index
      %swap3A_1720 = tpu.vector_load %arg11[%swap3A_1718, %swap3A_1719] {strides = array<i32>} : memref<80x16xf32, #tpu.memory_space<vmem>>, vector<1x16xf32>,
      %swap3A_1721 = vector.shape_cast %swap3A_1720 : vector<1x16xf32> to vector<16xf32>
      %swap3A_1722 = vector.shape_cast %mul3A_1716 : vector<16xf32> to vector<1x16xf32>
      tpu.vector_store %arg11[%swap3A_1718, %swap3A_1719], %swap3A_1722 {strides = array<i32>} : memref<80x16xf32, #tpu.memory_space<vmem>>, vector<1x16xf32>,
      %get3A_1723 = arith.constant 79 : i32
      %get3A_1724 = arith.index_cast %get3A_1723 : i32 to index
      %get3A_1725 = arith.constant 0 : index
      %get3A_1726 = tpu.vector_load %arg11[%get3A_1724, %get3A_1725] {strides = array<i32>} : memref<80x16xf32, #tpu.memory_space<vmem>>, vector<1x16xf32>,
      %get3A_1727 = vector.shape_cast %get3A_1726 : vector<1x16xf32> to vector<16xf32>
      %slice3A_1728 = vector.extract_strided_slice %get3A_1497 {offsets = [15], sizes = [1], strides = [1]} : vector<16xf32> to vector<1xf32>
      %squeeze3A_1729 = vector.extract %slice3A_1728[0] : f32 from vector<1xf32>
      %mul3A_1730 = vector.broadcast %squeeze3A_1729 : f32 to vector<16xf32>
      %mul3A_1731 = arith.mulf %get3A_1727, %mul3A_1730 : vector<16xf32>
      %swap3A_1732 = arith.constant 79 : i32
      %swap3A_1733 = arith.index_cast %swap3A_1732 : i32 to index
      %swap3A_1734 = arith.constant 0 : index
      %swap3A_1735 = tpu.vector_load %arg11[%swap3A_1733, %swap3A_1734] {strides = array<i32>} : memref<80x16xf32, #tpu.memory_space<vmem>>, vector<1x16xf32>,
      %swap3A_1736 = vector.shape_cast %swap3A_1735 : vector<1x16xf32> to vector<16xf32>
      %swap3A_1737 = vector.shape_cast %mul3A_1731 : vector<16xf32> to vector<1x16xf32>
      tpu.vector_store %arg11[%swap3A_1733, %swap3A_1734], %swap3A_1737 {strides = array<i32>} : memref<80x16xf32, #tpu.memory_space<vmem>>, vector<1x16xf32>,
      "tpu.region"() ({
        %run_scoped3A = tpu.sem_alloc : memref<!tpu.dma_semaphore, #tpu.memory_space<semaphore_mem>>
        %dma_start3A = arith.constant 0 : i32
        %dma_start3A_1738 = tpu.memref_slice %arg9[%scan3A_520, %dma_start3A] : memref<125x80xi32, #tpu.memory_space<vmem>> -> memref<1x80xi32, #tpu.memory_space<vmem>>
        %dma_start3A_1739 = tpu.memref_squeeze %dma_start3A_1738 : memref<1x80xi32, #tpu.memory_space<vmem>> -> memref<80xi32, #tpu.memory_space<vmem>>
        %dma_start3A_1740 = arith.constant 0 : i32
        %dma_start3A_1741 = arith.constant 0 : i32
        %dma_start3A_1742 = tpu.memref_slice %arg7[%dma_start3A_1740, %dma_start3A_1741] : memref<10240x16xf32, #tpu.memory_space<vmem_shared>> -> memref<10240x16xf32, #tpu.memory_space<vmem_shared>>
        tpu.enqueue_indirect_dma source(%arg11 : memref<80x16xf32, #tpu.memory_space<vmem>>) target(%dma_start3A_1742 : memref<10240x16xf32, #tpu.memory_space<vmem_shared>>) offsets(%dma_start3A_1739 : memref<80xi32, #tpu.memory_space<vmem>>) semaphore(%run_scoped3A : memref<!tpu.dma_semaphore, #tpu.memory_space<semaphore_mem>>) {add = true}
        %dma_wait3A = arith.constant 0 : i32
        %dma_wait3A_1743 = tpu.memref_slice %arg9[%scan3A_520, %dma_wait3A] : memref<125x80xi32, #tpu.memory_space<vmem>> -> memref<1x80xi32, #tpu.memory_space<vmem>>
        %dma_wait3A_1744 = tpu.memref_squeeze %dma_wait3A_1743 : memref<1x80xi32, #tpu.memory_space<vmem>> -> memref<80xi32, #tpu.memory_space<vmem>>
        %dma_wait3A_1745 = arith.constant 0 : i32
        %dma_wait3A_1746 = arith.constant 0 : i32
        %dma_wait3A_1747 = tpu.memref_slice %arg7[%dma_wait3A_1745, %dma_wait3A_1746] : memref<10240x16xf32, #tpu.memory_space<vmem_shared>> -> memref<10240x16xf32, #tpu.memory_space<vmem_shared>>
        tpu.wait_indirect_dma semaphore(%run_scoped3A : memref<!tpu.dma_semaphore, #tpu.memory_space<semaphore_mem>>) src(%arg11 : memref<80x16xf32, #tpu.memory_space<vmem>>) dst(%dma_wait3A_1747 : memref<10240x16xf32, #tpu.memory_space<vmem_shared>>)
        tpu.yield
      }) : () -> ()
    }
    %scan3A_516 = arith.constant 125 : i32
    %barrier3A_517 = arith.constant 0 : index
    tpu.barrier barrier_id(%barrier3A_517)
    %mul3A_518 = arith.constant 640 : i32
    %mul3A_519 = arith.muli %arg1, %mul3A_518 : i32
    "tpu.region"() ({
      %run_scoped3A = tpu.sem_alloc : memref<!tpu.dma_semaphore, #tpu.memory_space<semaphore_mem>>
      %dma_start3A = arith.constant 0 : i32
      %dma_start3A_520 = arith.constant 0 : i32
      %dma_start3A_521 = tpu.memref_slice %arg6[%arg0, %arg1, %dma_start3A, %dma_start3A_520] : memref<2x16x640x16xf32, #tpu.memory_space<hbm>> -> memref<1x1x640x16xf32, #tpu.memory_space<hbm>>
      %dma_start3A_522 = tpu.memref_squeeze %dma_start3A_521 : memref<1x1x640x16xf32, #tpu.memory_space<hbm>> -> memref<640x16xf32, #tpu.memory_space<hbm>>
      %dma_start3A_523 = arith.constant 0 : i32
      %dma_start3A_524 = tpu.memref_slice %arg7[%mul3A_519, %dma_start3A_523] : memref<10240x16xf32, #tpu.memory_space<vmem_shared>> -> memref<640x16xf32, #tpu.memory_space<vmem_shared>>
      tpu.enqueue_dma source(%dma_start3A_524 : memref<640x16xf32, #tpu.memory_space<vmem_shared>>) target(%dma_start3A_522 : memref<640x16xf32, #tpu.memory_space<hbm>>) target_semaphore(%run_scoped3A : memref<!tpu.dma_semaphore, #tpu.memory_space<semaphore_mem>>)
      %dma_wait3A = arith.constant 0 : i32
      %dma_wait3A_525 = arith.constant 0 : i32
      %dma_wait3A_526 = tpu.memref_slice %arg6[%arg0, %arg1, %dma_wait3A, %dma_wait3A_525] : memref<2x16x640x16xf32, #tpu.memory_space<hbm>> -> memref<1x1x640x16xf32, #tpu.memory_space<hbm>>
      %dma_wait3A_527 = tpu.memref_squeeze %dma_wait3A_526 : memref<1x1x640x16xf32, #tpu.memory_space<hbm>> -> memref<640x16xf32, #tpu.memory_space<hbm>>
      %dma_wait3A_528 = arith.constant 0 : i32
      %dma_wait3A_529 = tpu.memref_slice %arg7[%mul3A_519, %dma_wait3A_528] : memref<10240x16xf32, #tpu.memory_space<vmem_shared>> -> memref<640x16xf32, #tpu.memory_space<vmem_shared>>
      tpu.wait_dma2 semaphore(%run_scoped3A : memref<!tpu.dma_semaphore, #tpu.memory_space<semaphore_mem>>) src(%dma_wait3A_529 : memref<640x16xf32, #tpu.memory_space<vmem_shared>>) dst(%dma_wait3A_527 : memref<640x16xf32, #tpu.memory_space<hbm>>)
      tpu.yield
    }) : () -> ()
    return
  }
}

module attributes {stable_mosaic.version = 14 : i64} {
  func.func @_tc1_body(%arg0: memref<10000x128xf32, #tpu.memory_space<vmem>>, %arg1: memref<128x16xf32, #tpu.memory_space<vmem>>, %arg2: memref<10000x1xf32, #tpu.memory_space<vmem>>, %arg3: memref<10000x16xf32, #tpu.memory_space<vmem>>) attributes {dimension_semantics = [], scalar_prefetch = 0 : i64, scratch_operands = 0 : i64, tpu.core_type = #tpu.core_type<tc>} {
    %get3A = arith.constant 0 : index
    %get3A_0 = arith.constant 0 : index
    %get3A_1 = vector.load %arg0[%get3A, %get3A_0] : memref<10000x128xf32, #tpu.memory_space<vmem>>, vector<10000x128xf32>
    %get3A_2 = arith.constant 0 : index
    %get3A_3 = arith.constant 0 : index
    %get3A_4 = vector.load %arg1[%get3A_2, %get3A_3] : memref<128x16xf32, #tpu.memory_space<vmem>>, vector<128x16xf32>
    %dot_general3A = arith.constant dense<0.000000e+00> : vector<10000x16xf32>
    %dot_general3A_5 = tpu.matmul %get3A_1, %get3A_4, %dot_general3A {dimension_numbers = #tpu.dot_dimension_numbers<[1], [0], [0], [1], [0, 0, 1, 1], [], []>, transpose_lhs_hint = false} : vector<10000x128xf32>, vector<128x16xf32>, vector<10000x16xf32> -> vector<10000x16xf32>
    %get3A_6 = arith.constant 0 : index
    %get3A_7 = arith.constant 0 : index
    %get3A_8 = vector.load %arg2[%get3A_6, %get3A_7] : memref<10000x1xf32, #tpu.memory_space<vmem>>, vector<10000x1xf32>
    %mul3A = vector.broadcast %get3A_8 : vector<10000x1xf32> to vector<10000x16xf32>
    %mul3A_9 = arith.mulf %dot_general3A_5, %mul3A : vector<10000x16xf32>
    %swap3A = arith.constant 0 : index
    %swap3A_10 = arith.constant 0 : index
    %swap3A_11 = vector.load %arg3[%swap3A, %swap3A_10] : memref<10000x16xf32, #tpu.memory_space<vmem>>, vector<10000x16xf32>
    tpu.vector_store %arg3[%swap3A, %swap3A_10], %mul3A_9 {strides = array<i32>} : memref<10000x16xf32, #tpu.memory_space<vmem>>, vector<10000x16xf32>,
    return
  }
}

module attributes {stable_mosaic.version = 14 : i64} {
  func.func @_tc_mid_body(%arg0: memref<2x10000x16xf32, #tpu.memory_space<vmem>>, %arg1: memref<10000x16xf32, #tpu.memory_space<vmem>>, %arg2: memref<1x16xf32, #tpu.memory_space<vmem>>, %arg3: memref<10000x1xf32, #tpu.memory_space<vmem>>, %arg4: memref<10000x16xf32, #tpu.memory_space<vmem>>) attributes {dimension_semantics = [], scalar_prefetch = 0 : i64, scratch_operands = 0 : i64, tpu.core_type = #tpu.core_type<tc>} {
    %get3A = arith.constant 0 : index
    %get3A_0 = arith.constant 0 : index
    %get3A_1 = arith.constant 0 : index
    %get3A_2 = vector.load %arg0[%get3A, %get3A_0, %get3A_1] : memref<2x10000x16xf32, #tpu.memory_space<vmem>>, vector<1x10000x16xf32>
    %get3A_3 = vector.shape_cast %get3A_2 : vector<1x10000x16xf32> to vector<10000x16xf32>
    %get3A_4 = arith.constant 1 : index
    %get3A_5 = arith.constant 0 : index
    %get3A_6 = arith.constant 0 : index
    %get3A_7 = vector.load %arg0[%get3A_4, %get3A_5, %get3A_6] : memref<2x10000x16xf32, #tpu.memory_space<vmem>>, vector<1x10000x16xf32>
    %get3A_8 = vector.shape_cast %get3A_7 : vector<1x10000x16xf32> to vector<10000x16xf32>
    %add3A = arith.addf %get3A_3, %get3A_8 : vector<10000x16xf32>
    %get3A_9 = arith.constant 0 : index
    %get3A_10 = arith.constant 0 : index
    %get3A_11 = vector.load %arg1[%get3A_9, %get3A_10] : memref<10000x16xf32, #tpu.memory_space<vmem>>, vector<10000x16xf32>
    %add3A_12 = arith.addf %add3A, %get3A_11 : vector<10000x16xf32>
    %get3A_13 = arith.constant 0 : index
    %get3A_14 = arith.constant 0 : index
    %get3A_15 = vector.load %arg3[%get3A_13, %get3A_14] : memref<10000x1xf32, #tpu.memory_space<vmem>>, vector<10000x1xf32>
    %mul3A = vector.broadcast %get3A_15 : vector<10000x1xf32> to vector<10000x16xf32>
    %mul3A_16 = arith.mulf %add3A_12, %mul3A : vector<10000x16xf32>
    %get3A_17 = arith.constant 0 : index
    %get3A_18 = arith.constant 0 : index
    %get3A_19 = vector.load %arg2[%get3A_17, %get3A_18] : memref<1x16xf32, #tpu.memory_space<vmem>>, vector<1x16xf32>
    %add3A_20 = vector.broadcast %get3A_19 : vector<1x16xf32> to vector<10000x16xf32>
    %add3A_21 = arith.addf %mul3A_16, %add3A_20 : vector<10000x16xf32>
    %max3A = arith.constant 0.000000e+00 : f32
    %max3A_22 = vector.broadcast %max3A : f32 to vector<10000x16xf32>
    %max3A_23 = arith.maximumf %add3A_21, %max3A_22 : vector<10000x16xf32>
    %get3A_24 = arith.constant 0 : index
    %get3A_25 = arith.constant 0 : index
    %get3A_26 = vector.load %arg3[%get3A_24, %get3A_25] : memref<10000x1xf32, #tpu.memory_space<vmem>>, vector<10000x1xf32>
    %mul3A_27 = vector.broadcast %get3A_26 : vector<10000x1xf32> to vector<10000x16xf32>
    %mul3A_28 = arith.mulf %max3A_23, %mul3A_27 : vector<10000x16xf32>
    %swap3A = arith.constant 0 : index
    %swap3A_29 = arith.constant 0 : index
    %swap3A_30 = vector.load %arg4[%swap3A, %swap3A_29] : memref<10000x16xf32, #tpu.memory_space<vmem>>, vector<10000x16xf32>
    tpu.vector_store %arg4[%swap3A, %swap3A_29], %mul3A_28 {strides = array<i32>} : memref<10000x16xf32, #tpu.memory_space<vmem>>, vector<10000x16xf32>,
    return
  }
}

module attributes {stable_mosaic.version = 14 : i64} {
  func.func @_tc_fin_body(%arg0: memref<2x10000x16xf32, #tpu.memory_space<vmem>>, %arg1: memref<10000x16xf32, #tpu.memory_space<vmem>>, %arg2: memref<16x64xf32, #tpu.memory_space<vmem>>, %arg3: memref<1x64xf32, #tpu.memory_space<vmem>>, %arg4: memref<10000x1xf32, #tpu.memory_space<vmem>>, %arg5: memref<10000x64xf32, #tpu.memory_space<vmem>>) attributes {dimension_semantics = [], scalar_prefetch = 0 : i64, scratch_operands = 0 : i64, tpu.core_type = #tpu.core_type<tc>} {
    %get3A = arith.constant 0 : index
    %get3A_0 = arith.constant 0 : index
    %get3A_1 = arith.constant 0 : index
    %get3A_2 = vector.load %arg0[%get3A, %get3A_0, %get3A_1] : memref<2x10000x16xf32, #tpu.memory_space<vmem>>, vector<1x10000x16xf32>
    %get3A_3 = vector.shape_cast %get3A_2 : vector<1x10000x16xf32> to vector<10000x16xf32>
    %get3A_4 = arith.constant 1 : index
    %get3A_5 = arith.constant 0 : index
    %get3A_6 = arith.constant 0 : index
    %get3A_7 = vector.load %arg0[%get3A_4, %get3A_5, %get3A_6] : memref<2x10000x16xf32, #tpu.memory_space<vmem>>, vector<1x10000x16xf32>
    %get3A_8 = vector.shape_cast %get3A_7 : vector<1x10000x16xf32> to vector<10000x16xf32>
    %add3A = arith.addf %get3A_3, %get3A_8 : vector<10000x16xf32>
    %get3A_9 = arith.constant 0 : index
    %get3A_10 = arith.constant 0 : index
    %get3A_11 = vector.load %arg1[%get3A_9, %get3A_10] : memref<10000x16xf32, #tpu.memory_space<vmem>>, vector<10000x16xf32>
    %add3A_12 = arith.addf %add3A, %get3A_11 : vector<10000x16xf32>
    %get3A_13 = arith.constant 0 : index
    %get3A_14 = arith.constant 0 : index
    %get3A_15 = vector.load %arg4[%get3A_13, %get3A_14] : memref<10000x1xf32, #tpu.memory_space<vmem>>, vector<10000x1xf32>
    %mul3A = vector.broadcast %get3A_15 : vector<10000x1xf32> to vector<10000x16xf32>
    %mul3A_16 = arith.mulf %add3A_12, %mul3A : vector<10000x16xf32>
    %get3A_17 = arith.constant 0 : index
    %get3A_18 = arith.constant 0 : index
    %get3A_19 = vector.load %arg2[%get3A_17, %get3A_18] : memref<16x64xf32, #tpu.memory_space<vmem>>, vector<16x64xf32>
    %dot_general3A = arith.constant dense<0.000000e+00> : vector<10000x64xf32>
    %dot_general3A_20 = tpu.matmul %mul3A_16, %get3A_19, %dot_general3A {dimension_numbers = #tpu.dot_dimension_numbers<[1], [0], [0], [1], [0, 0, 1, 1], [], []>, transpose_lhs_hint = false} : vector<10000x16xf32>, vector<16x64xf32>, vector<10000x64xf32> -> vector<10000x64xf32>
    %get3A_21 = arith.constant 0 : index
    %get3A_22 = arith.constant 0 : index
    %get3A_23 = vector.load %arg3[%get3A_21, %get3A_22] : memref<1x64xf32, #tpu.memory_space<vmem>>, vector<1x64xf32>
    %add3A_24 = vector.broadcast %get3A_23 : vector<1x64xf32> to vector<10000x64xf32>
    %add3A_25 = arith.addf %dot_general3A_20, %add3A_24 : vector<10000x64xf32>
    %swap3A = arith.constant 0 : index
    %swap3A_26 = arith.constant 0 : index
    %swap3A_27 = vector.load %arg5[%swap3A, %swap3A_26] : memref<10000x64xf32, #tpu.memory_space<vmem>>, vector<10000x64xf32>
    tpu.vector_store %arg5[%swap3A, %swap3A_26], %add3A_25 {strides = array<i32>} : memref<10000x64xf32, #tpu.memory_space<vmem>>, vector<10000x64xf32>,
    return
  }
}

</mosaic_0001>

<sc_bundles>
// kernel: kernel.11.cloned.1.call-start
scs
__scs_entry_jumppad:
0x0: {  	(pc) =	sbr.rel $0x88, $3  }
0x1: {  	(tag) =	ssettag $0x0;
	lr =	simm.s32 $0x1  }
0x2: {  	[smem:$0x3F9A] =	sst lr;
	_ =	strace $0xD0000000  }
0x3: {  	_ = 	snop  }
0x4: {  	_ = 	snop  }
0x5: {  	_ = 	snop  }
0x6: {  	_ = 	snop  }
0x7: {  	_ = 	snop  }
__scs_overlays_trampoline_lowered:
0x8: {  	[smem:$0x3FA9] =	sst s0  }
0x9: {  	[smem:$0x3FAA] =	sst s1  }
0xa: {  	[smem:$0x3FAB] =	sst s2  }
0xb: {  	[smem:$0x3FAC] =	sst s3  }
0xc: {  	[smem:$0x3FAD] =	sst s4  }
0xd: {  	[smem:$0x3FAE] =	sst s5  }
0xe: {  	[smem:$0x3FAF] =	sst s6  }
0xf: {  	[smem:$0x3FB0] =	sst s7  }
0x10: {  	[smem:$0x3FB1] =	sst s8  }
0x11: {  	[smem:$0x3FB2] =	sst s9;
	s0 =	simm.s32 @!p0 $0x0  }
0x12: {  	s1 =	sld [smem:$0x3F98];
	s0 =	simm.s32 @p0 $0x1  }
0x13: {  	[smem:$0x3FB3] =	sst s0;
	s0 =	simm.s32 @!p1 $0x0  }
0x14: {  	s2 =	sld [smem:$0x3F97];
	s0 =	simm.s32 @p1 $0x1  }
0x15: {  	[smem:$0x3FB4] =	sst s0;
	s0 =	simm.s32 @!p2 $0x0  }
0x16: {  	s3 =	sld [smem:$0x3FDB];
	s0 =	simm.s32 @p2 $0x1  }
0x17: {  	s4 =	simm.s32 $0x1BF5;
	[smem:$0x3FB6] =	sst s0  }
0x18: {  	s0 =	sld [smem:$0x3F99];
	_ =	swait.ge [sflag:s4], $0x0  }
0x19: {  	s7 =	sld [smem:$0x3F9A]  }
0x1a: {  	s8 =	sadd.s32 $0xFFFFE003, lr  }
0x1b: {  	s9 =	sadd.s32 $0xFFFFFEF7, lr;
	s5 =	simm.s32 $0xFFFFFFFF;
	p2 =	slt.u32 s8, $0xFFFFF086  }
0x1c: {  	p1 =	slt.u32 s9, $0xF7A;
	s5 =	simm.s32 @!p2 $0x0  }
0x1d: {  	s5 =	simm.s32 @p1 $0x1;
	p0 =	seq.s32 s7, s2  }
0x1e: {  	s7 =	smul.u32 @!p0 $0xF7A, s2;
	p2 =	seq.s32 @!p0 s5, $0x0  }
0x1f: {  	s9 =	smul.u32 $0xF7A, s1;
	s8 =	simm.s32 @!p0 $0x1BF5;
	p2 =	por !p2, p0  }
0x20: {  	[sflag:s8] =	ssyncset.s32 @!p0 $0xFFFFF086;
	s6 =	sadd.s32 @!p0 s3, s7;
	s7 =	simm.s32 @!p0 $0x108  }
0x21: {  	s3 =	sadd.s32 s3, s9;
	s6 =	sadd.s32 @!p0 $0x88, s6;
	s7 =	simm.s32 @p2 $0x1082  }
0x22: {  	[simem:s7], [sflag:s8] =	dma.local @!p0 [hbm:s6], $0xF7A  }
0x23: {  	s9 =	sor.u32 $0xD0000000, s2;
	s6 =	simm.s32 $0x108;
	_ =	swait.ge @!p0 [sflag:s8], $0x0  }
0x24: {  	s3 =	sadd.s32 $0x88, s3;
	s6 =	simm.s32 @!p1 $0x1082;
	[sflag:s4] =	ssyncset.s32 $0xFFFFF086  }
0x25: {  	[simem:s6], [sflag:s4] =	dma.local [hbm:s3], $0xF7A  }
0x26: {  	[smem:$0x3F9A] =	sst s1;
	(tag) =	ssettag s2;
	_ =	strace s9  }
0x27: {  	s1 =	sld [smem:$0x3FAA]  }
0x28: {  	s2 =	sld [smem:$0x3FAB]  }
0x29: {  	s4 =	sld [smem:$0x3FAD]  }
0x2a: {  	p0 =	seq.s32 s5, $0x0;
	s5 =	sld [smem:$0x3FAE]  }
0x2b: {  	s6 =	sld [smem:$0x3FAF]  }
0x2c: {  	s7 =	sld [smem:$0x3FB0]  }
0x2d: {  	s3 =	simm.s32 $0x108;
	s8 =	sld [smem:$0x3FB1]  }
0x2e: {  	s3 =	simm.s32 @!p0 $0x1082;
	s9 =	sld [smem:$0x3FB2]  }
0x2f: {  	lr =	sadd.s32 s0, s3;
	s0 =	sld [smem:$0x3FA9]  }
0x30: {  	s3 =	sld [smem:$0x3FAC]  }
0x31: {  	[smem:$0x3FB5] =	sst s10  }
0x32: {  	s10 =	sld [smem:$0x3FB3];
	_ =	sdelay $0x3  }
0x33: {  	p0 =	seq.s32 s10, $0x1;
	s10 =	sld [smem:$0x3FB5];
	_ =	sdelay $0x3  }
0x34: {  	[smem:$0x3FB5] =	sst s10  }
0x35: {  	s10 =	sld [smem:$0x3FB4];
	_ =	sdelay $0x3  }
0x36: {  	p1 =	seq.s32 s10, $0x1;
	s10 =	sld [smem:$0x3FB5];
	_ =	sdelay $0x3  }
0x37: {  	[smem:$0x3FB5] =	sst s10  }
0x38: {  	s10 =	sld [smem:$0x3FB6]  }
0x39: {  	_ = 	snop;
	(pc) =	sbr.ind lr, $3  }
0x3a: {  	_ = 	snop  }
0x3b: {  	_ = 	snop  }
0x3c: {  	p2 =	seq.s32 s10, $0x1;
	s10 =	sld [smem:$0x3FB5]  }
0x3d: {  	_ =	shalt  }
0x3e: {  	_ =	shalt  }
0x3f: {  	_ =	shalt  }
0x40: {  	_ =	shalt  }
0x41: {  	_ =	shalt  }
0x42: {  	_ =	shalt  }
0x43: {  	_ =	shalt  }
0x44: {  	_ =	shalt  }
0x45: {  	_ =	shalt  }
0x46: {  	_ =	shalt  }
0x47: {  	_ =	shalt  }
0x48: {  	_ =	shalt  }
0x49: {  	_ =	shalt  }
0x4a: {  	_ =	shalt  }
0x4b: {  	_ =	shalt  }
0x4c: {  	_ =	shalt  }
0x4d: {  	_ =	shalt  }
0x4e: {  	_ =	shalt  }
0x4f: {  	_ =	shalt  }
0x50: {  	_ =	shalt  }
0x51: {  	_ =	shalt  }
0x52: {  	_ =	shalt  }
0x53: {  	_ =	shalt  }
0x54: {  	_ =	shalt  }
0x55: {  	_ =	shalt  }
0x56: {  	_ =	shalt  }
0x57: {  	_ =	shalt  }
0x58: {  	_ =	shalt  }
0x59: {  	_ =	shalt  }
0x5a: {  	_ =	shalt  }
0x5b: {  	_ =	shalt  }
0x5c: {  	_ =	shalt  }
0x5d: {  	_ =	shalt  }
0x5e: {  	_ =	shalt  }
0x5f: {  	_ =	shalt  }
0x60: {  	_ =	shalt  }
0x61: {  	_ =	shalt  }
0x62: {  	_ =	shalt  }
0x63: {  	_ =	shalt  }
0x64: {  	_ =	shalt  }
0x65: {  	_ =	shalt  }
0x66: {  	_ =	shalt  }
0x67: {  	_ =	shalt  }
0x68: {  	_ =	shalt  }
0x69: {  	_ =	shalt  }
0x6a: {  	_ =	shalt  }
0x6b: {  	_ =	shalt  }
0x6c: {  	_ =	shalt  }
0x6d: {  	_ =	shalt  }
0x6e: {  	_ =	shalt  }
0x6f: {  	_ =	shalt  }
0x70: {  	_ =	shalt  }
0x71: {  	_ =	shalt  }
0x72: {  	_ =	shalt  }
0x73: {  	_ =	shalt  }
0x74: {  	_ =	shalt  }
0x75: {  	_ =	shalt  }
0x76: {  	_ =	shalt  }
0x77: {  	_ =	shalt  }
0x78: {  	_ =	shalt  }
0x79: {  	_ =	shalt  }
0x7a: {  	_ =	shalt  }
0x7b: {  	_ =	shalt  }
0x7c: {  	_ =	shalt  }
0x7d: {  	_ =	shalt  }
0x7e: {  	_ =	shalt  }
0x7f: {  	_ =	shalt  }
0x80: {  	_ =	shalt  }
0x81: {  	_ =	shalt  }
0x82: {  	_ =	shalt  }
0x83: {  	_ =	shalt  }
0x84: {  	_ =	shalt  }
0x85: {  	_ =	shalt  }
0x86: {  	_ =	shalt  }
0x87: {  	_ =	shalt  }
.Lfunc_end0:
.L_simem_size_0:
called_computation.1_lowered:
.L_overlay_start_0:
0x88: {  	s2 =	sld [smem:$0x3FD9]  }
0x89: {  	s3 =	sld [smem:$0x3FFE];
	_ =	sdelay $0x1  }
0x8a: {  	s1 =	srdreg.scid  }
0x8b: {  	s0 =	sand.u32 $0x1, s1  }
0x8c: {  	s17 =	sshll.u32 s0, $0xA;
	s2 =	sadd.s32 s3, s2  }
0x8d: {  	s2 =	sadd.s32 s2, s17  }
0x8e: {  	[smem:$0x3FC1] =	sst s2  }
0x8f: {  	_ = 	snop  }
0x90: {  	s2 =	sld [smem:$0x3FC7]  }
0x91: {  	s18 =	sld [smem:$0x3FD0];
	(tm) =	ssettm $0x1  }
0x92: {  	s4 =	sld [smem:$0x3FFB];
	_ =	sdelay $0x3  }
0x93: {  	_ =	strace s4  }
0x94: {  	s4 =	sld [smem:$0x3FFC];
	_ =	sdelay $0x3  }
0x95: {  	_ =	strace s4  }
0x96: {  	s4 =	sld [smem:$0x3FFD];
	_ =	sdelay $0x3  }
0x97: {  	_ =	strace s4  }
0x98: {  	_ =	strace $0x8FFFFFFF  }
0x99: {  	s19 =	sld [smem:$0x3FDB];
	_ =	sdelay $0x1  }
0x9a: {  	s5 =	simm.s32 $_scs_section_size  }
0x9b: {  	s6 =	simm.s32 $_size__tile_overlayer_lowered;
	s7 =	simm.s32 $_tile_overlayer_lowered  }
0x9c: {  	s22 =	simm.s32 $0x1BFF;
	s21 =	sshll.u32 s7, $0x1;
	s4 =	sadd.s32 s5, s19  }
0x9d: {  	s8 =	simm.s32 $0x0;
	s20 =	sshll.u32 s6, $0x1;
	s6 =	sadd.s32 s21, s4  }
0x9e: {  	[timem:s8], [sflag:s22] =	dma.local [hbm:s6], s20  }
0x9f: {  	_ =	swait.ge [sflag:s22], s20  }
0xa0: {  	s5 =	ssub.s32 $0x0, s20;
	[sflag:s22] =	ssyncset.done $0x0  }
0xa1: {  	[sflag:s22] =	ssyncadd.s32 s5;
	_ =	sdelay $0x1  }
0xa2: {  	s23 =	simm.s32 $0x1B8B  }
0xa3: {  	_ =	swait.ge [sflag:s23], $0x1  }
0xa4: {  	[sflag:s23] =	ssyncset.done $0x0  }
0xa5: {  	s25 =	simm.s32 $0x1B8E;
	s24 =	sld [smem:$0x3FFE];
	[sflag:s23] =	ssyncadd.s32 $0xFFFFFFFF  }
0xa6: {  	s26 =	simm.s32 $execute0_lowered;
	[smem:$0x3FD2] =	sst s25  }
0xa7: {  	s6 =	sshll.u32 s26, $0x1;
	_ =	strace $0x80000049;
	[dreg:$0x1] =	wrdreg $0xFFFFFFFF  }
0xa8: {  	s28 =	simm.s32 $_size_execute0_lowered;
	s4 =	sadd.s32 s4, s6;
	[dreg:$0x0] =	wrdreg $0x0  }
0xa9: {  	s6 =	sshll.u32 s28, $0x1;
	[dreg:$0x2] =	wrdreg s4  }
0xaa: {  	[dreg:$0x3] =	wrdreg s6  }
0xab: {  	[dreg:$0x4] =	wrdreg $0xC0  }
0xac: {  	_ =	task [dreg:s8], $0x5FFFF  }
0xad: {  	[dreg:$0x1] =	wrdreg $0xFFFFFFFF  }
0xae: {  	[dreg:$0x0] =	wrdreg $0x60  }
0xaf: {  	[dreg:$0x2] =	wrdreg s24  }
0xb0: {  	[dreg:$0x3] =	wrdreg s2  }
0xb1: {  	[dreg:$0x4] =	wrdreg s18  }
0xb2: {  	[dreg:$0x5] =	wrdreg $0x0  }
0xb3: {  	[dreg:$0x6] =	wrdreg $0x9  }
0xb4: {  	_ =	task.clear_ibuf [dreg:s8], $0x7FFFF;
	_ =	strace $0x90000049  }
0xb5: {  	s29 =	simm.s32 $0x9;
	_ =	strace $0x8000004B  }
0xb6: {  	_ =	swait.ge [sflag:s29], $0x1  }
0xb7: {  	[sflag:s29] =	ssyncadd.s32 $0xFFFFFFFF  }
0xb8: {  	_ =	strace $0x9000004B  }
0xb9: {  	_ =	sfence  }
0xba: {  	s30 =	sld [smem:$0x0];
	_ =	sdelay $0x2  }
0xbb: {  	s31 =	sshll.u32 s1, $0xD;
	s1 =	sshrl.u32 s1, $0x2  }
0xbc: {  	s3 =	sand.u32 $0x4000, s31;
	s1 =	sadd.s32 s1, s30  }
0xbd: {  	s0 =	sor.u32 s3, s0;
	s1 =	sshll.u32 s1, $0x11  }
0xbe: {  	s0 =	sor.u32 s1, s0  }
0xbf: {  	s0 =	sadd.s32 $0x8F2B, s0  }
0xc0: {  	[sflag:s0] =	ssyncadd.remote.s32 $0x1  }
0xc1: {  	_ =	sfence.sel $0xFFFF  }
0xc2: {  	[dreg:$0x0] =	wrdreg $0xFFFFFFFF;
	(pc) =	sbr.abs _section_cstart, $3  }
0xc3: {  	[dreg:$0x1] =	wrdreg $0xFFFFFFFF  }
0xc4: {  	_ =	task.clear_ibuf [dreg:s8], $0x2FFFF;
	_ =	strace $0x9FFFFFFF  }
0xc5: {  	(tm) =	ssettm $0x7FFFFFFF  }
tec
execute0_lowered:
.L_overlay_start_1:
0x0: {  	(tag) =	ssettag $0x1  }
0x1: {  	s5 =	rddreg [dreg:$0x0]  }
0x2: {  	s15 =	rddreg [dreg:$0x1]  }
0x3: {  	s16 =	rddreg [dreg:$0x2]  }
0x4: {  	s1 =	rddreg [dreg:$0x3]  }
0x5: {  	s2 =	srdreg.scid;
	s0 =	rddreg [dreg:$0x4]  }
0x6: {  	s3 =	simm.s32 $0x0;
	s21 =	simm.s32 $0x4F10;
	s22 =	simm.s32 $0x7620  }
0x7: {  	s23 =	simm.s32 $0x50;
	s7 =	sand.u32 $0x1, s2;
	s2 =	stileid.u32  }
0x8: {  	s26 =	simm.s32 $0x0;
	[smem:$0x7FF] =	sst s3;
	s6 =	smul.u32 $0xA000, s2  }
0x9: {  	s4 =	sshll.u32 s7, $0x4;
	_ =	strace $0x8000004A;
	s19 =	smul.u32 $0x28000, s7  }
0xa: {  	s8 =	ssub.s32 $0x2, s7;
	s20 =	smul.u32 $0x2800, s2;
	s24 =	sshll.u32 s2, $0x6  }
0xb: {  	s4 =	sor.u32 s2, s4;
	s9 =	sshrl.u32 s8, $0x1;
	s24 =	sor.u32 $0x1C01, s24  }
0xc: {  	s17 =	smul.u32 $0x4E2, s4;
	s4 =	sadd.s32 $0x1800, s5;
	s6 =	sshrl.u32 s6, $0x2  }
0xd: {  	s18 =	ssub.s32 s8, s9;
	s19 =	sadd.s32 s20, s19;
	s20 =	simm.s32 $0x2800  }
0xe: {  	s31 =	sshrl.u32 s19, $0x3;
	s19 =	simm.s32 $0x1;
	s14 =	sadd.s32 s17, s5  }
0xf: {  	s5 =	sadd.s32 s6, s1;
	s15 =	sadd.s32 s15, s17;
	s16 =	sadd.s32 s16, s31  }
0x10: {  	s17 =	smax.u32 s18, $0x1;
	s18 =	simm.s32 $0x9D30;
	s6 =	sadd.s32 $0x500, s5  }
0x11: {  	s7 =	sadd.s32 $0xA00, s5;
	s8 =	sadd.s32 $0xF00, s5;
	s9 =	sadd.s32 $0x1400, s5  }
0x12: {  	s10 =	sadd.s32 $0x1900, s5;
	s11 =	sadd.s32 $0x1E00, s5;
	s12 =	sadd.s32 $0x2300, s5  }
0x13: {  	v0 =	vimm.f32 $0.0e+00;
	s13 =	sadd.s32 $0x11800, s14;
	s14 =	sadd.s32 $0x1B600, s14;
	s25 =	sshrl.u32 s5, $0x3  }
.LBB2_1:
0x14: {  	[tilespmem:$0x9D30] =	vst v0  }
0x15: {  	[tilespmem:$0x9D40] =	vst v0  }
0x16: {  	[tilespmem:$0x9D50] =	vst v0  }
0x17: {  	[tilespmem:$0x9D60] =	vst v0  }
0x18: {  	[tilespmem:$0x9D70] =	vst v0  }
0x19: {  	[tilespmem:$0x9D80] =	vst v0  }
0x1a: {  	[tilespmem:$0x9D90] =	vst v0  }
0x1b: {  	[tilespmem:$0x9DA0] =	vst v0  }
0x1c: {  	[tilespmem:$0x9DB0] =	vst v0  }
0x1d: {  	[tilespmem:$0x9DC0] =	vst v0  }
0x1e: {  	[tilespmem:$0x9DD0] =	vst v0  }
0x1f: {  	[tilespmem:$0x9DE0] =	vst v0  }
0x20: {  	[tilespmem:$0x9DF0] =	vst v0  }
0x21: {  	[tilespmem:$0x9E00] =	vst v0  }
0x22: {  	[tilespmem:$0x9E10] =	vst v0  }
0x23: {  	[tilespmem:$0x9E20] =	vst v0  }
0x24: {  	[tilespmem:$0x9E30] =	vst v0  }
0x25: {  	[tilespmem:$0x9E40] =	vst v0  }
0x26: {  	[tilespmem:$0x9E50] =	vst v0  }
0x27: {  	[tilespmem:$0x9E60] =	vst v0  }
0x28: {  	[tilespmem:$0x9E70] =	vst v0  }
0x29: {  	[tilespmem:$0x9E80] =	vst v0  }
0x2a: {  	[tilespmem:$0x9E90] =	vst v0  }
0x2b: {  	[tilespmem:$0x9EA0] =	vst v0  }
0x2c: {  	[tilespmem:$0x9EB0] =	vst v0  }
0x2d: {  	[tilespmem:$0x9EC0] =	vst v0  }
0x2e: {  	[tilespmem:$0x9ED0] =	vst v0  }
0x2f: {  	[tilespmem:$0x9EE0] =	vst v0  }
0x30: {  	[tilespmem:$0x9EF0] =	vst v0  }
0x31: {  	[tilespmem:$0x9F00] =	vst v0  }
0x32: {  	[tilespmem:$0x9F10] =	vst v0  }
0x33: {  	[tilespmem:$0x9F20] =	vst v0  }
0x34: {  	[tilespmem:$0x9F30] =	vst v0  }
0x35: {  	[tilespmem:$0x9F40] =	vst v0  }
0x36: {  	[tilespmem:$0x9F50] =	vst v0  }
0x37: {  	[tilespmem:$0x9F60] =	vst v0  }
0x38: {  	[tilespmem:$0x9F70] =	vst v0  }
0x39: {  	[tilespmem:$0x9F80] =	vst v0  }
0x3a: {  	[tilespmem:$0x9F90] =	vst v0  }
0x3b: {  	[tilespmem:$0x9FA0] =	vst v0  }
0x3c: {  	[tilespmem:$0x9FB0] =	vst v0  }
0x3d: {  	[tilespmem:$0x9FC0] =	vst v0  }
0x3e: {  	[tilespmem:$0x9FD0] =	vst v0  }
0x3f: {  	[tilespmem:$0x9FE0] =	vst v0  }
0x40: {  	[tilespmem:$0x9FF0] =	vst v0  }
0x41: {  	[tilespmem:$0xA000] =	vst v0  }
0x42: {  	[tilespmem:$0xA010] =	vst v0  }
0x43: {  	[tilespmem:$0xA020] =	vst v0  }
0x44: {  	[tilespmem:$0xA030] =	vst v0  }
0x45: {  	[tilespmem:$0xA040] =	vst v0  }
0x46: {  	[tilespmem:$0xA050] =	vst v0  }
0x47: {  	[tilespmem:$0xA060] =	vst v0  }
0x48: {  	[tilespmem:$0xA070] =	vst v0  }
0x49: {  	[tilespmem:$0xA080] =	vst v0  }
0x4a: {  	[tilespmem:$0xA090] =	vst v0  }
0x4b: {  	[tilespmem:$0xA0A0] =	vst v0  }
0x4c: {  	[tilespmem:$0xA0B0] =	vst v0  }
0x4d: {  	[tilespmem:$0xA0C0] =	vst v0  }
0x4e: {  	[tilespmem:$0xA0D0] =	vst v0  }
0x4f: {  	[tilespmem:$0xA0E0] =	vst v0  }
0x50: {  	[tilespmem:$0xA0F0] =	vst v0  }
0x51: {  	[tilespmem:$0xA100] =	vst v0  }
0x52: {  	[tilespmem:$0xA110] =	vst v0  }
0x53: {  	[tilespmem:$0xA120] =	vst v0  }
0x54: {  	[tilespmem:$0xA130] =	vst v0  }
0x55: {  	[tilespmem:$0xA140] =	vst v0  }
0x56: {  	[tilespmem:$0xA150] =	vst v0  }
0x57: {  	[tilespmem:$0xA160] =	vst v0  }
0x58: {  	[tilespmem:$0xA170] =	vst v0  }
0x59: {  	[tilespmem:$0xA180] =	vst v0  }
0x5a: {  	[tilespmem:$0xA190] =	vst v0  }
0x5b: {  	[tilespmem:$0xA1A0] =	vst v0  }
0x5c: {  	[tilespmem:$0xA1B0] =	vst v0  }
0x5d: {  	[tilespmem:$0xA1C0] =	vst v0  }
0x5e: {  	[tilespmem:$0xA1D0] =	vst v0  }
0x5f: {  	[tilespmem:$0xA1E0] =	vst v0  }
0x60: {  	[tilespmem:$0xA1F0] =	vst v0  }
0x61: {  	[tilespmem:$0xA200] =	vst v0  }
0x62: {  	[tilespmem:$0xA210] =	vst v0  }
0x63: {  	[tilespmem:$0xA220] =	vst v0  }
0x64: {  	[spmem:s5] =	stream.linear.scatter [tilespmem:s18], [sflag:$0x1], $0x500, $0x38;
	[tilespmem:$0xA230] =	vst v63  }
0x65: {  	_ =	swait.ge [sflag:s19], $0x500  }
0x66: {  	[sflag:s19] =	ssyncset.done $0x0  }
0x67: {  	[sflag:s19] =	ssyncadd.s32 $0xFFFFFB00  }
0x68: {  	[spmem:s6] =	stream.linear.scatter [tilespmem:s18], [sflag:$0x1], $0x500, $0x38;
	[tilespmem:$0xA230] =	vst v63  }
0x69: {  	_ =	swait.ge [sflag:s19], $0x500  }
0x6a: {  	[sflag:s19] =	ssyncset.done $0x0  }
0x6b: {  	[sflag:s19] =	ssyncadd.s32 $0xFFFFFB00  }
0x6c: {  	[spmem:s7] =	stream.linear.scatter [tilespmem:s18], [sflag:$0x1], $0x500, $0x38;
	[tilespmem:$0xA230] =	vst v63  }
0x6d: {  	_ =	swait.ge [sflag:s19], $0x500  }
0x6e: {  	[sflag:s19] =	ssyncset.done $0x0  }
0x6f: {  	[sflag:s19] =	ssyncadd.s32 $0xFFFFFB00  }
0x70: {  	[spmem:s8] =	stream.linear.scatter [tilespmem:s18], [sflag:$0x1], $0x500, $0x38;
	[tilespmem:$0xA230] =	vst v63  }
0x71: {  	_ =	swait.ge [sflag:s19], $0x500  }
0x72: {  	[sflag:s19] =	ssyncset.done $0x0  }
0x73: {  	[sflag:s19] =	ssyncadd.s32 $0xFFFFFB00  }
0x74: {  	[spmem:s9] =	stream.linear.scatter [tilespmem:s18], [sflag:$0x1], $0x500, $0x38;
	[tilespmem:$0xA230] =	vst v63  }
0x75: {  	_ =	swait.ge [sflag:s19], $0x500  }
0x76: {  	[sflag:s19] =	ssyncset.done $0x0  }
0x77: {  	[sflag:s19] =	ssyncadd.s32 $0xFFFFFB00  }
0x78: {  	[spmem:s10] =	stream.linear.scatter [tilespmem:s18], [sflag:$0x1], $0x500, $0x38;
	[tilespmem:$0xA230] =	vst v63  }
0x79: {  	_ =	swait.ge [sflag:s19], $0x500  }
0x7a: {  	[sflag:s19] =	ssyncset.done $0x0  }
0x7b: {  	[sflag:s19] =	ssyncadd.s32 $0xFFFFFB00  }
0x7c: {  	[spmem:s11] =	stream.linear.scatter [tilespmem:s18], [sflag:$0x1], $0x500, $0x38;
	[tilespmem:$0xA230] =	vst v63  }
0x7d: {  	_ =	swait.ge [sflag:s19], $0x500  }
0x7e: {  	[sflag:s19] =	ssyncset.done $0x0  }
0x7f: {  	[sflag:s19] =	ssyncadd.s32 $0xFFFFFB00  }
0x80: {  	[spmem:s12] =	stream.linear.scatter [tilespmem:s18], [sflag:$0x1], $0x500, $0x38;
	[tilespmem:$0xA230] =	vst v63  }
0x81: {  	_ =	swait.ge [sflag:s19], $0x500  }
0x82: {  	[sflag:s19] =	ssyncset.done $0x0  }
0x83: {  	[sflag:s19] =	ssyncadd.s32 $0xFFFFFB00  }
0x84: {  	[tilespmem:s20], [sflag:$0x1] =	stream.linear.gather [hbm4b:s13+s3], $0x2710, $0x38;
	[tilespmem:$0xA230] =	vst v63  }
0x85: {  	_ =	swait.ge [sflag:s19], $0x2710  }
0x86: {  	[sflag:s19] =	ssyncset.done $0x0  }
0x87: {  	[sflag:s19] =	ssyncadd.s32 $0xFFFFD8F0  }
0x88: {  	[tilespmem:s21], [sflag:$0x1] =	stream.linear.gather [hbm4b:s14+s3], $0x2710, $0x38;
	[tilespmem:$0xA230] =	vst v63  }
0x89: {  	_ =	swait.ge [sflag:s19], $0x2710  }
0x8a: {  	[sflag:s19] =	ssyncset.done $0x0  }
0x8b: {  	[sflag:s19] =	ssyncadd.s32 $0xFFFFD8F0  }
0x8c: {  	[tilespmem:s22], [sflag:$0x1] =	stream.linear.gather [hbm4b:s15+s3], $0x2710, $0x38;
	[tilespmem:$0xA230] =	vst v63  }
0x8d: {  	_ =	swait.ge [sflag:s19], $0x2710  }
0x8e: {  	[sflag:s19] =	ssyncset.done $0x0  }
0x8f: {  	[sflag:s19] =	ssyncadd.s32 $0xFFFFD8F0  }
0x90: {  	s28 =	simm.s32 $0x0;
	[bflag:$0x0] =	sbarrier.arrive $0xFFFF  }
.LBB2_2:
0x91: {  	s29 =	sshra.s32 s28, $0x2  }
0x92: {  	s30 =	sadd.s32 $0x2800, s29  }
0x93: {  	[tilespmem:s18], [sflag:$0x1] =	stream.indirect.gather [hbm4b:s4+s23], $0x10, s30, s23, $0xb8;
	[tilespmem:$0xA230] =	vst v63  }
0x94: {  	_ =	swait.ge [sflag:s19], $0x500  }
0x95: {  	[sflag:s19] =	ssyncset.done $0x0  }
0x96: {  	[sflag:s19] =	ssyncadd.s32 $0xFFFFFB00  }
0x97: {  	v1 =	vld [tilespmem:s29+$0x7620];
	_ =	sdelay $0x4  }
0x98: {  	v5 =	vbroadcast v1, $0x0  }
0x99: {  	v7 =	vbroadcast v1, $0x1;
	v30 =	vbroadcast v1, $0x2  }
0x9a: {  	v31 =	vbroadcast v1, $0x3;
	v32 =	vbroadcast v1, $0x4  }
0x9b: {  	v2 =	vld [tilespmem:$0x9D30];
	v34 =	vbroadcast v1, $0x5;
	v36 =	vbroadcast v1, $0x6  }
0x9c: {  	v3 =	vld [tilespmem:$0x9D40];
	v38 =	vbroadcast v1, $0x7;
	v40 =	vbroadcast v1, $0x8  }
0x9d: {  	v49 =	vld [tilespmem:$0x9E20];
	v42 =	vbroadcast v1, $0x9;
	v44 =	vbroadcast v1, $0xA  }
0x9e: {  	v4 =	vld [tilespmem:$0x9D50];
	v46 =	vbroadcast v1, $0xB;
	v48 =	vbroadcast v1, $0xC  }
0x9f: {  	v6 =	vld [tilespmem:$0x9D60];
	v50 =	vbroadcast v1, $0xD;
	v51 =	vbroadcast v1, $0xE  }
0xa0: {  	v8 =	vld [tilespmem:$0x9D70];
	v1 =	vbroadcast v1, $0xF;
	v2 =	vmul.f32 v5, v2  }
0xa1: {  	v9 =	vld [tilespmem:$0x9D80];
	v3 =	vmul.f32 v3, v7  }
0xa2: {  	v10 =	vld [tilespmem:$0x9D90];
	v1 =	vmul.f32 v49, v1;
	[tilespmem:$0x9D30] =	vst v2  }
0xa3: {  	v33 =	vld [tilespmem:$0x9DA0];
	v2 =	vmul.f32 v4, v30;
	[tilespmem:$0x9D40] =	vst v3  }
0xa4: {  	v35 =	vld [tilespmem:$0x9DB0];
	v3 =	vmul.f32 v6, v31;
	[tilespmem:$0x9E20] =	vst v1  }
0xa5: {  	v37 =	vld [tilespmem:$0x9DC0];
	[tilespmem:$0x9D50] =	vst v2;
	v2 =	vmul.f32 v8, v32  }
0xa6: {  	v39 =	vld [tilespmem:$0x9DD0];
	[tilespmem:$0x9D60] =	vst v3;
	v3 =	vmul.f32 v9, v34  }
0xa7: {  	v41 =	vld [tilespmem:$0x9DE0];
	[tilespmem:$0x9D70] =	vst v2;
	v2 =	vmul.f32 v10, v36  }
0xa8: {  	v43 =	vld [tilespmem:$0x9DF0];
	[tilespmem:$0x9D80] =	vst v3;
	v3 =	vmul.f32 v33, v38  }
0xa9: {  	v45 =	vld [tilespmem:$0x9E00];
	[tilespmem:$0x9D90] =	vst v2;
	v2 =	vmul.f32 v35, v40  }
0xaa: {  	v47 =	vld [tilespmem:$0x9E10];
	[tilespmem:$0x9DA0] =	vst v3;
	v3 =	vmul.f32 v37, v42  }
0xab: {  	[tilespmem:$0x9DB0] =	vst v2;
	v2 =	vmul.f32 v39, v44  }
0xac: {  	[tilespmem:$0x9DC0] =	vst v3;
	v3 =	vmul.f32 v41, v46  }
0xad: {  	[tilespmem:$0x9DD0] =	vst v2;
	v2 =	vmul.f32 v43, v48  }
0xae: {  	[tilespmem:$0x9DE0] =	vst v3;
	v3 =	vmul.f32 v45, v50  }
0xaf: {  	[tilespmem:$0x9DF0] =	vst v2;
	v2 =	vmul.f32 v47, v51  }
0xb0: {  	[tilespmem:$0x9E00] =	vst v3  }
0xb1: {  	[tilespmem:$0x9E10] =	vst v2  }
0xb2: {  	v1 =	vld [tilespmem:s29+$0x7630];
	_ =	sdelay $0x4  }
0xb3: {  	v53 =	vbroadcast v1, $0x0  }
0xb4: {  	v55 =	vbroadcast v1, $0x1;
	v57 =	vbroadcast v1, $0x2  }
0xb5: {  	v59 =	vbroadcast v1, $0x3;
	v61 =	vbroadcast v1, $0x4  }
0xb6: {  	v2 =	vld [tilespmem:$0x9E30];
	v63 =	vbroadcast v1, $0x5;
	v13 =	vbroadcast v1, $0x6  }
0xb7: {  	v3 =	vld [tilespmem:$0x9E40];
	v15 =	vbroadcast v1, $0x7;
	v17 =	vbroadcast v1, $0x8  }
0xb8: {  	v26 =	vld [tilespmem:$0x9F20];
	v19 =	vbroadcast v1, $0x9;
	v21 =	vbroadcast v1, $0xA  }
0xb9: {  	v52 =	vld [tilespmem:$0x9E50];
	v23 =	vbroadcast v1, $0xB;
	v25 =	vbroadcast v1, $0xC  }
0xba: {  	v54 =	vld [tilespmem:$0x9E60];
	v27 =	vbroadcast v1, $0xD;
	v28 =	vbroadcast v1, $0xE  }
0xbb: {  	v56 =	vld [tilespmem:$0x9E70];
	v1 =	vbroadcast v1, $0xF;
	v2 =	vmul.f32 v53, v2  }
0xbc: {  	v58 =	vld [tilespmem:$0x9E80];
	v3 =	vmul.f32 v3, v55  }
0xbd: {  	v60 =	vld [tilespmem:$0x9E90];
	v1 =	vmul.f32 v26, v1;
	[tilespmem:$0x9E30] =	vst v2  }
0xbe: {  	v62 =	vld [tilespmem:$0x9EA0];
	v2 =	vmul.f32 v52, v57;
	[tilespmem:$0x9E40] =	vst v3  }
0xbf: {  	v12 =	vld [tilespmem:$0x9EB0];
	v3 =	vmul.f32 v54, v59;
	[tilespmem:$0x9F20] =	vst v1  }
0xc0: {  	v14 =	vld [tilespmem:$0x9EC0];
	[tilespmem:$0x9E50] =	vst v2;
	v2 =	vmul.f32 v56, v61  }
0xc1: {  	v16 =	vld [tilespmem:$0x9ED0];
	[tilespmem:$0x9E60] =	vst v3;
	v3 =	vmul.f32 v58, v63  }
0xc2: {  	v18 =	vld [tilespmem:$0x9EE0];
	[tilespmem:$0x9E70] =	vst v2;
	v2 =	vmul.f32 v60, v13  }
0xc3: {  	v20 =	vld [tilespmem:$0x9EF0];
	[tilespmem:$0x9E80] =	vst v3;
	v3 =	vmul.f32 v62, v15  }
0xc4: {  	v22 =	vld [tilespmem:$0x9F00];
	[tilespmem:$0x9E90] =	vst v2;
	v2 =	vmul.f32 v12, v17  }
0xc5: {  	v24 =	vld [tilespmem:$0x9F10];
	[tilespmem:$0x9EA0] =	vst v3;
	v3 =	vmul.f32 v14, v19  }
0xc6: {  	[tilespmem:$0x9EB0] =	vst v2;
	v2 =	vmul.f32 v16, v21  }
0xc7: {  	[tilespmem:$0x9EC0] =	vst v3;
	v3 =	vmul.f32 v18, v23  }
0xc8: {  	[tilespmem:$0x9ED0] =	vst v2;
	v2 =	vmul.f32 v20, v25  }
0xc9: {  	[tilespmem:$0x9EE0] =	vst v3;
	v3 =	vmul.f32 v22, v27  }
0xca: {  	[tilespmem:$0x9EF0] =	vst v2;
	v2 =	vmul.f32 v24, v28  }
0xcb: {  	[tilespmem:$0x9F00] =	vst v3  }
0xcc: {  	[tilespmem:$0x9F10] =	vst v2  }
0xcd: {  	v1 =	vld [tilespmem:s29+$0x7640];
	_ =	sdelay $0x4  }
0xce: {  	v30 =	vbroadcast v1, $0x0  }
0xcf: {  	v32 =	vbroadcast v1, $0x1;
	v34 =	vbroadcast v1, $0x2  }
0xd0: {  	v36 =	vbroadcast v1, $0x3;
	v38 =	vbroadcast v1, $0x4  }
0xd1: {  	v2 =	vld [tilespmem:$0x9F30];
	v40 =	vbroadcast v1, $0x5;
	v42 =	vbroadcast v1, $0x6  }
0xd2: {  	v3 =	vld [tilespmem:$0x9F40];
	v44 =	vbroadcast v1, $0x7;
	v46 =	vbroadcast v1, $0x8  }
0xd3: {  	v55 =	vld [tilespmem:$0xA020];
	v48 =	vbroadcast v1, $0x9;
	v50 =	vbroadcast v1, $0xA  }
0xd4: {  	v29 =	vld [tilespmem:$0x9F50];
	v52 =	vbroadcast v1, $0xB;
	v54 =	vbroadcast v1, $0xC  }
0xd5: {  	v31 =	vld [tilespmem:$0x9F60];
	v56 =	vbroadcast v1, $0xD;
	v57 =	vbroadcast v1, $0xE  }
0xd6: {  	v33 =	vld [tilespmem:$0x9F70];
	v1 =	vbroadcast v1, $0xF;
	v2 =	vmul.f32 v30, v2  }
0xd7: {  	v35 =	vld [tilespmem:$0x9F80];
	v3 =	vmul.f32 v3, v32  }
0xd8: {  	v37 =	vld [tilespmem:$0x9F90];
	v1 =	vmul.f32 v55, v1;
	[tilespmem:$0x9F30] =	vst v2  }
0xd9: {  	v39 =	vld [tilespmem:$0x9FA0];
	v2 =	vmul.f32 v29, v34;
	[tilespmem:$0x9F40] =	vst v3  }
0xda: {  	v41 =	vld [tilespmem:$0x9FB0];
	v3 =	vmul.f32 v31, v36;
	[tilespmem:$0xA020] =	vst v1  }
0xdb: {  	v43 =	vld [tilespmem:$0x9FC0];
	[tilespmem:$0x9F50] =	vst v2;
	v2 =	vmul.f32 v33, v38  }
0xdc: {  	v45 =	vld [tilespmem:$0x9FD0];
	[tilespmem:$0x9F60] =	vst v3;
	v3 =	vmul.f32 v35, v40  }
0xdd: {  	v47 =	vld [tilespmem:$0x9FE0];
	[tilespmem:$0x9F70] =	vst v2;
	v2 =	vmul.f32 v37, v42  }
0xde: {  	v49 =	vld [tilespmem:$0x9FF0];
	[tilespmem:$0x9F80] =	vst v3;
	v3 =	vmul.f32 v39, v44  }
0xdf: {  	v51 =	vld [tilespmem:$0xA000];
	[tilespmem:$0x9F90] =	vst v2;
	v2 =	vmul.f32 v41, v46  }
0xe0: {  	v53 =	vld [tilespmem:$0xA010];
	[tilespmem:$0x9FA0] =	vst v3;
	v3 =	vmul.f32 v43, v48  }
0xe1: {  	[tilespmem:$0x9FB0] =	vst v2;
	v2 =	vmul.f32 v45, v50  }
0xe2: {  	[tilespmem:$0x9FC0] =	vst v3;
	v3 =	vmul.f32 v47, v52  }
0xe3: {  	[tilespmem:$0x9FD0] =	vst v2;
	v2 =	vmul.f32 v49, v54  }
0xe4: {  	[tilespmem:$0x9FE0] =	vst v3;
	v3 =	vmul.f32 v51, v56  }
0xe5: {  	[tilespmem:$0x9FF0] =	vst v2;
	v2 =	vmul.f32 v53, v57  }
0xe6: {  	[tilespmem:$0xA000] =	vst v3  }
0xe7: {  	[tilespmem:$0xA010] =	vst v2  }
0xe8: {  	v1 =	vld [tilespmem:s29+$0x7650];
	_ =	sdelay $0x4  }
0xe9: {  	v59 =	vbroadcast v1, $0x0  }
0xea: {  	v61 =	vbroadcast v1, $0x1;
	v63 =	vbroadcast v1, $0x2  }
0xeb: {  	v13 =	vbroadcast v1, $0x3;
	v15 =	vbroadcast v1, $0x4  }
0xec: {  	v2 =	vld [tilespmem:$0xA030];
	v17 =	vbroadcast v1, $0x5;
	v19 =	vbroadcast v1, $0x6  }
0xed: {  	v3 =	vld [tilespmem:$0xA040];
	v21 =	vbroadcast v1, $0x7;
	v23 =	vbroadcast v1, $0x8  }
0xee: {  	v32 =	vld [tilespmem:$0xA120];
	v25 =	vbroadcast v1, $0x9;
	v27 =	vbroadcast v1, $0xA  }
0xef: {  	v58 =	vld [tilespmem:$0xA050];
	v29 =	vbroadcast v1, $0xB;
	v31 =	vbroadcast v1, $0xC  }
0xf0: {  	v60 =	vld [tilespmem:$0xA060];
	v33 =	vbroadcast v1, $0xD;
	v34 =	vbroadcast v1, $0xE  }
0xf1: {  	v62 =	vld [tilespmem:$0xA070];
	v1 =	vbroadcast v1, $0xF;
	v2 =	vmul.f32 v59, v2  }
0xf2: {  	v12 =	vld [tilespmem:$0xA080];
	v3 =	vmul.f32 v3, v61  }
0xf3: {  	v14 =	vld [tilespmem:$0xA090];
	v1 =	vmul.f32 v32, v1;
	[tilespmem:$0xA030] =	vst v2  }
0xf4: {  	v16 =	vld [tilespmem:$0xA0A0];
	v2 =	vmul.f32 v58, v63;
	[tilespmem:$0xA040] =	vst v3  }
0xf5: {  	v18 =	vld [tilespmem:$0xA0B0];
	v3 =	vmul.f32 v60, v13;
	[tilespmem:$0xA120] =	vst v1  }
0xf6: {  	v20 =	vld [tilespmem:$0xA0C0];
	[tilespmem:$0xA050] =	vst v2;
	v2 =	vmul.f32 v62, v15  }
0xf7: {  	v22 =	vld [tilespmem:$0xA0D0];
	[tilespmem:$0xA060] =	vst v3;
	v3 =	vmul.f32 v12, v17  }
0xf8: {  	v24 =	vld [tilespmem:$0xA0E0];
	[tilespmem:$0xA070] =	vst v2;
	v2 =	vmul.f32 v14, v19  }
0xf9: {  	v26 =	vld [tilespmem:$0xA0F0];
	[tilespmem:$0xA080] =	vst v3;
	v3 =	vmul.f32 v16, v21  }
0xfa: {  	v28 =	vld [tilespmem:$0xA100];
	[tilespmem:$0xA090] =	vst v2;
	v2 =	vmul.f32 v18, v23  }
0xfb: {  	v30 =	vld [tilespmem:$0xA110];
	[tilespmem:$0xA0A0] =	vst v3;
	v3 =	vmul.f32 v20, v25  }
0xfc: {  	[tilespmem:$0xA0B0] =	vst v2;
	v2 =	vmul.f32 v22, v27  }
0xfd: {  	[tilespmem:$0xA0C0] =	vst v3;
	v3 =	vmul.f32 v24, v29  }
0xfe: {  	[tilespmem:$0xA0D0] =	vst v2;
	v2 =	vmul.f32 v26, v31  }
0xff: {  	[tilespmem:$0xA0E0] =	vst v3;
	v3 =	vmul.f32 v28, v33  }
0x100: {  	[tilespmem:$0xA0F0] =	vst v2;
	v2 =	vmul.f32 v30, v34  }
0x101: {  	[tilespmem:$0xA100] =	vst v3  }
0x102: {  	[tilespmem:$0xA110] =	vst v2  }
0x103: {  	v1 =	vld [tilespmem:s29+$0x7660];
	_ =	sdelay $0x4  }
0x104: {  	v36 =	vbroadcast v1, $0x0  }
0x105: {  	v38 =	vbroadcast v1, $0x1;
	v40 =	vbroadcast v1, $0x2  }
0x106: {  	v42 =	vbroadcast v1, $0x3;
	v44 =	vbroadcast v1, $0x4  }
0x107: {  	v2 =	vld [tilespmem:$0xA130];
	v46 =	vbroadcast v1, $0x5;
	v48 =	vbroadcast v1, $0x6  }
0x108: {  	v3 =	vld [tilespmem:$0xA140];
	v50 =	vbroadcast v1, $0x7;
	v52 =	vbroadcast v1, $0x8  }
0x109: {  	v61 =	vld [tilespmem:$0xA220];
	v54 =	vbroadcast v1, $0x9;
	v56 =	vbroadcast v1, $0xA  }
0x10a: {  	v35 =	vld [tilespmem:$0xA150];
	v58 =	vbroadcast v1, $0xB;
	v60 =	vbroadcast v1, $0xC  }
0x10b: {  	v37 =	vld [tilespmem:$0xA160];
	v62 =	vbroadcast v1, $0xD;
	v63 =	vbroadcast v1, $0xE  }
0x10c: {  	v39 =	vld [tilespmem:$0xA170];
	v1 =	vbroadcast v1, $0xF;
	v2 =	vmul.f32 v36, v2  }
0x10d: {  	v41 =	vld [tilespmem:$0xA180];
	v3 =	vmul.f32 v3, v38  }
0x10e: {  	v43 =	vld [tilespmem:$0xA190];
	v1 =	vmul.f32 v61, v1;
	[tilespmem:$0xA130] =	vst v2  }
0x10f: {  	v45 =	vld [tilespmem:$0xA1A0];
	v2 =	vmul.f32 v35, v40;
	[tilespmem:$0xA140] =	vst v3  }
0x110: {  	v47 =	vld [tilespmem:$0xA1B0];
	v3 =	vmul.f32 v37, v42;
	[tilespmem:$0xA220] =	vst v1  }
0x111: {  	v49 =	vld [tilespmem:$0xA1C0];
	[tilespmem:$0xA150] =	vst v2;
	v2 =	vmul.f32 v39, v44  }
0x112: {  	v51 =	vld [tilespmem:$0xA1D0];
	[tilespmem:$0xA160] =	vst v3;
	v3 =	vmul.f32 v41, v46  }
0x113: {  	v53 =	vld [tilespmem:$0xA1E0];
	[tilespmem:$0xA170] =	vst v2;
	v2 =	vmul.f32 v43, v48  }
0x114: {  	v55 =	vld [tilespmem:$0xA1F0];
	[tilespmem:$0xA180] =	vst v3;
	v3 =	vmul.f32 v45, v50  }
0x115: {  	v57 =	vld [tilespmem:$0xA200];
	[tilespmem:$0xA190] =	vst v2;
	v2 =	vmul.f32 v47, v52  }
0x116: {  	v59 =	vld [tilespmem:$0xA210];
	[tilespmem:$0xA1A0] =	vst v3;
	v3 =	vmul.f32 v49, v54  }
0x117: {  	[tilespmem:$0xA1B0] =	vst v2;
	v2 =	vmul.f32 v51, v56  }
0x118: {  	[tilespmem:$0xA1C0] =	vst v3;
	v3 =	vmul.f32 v53, v58  }
0x119: {  	[tilespmem:$0xA1D0] =	vst v2;
	v2 =	vmul.f32 v55, v60  }
0x11a: {  	[tilespmem:$0xA1E0] =	vst v3;
	v3 =	vmul.f32 v57, v62  }
0x11b: {  	[tilespmem:$0xA1F0] =	vst v2;
	v2 =	vmul.f32 v59, v63  }
0x11c: {  	p0 =	sne.s32 s28, $0x9B00;
	[tilespmem:$0xA200] =	vst v3  }
.Ltmp0:
0x11d: {  	s29 =	sadd.s32 $0x4F10, s29;
	[tilespmem:$0xA210] =	vst v2;
	(pc) =	sbr.rel @p0 .LBB2_2-.Ltmp0, $4  }
0x11e: {  	[spmem:s1] =	stream.indirect.scatter.add.f32 [tilespmem:s18], [sflag:$0x1], $0x10, s29, s23, $0xb8;
	[tilespmem:$0xA230] =	vst v63  }
0x11f: {  	_ =	swait.ge [sflag:s19], $0x500  }
0x120: {  	[sflag:s19] =	ssyncset.done $0x0  }
0x121: {  	s28 =	sadd.s32 $0x140, s28;
	[sflag:s19] =	ssyncadd.s32 $0xFFFFFB00  }
0x122: {  	s26 =	sadd.s32 $0x1, s26  }
0x123: {  	p0 =	sne.s32 s26, s17  }
.Ltmp1:
0x124: {  	[bflag:$0x0] =	sbarrier.arrive $0xFFFF;
	(pc) =	sbr.rel @p0 .LBB2_1-.Ltmp1, $4  }
0x125: {  	[hbm:s16], [sflag:s24] =	dma.local [spmem:s25], $0x500  }
0x126: {  	_ =	swait.ge [sflag:s19], $0x500  }
0x127: {  	[sflag:s19] =	ssyncset.done $0x0  }
0x128: {  	[sflag:s19] =	ssyncadd.s32 $0xFFFFFB00  }
0x129: {  	_ =	sfence.sel $0x180000  }
0x12a: {  	[bflag:$0x0] =	sbarrier.arrive $0xFFFF  }
0x12b: {  	p0 =	sne.s32 s2, $0x0;
	_ =	strace $0x9000004A  }
0x12c: {  	s0 =	sadd.s32 @!p0 $0x100000, s0;
	[bflag:$0x2] =	sbarrier.arrive $0xFFFF  }
0x12d: {  	[sflag:s0] =	ssyncadd.tile.s32 @!p0 $0x1;
	_ =	shalt  }
.Lfunc_end2:
_tile_overlayer_lowered:
.L_overlay_start_2:
0x12e: {  	(tag) =	ssettag $0x2  }
0x12f: {  	s0 =	rddreg [dreg:$0x0];
	s2 =	stileid.u32  }
0x130: {  	s1 =	rddreg [dreg:$0x1];
	p0 =	sne.s32 s2, $0x0  }
0x131: {  	s3 =	rddreg [dreg:$0x2];
	[bflag:$0x3] =	sbarrier.arrive $0xFFFF;
	s2 =	simm.s32 @!p0 $0x1C01  }
0x132: {  	[timem:s3], [sflag:s2] =	dma.local @!p0 [hbm:s0], s1  }
0x133: {  	s0 =	simm.s32 @!p0 $0x1  }
0x134: {  	_ =	swait.ge @!p0 [sflag:s0], s1  }
0x135: {  	s1 =	ssub.s32 @!p0 $0x0, s1;
	[sflag:s0] =	ssyncset.done @!p0 $0x0  }
0x136: {  	[sflag:s0] =	ssyncadd.s32 @!p0 s1  }
0x137: {  	[bflag:$0x3] =	sbarrier.arrive $0xFFFF  }
0x138: {  	_ =	shalt  }

// kernel: kernel.14.cloned.1.call-start
scs
__scs_entry_jumppad:
0x0: {  	(pc) =	sbr.rel $0x88, $3  }
0x1: {  	(tag) =	ssettag $0x0;
	lr =	simm.s32 $0x1  }
0x2: {  	[smem:$0x3F9A] =	sst lr;
	_ =	strace $0xD0000000  }
0x3: {  	_ = 	snop  }
0x4: {  	_ = 	snop  }
0x5: {  	_ = 	snop  }
0x6: {  	_ = 	snop  }
0x7: {  	_ = 	snop  }
__scs_overlays_trampoline_lowered:
0x8: {  	[smem:$0x3FA9] =	sst s0  }
0x9: {  	[smem:$0x3FAA] =	sst s1  }
0xa: {  	[smem:$0x3FAB] =	sst s2  }
0xb: {  	[smem:$0x3FAC] =	sst s3  }
0xc: {  	[smem:$0x3FAD] =	sst s4  }
0xd: {  	[smem:$0x3FAE] =	sst s5  }
0xe: {  	[smem:$0x3FAF] =	sst s6  }
0xf: {  	[smem:$0x3FB0] =	sst s7  }
0x10: {  	[smem:$0x3FB1] =	sst s8  }
0x11: {  	[smem:$0x3FB2] =	sst s9;
	s0 =	simm.s32 @!p0 $0x0  }
0x12: {  	s1 =	sld [smem:$0x3F98];
	s0 =	simm.s32 @p0 $0x1  }
0x13: {  	[smem:$0x3FB3] =	sst s0;
	s0 =	simm.s32 @!p1 $0x0  }
0x14: {  	s2 =	sld [smem:$0x3F97];
	s0 =	simm.s32 @p1 $0x1  }
0x15: {  	[smem:$0x3FB4] =	sst s0;
	s0 =	simm.s32 @!p2 $0x0  }
0x16: {  	s3 =	sld [smem:$0x3FDB];
	s0 =	simm.s32 @p2 $0x1  }
0x17: {  	s4 =	simm.s32 $0x1BF5;
	[smem:$0x3FB6] =	sst s0  }
0x18: {  	s0 =	sld [smem:$0x3F99];
	_ =	swait.ge [sflag:s4], $0x0  }
0x19: {  	s7 =	sld [smem:$0x3F9A]  }
0x1a: {  	s8 =	sadd.s32 $0xFFFFE003, lr  }
0x1b: {  	s9 =	sadd.s32 $0xFFFFFEF7, lr;
	s5 =	simm.s32 $0xFFFFFFFF;
	p2 =	slt.u32 s8, $0xFFFFF086  }
0x1c: {  	p1 =	slt.u32 s9, $0xF7A;
	s5 =	simm.s32 @!p2 $0x0  }
0x1d: {  	s5 =	simm.s32 @p1 $0x1;
	p0 =	seq.s32 s7, s2  }
0x1e: {  	s7 =	smul.u32 @!p0 $0xF7A, s2;
	p2 =	seq.s32 @!p0 s5, $0x0  }
0x1f: {  	s9 =	smul.u32 $0xF7A, s1;
	s8 =	simm.s32 @!p0 $0x1BF5;
	p2 =	por !p2, p0  }
0x20: {  	[sflag:s8] =	ssyncset.s32 @!p0 $0xFFFFF086;
	s6 =	sadd.s32 @!p0 s3, s7;
	s7 =	simm.s32 @!p0 $0x108  }
0x21: {  	s3 =	sadd.s32 s3, s9;
	s6 =	sadd.s32 @!p0 $0x88, s6;
	s7 =	simm.s32 @p2 $0x1082  }
0x22: {  	[simem:s7], [sflag:s8] =	dma.local @!p0 [hbm:s6], $0xF7A  }
0x23: {  	s9 =	sor.u32 $0xD0000000, s2;
	s6 =	simm.s32 $0x108;
	_ =	swait.ge @!p0 [sflag:s8], $0x0  }
0x24: {  	s3 =	sadd.s32 $0x88, s3;
	s6 =	simm.s32 @!p1 $0x1082;
	[sflag:s4] =	ssyncset.s32 $0xFFFFF086  }
0x25: {  	[simem:s6], [sflag:s4] =	dma.local [hbm:s3], $0xF7A  }
0x26: {  	[smem:$0x3F9A] =	sst s1;
	(tag) =	ssettag s2;
	_ =	strace s9  }
0x27: {  	s1 =	sld [smem:$0x3FAA]  }
0x28: {  	s2 =	sld [smem:$0x3FAB]  }
0x29: {  	s4 =	sld [smem:$0x3FAD]  }
0x2a: {  	p0 =	seq.s32 s5, $0x0;
	s5 =	sld [smem:$0x3FAE]  }
0x2b: {  	s6 =	sld [smem:$0x3FAF]  }
0x2c: {  	s7 =	sld [smem:$0x3FB0]  }
0x2d: {  	s3 =	simm.s32 $0x108;
	s8 =	sld [smem:$0x3FB1]  }
0x2e: {  	s3 =	simm.s32 @!p0 $0x1082;
	s9 =	sld [smem:$0x3FB2]  }
0x2f: {  	lr =	sadd.s32 s0, s3;
	s0 =	sld [smem:$0x3FA9]  }
0x30: {  	s3 =	sld [smem:$0x3FAC]  }
0x31: {  	[smem:$0x3FB5] =	sst s10  }
0x32: {  	s10 =	sld [smem:$0x3FB3];
	_ =	sdelay $0x3  }
0x33: {  	p0 =	seq.s32 s10, $0x1;
	s10 =	sld [smem:$0x3FB5];
	_ =	sdelay $0x3  }
0x34: {  	[smem:$0x3FB5] =	sst s10  }
0x35: {  	s10 =	sld [smem:$0x3FB4];
	_ =	sdelay $0x3  }
0x36: {  	p1 =	seq.s32 s10, $0x1;
	s10 =	sld [smem:$0x3FB5];
	_ =	sdelay $0x3  }
0x37: {  	[smem:$0x3FB5] =	sst s10  }
0x38: {  	s10 =	sld [smem:$0x3FB6]  }
0x39: {  	_ = 	snop;
	(pc) =	sbr.ind lr, $3  }
0x3a: {  	_ = 	snop  }
0x3b: {  	_ = 	snop  }
0x3c: {  	p2 =	seq.s32 s10, $0x1;
	s10 =	sld [smem:$0x3FB5]  }
0x3d: {  	_ =	shalt  }
0x3e: {  	_ =	shalt  }
0x3f: {  	_ =	shalt  }
0x40: {  	_ =	shalt  }
0x41: {  	_ =	shalt  }
0x42: {  	_ =	shalt  }
0x43: {  	_ =	shalt  }
0x44: {  	_ =	shalt  }
0x45: {  	_ =	shalt  }
0x46: {  	_ =	shalt  }
0x47: {  	_ =	shalt  }
0x48: {  	_ =	shalt  }
0x49: {  	_ =	shalt  }
0x4a: {  	_ =	shalt  }
0x4b: {  	_ =	shalt  }
0x4c: {  	_ =	shalt  }
0x4d: {  	_ =	shalt  }
0x4e: {  	_ =	shalt  }
0x4f: {  	_ =	shalt  }
0x50: {  	_ =	shalt  }
0x51: {  	_ =	shalt  }
0x52: {  	_ =	shalt  }
0x53: {  	_ =	shalt  }
0x54: {  	_ =	shalt  }
0x55: {  	_ =	shalt  }
0x56: {  	_ =	shalt  }
0x57: {  	_ =	shalt  }
0x58: {  	_ =	shalt  }
0x59: {  	_ =	shalt  }
0x5a: {  	_ =	shalt  }
0x5b: {  	_ =	shalt  }
0x5c: {  	_ =	shalt  }
0x5d: {  	_ =	shalt  }
0x5e: {  	_ =	shalt  }
0x5f: {  	_ =	shalt  }
0x60: {  	_ =	shalt  }
0x61: {  	_ =	shalt  }
0x62: {  	_ =	shalt  }
0x63: {  	_ =	shalt  }
0x64: {  	_ =	shalt  }
0x65: {  	_ =	shalt  }
0x66: {  	_ =	shalt  }
0x67: {  	_ =	shalt  }
0x68: {  	_ =	shalt  }
0x69: {  	_ =	shalt  }
0x6a: {  	_ =	shalt  }
0x6b: {  	_ =	shalt  }
0x6c: {  	_ =	shalt  }
0x6d: {  	_ =	shalt  }
0x6e: {  	_ =	shalt  }
0x6f: {  	_ =	shalt  }
0x70: {  	_ =	shalt  }
0x71: {  	_ =	shalt  }
0x72: {  	_ =	shalt  }
0x73: {  	_ =	shalt  }
0x74: {  	_ =	shalt  }
0x75: {  	_ =	shalt  }
0x76: {  	_ =	shalt  }
0x77: {  	_ =	shalt  }
0x78: {  	_ =	shalt  }
0x79: {  	_ =	shalt  }
0x7a: {  	_ =	shalt  }
0x7b: {  	_ =	shalt  }
0x7c: {  	_ =	shalt  }
0x7d: {  	_ =	shalt  }
0x7e: {  	_ =	shalt  }
0x7f: {  	_ =	shalt  }
0x80: {  	_ =	shalt  }
0x81: {  	_ =	shalt  }
0x82: {  	_ =	shalt  }
0x83: {  	_ =	shalt  }
0x84: {  	_ =	shalt  }
0x85: {  	_ =	shalt  }
0x86: {  	_ =	shalt  }
0x87: {  	_ =	shalt  }
.Lfunc_end0:
.L_simem_size_0:
called_computation.2_lowered:
.L_overlay_start_0:
0x88: {  	s2 =	sld [smem:$0x3FD9]  }
0x89: {  	s3 =	sld [smem:$0x3FFE];
	_ =	sdelay $0x1  }
0x8a: {  	s1 =	srdreg.scid  }
0x8b: {  	s0 =	sand.u32 $0x1, s1  }
0x8c: {  	s17 =	sshll.u32 s0, $0xA;
	s2 =	sadd.s32 s3, s2  }
0x8d: {  	s2 =	sadd.s32 s2, s17  }
0x8e: {  	[smem:$0x3FC1] =	sst s2  }
0x8f: {  	_ = 	snop  }
0x90: {  	s2 =	sld [smem:$0x3FC7]  }
0x91: {  	s18 =	sld [smem:$0x3FD0];
	(tm) =	ssettm $0x1  }
0x92: {  	s4 =	sld [smem:$0x3FFB];
	_ =	sdelay $0x3  }
0x93: {  	_ =	strace s4  }
0x94: {  	s4 =	sld [smem:$0x3FFC];
	_ =	sdelay $0x3  }
0x95: {  	_ =	strace s4  }
0x96: {  	s4 =	sld [smem:$0x3FFD];
	_ =	sdelay $0x3  }
0x97: {  	_ =	strace s4  }
0x98: {  	_ =	strace $0x8FFFFFFF  }
0x99: {  	s19 =	sld [smem:$0x3FDB];
	_ =	sdelay $0x1  }
0x9a: {  	s5 =	simm.s32 $_scs_section_size  }
0x9b: {  	s6 =	simm.s32 $_size__tile_overlayer_lowered;
	s7 =	simm.s32 $_tile_overlayer_lowered  }
0x9c: {  	s22 =	simm.s32 $0x1BFF;
	s21 =	sshll.u32 s7, $0x1;
	s4 =	sadd.s32 s5, s19  }
0x9d: {  	s8 =	simm.s32 $0x0;
	s20 =	sshll.u32 s6, $0x1;
	s6 =	sadd.s32 s21, s4  }
0x9e: {  	[timem:s8], [sflag:s22] =	dma.local [hbm:s6], s20  }
0x9f: {  	_ =	swait.ge [sflag:s22], s20  }
0xa0: {  	s5 =	ssub.s32 $0x0, s20;
	[sflag:s22] =	ssyncset.done $0x0  }
0xa1: {  	[sflag:s22] =	ssyncadd.s32 s5;
	_ =	sdelay $0x1  }
0xa2: {  	s23 =	simm.s32 $0x1B8B  }
0xa3: {  	_ =	swait.ge [sflag:s23], $0x1  }
0xa4: {  	[sflag:s23] =	ssyncset.done $0x0  }
0xa5: {  	s25 =	simm.s32 $0x1B8E;
	s24 =	sld [smem:$0x3FFE];
	[sflag:s23] =	ssyncadd.s32 $0xFFFFFFFF  }
0xa6: {  	s26 =	simm.s32 $execute0_lowered;
	[smem:$0x3FD2] =	sst s25  }
0xa7: {  	s6 =	sshll.u32 s26, $0x1;
	_ =	strace $0x8000004C;
	[dreg:$0x1] =	wrdreg $0xFFFFFFFF  }
0xa8: {  	s28 =	simm.s32 $_size_execute0_lowered;
	s4 =	sadd.s32 s4, s6;
	[dreg:$0x0] =	wrdreg $0x0  }
0xa9: {  	s6 =	sshll.u32 s28, $0x1;
	[dreg:$0x2] =	wrdreg s4  }
0xaa: {  	[dreg:$0x3] =	wrdreg s6  }
0xab: {  	[dreg:$0x4] =	wrdreg $0xC0  }
0xac: {  	_ =	task [dreg:s8], $0x5FFFF  }
0xad: {  	[dreg:$0x1] =	wrdreg $0xFFFFFFFF  }
0xae: {  	[dreg:$0x0] =	wrdreg $0x60  }
0xaf: {  	[dreg:$0x2] =	wrdreg s24  }
0xb0: {  	[dreg:$0x3] =	wrdreg s2  }
0xb1: {  	[dreg:$0x4] =	wrdreg s18  }
0xb2: {  	[dreg:$0x5] =	wrdreg $0x0  }
0xb3: {  	[dreg:$0x6] =	wrdreg $0x9  }
0xb4: {  	_ =	task.clear_ibuf [dreg:s8], $0x7FFFF;
	_ =	strace $0x9000004C  }
0xb5: {  	s29 =	simm.s32 $0x9;
	_ =	strace $0x8000004E  }
0xb6: {  	_ =	swait.ge [sflag:s29], $0x1  }
0xb7: {  	[sflag:s29] =	ssyncadd.s32 $0xFFFFFFFF  }
0xb8: {  	_ =	strace $0x9000004E  }
0xb9: {  	_ =	sfence  }
0xba: {  	s30 =	sld [smem:$0x0];
	_ =	sdelay $0x2  }
0xbb: {  	s31 =	sshll.u32 s1, $0xD;
	s1 =	sshrl.u32 s1, $0x2  }
0xbc: {  	s3 =	sand.u32 $0x4000, s31;
	s1 =	sadd.s32 s1, s30  }
0xbd: {  	s0 =	sor.u32 s3, s0;
	s1 =	sshll.u32 s1, $0x11  }
0xbe: {  	s0 =	sor.u32 s1, s0  }
0xbf: {  	s0 =	sadd.s32 $0x8F2B, s0  }
0xc0: {  	[sflag:s0] =	ssyncadd.remote.s32 $0x1  }
0xc1: {  	_ =	sfence.sel $0xFFFF  }
0xc2: {  	[dreg:$0x0] =	wrdreg $0xFFFFFFFF;
	(pc) =	sbr.abs _section_cstart, $3  }
0xc3: {  	[dreg:$0x1] =	wrdreg $0xFFFFFFFF  }
0xc4: {  	_ =	task.clear_ibuf [dreg:s8], $0x2FFFF;
	_ =	strace $0x9FFFFFFF  }
0xc5: {  	(tm) =	ssettm $0x7FFFFFFF  }
tec
execute0_lowered:
.L_overlay_start_1:
0x0: {  	(tag) =	ssettag $0x1  }
0x1: {  	s5 =	rddreg [dreg:$0x0]  }
0x2: {  	s15 =	rddreg [dreg:$0x1]  }
0x3: {  	s16 =	rddreg [dreg:$0x2]  }
0x4: {  	s1 =	rddreg [dreg:$0x3]  }
0x5: {  	s2 =	srdreg.scid;
	s0 =	rddreg [dreg:$0x4]  }
0x6: {  	s3 =	simm.s32 $0x0;
	s21 =	simm.s32 $0x4F10;
	s22 =	simm.s32 $0x7620  }
0x7: {  	s23 =	simm.s32 $0x50;
	s7 =	sand.u32 $0x1, s2;
	s2 =	stileid.u32  }
0x8: {  	s26 =	simm.s32 $0x0;
	[smem:$0x7FF] =	sst s3;
	s6 =	smul.u32 $0xA000, s2  }
0x9: {  	s4 =	sshll.u32 s7, $0x4;
	_ =	strace $0x8000004D;
	s19 =	smul.u32 $0x28000, s7  }
0xa: {  	s8 =	ssub.s32 $0x2, s7;
	s20 =	smul.u32 $0x2800, s2;
	s24 =	sshll.u32 s2, $0x6  }
0xb: {  	s4 =	sor.u32 s2, s4;
	s9 =	sshrl.u32 s8, $0x1;
	s24 =	sor.u32 $0x1C01, s24  }
0xc: {  	s17 =	smul.u32 $0x4E2, s4;
	s4 =	sadd.s32 $0x1800, s5;
	s6 =	sshrl.u32 s6, $0x2  }
0xd: {  	s18 =	ssub.s32 s8, s9;
	s19 =	sadd.s32 s20, s19;
	s20 =	simm.s32 $0x2800  }
0xe: {  	s31 =	sshrl.u32 s19, $0x3;
	s19 =	simm.s32 $0x1;
	s14 =	sadd.s32 s17, s5  }
0xf: {  	s5 =	sadd.s32 s6, s1;
	s15 =	sadd.s32 s15, s17;
	s16 =	sadd.s32 s16, s31  }
0x10: {  	s17 =	smax.u32 s18, $0x1;
	s18 =	simm.s32 $0x9D30;
	s6 =	sadd.s32 $0x500, s5  }
0x11: {  	s7 =	sadd.s32 $0xA00, s5;
	s8 =	sadd.s32 $0xF00, s5;
	s9 =	sadd.s32 $0x1400, s5  }
0x12: {  	s10 =	sadd.s32 $0x1900, s5;
	s11 =	sadd.s32 $0x1E00, s5;
	s12 =	sadd.s32 $0x2300, s5  }
0x13: {  	v0 =	vimm.f32 $0.0e+00;
	s13 =	sadd.s32 $0x11800, s14;
	s14 =	sadd.s32 $0x1B600, s14;
	s25 =	sshrl.u32 s5, $0x3  }
.LBB2_1:
0x14: {  	[tilespmem:$0x9D30] =	vst v0  }
0x15: {  	[tilespmem:$0x9D40] =	vst v0  }
0x16: {  	[tilespmem:$0x9D50] =	vst v0  }
0x17: {  	[tilespmem:$0x9D60] =	vst v0  }
0x18: {  	[tilespmem:$0x9D70] =	vst v0  }
0x19: {  	[tilespmem:$0x9D80] =	vst v0  }
0x1a: {  	[tilespmem:$0x9D90] =	vst v0  }
0x1b: {  	[tilespmem:$0x9DA0] =	vst v0  }
0x1c: {  	[tilespmem:$0x9DB0] =	vst v0  }
0x1d: {  	[tilespmem:$0x9DC0] =	vst v0  }
0x1e: {  	[tilespmem:$0x9DD0] =	vst v0  }
0x1f: {  	[tilespmem:$0x9DE0] =	vst v0  }
0x20: {  	[tilespmem:$0x9DF0] =	vst v0  }
0x21: {  	[tilespmem:$0x9E00] =	vst v0  }
0x22: {  	[tilespmem:$0x9E10] =	vst v0  }
0x23: {  	[tilespmem:$0x9E20] =	vst v0  }
0x24: {  	[tilespmem:$0x9E30] =	vst v0  }
0x25: {  	[tilespmem:$0x9E40] =	vst v0  }
0x26: {  	[tilespmem:$0x9E50] =	vst v0  }
0x27: {  	[tilespmem:$0x9E60] =	vst v0  }
0x28: {  	[tilespmem:$0x9E70] =	vst v0  }
0x29: {  	[tilespmem:$0x9E80] =	vst v0  }
0x2a: {  	[tilespmem:$0x9E90] =	vst v0  }
0x2b: {  	[tilespmem:$0x9EA0] =	vst v0  }
0x2c: {  	[tilespmem:$0x9EB0] =	vst v0  }
0x2d: {  	[tilespmem:$0x9EC0] =	vst v0  }
0x2e: {  	[tilespmem:$0x9ED0] =	vst v0  }
0x2f: {  	[tilespmem:$0x9EE0] =	vst v0  }
0x30: {  	[tilespmem:$0x9EF0] =	vst v0  }
0x31: {  	[tilespmem:$0x9F00] =	vst v0  }
0x32: {  	[tilespmem:$0x9F10] =	vst v0  }
0x33: {  	[tilespmem:$0x9F20] =	vst v0  }
0x34: {  	[tilespmem:$0x9F30] =	vst v0  }
0x35: {  	[tilespmem:$0x9F40] =	vst v0  }
0x36: {  	[tilespmem:$0x9F50] =	vst v0  }
0x37: {  	[tilespmem:$0x9F60] =	vst v0  }
0x38: {  	[tilespmem:$0x9F70] =	vst v0  }
0x39: {  	[tilespmem:$0x9F80] =	vst v0  }
0x3a: {  	[tilespmem:$0x9F90] =	vst v0  }
0x3b: {  	[tilespmem:$0x9FA0] =	vst v0  }
0x3c: {  	[tilespmem:$0x9FB0] =	vst v0  }
0x3d: {  	[tilespmem:$0x9FC0] =	vst v0  }
0x3e: {  	[tilespmem:$0x9FD0] =	vst v0  }
0x3f: {  	[tilespmem:$0x9FE0] =	vst v0  }
0x40: {  	[tilespmem:$0x9FF0] =	vst v0  }
0x41: {  	[tilespmem:$0xA000] =	vst v0  }
0x42: {  	[tilespmem:$0xA010] =	vst v0  }
0x43: {  	[tilespmem:$0xA020] =	vst v0  }
0x44: {  	[tilespmem:$0xA030] =	vst v0  }
0x45: {  	[tilespmem:$0xA040] =	vst v0  }
0x46: {  	[tilespmem:$0xA050] =	vst v0  }
0x47: {  	[tilespmem:$0xA060] =	vst v0  }
0x48: {  	[tilespmem:$0xA070] =	vst v0  }
0x49: {  	[tilespmem:$0xA080] =	vst v0  }
0x4a: {  	[tilespmem:$0xA090] =	vst v0  }
0x4b: {  	[tilespmem:$0xA0A0] =	vst v0  }
0x4c: {  	[tilespmem:$0xA0B0] =	vst v0  }
0x4d: {  	[tilespmem:$0xA0C0] =	vst v0  }
0x4e: {  	[tilespmem:$0xA0D0] =	vst v0  }
0x4f: {  	[tilespmem:$0xA0E0] =	vst v0  }
0x50: {  	[tilespmem:$0xA0F0] =	vst v0  }
0x51: {  	[tilespmem:$0xA100] =	vst v0  }
0x52: {  	[tilespmem:$0xA110] =	vst v0  }
0x53: {  	[tilespmem:$0xA120] =	vst v0  }
0x54: {  	[tilespmem:$0xA130] =	vst v0  }
0x55: {  	[tilespmem:$0xA140] =	vst v0  }
0x56: {  	[tilespmem:$0xA150] =	vst v0  }
0x57: {  	[tilespmem:$0xA160] =	vst v0  }
0x58: {  	[tilespmem:$0xA170] =	vst v0  }
0x59: {  	[tilespmem:$0xA180] =	vst v0  }
0x5a: {  	[tilespmem:$0xA190] =	vst v0  }
0x5b: {  	[tilespmem:$0xA1A0] =	vst v0  }
0x5c: {  	[tilespmem:$0xA1B0] =	vst v0  }
0x5d: {  	[tilespmem:$0xA1C0] =	vst v0  }
0x5e: {  	[tilespmem:$0xA1D0] =	vst v0  }
0x5f: {  	[tilespmem:$0xA1E0] =	vst v0  }
0x60: {  	[tilespmem:$0xA1F0] =	vst v0  }
0x61: {  	[tilespmem:$0xA200] =	vst v0  }
0x62: {  	[tilespmem:$0xA210] =	vst v0  }
0x63: {  	[tilespmem:$0xA220] =	vst v0  }
0x64: {  	[spmem:s5] =	stream.linear.scatter [tilespmem:s18], [sflag:$0x1], $0x500, $0x38;
	[tilespmem:$0xA230] =	vst v63  }
0x65: {  	_ =	swait.ge [sflag:s19], $0x500  }
0x66: {  	[sflag:s19] =	ssyncset.done $0x0  }
0x67: {  	[sflag:s19] =	ssyncadd.s32 $0xFFFFFB00  }
0x68: {  	[spmem:s6] =	stream.linear.scatter [tilespmem:s18], [sflag:$0x1], $0x500, $0x38;
	[tilespmem:$0xA230] =	vst v63  }
0x69: {  	_ =	swait.ge [sflag:s19], $0x500  }
0x6a: {  	[sflag:s19] =	ssyncset.done $0x0  }
0x6b: {  	[sflag:s19] =	ssyncadd.s32 $0xFFFFFB00  }
0x6c: {  	[spmem:s7] =	stream.linear.scatter [tilespmem:s18], [sflag:$0x1], $0x500, $0x38;
	[tilespmem:$0xA230] =	vst v63  }
0x6d: {  	_ =	swait.ge [sflag:s19], $0x500  }
0x6e: {  	[sflag:s19] =	ssyncset.done $0x0  }
0x6f: {  	[sflag:s19] =	ssyncadd.s32 $0xFFFFFB00  }
0x70: {  	[spmem:s8] =	stream.linear.scatter [tilespmem:s18], [sflag:$0x1], $0x500, $0x38;
	[tilespmem:$0xA230] =	vst v63  }
0x71: {  	_ =	swait.ge [sflag:s19], $0x500  }
0x72: {  	[sflag:s19] =	ssyncset.done $0x0  }
0x73: {  	[sflag:s19] =	ssyncadd.s32 $0xFFFFFB00  }
0x74: {  	[spmem:s9] =	stream.linear.scatter [tilespmem:s18], [sflag:$0x1], $0x500, $0x38;
	[tilespmem:$0xA230] =	vst v63  }
0x75: {  	_ =	swait.ge [sflag:s19], $0x500  }
0x76: {  	[sflag:s19] =	ssyncset.done $0x0  }
0x77: {  	[sflag:s19] =	ssyncadd.s32 $0xFFFFFB00  }
0x78: {  	[spmem:s10] =	stream.linear.scatter [tilespmem:s18], [sflag:$0x1], $0x500, $0x38;
	[tilespmem:$0xA230] =	vst v63  }
0x79: {  	_ =	swait.ge [sflag:s19], $0x500  }
0x7a: {  	[sflag:s19] =	ssyncset.done $0x0  }
0x7b: {  	[sflag:s19] =	ssyncadd.s32 $0xFFFFFB00  }
0x7c: {  	[spmem:s11] =	stream.linear.scatter [tilespmem:s18], [sflag:$0x1], $0x500, $0x38;
	[tilespmem:$0xA230] =	vst v63  }
0x7d: {  	_ =	swait.ge [sflag:s19], $0x500  }
0x7e: {  	[sflag:s19] =	ssyncset.done $0x0  }
0x7f: {  	[sflag:s19] =	ssyncadd.s32 $0xFFFFFB00  }
0x80: {  	[spmem:s12] =	stream.linear.scatter [tilespmem:s18], [sflag:$0x1], $0x500, $0x38;
	[tilespmem:$0xA230] =	vst v63  }
0x81: {  	_ =	swait.ge [sflag:s19], $0x500  }
0x82: {  	[sflag:s19] =	ssyncset.done $0x0  }
0x83: {  	[sflag:s19] =	ssyncadd.s32 $0xFFFFFB00  }
0x84: {  	[tilespmem:s20], [sflag:$0x1] =	stream.linear.gather [hbm4b:s13+s3], $0x2710, $0x38;
	[tilespmem:$0xA230] =	vst v63  }
0x85: {  	_ =	swait.ge [sflag:s19], $0x2710  }
0x86: {  	[sflag:s19] =	ssyncset.done $0x0  }
0x87: {  	[sflag:s19] =	ssyncadd.s32 $0xFFFFD8F0  }
0x88: {  	[tilespmem:s21], [sflag:$0x1] =	stream.linear.gather [hbm4b:s14+s3], $0x2710, $0x38;
	[tilespmem:$0xA230] =	vst v63  }
0x89: {  	_ =	swait.ge [sflag:s19], $0x2710  }
0x8a: {  	[sflag:s19] =	ssyncset.done $0x0  }
0x8b: {  	[sflag:s19] =	ssyncadd.s32 $0xFFFFD8F0  }
0x8c: {  	[tilespmem:s22], [sflag:$0x1] =	stream.linear.gather [hbm4b:s15+s3], $0x2710, $0x38;
	[tilespmem:$0xA230] =	vst v63  }
0x8d: {  	_ =	swait.ge [sflag:s19], $0x2710  }
0x8e: {  	[sflag:s19] =	ssyncset.done $0x0  }
0x8f: {  	[sflag:s19] =	ssyncadd.s32 $0xFFFFD8F0  }
0x90: {  	s28 =	simm.s32 $0x0;
	[bflag:$0x0] =	sbarrier.arrive $0xFFFF  }
.LBB2_2:
0x91: {  	s29 =	sshra.s32 s28, $0x2  }
0x92: {  	s30 =	sadd.s32 $0x2800, s29  }
0x93: {  	[tilespmem:s18], [sflag:$0x1] =	stream.indirect.gather [hbm4b:s4+s23], $0x10, s30, s23, $0xb8;
	[tilespmem:$0xA230] =	vst v63  }
0x94: {  	_ =	swait.ge [sflag:s19], $0x500  }
0x95: {  	[sflag:s19] =	ssyncset.done $0x0  }
0x96: {  	[sflag:s19] =	ssyncadd.s32 $0xFFFFFB00  }
0x97: {  	v1 =	vld [tilespmem:s29+$0x7620];
	_ =	sdelay $0x4  }
0x98: {  	v5 =	vbroadcast v1, $0x0  }
0x99: {  	v7 =	vbroadcast v1, $0x1;
	v30 =	vbroadcast v1, $0x2  }
0x9a: {  	v31 =	vbroadcast v1, $0x3;
	v32 =	vbroadcast v1, $0x4  }
0x9b: {  	v2 =	vld [tilespmem:$0x9D30];
	v34 =	vbroadcast v1, $0x5;
	v36 =	vbroadcast v1, $0x6  }
0x9c: {  	v3 =	vld [tilespmem:$0x9D40];
	v38 =	vbroadcast v1, $0x7;
	v40 =	vbroadcast v1, $0x8  }
0x9d: {  	v49 =	vld [tilespmem:$0x9E20];
	v42 =	vbroadcast v1, $0x9;
	v44 =	vbroadcast v1, $0xA  }
0x9e: {  	v4 =	vld [tilespmem:$0x9D50];
	v46 =	vbroadcast v1, $0xB;
	v48 =	vbroadcast v1, $0xC  }
0x9f: {  	v6 =	vld [tilespmem:$0x9D60];
	v50 =	vbroadcast v1, $0xD;
	v51 =	vbroadcast v1, $0xE  }
0xa0: {  	v8 =	vld [tilespmem:$0x9D70];
	v1 =	vbroadcast v1, $0xF;
	v2 =	vmul.f32 v5, v2  }
0xa1: {  	v9 =	vld [tilespmem:$0x9D80];
	v3 =	vmul.f32 v3, v7  }
0xa2: {  	v10 =	vld [tilespmem:$0x9D90];
	v1 =	vmul.f32 v49, v1;
	[tilespmem:$0x9D30] =	vst v2  }
0xa3: {  	v33 =	vld [tilespmem:$0x9DA0];
	v2 =	vmul.f32 v4, v30;
	[tilespmem:$0x9D40] =	vst v3  }
0xa4: {  	v35 =	vld [tilespmem:$0x9DB0];
	v3 =	vmul.f32 v6, v31;
	[tilespmem:$0x9E20] =	vst v1  }
0xa5: {  	v37 =	vld [tilespmem:$0x9DC0];
	[tilespmem:$0x9D50] =	vst v2;
	v2 =	vmul.f32 v8, v32  }
0xa6: {  	v39 =	vld [tilespmem:$0x9DD0];
	[tilespmem:$0x9D60] =	vst v3;
	v3 =	vmul.f32 v9, v34  }
0xa7: {  	v41 =	vld [tilespmem:$0x9DE0];
	[tilespmem:$0x9D70] =	vst v2;
	v2 =	vmul.f32 v10, v36  }
0xa8: {  	v43 =	vld [tilespmem:$0x9DF0];
	[tilespmem:$0x9D80] =	vst v3;
	v3 =	vmul.f32 v33, v38  }
0xa9: {  	v45 =	vld [tilespmem:$0x9E00];
	[tilespmem:$0x9D90] =	vst v2;
	v2 =	vmul.f32 v35, v40  }
0xaa: {  	v47 =	vld [tilespmem:$0x9E10];
	[tilespmem:$0x9DA0] =	vst v3;
	v3 =	vmul.f32 v37, v42  }
0xab: {  	[tilespmem:$0x9DB0] =	vst v2;
	v2 =	vmul.f32 v39, v44  }
0xac: {  	[tilespmem:$0x9DC0] =	vst v3;
	v3 =	vmul.f32 v41, v46  }
0xad: {  	[tilespmem:$0x9DD0] =	vst v2;
	v2 =	vmul.f32 v43, v48  }
0xae: {  	[tilespmem:$0x9DE0] =	vst v3;
	v3 =	vmul.f32 v45, v50  }
0xaf: {  	[tilespmem:$0x9DF0] =	vst v2;
	v2 =	vmul.f32 v47, v51  }
0xb0: {  	[tilespmem:$0x9E00] =	vst v3  }
0xb1: {  	[tilespmem:$0x9E10] =	vst v2  }
0xb2: {  	v1 =	vld [tilespmem:s29+$0x7630];
	_ =	sdelay $0x4  }
0xb3: {  	v53 =	vbroadcast v1, $0x0  }
0xb4: {  	v55 =	vbroadcast v1, $0x1;
	v57 =	vbroadcast v1, $0x2  }
0xb5: {  	v59 =	vbroadcast v1, $0x3;
	v61 =	vbroadcast v1, $0x4  }
0xb6: {  	v2 =	vld [tilespmem:$0x9E30];
	v63 =	vbroadcast v1, $0x5;
	v13 =	vbroadcast v1, $0x6  }
0xb7: {  	v3 =	vld [tilespmem:$0x9E40];
	v15 =	vbroadcast v1, $0x7;
	v17 =	vbroadcast v1, $0x8  }
0xb8: {  	v26 =	vld [tilespmem:$0x9F20];
	v19 =	vbroadcast v1, $0x9;
	v21 =	vbroadcast v1, $0xA  }
0xb9: {  	v52 =	vld [tilespmem:$0x9E50];
	v23 =	vbroadcast v1, $0xB;
	v25 =	vbroadcast v1, $0xC  }
0xba: {  	v54 =	vld [tilespmem:$0x9E60];
	v27 =	vbroadcast v1, $0xD;
	v28 =	vbroadcast v1, $0xE  }
0xbb: {  	v56 =	vld [tilespmem:$0x9E70];
	v1 =	vbroadcast v1, $0xF;
	v2 =	vmul.f32 v53, v2  }
0xbc: {  	v58 =	vld [tilespmem:$0x9E80];
	v3 =	vmul.f32 v3, v55  }
0xbd: {  	v60 =	vld [tilespmem:$0x9E90];
	v1 =	vmul.f32 v26, v1;
	[tilespmem:$0x9E30] =	vst v2  }
0xbe: {  	v62 =	vld [tilespmem:$0x9EA0];
	v2 =	vmul.f32 v52, v57;
	[tilespmem:$0x9E40] =	vst v3  }
0xbf: {  	v12 =	vld [tilespmem:$0x9EB0];
	v3 =	vmul.f32 v54, v59;
	[tilespmem:$0x9F20] =	vst v1  }
0xc0: {  	v14 =	vld [tilespmem:$0x9EC0];
	[tilespmem:$0x9E50] =	vst v2;
	v2 =	vmul.f32 v56, v61  }
0xc1: {  	v16 =	vld [tilespmem:$0x9ED0];
	[tilespmem:$0x9E60] =	vst v3;
	v3 =	vmul.f32 v58, v63  }
0xc2: {  	v18 =	vld [tilespmem:$0x9EE0];
	[tilespmem:$0x9E70] =	vst v2;
	v2 =	vmul.f32 v60, v13  }
0xc3: {  	v20 =	vld [tilespmem:$0x9EF0];
	[tilespmem:$0x9E80] =	vst v3;
	v3 =	vmul.f32 v62, v15  }
0xc4: {  	v22 =	vld [tilespmem:$0x9F00];
	[tilespmem:$0x9E90] =	vst v2;
	v2 =	vmul.f32 v12, v17  }
0xc5: {  	v24 =	vld [tilespmem:$0x9F10];
	[tilespmem:$0x9EA0] =	vst v3;
	v3 =	vmul.f32 v14, v19  }
0xc6: {  	[tilespmem:$0x9EB0] =	vst v2;
	v2 =	vmul.f32 v16, v21  }
0xc7: {  	[tilespmem:$0x9EC0] =	vst v3;
	v3 =	vmul.f32 v18, v23  }
0xc8: {  	[tilespmem:$0x9ED0] =	vst v2;
	v2 =	vmul.f32 v20, v25  }
0xc9: {  	[tilespmem:$0x9EE0] =	vst v3;
	v3 =	vmul.f32 v22, v27  }
0xca: {  	[tilespmem:$0x9EF0] =	vst v2;
	v2 =	vmul.f32 v24, v28  }
0xcb: {  	[tilespmem:$0x9F00] =	vst v3  }
0xcc: {  	[tilespmem:$0x9F10] =	vst v2  }
0xcd: {  	v1 =	vld [tilespmem:s29+$0x7640];
	_ =	sdelay $0x4  }
0xce: {  	v30 =	vbroadcast v1, $0x0  }
0xcf: {  	v32 =	vbroadcast v1, $0x1;
	v34 =	vbroadcast v1, $0x2  }
0xd0: {  	v36 =	vbroadcast v1, $0x3;
	v38 =	vbroadcast v1, $0x4  }
0xd1: {  	v2 =	vld [tilespmem:$0x9F30];
	v40 =	vbroadcast v1, $0x5;
	v42 =	vbroadcast v1, $0x6  }
0xd2: {  	v3 =	vld [tilespmem:$0x9F40];
	v44 =	vbroadcast v1, $0x7;
	v46 =	vbroadcast v1, $0x8  }
0xd3: {  	v55 =	vld [tilespmem:$0xA020];
	v48 =	vbroadcast v1, $0x9;
	v50 =	vbroadcast v1, $0xA  }
0xd4: {  	v29 =	vld [tilespmem:$0x9F50];
	v52 =	vbroadcast v1, $0xB;
	v54 =	vbroadcast v1, $0xC  }
0xd5: {  	v31 =	vld [tilespmem:$0x9F60];
	v56 =	vbroadcast v1, $0xD;
	v57 =	vbroadcast v1, $0xE  }
0xd6: {  	v33 =	vld [tilespmem:$0x9F70];
	v1 =	vbroadcast v1, $0xF;
	v2 =	vmul.f32 v30, v2  }
0xd7: {  	v35 =	vld [tilespmem:$0x9F80];
	v3 =	vmul.f32 v3, v32  }
0xd8: {  	v37 =	vld [tilespmem:$0x9F90];
	v1 =	vmul.f32 v55, v1;
	[tilespmem:$0x9F30] =	vst v2  }
0xd9: {  	v39 =	vld [tilespmem:$0x9FA0];
	v2 =	vmul.f32 v29, v34;
	[tilespmem:$0x9F40] =	vst v3  }
0xda: {  	v41 =	vld [tilespmem:$0x9FB0];
	v3 =	vmul.f32 v31, v36;
	[tilespmem:$0xA020] =	vst v1  }
0xdb: {  	v43 =	vld [tilespmem:$0x9FC0];
	[tilespmem:$0x9F50] =	vst v2;
	v2 =	vmul.f32 v33, v38  }
0xdc: {  	v45 =	vld [tilespmem:$0x9FD0];
	[tilespmem:$0x9F60] =	vst v3;
	v3 =	vmul.f32 v35, v40  }
0xdd: {  	v47 =	vld [tilespmem:$0x9FE0];
	[tilespmem:$0x9F70] =	vst v2;
	v2 =	vmul.f32 v37, v42  }
0xde: {  	v49 =	vld [tilespmem:$0x9FF0];
	[tilespmem:$0x9F80] =	vst v3;
	v3 =	vmul.f32 v39, v44  }
0xdf: {  	v51 =	vld [tilespmem:$0xA000];
	[tilespmem:$0x9F90] =	vst v2;
	v2 =	vmul.f32 v41, v46  }
0xe0: {  	v53 =	vld [tilespmem:$0xA010];
	[tilespmem:$0x9FA0] =	vst v3;
	v3 =	vmul.f32 v43, v48  }
0xe1: {  	[tilespmem:$0x9FB0] =	vst v2;
	v2 =	vmul.f32 v45, v50  }
0xe2: {  	[tilespmem:$0x9FC0] =	vst v3;
	v3 =	vmul.f32 v47, v52  }
0xe3: {  	[tilespmem:$0x9FD0] =	vst v2;
	v2 =	vmul.f32 v49, v54  }
0xe4: {  	[tilespmem:$0x9FE0] =	vst v3;
	v3 =	vmul.f32 v51, v56  }
0xe5: {  	[tilespmem:$0x9FF0] =	vst v2;
	v2 =	vmul.f32 v53, v57  }
0xe6: {  	[tilespmem:$0xA000] =	vst v3  }
0xe7: {  	[tilespmem:$0xA010] =	vst v2  }
0xe8: {  	v1 =	vld [tilespmem:s29+$0x7650];
	_ =	sdelay $0x4  }
0xe9: {  	v59 =	vbroadcast v1, $0x0  }
0xea: {  	v61 =	vbroadcast v1, $0x1;
	v63 =	vbroadcast v1, $0x2  }
0xeb: {  	v13 =	vbroadcast v1, $0x3;
	v15 =	vbroadcast v1, $0x4  }
0xec: {  	v2 =	vld [tilespmem:$0xA030];
	v17 =	vbroadcast v1, $0x5;
	v19 =	vbroadcast v1, $0x6  }
0xed: {  	v3 =	vld [tilespmem:$0xA040];
	v21 =	vbroadcast v1, $0x7;
	v23 =	vbroadcast v1, $0x8  }
0xee: {  	v32 =	vld [tilespmem:$0xA120];
	v25 =	vbroadcast v1, $0x9;
	v27 =	vbroadcast v1, $0xA  }
0xef: {  	v58 =	vld [tilespmem:$0xA050];
	v29 =	vbroadcast v1, $0xB;
	v31 =	vbroadcast v1, $0xC  }
0xf0: {  	v60 =	vld [tilespmem:$0xA060];
	v33 =	vbroadcast v1, $0xD;
	v34 =	vbroadcast v1, $0xE  }
0xf1: {  	v62 =	vld [tilespmem:$0xA070];
	v1 =	vbroadcast v1, $0xF;
	v2 =	vmul.f32 v59, v2  }
0xf2: {  	v12 =	vld [tilespmem:$0xA080];
	v3 =	vmul.f32 v3, v61  }
0xf3: {  	v14 =	vld [tilespmem:$0xA090];
	v1 =	vmul.f32 v32, v1;
	[tilespmem:$0xA030] =	vst v2  }
0xf4: {  	v16 =	vld [tilespmem:$0xA0A0];
	v2 =	vmul.f32 v58, v63;
	[tilespmem:$0xA040] =	vst v3  }
0xf5: {  	v18 =	vld [tilespmem:$0xA0B0];
	v3 =	vmul.f32 v60, v13;
	[tilespmem:$0xA120] =	vst v1  }
0xf6: {  	v20 =	vld [tilespmem:$0xA0C0];
	[tilespmem:$0xA050] =	vst v2;
	v2 =	vmul.f32 v62, v15  }
0xf7: {  	v22 =	vld [tilespmem:$0xA0D0];
	[tilespmem:$0xA060] =	vst v3;
	v3 =	vmul.f32 v12, v17  }
0xf8: {  	v24 =	vld [tilespmem:$0xA0E0];
	[tilespmem:$0xA070] =	vst v2;
	v2 =	vmul.f32 v14, v19  }
0xf9: {  	v26 =	vld [tilespmem:$0xA0F0];
	[tilespmem:$0xA080] =	vst v3;
	v3 =	vmul.f32 v16, v21  }
0xfa: {  	v28 =	vld [tilespmem:$0xA100];
	[tilespmem:$0xA090] =	vst v2;
	v2 =	vmul.f32 v18, v23  }
0xfb: {  	v30 =	vld [tilespmem:$0xA110];
	[tilespmem:$0xA0A0] =	vst v3;
	v3 =	vmul.f32 v20, v25  }
0xfc: {  	[tilespmem:$0xA0B0] =	vst v2;
	v2 =	vmul.f32 v22, v27  }
0xfd: {  	[tilespmem:$0xA0C0] =	vst v3;
	v3 =	vmul.f32 v24, v29  }
0xfe: {  	[tilespmem:$0xA0D0] =	vst v2;
	v2 =	vmul.f32 v26, v31  }
0xff: {  	[tilespmem:$0xA0E0] =	vst v3;
	v3 =	vmul.f32 v28, v33  }
0x100: {  	[tilespmem:$0xA0F0] =	vst v2;
	v2 =	vmul.f32 v30, v34  }
0x101: {  	[tilespmem:$0xA100] =	vst v3  }
0x102: {  	[tilespmem:$0xA110] =	vst v2  }
0x103: {  	v1 =	vld [tilespmem:s29+$0x7660];
	_ =	sdelay $0x4  }
0x104: {  	v36 =	vbroadcast v1, $0x0  }
0x105: {  	v38 =	vbroadcast v1, $0x1;
	v40 =	vbroadcast v1, $0x2  }
0x106: {  	v42 =	vbroadcast v1, $0x3;
	v44 =	vbroadcast v1, $0x4  }
0x107: {  	v2 =	vld [tilespmem:$0xA130];
	v46 =	vbroadcast v1, $0x5;
	v48 =	vbroadcast v1, $0x6  }
0x108: {  	v3 =	vld [tilespmem:$0xA140];
	v50 =	vbroadcast v1, $0x7;
	v52 =	vbroadcast v1, $0x8  }
0x109: {  	v61 =	vld [tilespmem:$0xA220];
	v54 =	vbroadcast v1, $0x9;
	v56 =	vbroadcast v1, $0xA  }
0x10a: {  	v35 =	vld [tilespmem:$0xA150];
	v58 =	vbroadcast v1, $0xB;
	v60 =	vbroadcast v1, $0xC  }
0x10b: {  	v37 =	vld [tilespmem:$0xA160];
	v62 =	vbroadcast v1, $0xD;
	v63 =	vbroadcast v1, $0xE  }
0x10c: {  	v39 =	vld [tilespmem:$0xA170];
	v1 =	vbroadcast v1, $0xF;
	v2 =	vmul.f32 v36, v2  }
0x10d: {  	v41 =	vld [tilespmem:$0xA180];
	v3 =	vmul.f32 v3, v38  }
0x10e: {  	v43 =	vld [tilespmem:$0xA190];
	v1 =	vmul.f32 v61, v1;
	[tilespmem:$0xA130] =	vst v2  }
0x10f: {  	v45 =	vld [tilespmem:$0xA1A0];
	v2 =	vmul.f32 v35, v40;
	[tilespmem:$0xA140] =	vst v3  }
0x110: {  	v47 =	vld [tilespmem:$0xA1B0];
	v3 =	vmul.f32 v37, v42;
	[tilespmem:$0xA220] =	vst v1  }
0x111: {  	v49 =	vld [tilespmem:$0xA1C0];
	[tilespmem:$0xA150] =	vst v2;
	v2 =	vmul.f32 v39, v44  }
0x112: {  	v51 =	vld [tilespmem:$0xA1D0];
	[tilespmem:$0xA160] =	vst v3;
	v3 =	vmul.f32 v41, v46  }
0x113: {  	v53 =	vld [tilespmem:$0xA1E0];
	[tilespmem:$0xA170] =	vst v2;
	v2 =	vmul.f32 v43, v48  }
0x114: {  	v55 =	vld [tilespmem:$0xA1F0];
	[tilespmem:$0xA180] =	vst v3;
	v3 =	vmul.f32 v45, v50  }
0x115: {  	v57 =	vld [tilespmem:$0xA200];
	[tilespmem:$0xA190] =	vst v2;
	v2 =	vmul.f32 v47, v52  }
0x116: {  	v59 =	vld [tilespmem:$0xA210];
	[tilespmem:$0xA1A0] =	vst v3;
	v3 =	vmul.f32 v49, v54  }
0x117: {  	[tilespmem:$0xA1B0] =	vst v2;
	v2 =	vmul.f32 v51, v56  }
0x118: {  	[tilespmem:$0xA1C0] =	vst v3;
	v3 =	vmul.f32 v53, v58  }
0x119: {  	[tilespmem:$0xA1D0] =	vst v2;
	v2 =	vmul.f32 v55, v60  }
0x11a: {  	[tilespmem:$0xA1E0] =	vst v3;
	v3 =	vmul.f32 v57, v62  }
0x11b: {  	[tilespmem:$0xA1F0] =	vst v2;
	v2 =	vmul.f32 v59, v63  }
0x11c: {  	p0 =	sne.s32 s28, $0x9B00;
	[tilespmem:$0xA200] =	vst v3  }
.Ltmp0:
0x11d: {  	s29 =	sadd.s32 $0x4F10, s29;
	[tilespmem:$0xA210] =	vst v2;
	(pc) =	sbr.rel @p0 .LBB2_2-.Ltmp0, $4  }
0x11e: {  	[spmem:s1] =	stream.indirect.scatter.add.f32 [tilespmem:s18], [sflag:$0x1], $0x10, s29, s23, $0xb8;
	[tilespmem:$0xA230] =	vst v63  }
0x11f: {  	_ =	swait.ge [sflag:s19], $0x500  }
0x120: {  	[sflag:s19] =	ssyncset.done $0x0  }
0x121: {  	s28 =	sadd.s32 $0x140, s28;
	[sflag:s19] =	ssyncadd.s32 $0xFFFFFB00  }
0x122: {  	s26 =	sadd.s32 $0x1, s26  }
0x123: {  	p0 =	sne.s32 s26, s17  }
.Ltmp1:
0x124: {  	[bflag:$0x0] =	sbarrier.arrive $0xFFFF;
	(pc) =	sbr.rel @p0 .LBB2_1-.Ltmp1, $4  }
0x125: {  	[hbm:s16], [sflag:s24] =	dma.local [spmem:s25], $0x500  }
0x126: {  	_ =	swait.ge [sflag:s19], $0x500  }
0x127: {  	[sflag:s19] =	ssyncset.done $0x0  }
0x128: {  	[sflag:s19] =	ssyncadd.s32 $0xFFFFFB00  }
0x129: {  	_ =	sfence.sel $0x180000  }
0x12a: {  	[bflag:$0x0] =	sbarrier.arrive $0xFFFF  }
0x12b: {  	p0 =	sne.s32 s2, $0x0;
	_ =	strace $0x9000004D  }
0x12c: {  	s0 =	sadd.s32 @!p0 $0x100000, s0;
	[bflag:$0x2] =	sbarrier.arrive $0xFFFF  }
0x12d: {  	[sflag:s0] =	ssyncadd.tile.s32 @!p0 $0x1;
	_ =	shalt  }
.Lfunc_end2:
_tile_overlayer_lowered:
.L_overlay_start_2:
0x12e: {  	(tag) =	ssettag $0x2  }
0x12f: {  	s0 =	rddreg [dreg:$0x0];
	s2 =	stileid.u32  }
0x130: {  	s1 =	rddreg [dreg:$0x1];
	p0 =	sne.s32 s2, $0x0  }
0x131: {  	s3 =	rddreg [dreg:$0x2];
	[bflag:$0x3] =	sbarrier.arrive $0xFFFF;
	s2 =	simm.s32 @!p0 $0x1C01  }
0x132: {  	[timem:s3], [sflag:s2] =	dma.local @!p0 [hbm:s0], s1  }
0x133: {  	s0 =	simm.s32 @!p0 $0x1  }
0x134: {  	_ =	swait.ge @!p0 [sflag:s0], s1  }
0x135: {  	s1 =	ssub.s32 @!p0 $0x0, s1;
	[sflag:s0] =	ssyncset.done @!p0 $0x0  }
0x136: {  	[sflag:s0] =	ssyncadd.s32 @!p0 s1  }
0x137: {  	[bflag:$0x3] =	sbarrier.arrive $0xFFFF  }
0x138: {  	_ =	shalt  }

// kernel: kernel.8.cloned.1.call-start
scs
__scs_entry_jumppad:
0x0: {  	(pc) =	sbr.rel $0x88, $3  }
0x1: {  	(tag) =	ssettag $0x0;
	lr =	simm.s32 $0x1  }
0x2: {  	[smem:$0x3F9A] =	sst lr;
	_ =	strace $0xD0000000  }
0x3: {  	_ = 	snop  }
0x4: {  	_ = 	snop  }
0x5: {  	_ = 	snop  }
0x6: {  	_ = 	snop  }
0x7: {  	_ = 	snop  }
__scs_overlays_trampoline_lowered:
0x8: {  	[smem:$0x3FA9] =	sst s0  }
0x9: {  	[smem:$0x3FAA] =	sst s1  }
0xa: {  	[smem:$0x3FAB] =	sst s2  }
0xb: {  	[smem:$0x3FAC] =	sst s3  }
0xc: {  	[smem:$0x3FAD] =	sst s4  }
0xd: {  	[smem:$0x3FAE] =	sst s5  }
0xe: {  	[smem:$0x3FAF] =	sst s6  }
0xf: {  	[smem:$0x3FB0] =	sst s7  }
0x10: {  	[smem:$0x3FB1] =	sst s8  }
0x11: {  	[smem:$0x3FB2] =	sst s9;
	s0 =	simm.s32 @!p0 $0x0  }
0x12: {  	s1 =	sld [smem:$0x3F98];
	s0 =	simm.s32 @p0 $0x1  }
0x13: {  	[smem:$0x3FB3] =	sst s0;
	s0 =	simm.s32 @!p1 $0x0  }
0x14: {  	s2 =	sld [smem:$0x3F97];
	s0 =	simm.s32 @p1 $0x1  }
0x15: {  	[smem:$0x3FB4] =	sst s0;
	s0 =	simm.s32 @!p2 $0x0  }
0x16: {  	s3 =	sld [smem:$0x3FDB];
	s0 =	simm.s32 @p2 $0x1  }
0x17: {  	s4 =	simm.s32 $0x1BF5;
	[smem:$0x3FB6] =	sst s0  }
0x18: {  	s0 =	sld [smem:$0x3F99];
	_ =	swait.ge [sflag:s4], $0x0  }
0x19: {  	s7 =	sld [smem:$0x3F9A]  }
0x1a: {  	s8 =	sadd.s32 $0xFFFFE003, lr  }
0x1b: {  	s9 =	sadd.s32 $0xFFFFFEF7, lr;
	s5 =	simm.s32 $0xFFFFFFFF;
	p2 =	slt.u32 s8, $0xFFFFF086  }
0x1c: {  	p1 =	slt.u32 s9, $0xF7A;
	s5 =	simm.s32 @!p2 $0x0  }
0x1d: {  	s5 =	simm.s32 @p1 $0x1;
	p0 =	seq.s32 s7, s2  }
0x1e: {  	s7 =	smul.u32 @!p0 $0xF7A, s2;
	p2 =	seq.s32 @!p0 s5, $0x0  }
0x1f: {  	s9 =	smul.u32 $0xF7A, s1;
	s8 =	simm.s32 @!p0 $0x1BF5;
	p2 =	por !p2, p0  }
0x20: {  	[sflag:s8] =	ssyncset.s32 @!p0 $0xFFFFF086;
	s6 =	sadd.s32 @!p0 s3, s7;
	s7 =	simm.s32 @!p0 $0x108  }
0x21: {  	s3 =	sadd.s32 s3, s9;
	s6 =	sadd.s32 @!p0 $0x88, s6;
	s7 =	simm.s32 @p2 $0x1082  }
0x22: {  	[simem:s7], [sflag:s8] =	dma.local @!p0 [hbm:s6], $0xF7A  }
0x23: {  	s9 =	sor.u32 $0xD0000000, s2;
	s6 =	simm.s32 $0x108;
	_ =	swait.ge @!p0 [sflag:s8], $0x0  }
0x24: {  	s3 =	sadd.s32 $0x88, s3;
	s6 =	simm.s32 @!p1 $0x1082;
	[sflag:s4] =	ssyncset.s32 $0xFFFFF086  }
0x25: {  	[simem:s6], [sflag:s4] =	dma.local [hbm:s3], $0xF7A  }
0x26: {  	[smem:$0x3F9A] =	sst s1;
	(tag) =	ssettag s2;
	_ =	strace s9  }
0x27: {  	s1 =	sld [smem:$0x3FAA]  }
0x28: {  	s2 =	sld [smem:$0x3FAB]  }
0x29: {  	s4 =	sld [smem:$0x3FAD]  }
0x2a: {  	p0 =	seq.s32 s5, $0x0;
	s5 =	sld [smem:$0x3FAE]  }
0x2b: {  	s6 =	sld [smem:$0x3FAF]  }
0x2c: {  	s7 =	sld [smem:$0x3FB0]  }
0x2d: {  	s3 =	simm.s32 $0x108;
	s8 =	sld [smem:$0x3FB1]  }
0x2e: {  	s3 =	simm.s32 @!p0 $0x1082;
	s9 =	sld [smem:$0x3FB2]  }
0x2f: {  	lr =	sadd.s32 s0, s3;
	s0 =	sld [smem:$0x3FA9]  }
0x30: {  	s3 =	sld [smem:$0x3FAC]  }
0x31: {  	[smem:$0x3FB5] =	sst s10  }
0x32: {  	s10 =	sld [smem:$0x3FB3];
	_ =	sdelay $0x3  }
0x33: {  	p0 =	seq.s32 s10, $0x1;
	s10 =	sld [smem:$0x3FB5];
	_ =	sdelay $0x3  }
0x34: {  	[smem:$0x3FB5] =	sst s10  }
0x35: {  	s10 =	sld [smem:$0x3FB4];
	_ =	sdelay $0x3  }
0x36: {  	p1 =	seq.s32 s10, $0x1;
	s10 =	sld [smem:$0x3FB5];
	_ =	sdelay $0x3  }
0x37: {  	[smem:$0x3FB5] =	sst s10  }
0x38: {  	s10 =	sld [smem:$0x3FB6]  }
0x39: {  	_ = 	snop;
	(pc) =	sbr.ind lr, $3  }
0x3a: {  	_ = 	snop  }
0x3b: {  	_ = 	snop  }
0x3c: {  	p2 =	seq.s32 s10, $0x1;
	s10 =	sld [smem:$0x3FB5]  }
0x3d: {  	_ =	shalt  }
0x3e: {  	_ =	shalt  }
0x3f: {  	_ =	shalt  }
0x40: {  	_ =	shalt  }
0x41: {  	_ =	shalt  }
0x42: {  	_ =	shalt  }
0x43: {  	_ =	shalt  }
0x44: {  	_ =	shalt  }
0x45: {  	_ =	shalt  }
0x46: {  	_ =	shalt  }
0x47: {  	_ =	shalt  }
0x48: {  	_ =	shalt  }
0x49: {  	_ =	shalt  }
0x4a: {  	_ =	shalt  }
0x4b: {  	_ =	shalt  }
0x4c: {  	_ =	shalt  }
0x4d: {  	_ =	shalt  }
0x4e: {  	_ =	shalt  }
0x4f: {  	_ =	shalt  }
0x50: {  	_ =	shalt  }
0x51: {  	_ =	shalt  }
0x52: {  	_ =	shalt  }
0x53: {  	_ =	shalt  }
0x54: {  	_ =	shalt  }
0x55: {  	_ =	shalt  }
0x56: {  	_ =	shalt  }
0x57: {  	_ =	shalt  }
0x58: {  	_ =	shalt  }
0x59: {  	_ =	shalt  }
0x5a: {  	_ =	shalt  }
0x5b: {  	_ =	shalt  }
0x5c: {  	_ =	shalt  }
0x5d: {  	_ =	shalt  }
0x5e: {  	_ =	shalt  }
0x5f: {  	_ =	shalt  }
0x60: {  	_ =	shalt  }
0x61: {  	_ =	shalt  }
0x62: {  	_ =	shalt  }
0x63: {  	_ =	shalt  }
0x64: {  	_ =	shalt  }
0x65: {  	_ =	shalt  }
0x66: {  	_ =	shalt  }
0x67: {  	_ =	shalt  }
0x68: {  	_ =	shalt  }
0x69: {  	_ =	shalt  }
0x6a: {  	_ =	shalt  }
0x6b: {  	_ =	shalt  }
0x6c: {  	_ =	shalt  }
0x6d: {  	_ =	shalt  }
0x6e: {  	_ =	shalt  }
0x6f: {  	_ =	shalt  }
0x70: {  	_ =	shalt  }
0x71: {  	_ =	shalt  }
0x72: {  	_ =	shalt  }
0x73: {  	_ =	shalt  }
0x74: {  	_ =	shalt  }
0x75: {  	_ =	shalt  }
0x76: {  	_ =	shalt  }
0x77: {  	_ =	shalt  }
0x78: {  	_ =	shalt  }
0x79: {  	_ =	shalt  }
0x7a: {  	_ =	shalt  }
0x7b: {  	_ =	shalt  }
0x7c: {  	_ =	shalt  }
0x7d: {  	_ =	shalt  }
0x7e: {  	_ =	shalt  }
0x7f: {  	_ =	shalt  }
0x80: {  	_ =	shalt  }
0x81: {  	_ =	shalt  }
0x82: {  	_ =	shalt  }
0x83: {  	_ =	shalt  }
0x84: {  	_ =	shalt  }
0x85: {  	_ =	shalt  }
0x86: {  	_ =	shalt  }
0x87: {  	_ =	shalt  }
.Lfunc_end0:
.L_simem_size_0:
called_computation_lowered:
.L_overlay_start_0:
0x88: {  	s2 =	sld [smem:$0x3FD9]  }
0x89: {  	s3 =	sld [smem:$0x3FFE];
	_ =	sdelay $0x1  }
0x8a: {  	s1 =	srdreg.scid  }
0x8b: {  	s0 =	sand.u32 $0x1, s1  }
0x8c: {  	s17 =	sshll.u32 s0, $0xA;
	s2 =	sadd.s32 s3, s2  }
0x8d: {  	s2 =	sadd.s32 s2, s17  }
0x8e: {  	[smem:$0x3FC1] =	sst s2  }
0x8f: {  	_ = 	snop  }
0x90: {  	s2 =	sld [smem:$0x3FD0];
	(tm) =	ssettm $0x1  }
0x91: {  	s18 =	sld [smem:$0x3FFB];
	_ =	sdelay $0x3  }
0x92: {  	_ =	strace s18  }
0x93: {  	s3 =	sld [smem:$0x3FFC];
	_ =	sdelay $0x3  }
0x94: {  	_ =	strace s3  }
0x95: {  	s3 =	sld [smem:$0x3FFD];
	_ =	sdelay $0x3  }
0x96: {  	_ =	strace s3  }
0x97: {  	_ =	strace $0x8FFFFFFF  }
0x98: {  	s19 =	sld [smem:$0x3FDB];
	_ =	sdelay $0x1  }
0x99: {  	s4 =	simm.s32 $_scs_section_size  }
0x9a: {  	s5 =	simm.s32 $_size__tile_overlayer_lowered;
	s6 =	simm.s32 $_tile_overlayer_lowered  }
0x9b: {  	s22 =	simm.s32 $0x1BFF;
	s21 =	sshll.u32 s6, $0x1;
	s3 =	sadd.s32 s4, s19  }
0x9c: {  	s7 =	simm.s32 $0x0;
	s20 =	sshll.u32 s5, $0x1;
	s5 =	sadd.s32 s21, s3  }
0x9d: {  	[timem:s7], [sflag:s22] =	dma.local [hbm:s5], s20  }
0x9e: {  	_ =	swait.ge [sflag:s22], s20  }
0x9f: {  	s4 =	ssub.s32 $0x0, s20;
	[sflag:s22] =	ssyncset.done $0x0  }
0xa0: {  	[sflag:s22] =	ssyncadd.s32 s4;
	_ =	sdelay $0x1  }
0xa1: {  	s23 =	simm.s32 $0x1B8B  }
0xa2: {  	_ =	swait.ge [sflag:s23], $0x1  }
0xa3: {  	[sflag:s23] =	ssyncset.done $0x0  }
0xa4: {  	s25 =	simm.s32 $0x1B8E;
	s24 =	sld [smem:$0x3FFE];
	[sflag:s23] =	ssyncadd.s32 $0xFFFFFFFF  }
0xa5: {  	s26 =	simm.s32 $execute0_lowered;
	[smem:$0x3FD2] =	sst s25  }
0xa6: {  	s5 =	sshll.u32 s26, $0x1;
	_ =	strace $0x80000046;
	[dreg:$0x1] =	wrdreg $0xFFFFFFFF  }
0xa7: {  	s28 =	simm.s32 $_size_execute0_lowered;
	s3 =	sadd.s32 s3, s5;
	[dreg:$0x0] =	wrdreg $0x0  }
0xa8: {  	s5 =	sshll.u32 s28, $0x1;
	[dreg:$0x2] =	wrdreg s3  }
0xa9: {  	[dreg:$0x3] =	wrdreg s5  }
0xaa: {  	[dreg:$0x4] =	wrdreg $0xC0  }
0xab: {  	_ =	task [dreg:s7], $0x5FFFF  }
0xac: {  	[dreg:$0x1] =	wrdreg $0xFFFFFFFF  }
0xad: {  	[dreg:$0x0] =	wrdreg $0x60  }
0xae: {  	[dreg:$0x2] =	wrdreg s2  }
0xaf: {  	[dreg:$0x3] =	wrdreg s24  }
0xb0: {  	[dreg:$0x4] =	wrdreg $0x0  }
0xb1: {  	[dreg:$0x5] =	wrdreg $0x9  }
0xb2: {  	_ =	task.clear_ibuf [dreg:s7], $0x6FFFF;
	_ =	strace $0x90000046  }
0xb3: {  	s29 =	simm.s32 $0x9;
	_ =	strace $0x80000048  }
0xb4: {  	_ =	swait.ge [sflag:s29], $0x1  }
0xb5: {  	[sflag:s29] =	ssyncadd.s32 $0xFFFFFFFF  }
0xb6: {  	_ =	strace $0x90000048  }
0xb7: {  	_ =	sfence  }
0xb8: {  	s30 =	sld [smem:$0x0];
	_ =	sdelay $0x2  }
0xb9: {  	s31 =	sshll.u32 s1, $0xD;
	s1 =	sshrl.u32 s1, $0x2  }
0xba: {  	s3 =	sand.u32 $0x4000, s31;
	s1 =	sadd.s32 s1, s30  }
0xbb: {  	s0 =	sor.u32 s3, s0;
	s1 =	sshll.u32 s1, $0x11  }
0xbc: {  	s0 =	sor.u32 s1, s0  }
0xbd: {  	s0 =	sadd.s32 $0x8F2B, s0  }
0xbe: {  	[sflag:s0] =	ssyncadd.remote.s32 $0x1  }
0xbf: {  	_ =	sfence.sel $0xFFFF  }
0xc0: {  	[dreg:$0x0] =	wrdreg $0xFFFFFFFF;
	(pc) =	sbr.abs _section_cstart, $3  }
0xc1: {  	[dreg:$0x1] =	wrdreg $0xFFFFFFFF  }
0xc2: {  	_ =	task.clear_ibuf [dreg:s7], $0x2FFFF;
	_ =	strace $0x9FFFFFFF  }
0xc3: {  	(tm) =	ssettm $0x7FFFFFFF  }
tec
execute0_lowered:
.L_overlay_start_1:
0x0: {  	(tag) =	ssettag $0x1  }
0x1: {  	s5 =	rddreg [dreg:$0x0]  }
0x2: {  	s4 =	rddreg [dreg:$0x1]  }
0x3: {  	s2 =	rddreg [dreg:$0x2]  }
0x4: {  	s0 =	rddreg [dreg:$0x3]  }
0x5: {  	s6 =	srdreg.scid;
	s1 =	stileid.u32  }
0x6: {  	s3 =	simm.s32 $0x0;
	s12 =	simm.s32 $0x4280;
	s13 =	simm.s32 $0x50  }
0x7: {  	s16 =	simm.s32 $0x0;
	s6 =	sand.u32 $0x1, s6;
	s7 =	smul.u32 $0x280, s1  }
0x8: {  	[smem:$0x7FF] =	sst s3;
	s10 =	sshll.u32 s1, $0xB;
	s14 =	sshll.u32 s1, $0x6  }
0x9: {  	s8 =	smul.u32 $0x2800, s6;
	_ =	strace $0x80000047;
	s9 =	sshll.u32 s6, $0xF  }
0xa: {  	s6 =	ssub.s32 $0x2, s6;
	s14 =	sor.u32 $0x1C01, s14;
	s9 =	sor.u32 s10, s9  }
0xb: {  	s31 =	sshrl.u32 s6, $0x1;
	s8 =	sadd.s32 s7, s8;
	s10 =	sadd.s32 s9, s4  }
0xc: {  	s11 =	ssub.s32 s6, s31;
	s5 =	sadd.s32 s5, s9;
	s8 =	sshrl.u32 s8, $0x3  }
0xd: {  	s9 =	simm.s32 $0x8280;
	s6 =	sadd.s32 $0x1800, s10;
	s8 =	sadd.s32 s8, s4  }
0xe: {  	s10 =	simm.s32 $0x1;
	s4 =	sadd.s32 s7, s2;
	s7 =	sadd.s32 $0x25400, s8  }
0xf: {  	v0 =	vimm.f32 $0.0e+00;
	s8 =	smax.u32 s11, $0x1;
	s11 =	simm.s32 $0x280;
	s15 =	sshrl.u32 s4, $0x3  }
.LBB2_1:
0x10: {  	[tilespmem:$0x8280] =	vst v0  }
0x11: {  	[tilespmem:$0x8290] =	vst v0  }
0x12: {  	[tilespmem:$0x82A0] =	vst v0  }
0x13: {  	[tilespmem:$0x82B0] =	vst v0  }
0x14: {  	[tilespmem:$0x82C0] =	vst v0  }
0x15: {  	[tilespmem:$0x82D0] =	vst v0  }
0x16: {  	[tilespmem:$0x82E0] =	vst v0  }
0x17: {  	[tilespmem:$0x82F0] =	vst v0  }
0x18: {  	[tilespmem:$0x8300] =	vst v0  }
0x19: {  	[tilespmem:$0x8310] =	vst v0  }
0x1a: {  	[tilespmem:$0x8320] =	vst v0  }
0x1b: {  	[tilespmem:$0x8330] =	vst v0  }
0x1c: {  	[tilespmem:$0x8340] =	vst v0  }
0x1d: {  	[tilespmem:$0x8350] =	vst v0  }
0x1e: {  	[tilespmem:$0x8360] =	vst v0  }
0x1f: {  	[tilespmem:$0x8370] =	vst v0  }
0x20: {  	[tilespmem:$0x8380] =	vst v0  }
0x21: {  	[tilespmem:$0x8390] =	vst v0  }
0x22: {  	[tilespmem:$0x83A0] =	vst v0  }
0x23: {  	[tilespmem:$0x83B0] =	vst v0  }
0x24: {  	[tilespmem:$0x83C0] =	vst v0  }
0x25: {  	[tilespmem:$0x83D0] =	vst v0  }
0x26: {  	[tilespmem:$0x83E0] =	vst v0  }
0x27: {  	[tilespmem:$0x83F0] =	vst v0  }
0x28: {  	[tilespmem:$0x8400] =	vst v0  }
0x29: {  	[tilespmem:$0x8410] =	vst v0  }
0x2a: {  	[tilespmem:$0x8420] =	vst v0  }
0x2b: {  	[tilespmem:$0x8430] =	vst v0  }
0x2c: {  	[tilespmem:$0x8440] =	vst v0  }
0x2d: {  	[tilespmem:$0x8450] =	vst v0  }
0x2e: {  	[tilespmem:$0x8460] =	vst v0  }
0x2f: {  	[tilespmem:$0x8470] =	vst v0  }
0x30: {  	[tilespmem:$0x8480] =	vst v0  }
0x31: {  	[tilespmem:$0x8490] =	vst v0  }
0x32: {  	[tilespmem:$0x84A0] =	vst v0  }
0x33: {  	[tilespmem:$0x84B0] =	vst v0  }
0x34: {  	[tilespmem:$0x84C0] =	vst v0  }
0x35: {  	[tilespmem:$0x84D0] =	vst v0  }
0x36: {  	[tilespmem:$0x84E0] =	vst v0  }
0x37: {  	[tilespmem:$0x84F0] =	vst v0  }
0x38: {  	[spmem:s4] =	stream.linear.scatter [tilespmem:s9], [sflag:$0x1], $0x280, $0x38;
	[tilespmem:$0x8500] =	vst v63  }
0x39: {  	_ =	swait.ge [sflag:s10], $0x280  }
0x3a: {  	[sflag:s10] =	ssyncset.done $0x0  }
0x3b: {  	[sflag:s10] =	ssyncadd.s32 $0xFFFFFD80  }
0x3c: {  	[tilespmem:s11], [sflag:$0x1] =	stream.linear.gather [hbm4b:s5+s3], $0x3E80, $0x38;
	[tilespmem:$0x8500] =	vst v63  }
0x3d: {  	_ =	swait.ge [sflag:s10], $0x3E80  }
0x3e: {  	[sflag:s10] =	ssyncset.done $0x0  }
0x3f: {  	[sflag:s10] =	ssyncadd.s32 $0xFFFFC180  }
0x40: {  	[tilespmem:s12], [sflag:$0x1] =	stream.linear.gather [hbm4b:s6+s3], $0x3E80, $0x38;
	[tilespmem:$0x8500] =	vst v63  }
0x41: {  	_ =	swait.ge [sflag:s10], $0x3E80  }
0x42: {  	[sflag:s10] =	ssyncset.done $0x0  }
0x43: {  	[sflag:s10] =	ssyncadd.s32 $0xFFFFC180  }
0x44: {  	s17 =	simm.s32 $0x4280;
	s18 =	simm.s32 $0x280;
	[bflag:$0x0] =	sbarrier.arrive $0xFFFF  }
0x45: {  	[spmem:s2] =	stream.indirect.scatter.add.f32 [tilespmem:s17], [sflag:$0x1], $0x1, s18, s13, $0xb8;
	[tilespmem:$0x8500] =	vst v63  }
0x46: {  	s17 =	simm.s32 $0x200;
	_ =	swait.ge [sflag:s10], $0x50  }
.LBB2_2:
0x47: {  	s18 =	sshra.s32 s17, $0x2  }
0x48: {  	[sflag:s10] =	ssyncset.done $0x0;
	p0 =	sne.s32 s17, $0xF800;
	s19 =	sadd.s32 $0x4280, s18  }
.Ltmp0:
0x49: {  	s18 =	sadd.s32 $0x280, s18;
	[sflag:s10] =	ssyncadd.s32 $0xFFFFFFB0;
	(pc) =	sbr.rel @p0 .LBB2_2-.Ltmp0, $3  }
0x4a: {  	[spmem:s2] =	stream.indirect.scatter.add.f32 [tilespmem:s19], [sflag:$0x1], $0x1, s18, s13, $0xb8;
	[tilespmem:$0x8500] =	vst v63  }
0x4b: {  	s17 =	sadd.s32 $0x200, s17;
	_ =	sdelay $0x1  }
0x4c: {  	_ =	swait.ge [sflag:s10], $0x50  }
0x4d: {  	[sflag:s10] =	ssyncset.done $0x0;
	s16 =	sadd.s32 $0x1, s16  }
0x4e: {  	[sflag:s10] =	ssyncadd.s32 $0xFFFFFFB0;
	p0 =	sne.s32 s16, s8  }
.Ltmp1:
0x4f: {  	[bflag:$0x0] =	sbarrier.arrive $0xFFFF;
	(pc) =	sbr.rel @p0 .LBB2_1-.Ltmp1, $4  }
0x50: {  	[hbm:s7], [sflag:s14] =	dma.local [spmem:s15], $0x50  }
0x51: {  	_ =	swait.ge [sflag:s10], $0x50  }
0x52: {  	[sflag:s10] =	ssyncset.done $0x0  }
0x53: {  	[sflag:s10] =	ssyncadd.s32 $0xFFFFFFB0  }
0x54: {  	_ =	sfence.sel $0x180000  }
0x55: {  	[bflag:$0x0] =	sbarrier.arrive $0xFFFF  }
0x56: {  	p0 =	sne.s32 s1, $0x0;
	_ =	strace $0x90000047  }
0x57: {  	s0 =	sadd.s32 @!p0 $0x100000, s0;
	[bflag:$0x2] =	sbarrier.arrive $0xFFFF  }
0x58: {  	[sflag:s0] =	ssyncadd.tile.s32 @!p0 $0x1;
	_ =	shalt  }
.Lfunc_end2:
_tile_overlayer_lowered:
.L_overlay_start_2:
0x59: {  	(tag) =	ssettag $0x2  }
0x5a: {  	s0 =	rddreg [dreg:$0x0];
	s2 =	stileid.u32  }
0x5b: {  	s1 =	rddreg [dreg:$0x1];
	p0 =	sne.s32 s2, $0x0  }
0x5c: {  	s3 =	rddreg [dreg:$0x2];
	[bflag:$0x3] =	sbarrier.arrive $0xFFFF;
	s2 =	simm.s32 @!p0 $0x1C01  }
0x5d: {  	[timem:s3], [sflag:s2] =	dma.local @!p0 [hbm:s0], s1  }
0x5e: {  	s0 =	simm.s32 @!p0 $0x1  }
0x5f: {  	_ =	swait.ge @!p0 [sflag:s0], s1  }
0x60: {  	s1 =	ssub.s32 @!p0 $0x0, s1;
	[sflag:s0] =	ssyncset.done @!p0 $0x0  }
0x61: {  	[sflag:s0] =	ssyncadd.s32 @!p0 s1  }
0x62: {  	[bflag:$0x3] =	sbarrier.arrive $0xFFFF  }
0x63: {  	_ =	shalt  }

</sc_bundles>
